<compile_context>
chip_gen: v7x
topology: tpu7x:2x2x1
jax: 0.10.2.dev20260603
libtpu: 0.0.44.dev20260713+nightly
codegen_flags: <defaults>
</compile_context>

<pallas_src>
import functools

import jax
import jax.numpy as jnp
from jax import lax
from jax.experimental import pallas as pl
from jax.experimental.pallas import tpu as pltpu
from jax.experimental.pallas import tpu_sc as plsc

N = 10000
NPAD = 10240
E = 320000
CH = 3200
NCHUNK = E // CH
FPT = 4
NPASS = 2

_f32 = jnp.float32
_i32 = jnp.int32


def _deg_body(dst_hbm, w_hbm, degp_hbm, ldeg, dstb, wbuf):
    cid = lax.axis_index("c")
    sid = lax.axis_index("s")
    wid = sid * 2 + cid

    def zero_body(i, _):
        ldeg[pl.ds(i * 16, 16)] = jnp.zeros((16,), _f32)
        return 0

    lax.fori_loop(0, NPAD // 16, zero_body, 0)

    per_tile = E // 32
    base = wid * per_tile
    pltpu.sync_copy(dst_hbm.at[pl.ds(base, per_tile)], dstb)
    pltpu.sync_copy(w_hbm.at[pl.ds(base, per_tile)], wbuf)

    def acc_body(s, _):
        dv = dstb[pl.ds(s * 16, 16)]
        wv = wbuf[pl.ds(s * 16, 16)]
        plsc.addupdate_scatter(ldeg, [dv], wv)
        return 0

    lax.fori_loop(0, per_tile // 16, acc_body, 0)
    pltpu.sync_copy(ldeg, degp_hbm.at[wid])


def _norm_body(src_hbm, dst_hbm, w_hbm, dis_hbm, nw_hbm, disb, srcb, dstb, wbuf):
    cid = lax.axis_index("c")
    sid = lax.axis_index("s")
    wid = sid * 2 + cid
    per_tile = E // 32
    base = wid * per_tile

    pltpu.sync_copy(dis_hbm, disb)
    pltpu.sync_copy(src_hbm.at[pl.ds(base, per_tile)], srcb)
    pltpu.sync_copy(dst_hbm.at[pl.ds(base, per_tile)], dstb)
    pltpu.sync_copy(w_hbm.at[pl.ds(base, per_tile)], wbuf)

    def body(s, _):
        sv = srcb[pl.ds(s * 16, 16)]
        dv = dstb[pl.ds(s * 16, 16)]
        wv = wbuf[pl.ds(s * 16, 16)]
        ns = plsc.load_gather(disb, [sv])
        nd = plsc.load_gather(disb, [dv])
        wbuf[pl.ds(s * 16, 16)] = ns * wv * nd
        return 0

    lax.fori_loop(0, per_tile // 16, body, 0)
    pltpu.sync_copy(wbuf, nw_hbm.at[pl.ds(base, per_tile)])


def _prop_body(z_hbm, src_hbm, dst_hbm, w_hbm, dis_hbm, bias_hbm, out_hbm,
               disb, biasb, zb0, zb1, zb2, zb3, ac0, ac1, ac2, ac3,
               srcb0, srcb1, dstb0, dstb1, wb0, wb1, sem0, sem1, semz):
    cid = lax.axis_index("c")
    sid = lax.axis_index("s")
    wid = sid * 2 + cid

    pltpu.sync_copy(dis_hbm, disb)
    pltpu.sync_copy(bias_hbm, biasb)

    zbs = (zb0, zb1, zb2, zb3)
    acs = (ac0, ac1, ac2, ac3)

    srcbs = (srcb0, srcb1)
    dstbs = (dstb0, dstb1)
    wbs = (wb0, wb1)

    def issue(c, slot):
        sem = sem0 if slot == 0 else sem1
        pltpu.async_copy(src_hbm.at[pl.ds(c * CH, CH)], srcbs[slot], sem)
        pltpu.async_copy(dst_hbm.at[pl.ds(c * CH, CH)], dstbs[slot], sem)
        pltpu.async_copy(w_hbm.at[pl.ds(c * CH, CH)], wbs[slot], sem)

    def drain(c, slot):
        sem = sem0 if slot == 0 else sem1
        pltpu.make_async_copy(src_hbm.at[pl.ds(c * CH, CH)], srcbs[slot], sem).wait()
        pltpu.make_async_copy(dst_hbm.at[pl.ds(c * CH, CH)], dstbs[slot], sem).wait()
        pltpu.make_async_copy(w_hbm.at[pl.ds(c * CH, CH)], wbs[slot], sem).wait()

    for p in range(NPASS):
        fb = p * 128 + wid * FPT

        for r in range(FPT):
            pltpu.async_copy(z_hbm.at[fb + r], zbs[r], semz)
        for r in range(FPT):
            pltpu.make_async_copy(z_hbm.at[fb + r], zbs[r], semz).wait()

        bvs = [plsc.load_gather(biasb, [jnp.full((16,), fb + r, _i32)])
               for r in range(FPT)]

        @plsc.parallel_loop(0, N // 16, unroll=4)
        def _init(i):
            dv = disb[pl.ds(i * 16, 16)]
            sn = dv * dv
            for r in range(FPT):
                zv = zbs[r][pl.ds(i * 16, 16)]
                acs[r][pl.ds(i * 16, 16)] = zv * sn + bvs[r]

        issue(0, 0)

        def chunk_pair(g, _):
            for b2 in (0, 1):
                c = g * 2 + b2
                drain(c, b2)

                @pl.when(c + 1 < NCHUNK)
                def _():
                    issue(c + 1, 1 - b2)

                @plsc.parallel_loop(0, CH // 16, unroll=4)
                def _sub(s):
                    sv = srcbs[b2][pl.ds(s * 16, 16)]
                    dv = dstbs[b2][pl.ds(s * 16, 16)]
                    nv = wbs[b2][pl.ds(s * 16, 16)]
                    for r in range(FPT):
                        g_ = plsc.load_gather(zbs[r], [sv])
                        plsc.addupdate_scatter(acs[r], [dv], g_ * nv)
            return 0

        lax.fori_loop(0, NCHUNK // 2, chunk_pair, 0)

        for r in range(FPT):
            pltpu.async_copy(acs[r], out_hbm.at[fb + r], semz)
        for r in range(FPT):
            pltpu.make_async_copy(acs[r], out_hbm.at[fb + r], semz).wait()


_sc_mesh = plsc.VectorSubcoreMesh(core_axis_name="c", subcore_axis_name="s")
_sc_params = pltpu.CompilerParams(needs_layout_passes=False)

_deg = functools.partial(
    pl.kernel,
    mesh=_sc_mesh,
    compiler_params=_sc_params,
    out_type=jax.ShapeDtypeStruct((32, NPAD), _f32),
    scratch_types=[
        pltpu.VMEM((NPAD,), _f32),
        pltpu.VMEM((E // 32,), _i32),
        pltpu.VMEM((E // 32,), _f32),
    ],
)(_deg_body)

_norm = functools.partial(
    pl.kernel,
    mesh=_sc_mesh,
    compiler_params=_sc_params,
    out_type=jax.ShapeDtypeStruct((E,), _f32),
    scratch_types=[
        pltpu.VMEM((NPAD,), _f32),
        pltpu.VMEM((E // 32,), _i32),
        pltpu.VMEM((E // 32,), _i32),
        pltpu.VMEM((E // 32,), _f32),
    ],
)(_norm_body)

_prop = functools.partial(
    pl.kernel,
    mesh=_sc_mesh,
    compiler_params=_sc_params,
    out_type=jax.ShapeDtypeStruct((256, N), _f32),
    scratch_types=[
        pltpu.VMEM((NPAD,), _f32),
        pltpu.VMEM((256,), _f32),
        pltpu.VMEM((N,), _f32), pltpu.VMEM((N,), _f32),
        pltpu.VMEM((N,), _f32), pltpu.VMEM((N,), _f32),
        pltpu.VMEM((N,), _f32), pltpu.VMEM((N,), _f32),
        pltpu.VMEM((N,), _f32), pltpu.VMEM((N,), _f32),
        pltpu.VMEM((CH,), _i32), pltpu.VMEM((CH,), _i32),
        pltpu.VMEM((CH,), _i32), pltpu.VMEM((CH,), _i32),
        pltpu.VMEM((CH,), _f32), pltpu.VMEM((CH,), _f32),
        pltpu.SemaphoreType.DMA,
        pltpu.SemaphoreType.DMA,
        pltpu.SemaphoreType.DMA,
    ],
)(_prop_body)


def _dis_body(degp_ref, dis_ref):
    dis_ref[...] = lax.rsqrt(jnp.sum(degp_ref[...], axis=0) + 1.0)


def _dis(degp):
    return pl.pallas_call(
        _dis_body,
        out_shape=jax.ShapeDtypeStruct((NPAD,), _f32),
    )(degp)


def _mm1_body(w_ref, x_ref, o_ref):
    o_ref[...] = lax.dot_general(
        w_ref[...], x_ref[...], (((0,), (1,)), ((), ())),
        preferred_element_type=_f32)


def _mm2_body(w_ref, h_ref, o_ref):
    h = jnp.maximum(h_ref[...], 0.0)
    o_ref[...] = lax.dot_general(
        w_ref[...], h, (((0,), (0,)), ((), ())),
        preferred_element_type=_f32)


def _mm1(W1, x):
    return pl.pallas_call(
        _mm1_body,
        grid=(2,),
        in_specs=[
            pl.BlockSpec((128, 128), lambda i: (0, i)),
            pl.BlockSpec((N, 128), lambda i: (0, 0)),
        ],
        out_specs=pl.BlockSpec((128, N), lambda i: (i, 0)),
        out_shape=jax.ShapeDtypeStruct((256, N), _f32),
    )(W1, x)


def _mm2(Wc, h1t):
    return pl.pallas_call(
        _mm2_body,
        grid=(2,),
        in_specs=[
            pl.BlockSpec((256, 128), lambda i: (0, i)),
            pl.BlockSpec((256, N), lambda i: (0, 0)),
        ],
        out_specs=pl.BlockSpec((128, N), lambda i: (i, 0)),
        out_shape=jax.ShapeDtypeStruct((256, N), _f32),
    )(Wc, h1t)


def kernel(x, edge_index, edge_attr, W1, b1, Wmu, bmu, Wlv, blv):
    src = edge_index[0]
    dst = edge_index[1]
    w = edge_attr

    degp = _deg(dst, w)
    dis = _dis(degp)
    nw = _norm(src, dst, w, dis)
    z1t = _mm1(W1, x)
    h1t = _prop(z1t, src, dst, nw, dis, b1)
    Wc = jnp.concatenate([Wmu, Wlv], axis=1)
    bc = jnp.concatenate([bmu, blv])
    z2t = _mm2(Wc, h1t)
    o2t = _prop(z2t, src, dst, nw, dis, bc)
    mu = o2t[:128].T
    logvar = o2t[128:].T
    return (mu, logvar)

# --- scband reference (transcript-rebuilt; emitter-appended) ---
"""Pipeline reference for scband-encoder-6064493822276 (READ-ONLY COPY).

The authoritative reference and input builder live on the scoring server;
editing this copy changes nothing except your own understanding.
"""

import jax, jax.numpy as jnp
import numpy as np

N = 10000
E = 320000
D_IN = 128
D_H = 256
D_L = 128


def gcn_conv(x, edge_index, edge_weight, W, b):
    n = x.shape[0]
    # PyG GCNConv default: add self-loops with fill_value 1.0, symmetric normalization
    loop = jnp.arange(n, dtype=edge_index.dtype)
    src = jnp.concatenate([edge_index[0], loop])
    dst = jnp.concatenate([edge_index[1], loop])
    w = jnp.concatenate([edge_weight, jnp.ones((n,), dtype=edge_weight.dtype)])
    deg = jnp.zeros((n,), dtype=w.dtype).at[dst].add(w)
    deg_inv_sqrt = jnp.where(deg > 0, 1.0 / jnp.sqrt(deg), 0.0)
    norm = deg_inv_sqrt[src] * w * deg_inv_sqrt[dst]
    xw = x @ W
    msg = xw[src] * norm[:, None]
    out = jnp.zeros((n, W.shape[1]), dtype=xw.dtype).at[dst].add(msg)
    return out + b


def setup_inputs(seed: int = 0):
    key = jax.random.key(seed)
    ks = jax.random.split(key, 10)
    x = jax.random.normal(ks[0], (N, D_IN), dtype=jnp.float32)
    edge_index = jax.random.randint(ks[1], (2, E), 0, N, dtype=jnp.int32)
    edge_attr = jax.random.uniform(ks[2], (E,), dtype=jnp.float32)
    W1 = jax.random.normal(ks[3], (D_IN, D_H), dtype=jnp.float32) * 0.05
    b1 = jnp.zeros((D_H,), dtype=jnp.float32)
    Wmu = jax.random.normal(ks[4], (D_H, D_L), dtype=jnp.float32) * 0.05
    bmu = jnp.zeros((D_L,), dtype=jnp.float32)
    Wlv = jax.random.normal(ks[5], (D_H, D_L), dtype=jnp.float32) * 0.05
    blv = jnp.zeros((D_L,), dtype=jnp.float32)
    return {"x": x, "edge_index": edge_index, "edge_attr": edge_attr,
            "W1": W1, "b1": b1, "Wmu": Wmu, "bmu": bmu, "Wlv": Wlv, "blv": blv}


def reference(x, edge_index, edge_attr, W1, b1, Wmu, bmu, Wlv, blv):
    hidden = jax.nn.relu(gcn_conv(x, edge_index, edge_attr, W1, b1))
    mu = gcn_conv(hidden, edge_index, edge_attr, Wmu, bmu)
    logvar = gcn_conv(hidden, edge_index, edge_attr, Wlv, blv)
    return (mu, logvar)

if __name__ == "__main__":
    import jax
    _d = setup_inputs()
    print(jax.jit(kernel)(*tuple(_d.values())))

</pallas_src>

<mosaic_0001>
#map = affine_map<(d0, d1) -> (0)>
#map1 = affine_map<(d0, d1) -> (0, 0)>
module attributes {stable_mosaic.version = 14 : i64} {
  func.func @_deg_body(%arg0: i32, %arg1: i32, %arg2: memref<320000xi32, #tpu.memory_space<hbm>>, %arg3: memref<320000xf32, #tpu.memory_space<hbm>>, %arg4: memref<32x10240xf32, #tpu.memory_space<hbm>>, %arg5: memref<10240xf32, #tpu.memory_space<vmem>>, %arg6: memref<10000xi32, #tpu.memory_space<vmem>>, %arg7: memref<10000xf32, #tpu.memory_space<vmem>>) attributes {dimension_semantics = [#tpu.dimension_semantics<core_parallel>, #tpu.dimension_semantics<subcore_parallel>], iteration_bounds = array<i64: 2, 16>, scalar_prefetch = 0 : i64, scratch_operands = 3 : i64, tpu.core_type = #tpu.core_type<sc_vector_subcore>, window_params = [{transform_indices = #map}, {transform_indices = #map}, {transform_indices = #map1}]} {
    %mul3A = arith.constant 2 : i32
    %mul3A_0 = arith.muli %arg1, %mul3A : i32
    %add3A = arith.addi %mul3A_0, %arg0 : i32
    %scan3A = arith.constant 0 : i32
    %scan3A_1 = arith.constant 0 : i32
    %scan3A_2 = arith.constant 640 : i32
    %scan3A_3 = arith.addi %scan3A_1, %scan3A_2 : i32
    %scan3A_4 = arith.constant 1 : i32
    %scan3A_5 = scf.for %scan3A_16 = %scan3A_1 to %scan3A_3 step %scan3A_4 iter_args(%scan3A_17 = %scan3A) -> (i32)  : i32 {
      %broadcast_in_dim3A = arith.constant 0.000000e+00 : f32
      %broadcast_in_dim3A_18 = vector.broadcast %broadcast_in_dim3A : f32 to vector<16xf32>
      %mul3A_19 = arith.constant 16 : i32
      %mul3A_20 = arith.muli %scan3A_16, %mul3A_19 : i32
      %swap3A = arith.index_cast %mul3A_20 : i32 to index
      %swap3A_21 = tpu.vector_load %arg5[%swap3A] {strides = array<i32>} : memref<10240xf32, #tpu.memory_space<vmem>>, vector<16xf32>,
      tpu.vector_store %arg5[%swap3A], %broadcast_in_dim3A_18 {strides = array<i32>} : memref<10240xf32, #tpu.memory_space<vmem>>, vector<16xf32>,
      %scan3A_22 = arith.constant 0 : i32
      scf.yield %scan3A_22 : i32
    }
    %scan3A_6 = arith.constant 640 : i32
    %mul3A_7 = arith.constant 10000 : i32
    %mul3A_8 = arith.muli %add3A, %mul3A_7 : i32
    "tpu.region"() ({
      %run_scoped3A = tpu.sem_alloc : memref<!tpu.dma_semaphore, #tpu.memory_space<semaphore_mem>>
      %dma_start3A = tpu.memref_slice %arg2[%mul3A_8] : memref<320000xi32, #tpu.memory_space<hbm>> -> memref<10000xi32, #tpu.memory_space<hbm>>
      %dma_start3A_16 = tpu.memref_slice %arg2[%mul3A_8] : memref<320000xi32, #tpu.memory_space<hbm>> -> memref<10000xi32, #tpu.memory_space<hbm>>
      tpu.enqueue_dma source(%dma_start3A_16 : memref<10000xi32, #tpu.memory_space<hbm>>) target(%arg6 : memref<10000xi32, #tpu.memory_space<vmem>>) target_semaphore(%run_scoped3A : memref<!tpu.dma_semaphore, #tpu.memory_space<semaphore_mem>>)
      %dma_wait3A = tpu.memref_slice %arg2[%mul3A_8] : memref<320000xi32, #tpu.memory_space<hbm>> -> memref<10000xi32, #tpu.memory_space<hbm>>
      %dma_wait3A_17 = tpu.memref_slice %arg2[%mul3A_8] : memref<320000xi32, #tpu.memory_space<hbm>> -> memref<10000xi32, #tpu.memory_space<hbm>>
      tpu.wait_dma2 semaphore(%run_scoped3A : memref<!tpu.dma_semaphore, #tpu.memory_space<semaphore_mem>>) src(%dma_wait3A_17 : memref<10000xi32, #tpu.memory_space<hbm>>) dst(%arg6 : memref<10000xi32, #tpu.memory_space<vmem>>)
      tpu.yield
    }) : () -> ()
    "tpu.region"() ({
      %run_scoped3A = tpu.sem_alloc : memref<!tpu.dma_semaphore, #tpu.memory_space<semaphore_mem>>
      %dma_start3A = tpu.memref_slice %arg3[%mul3A_8] : memref<320000xf32, #tpu.memory_space<hbm>> -> memref<10000xf32, #tpu.memory_space<hbm>>
      %dma_start3A_16 = tpu.memref_slice %arg3[%mul3A_8] : memref<320000xf32, #tpu.memory_space<hbm>> -> memref<10000xf32, #tpu.memory_space<hbm>>
      tpu.enqueue_dma source(%dma_start3A_16 : memref<10000xf32, #tpu.memory_space<hbm>>) target(%arg7 : memref<10000xf32, #tpu.memory_space<vmem>>) target_semaphore(%run_scoped3A : memref<!tpu.dma_semaphore, #tpu.memory_space<semaphore_mem>>)
      %dma_wait3A = tpu.memref_slice %arg3[%mul3A_8] : memref<320000xf32, #tpu.memory_space<hbm>> -> memref<10000xf32, #tpu.memory_space<hbm>>
      %dma_wait3A_17 = tpu.memref_slice %arg3[%mul3A_8] : memref<320000xf32, #tpu.memory_space<hbm>> -> memref<10000xf32, #tpu.memory_space<hbm>>
      tpu.wait_dma2 semaphore(%run_scoped3A : memref<!tpu.dma_semaphore, #tpu.memory_space<semaphore_mem>>) src(%dma_wait3A_17 : memref<10000xf32, #tpu.memory_space<hbm>>) dst(%arg7 : memref<10000xf32, #tpu.memory_space<vmem>>)
      tpu.yield
    }) : () -> ()
    %scan3A_9 = arith.constant 0 : i32
    %scan3A_10 = arith.constant 0 : i32
    %scan3A_11 = arith.constant 625 : i32
    %scan3A_12 = arith.addi %scan3A_10, %scan3A_11 : i32
    %scan3A_13 = arith.constant 1 : i32
    %scan3A_14 = scf.for %scan3A_16 = %scan3A_10 to %scan3A_12 step %scan3A_13 iter_args(%scan3A_17 = %scan3A_9) -> (i32)  : i32 {
      %mul3A_18 = arith.constant 16 : i32
      %mul3A_19 = arith.muli %scan3A_16, %mul3A_18 : i32
      %get3A = arith.index_cast %mul3A_19 : i32 to index
      %get3A_20 = tpu.vector_load %arg6[%get3A] {strides = array<i32>} : memref<10000xi32, #tpu.memory_space<vmem>>, vector<16xi32>,
      %mul3A_21 = arith.constant 16 : i32
      %mul3A_22 = arith.muli %scan3A_16, %mul3A_21 : i32
      %get3A_23 = arith.index_cast %mul3A_22 : i32 to index
      %get3A_24 = tpu.vector_load %arg7[%get3A_23] {strides = array<i32>} : memref<10000xf32, #tpu.memory_space<vmem>>, vector<16xf32>,
      tpu.vector_store_idx %arg5[%get3A_20], %get3A_24 {add = true} : memref<10240xf32, #tpu.memory_space<vmem>>[vector<16xi32>], vector<16xf32>,
      %scan3A_25 = arith.constant 0 : i32
      scf.yield %scan3A_25 : i32
    }
    %scan3A_15 = arith.constant 625 : i32
    "tpu.region"() ({
      %run_scoped3A = tpu.sem_alloc : memref<!tpu.dma_semaphore, #tpu.memory_space<semaphore_mem>>
      %dma_start3A = arith.constant 0 : i32
      %dma_start3A_16 = tpu.memref_slice %arg4[%add3A, %dma_start3A] : memref<32x10240xf32, #tpu.memory_space<hbm>> -> memref<1x10240xf32, #tpu.memory_space<hbm>>
      %dma_start3A_17 = tpu.memref_squeeze %dma_start3A_16 : memref<1x10240xf32, #tpu.memory_space<hbm>> -> memref<10240xf32, #tpu.memory_space<hbm>>
      %dma_start3A_18 = arith.constant 0 : i32
      %dma_start3A_19 = tpu.memref_slice %arg4[%add3A, %dma_start3A_18] : memref<32x10240xf32, #tpu.memory_space<hbm>> -> memref<1x10240xf32, #tpu.memory_space<hbm>>
      %dma_start3A_20 = tpu.memref_squeeze %dma_start3A_19 : memref<1x10240xf32, #tpu.memory_space<hbm>> -> memref<10240xf32, #tpu.memory_space<hbm>>
      tpu.enqueue_dma source(%arg5 : memref<10240xf32, #tpu.memory_space<vmem>>) target(%dma_start3A_20 : memref<10240xf32, #tpu.memory_space<hbm>>) target_semaphore(%run_scoped3A : memref<!tpu.dma_semaphore, #tpu.memory_space<semaphore_mem>>)
      %dma_wait3A = arith.constant 0 : i32
      %dma_wait3A_21 = tpu.memref_slice %arg4[%add3A, %dma_wait3A] : memref<32x10240xf32, #tpu.memory_space<hbm>> -> memref<1x10240xf32, #tpu.memory_space<hbm>>
      %dma_wait3A_22 = tpu.memref_squeeze %dma_wait3A_21 : memref<1x10240xf32, #tpu.memory_space<hbm>> -> memref<10240xf32, #tpu.memory_space<hbm>>
      %dma_wait3A_23 = arith.constant 0 : i32
      %dma_wait3A_24 = tpu.memref_slice %arg4[%add3A, %dma_wait3A_23] : memref<32x10240xf32, #tpu.memory_space<hbm>> -> memref<1x10240xf32, #tpu.memory_space<hbm>>
      %dma_wait3A_25 = tpu.memref_squeeze %dma_wait3A_24 : memref<1x10240xf32, #tpu.memory_space<hbm>> -> memref<10240xf32, #tpu.memory_space<hbm>>
      tpu.wait_dma2 semaphore(%run_scoped3A : memref<!tpu.dma_semaphore, #tpu.memory_space<semaphore_mem>>) src(%arg5 : memref<10240xf32, #tpu.memory_space<vmem>>) dst(%dma_wait3A_25 : memref<10240xf32, #tpu.memory_space<hbm>>)
      tpu.yield
    }) : () -> ()
    return
  }
}

#map = affine_map<(d0, d1) -> (0)>
module attributes {stable_mosaic.version = 14 : i64} {
  func.func @_norm_body(%arg0: i32, %arg1: i32, %arg2: memref<320000xi32, #tpu.memory_space<hbm>>, %arg3: memref<320000xi32, #tpu.memory_space<hbm>>, %arg4: memref<320000xf32, #tpu.memory_space<hbm>>, %arg5: memref<10240xf32, #tpu.memory_space<hbm>>, %arg6: memref<320000xf32, #tpu.memory_space<hbm>>, %arg7: memref<10240xf32, #tpu.memory_space<vmem>>, %arg8: memref<10000xi32, #tpu.memory_space<vmem>>, %arg9: memref<10000xi32, #tpu.memory_space<vmem>>, %arg10: memref<10000xf32, #tpu.memory_space<vmem>>) attributes {dimension_semantics = [#tpu.dimension_semantics<core_parallel>, #tpu.dimension_semantics<subcore_parallel>], iteration_bounds = array<i64: 2, 16>, scalar_prefetch = 0 : i64, scratch_operands = 4 : i64, tpu.core_type = #tpu.core_type<sc_vector_subcore>, window_params = [{transform_indices = #map}, {transform_indices = #map}, {transform_indices = #map}, {transform_indices = #map}, {transform_indices = #map}]} {
    %mul3A = arith.constant 2 : i32
    %mul3A_0 = arith.muli %arg1, %mul3A : i32
    %add3A = arith.addi %mul3A_0, %arg0 : i32
    %mul3A_1 = arith.constant 10000 : i32
    %mul3A_2 = arith.muli %add3A, %mul3A_1 : i32
    "tpu.region"() ({
      %run_scoped3A = tpu.sem_alloc : memref<!tpu.dma_semaphore, #tpu.memory_space<semaphore_mem>>
      tpu.enqueue_dma source(%arg5 : memref<10240xf32, #tpu.memory_space<hbm>>) target(%arg7 : memref<10240xf32, #tpu.memory_space<vmem>>) target_semaphore(%run_scoped3A : memref<!tpu.dma_semaphore, #tpu.memory_space<semaphore_mem>>)
      tpu.wait_dma2 semaphore(%run_scoped3A : memref<!tpu.dma_semaphore, #tpu.memory_space<semaphore_mem>>) src(%arg5 : memref<10240xf32, #tpu.memory_space<hbm>>) dst(%arg7 : memref<10240xf32, #tpu.memory_space<vmem>>)
      tpu.yield
    }) : () -> ()
    "tpu.region"() ({
      %run_scoped3A = tpu.sem_alloc : memref<!tpu.dma_semaphore, #tpu.memory_space<semaphore_mem>>
      %dma_start3A = tpu.memref_slice %arg2[%mul3A_2] : memref<320000xi32, #tpu.memory_space<hbm>> -> memref<10000xi32, #tpu.memory_space<hbm>>
      %dma_start3A_9 = tpu.memref_slice %arg2[%mul3A_2] : memref<320000xi32, #tpu.memory_space<hbm>> -> memref<10000xi32, #tpu.memory_space<hbm>>
      tpu.enqueue_dma source(%dma_start3A_9 : memref<10000xi32, #tpu.memory_space<hbm>>) target(%arg8 : memref<10000xi32, #tpu.memory_space<vmem>>) target_semaphore(%run_scoped3A : memref<!tpu.dma_semaphore, #tpu.memory_space<semaphore_mem>>)
      %dma_wait3A = tpu.memref_slice %arg2[%mul3A_2] : memref<320000xi32, #tpu.memory_space<hbm>> -> memref<10000xi32, #tpu.memory_space<hbm>>
      %dma_wait3A_10 = tpu.memref_slice %arg2[%mul3A_2] : memref<320000xi32, #tpu.memory_space<hbm>> -> memref<10000xi32, #tpu.memory_space<hbm>>
      tpu.wait_dma2 semaphore(%run_scoped3A : memref<!tpu.dma_semaphore, #tpu.memory_space<semaphore_mem>>) src(%dma_wait3A_10 : memref<10000xi32, #tpu.memory_space<hbm>>) dst(%arg8 : memref<10000xi32, #tpu.memory_space<vmem>>)
      tpu.yield
    }) : () -> ()
    "tpu.region"() ({
      %run_scoped3A = tpu.sem_alloc : memref<!tpu.dma_semaphore, #tpu.memory_space<semaphore_mem>>
      %dma_start3A = tpu.memref_slice %arg3[%mul3A_2] : memref<320000xi32, #tpu.memory_space<hbm>> -> memref<10000xi32, #tpu.memory_space<hbm>>
      %dma_start3A_9 = tpu.memref_slice %arg3[%mul3A_2] : memref<320000xi32, #tpu.memory_space<hbm>> -> memref<10000xi32, #tpu.memory_space<hbm>>
      tpu.enqueue_dma source(%dma_start3A_9 : memref<10000xi32, #tpu.memory_space<hbm>>) target(%arg9 : memref<10000xi32, #tpu.memory_space<vmem>>) target_semaphore(%run_scoped3A : memref<!tpu.dma_semaphore, #tpu.memory_space<semaphore_mem>>)
      %dma_wait3A = tpu.memref_slice %arg3[%mul3A_2] : memref<320000xi32, #tpu.memory_space<hbm>> -> memref<10000xi32, #tpu.memory_space<hbm>>
      %dma_wait3A_10 = tpu.memref_slice %arg3[%mul3A_2] : memref<320000xi32, #tpu.memory_space<hbm>> -> memref<10000xi32, #tpu.memory_space<hbm>>
      tpu.wait_dma2 semaphore(%run_scoped3A : memref<!tpu.dma_semaphore, #tpu.memory_space<semaphore_mem>>) src(%dma_wait3A_10 : memref<10000xi32, #tpu.memory_space<hbm>>) dst(%arg9 : memref<10000xi32, #tpu.memory_space<vmem>>)
      tpu.yield
    }) : () -> ()
    "tpu.region"() ({
      %run_scoped3A = tpu.sem_alloc : memref<!tpu.dma_semaphore, #tpu.memory_space<semaphore_mem>>
      %dma_start3A = tpu.memref_slice %arg4[%mul3A_2] : memref<320000xf32, #tpu.memory_space<hbm>> -> memref<10000xf32, #tpu.memory_space<hbm>>
      %dma_start3A_9 = tpu.memref_slice %arg4[%mul3A_2] : memref<320000xf32, #tpu.memory_space<hbm>> -> memref<10000xf32, #tpu.memory_space<hbm>>
      tpu.enqueue_dma source(%dma_start3A_9 : memref<10000xf32, #tpu.memory_space<hbm>>) target(%arg10 : memref<10000xf32, #tpu.memory_space<vmem>>) target_semaphore(%run_scoped3A : memref<!tpu.dma_semaphore, #tpu.memory_space<semaphore_mem>>)
      %dma_wait3A = tpu.memref_slice %arg4[%mul3A_2] : memref<320000xf32, #tpu.memory_space<hbm>> -> memref<10000xf32, #tpu.memory_space<hbm>>
      %dma_wait3A_10 = tpu.memref_slice %arg4[%mul3A_2] : memref<320000xf32, #tpu.memory_space<hbm>> -> memref<10000xf32, #tpu.memory_space<hbm>>
      tpu.wait_dma2 semaphore(%run_scoped3A : memref<!tpu.dma_semaphore, #tpu.memory_space<semaphore_mem>>) src(%dma_wait3A_10 : memref<10000xf32, #tpu.memory_space<hbm>>) dst(%arg10 : memref<10000xf32, #tpu.memory_space<vmem>>)
      tpu.yield
    }) : () -> ()
    %scan3A = arith.constant 0 : i32
    %scan3A_3 = arith.constant 0 : i32
    %scan3A_4 = arith.constant 625 : i32
    %scan3A_5 = arith.addi %scan3A_3, %scan3A_4 : i32
    %scan3A_6 = arith.constant 1 : i32
    %scan3A_7 = scf.for %scan3A_9 = %scan3A_3 to %scan3A_5 step %scan3A_6 iter_args(%scan3A_10 = %scan3A) -> (i32)  : i32 {
      %mul3A_11 = arith.constant 16 : i32
      %mul3A_12 = arith.muli %scan3A_9, %mul3A_11 : i32
      %get3A = arith.index_cast %mul3A_12 : i32 to index
      %get3A_13 = tpu.vector_load %arg8[%get3A] {strides = array<i32>} : memref<10000xi32, #tpu.memory_space<vmem>>, vector<16xi32>,
      %mul3A_14 = arith.constant 16 : i32
      %mul3A_15 = arith.muli %scan3A_9, %mul3A_14 : i32
      %get3A_16 = arith.index_cast %mul3A_15 : i32 to index
      %get3A_17 = tpu.vector_load %arg9[%get3A_16] {strides = array<i32>} : memref<10000xi32, #tpu.memory_space<vmem>>, vector<16xi32>,
      %mul3A_18 = arith.constant 16 : i32
      %mul3A_19 = arith.muli %scan3A_9, %mul3A_18 : i32
      %get3A_20 = arith.index_cast %mul3A_19 : i32 to index
      %get3A_21 = tpu.vector_load %arg10[%get3A_20] {strides = array<i32>} : memref<10000xf32, #tpu.memory_space<vmem>>, vector<16xf32>,
      %gather3A = tpu.vector_load_idx %arg7[%get3A_13] : memref<10240xf32, #tpu.memory_space<vmem>>[vector<16xi32>], vector<16xf32>,
      %gather3A_22 = tpu.vector_load_idx %arg7[%get3A_17] : memref<10240xf32, #tpu.memory_space<vmem>>[vector<16xi32>], vector<16xf32>,
      %mul3A_23 = arith.mulf %gather3A, %get3A_21 : vector<16xf32>
      %mul3A_24 = arith.mulf %mul3A_23, %gather3A_22 : vector<16xf32>
      %mul3A_25 = arith.constant 16 : i32
      %mul3A_26 = arith.muli %scan3A_9, %mul3A_25 : i32
      %swap3A = arith.index_cast %mul3A_26 : i32 to index
      %swap3A_27 = tpu.vector_load %arg10[%swap3A] {strides = array<i32>} : memref<10000xf32, #tpu.memory_space<vmem>>, vector<16xf32>,
      tpu.vector_store %arg10[%swap3A], %mul3A_24 {strides = array<i32>} : memref<10000xf32, #tpu.memory_space<vmem>>, vector<16xf32>,
      %scan3A_28 = arith.constant 0 : i32
      scf.yield %scan3A_28 : i32
    }
    %scan3A_8 = arith.constant 625 : i32
    "tpu.region"() ({
      %run_scoped3A = tpu.sem_alloc : memref<!tpu.dma_semaphore, #tpu.memory_space<semaphore_mem>>
      %dma_start3A = tpu.memref_slice %arg6[%mul3A_2] : memref<320000xf32, #tpu.memory_space<hbm>> -> memref<10000xf32, #tpu.memory_space<hbm>>
      %dma_start3A_9 = tpu.memref_slice %arg6[%mul3A_2] : memref<320000xf32, #tpu.memory_space<hbm>> -> memref<10000xf32, #tpu.memory_space<hbm>>
      tpu.enqueue_dma source(%arg10 : memref<10000xf32, #tpu.memory_space<vmem>>) target(%dma_start3A_9 : memref<10000xf32, #tpu.memory_space<hbm>>) target_semaphore(%run_scoped3A : memref<!tpu.dma_semaphore, #tpu.memory_space<semaphore_mem>>)
      %dma_wait3A = tpu.memref_slice %arg6[%mul3A_2] : memref<320000xf32, #tpu.memory_space<hbm>> -> memref<10000xf32, #tpu.memory_space<hbm>>
      %dma_wait3A_10 = tpu.memref_slice %arg6[%mul3A_2] : memref<320000xf32, #tpu.memory_space<hbm>> -> memref<10000xf32, #tpu.memory_space<hbm>>
      tpu.wait_dma2 semaphore(%run_scoped3A : memref<!tpu.dma_semaphore, #tpu.memory_space<semaphore_mem>>) src(%arg10 : memref<10000xf32, #tpu.memory_space<vmem>>) dst(%dma_wait3A_10 : memref<10000xf32, #tpu.memory_space<hbm>>)
      tpu.yield
    }) : () -> ()
    return
  }
}

#map = affine_map<(d0, d1) -> (0, 0)>
#map1 = affine_map<(d0, d1) -> (0)>
module attributes {stable_mosaic.version = 14 : i64} {
  func.func @_prop_body(%arg0: i32, %arg1: i32, %arg2: memref<256x10000xf32, #tpu.memory_space<hbm>>, %arg3: memref<320000xi32, #tpu.memory_space<hbm>>, %arg4: memref<320000xi32, #tpu.memory_space<hbm>>, %arg5: memref<320000xf32, #tpu.memory_space<hbm>>, %arg6: memref<10240xf32, #tpu.memory_space<hbm>>, %arg7: memref<256xf32, #tpu.memory_space<hbm>>, %arg8: memref<256x10000xf32, #tpu.memory_space<hbm>>, %arg9: memref<10240xf32, #tpu.memory_space<vmem>>, %arg10: memref<256xf32, #tpu.memory_space<vmem>>, %arg11: memref<10000xf32, #tpu.memory_space<vmem>>, %arg12: memref<10000xf32, #tpu.memory_space<vmem>>, %arg13: memref<10000xf32, #tpu.memory_space<vmem>>, %arg14: memref<10000xf32, #tpu.memory_space<vmem>>, %arg15: memref<10000xf32, #tpu.memory_space<vmem>>, %arg16: memref<10000xf32, #tpu.memory_space<vmem>>, %arg17: memref<10000xf32, #tpu.memory_space<vmem>>, %arg18: memref<10000xf32, #tpu.memory_space<vmem>>, %arg19: memref<3200xi32, #tpu.memory_space<vmem>>, %arg20: memref<3200xi32, #tpu.memory_space<vmem>>, %arg21: memref<3200xi32, #tpu.memory_space<vmem>>, %arg22: memref<3200xi32, #tpu.memory_space<vmem>>, %arg23: memref<3200xf32, #tpu.memory_space<vmem>>, %arg24: memref<3200xf32, #tpu.memory_space<vmem>>, %arg25: memref<!tpu.dma_semaphore, #tpu.memory_space<semaphore_mem>>, %arg26: memref<!tpu.dma_semaphore, #tpu.memory_space<semaphore_mem>>, %arg27: memref<!tpu.dma_semaphore, #tpu.memory_space<semaphore_mem>>) attributes {dimension_semantics = [#tpu.dimension_semantics<core_parallel>, #tpu.dimension_semantics<subcore_parallel>], iteration_bounds = array<i64: 2, 16>, scalar_prefetch = 0 : i64, scratch_operands = 19 : i64, tpu.core_type = #tpu.core_type<sc_vector_subcore>, window_params = [{transform_indices = #map}, {transform_indices = #map1}, {transform_indices = #map1}, {transform_indices = #map1}, {transform_indices = #map1}, {transform_indices = #map1}, {transform_indices = #map}]} {
    %mul3A = arith.constant 2 : i32
    %mul3A_0 = arith.muli %arg1, %mul3A : i32
    %add3A = arith.addi %mul3A_0, %arg0 : i32
    "tpu.region"() ({
      %run_scoped3A = tpu.sem_alloc : memref<!tpu.dma_semaphore, #tpu.memory_space<semaphore_mem>>
      tpu.enqueue_dma source(%arg6 : memref<10240xf32, #tpu.memory_space<hbm>>) target(%arg9 : memref<10240xf32, #tpu.memory_space<vmem>>) target_semaphore(%run_scoped3A : memref<!tpu.dma_semaphore, #tpu.memory_space<semaphore_mem>>)
      tpu.wait_dma2 semaphore(%run_scoped3A : memref<!tpu.dma_semaphore, #tpu.memory_space<semaphore_mem>>) src(%arg6 : memref<10240xf32, #tpu.memory_space<hbm>>) dst(%arg9 : memref<10240xf32, #tpu.memory_space<vmem>>)
      tpu.yield
    }) : () -> ()
    "tpu.region"() ({
      %run_scoped3A = tpu.sem_alloc : memref<!tpu.dma_semaphore, #tpu.memory_space<semaphore_mem>>
      tpu.enqueue_dma source(%arg7 : memref<256xf32, #tpu.memory_space<hbm>>) target(%arg10 : memref<256xf32, #tpu.memory_space<vmem>>) target_semaphore(%run_scoped3A : memref<!tpu.dma_semaphore, #tpu.memory_space<semaphore_mem>>)
      tpu.wait_dma2 semaphore(%run_scoped3A : memref<!tpu.dma_semaphore, #tpu.memory_space<semaphore_mem>>) src(%arg7 : memref<256xf32, #tpu.memory_space<hbm>>) dst(%arg10 : memref<256xf32, #tpu.memory_space<vmem>>)
      tpu.yield
    }) : () -> ()
    %mul3A_1 = arith.constant 4 : i32
    %mul3A_2 = arith.muli %add3A, %mul3A_1 : i32
    %add3A_3 = arith.constant 0 : i32
    %add3A_4 = arith.addi %add3A_3, %mul3A_2 : i32
    %add3A_5 = arith.constant 0 : i32
    %add3A_6 = arith.addi %add3A_4, %add3A_5 : i32
    %dma_start3A = arith.constant 0 : i32
    %dma_start3A_7 = tpu.memref_slice %arg2[%add3A_6, %dma_start3A] : memref<256x10000xf32, #tpu.memory_space<hbm>> -> memref<1x10000xf32, #tpu.memory_space<hbm>>
    %dma_start3A_8 = tpu.memref_squeeze %dma_start3A_7 : memref<1x10000xf32, #tpu.memory_space<hbm>> -> memref<10000xf32, #tpu.memory_space<hbm>>
    %dma_start3A_9 = arith.constant 0 : i32
    %dma_start3A_10 = tpu.memref_slice %arg2[%add3A_6, %dma_start3A_9] : memref<256x10000xf32, #tpu.memory_space<hbm>> -> memref<1x10000xf32, #tpu.memory_space<hbm>>
    %dma_start3A_11 = tpu.memref_squeeze %dma_start3A_10 : memref<1x10000xf32, #tpu.memory_space<hbm>> -> memref<10000xf32, #tpu.memory_space<hbm>>
    tpu.enqueue_dma source(%dma_start3A_11 : memref<10000xf32, #tpu.memory_space<hbm>>) target(%arg11 : memref<10000xf32, #tpu.memory_space<vmem>>) target_semaphore(%arg27 : memref<!tpu.dma_semaphore, #tpu.memory_space<semaphore_mem>>)
    %add3A_12 = arith.constant 1 : i32
    %add3A_13 = arith.addi %add3A_4, %add3A_12 : i32
    %dma_start3A_14 = arith.constant 0 : i32
    %dma_start3A_15 = tpu.memref_slice %arg2[%add3A_13, %dma_start3A_14] : memref<256x10000xf32, #tpu.memory_space<hbm>> -> memref<1x10000xf32, #tpu.memory_space<hbm>>
    %dma_start3A_16 = tpu.memref_squeeze %dma_start3A_15 : memref<1x10000xf32, #tpu.memory_space<hbm>> -> memref<10000xf32, #tpu.memory_space<hbm>>
    %dma_start3A_17 = arith.constant 0 : i32
    %dma_start3A_18 = tpu.memref_slice %arg2[%add3A_13, %dma_start3A_17] : memref<256x10000xf32, #tpu.memory_space<hbm>> -> memref<1x10000xf32, #tpu.memory_space<hbm>>
    %dma_start3A_19 = tpu.memref_squeeze %dma_start3A_18 : memref<1x10000xf32, #tpu.memory_space<hbm>> -> memref<10000xf32, #tpu.memory_space<hbm>>
    tpu.enqueue_dma source(%dma_start3A_19 : memref<10000xf32, #tpu.memory_space<hbm>>) target(%arg12 : memref<10000xf32, #tpu.memory_space<vmem>>) target_semaphore(%arg27 : memref<!tpu.dma_semaphore, #tpu.memory_space<semaphore_mem>>)
    %add3A_20 = arith.constant 2 : i32
    %add3A_21 = arith.addi %add3A_4, %add3A_20 : i32
    %dma_start3A_22 = arith.constant 0 : i32
    %dma_start3A_23 = tpu.memref_slice %arg2[%add3A_21, %dma_start3A_22] : memref<256x10000xf32, #tpu.memory_space<hbm>> -> memref<1x10000xf32, #tpu.memory_space<hbm>>
    %dma_start3A_24 = tpu.memref_squeeze %dma_start3A_23 : memref<1x10000xf32, #tpu.memory_space<hbm>> -> memref<10000xf32, #tpu.memory_space<hbm>>
    %dma_start3A_25 = arith.constant 0 : i32
    %dma_start3A_26 = tpu.memref_slice %arg2[%add3A_21, %dma_start3A_25] : memref<256x10000xf32, #tpu.memory_space<hbm>> -> memref<1x10000xf32, #tpu.memory_space<hbm>>
    %dma_start3A_27 = tpu.memref_squeeze %dma_start3A_26 : memref<1x10000xf32, #tpu.memory_space<hbm>> -> memref<10000xf32, #tpu.memory_space<hbm>>
    tpu.enqueue_dma source(%dma_start3A_27 : memref<10000xf32, #tpu.memory_space<hbm>>) target(%arg13 : memref<10000xf32, #tpu.memory_space<vmem>>) target_semaphore(%arg27 : memref<!tpu.dma_semaphore, #tpu.memory_space<semaphore_mem>>)
    %add3A_28 = arith.constant 3 : i32
    %add3A_29 = arith.addi %add3A_4, %add3A_28 : i32
    %dma_start3A_30 = arith.constant 0 : i32
    %dma_start3A_31 = tpu.memref_slice %arg2[%add3A_29, %dma_start3A_30] : memref<256x10000xf32, #tpu.memory_space<hbm>> -> memref<1x10000xf32, #tpu.memory_space<hbm>>
    %dma_start3A_32 = tpu.memref_squeeze %dma_start3A_31 : memref<1x10000xf32, #tpu.memory_space<hbm>> -> memref<10000xf32, #tpu.memory_space<hbm>>
    %dma_start3A_33 = arith.constant 0 : i32
    %dma_start3A_34 = tpu.memref_slice %arg2[%add3A_29, %dma_start3A_33] : memref<256x10000xf32, #tpu.memory_space<hbm>> -> memref<1x10000xf32, #tpu.memory_space<hbm>>
    %dma_start3A_35 = tpu.memref_squeeze %dma_start3A_34 : memref<1x10000xf32, #tpu.memory_space<hbm>> -> memref<10000xf32, #tpu.memory_space<hbm>>
    tpu.enqueue_dma source(%dma_start3A_35 : memref<10000xf32, #tpu.memory_space<hbm>>) target(%arg14 : memref<10000xf32, #tpu.memory_space<vmem>>) target_semaphore(%arg27 : memref<!tpu.dma_semaphore, #tpu.memory_space<semaphore_mem>>)
    %add3A_36 = arith.constant 0 : i32
    %add3A_37 = arith.addi %add3A_4, %add3A_36 : i32
    %dma_wait3A = arith.constant 0 : i32
    %dma_wait3A_38 = tpu.memref_slice %arg2[%add3A_37, %dma_wait3A] : memref<256x10000xf32, #tpu.memory_space<hbm>> -> memref<1x10000xf32, #tpu.memory_space<hbm>>
    %dma_wait3A_39 = tpu.memref_squeeze %dma_wait3A_38 : memref<1x10000xf32, #tpu.memory_space<hbm>> -> memref<10000xf32, #tpu.memory_space<hbm>>
    %dma_wait3A_40 = arith.constant 0 : i32
    %dma_wait3A_41 = tpu.memref_slice %arg2[%add3A_37, %dma_wait3A_40] : memref<256x10000xf32, #tpu.memory_space<hbm>> -> memref<1x10000xf32, #tpu.memory_space<hbm>>
    %dma_wait3A_42 = tpu.memref_squeeze %dma_wait3A_41 : memref<1x10000xf32, #tpu.memory_space<hbm>> -> memref<10000xf32, #tpu.memory_space<hbm>>
    tpu.wait_dma2 semaphore(%arg27 : memref<!tpu.dma_semaphore, #tpu.memory_space<semaphore_mem>>) src(%dma_wait3A_42 : memref<10000xf32, #tpu.memory_space<hbm>>) dst(%arg11 : memref<10000xf32, #tpu.memory_space<vmem>>)
    %add3A_43 = arith.constant 1 : i32
    %add3A_44 = arith.addi %add3A_4, %add3A_43 : i32
    %dma_wait3A_45 = arith.constant 0 : i32
    %dma_wait3A_46 = tpu.memref_slice %arg2[%add3A_44, %dma_wait3A_45] : memref<256x10000xf32, #tpu.memory_space<hbm>> -> memref<1x10000xf32, #tpu.memory_space<hbm>>
    %dma_wait3A_47 = tpu.memref_squeeze %dma_wait3A_46 : memref<1x10000xf32, #tpu.memory_space<hbm>> -> memref<10000xf32, #tpu.memory_space<hbm>>
    %dma_wait3A_48 = arith.constant 0 : i32
    %dma_wait3A_49 = tpu.memref_slice %arg2[%add3A_44, %dma_wait3A_48] : memref<256x10000xf32, #tpu.memory_space<hbm>> -> memref<1x10000xf32, #tpu.memory_space<hbm>>
    %dma_wait3A_50 = tpu.memref_squeeze %dma_wait3A_49 : memref<1x10000xf32, #tpu.memory_space<hbm>> -> memref<10000xf32, #tpu.memory_space<hbm>>
    tpu.wait_dma2 semaphore(%arg27 : memref<!tpu.dma_semaphore, #tpu.memory_space<semaphore_mem>>) src(%dma_wait3A_50 : memref<10000xf32, #tpu.memory_space<hbm>>) dst(%arg12 : memref<10000xf32, #tpu.memory_space<vmem>>)
    %add3A_51 = arith.constant 2 : i32
    %add3A_52 = arith.addi %add3A_4, %add3A_51 : i32
    %dma_wait3A_53 = arith.constant 0 : i32
    %dma_wait3A_54 = tpu.memref_slice %arg2[%add3A_52, %dma_wait3A_53] : memref<256x10000xf32, #tpu.memory_space<hbm>> -> memref<1x10000xf32, #tpu.memory_space<hbm>>
    %dma_wait3A_55 = tpu.memref_squeeze %dma_wait3A_54 : memref<1x10000xf32, #tpu.memory_space<hbm>> -> memref<10000xf32, #tpu.memory_space<hbm>>
    %dma_wait3A_56 = arith.constant 0 : i32
    %dma_wait3A_57 = tpu.memref_slice %arg2[%add3A_52, %dma_wait3A_56] : memref<256x10000xf32, #tpu.memory_space<hbm>> -> memref<1x10000xf32, #tpu.memory_space<hbm>>
    %dma_wait3A_58 = tpu.memref_squeeze %dma_wait3A_57 : memref<1x10000xf32, #tpu.memory_space<hbm>> -> memref<10000xf32, #tpu.memory_space<hbm>>
    tpu.wait_dma2 semaphore(%arg27 : memref<!tpu.dma_semaphore, #tpu.memory_space<semaphore_mem>>) src(%dma_wait3A_58 : memref<10000xf32, #tpu.memory_space<hbm>>) dst(%arg13 : memref<10000xf32, #tpu.memory_space<vmem>>)
    %add3A_59 = arith.constant 3 : i32
    %add3A_60 = arith.addi %add3A_4, %add3A_59 : i32
    %dma_wait3A_61 = arith.constant 0 : i32
    %dma_wait3A_62 = tpu.memref_slice %arg2[%add3A_60, %dma_wait3A_61] : memref<256x10000xf32, #tpu.memory_space<hbm>> -> memref<1x10000xf32, #tpu.memory_space<hbm>>
    %dma_wait3A_63 = tpu.memref_squeeze %dma_wait3A_62 : memref<1x10000xf32, #tpu.memory_space<hbm>> -> memref<10000xf32, #tpu.memory_space<hbm>>
    %dma_wait3A_64 = arith.constant 0 : i32
    %dma_wait3A_65 = tpu.memref_slice %arg2[%add3A_60, %dma_wait3A_64] : memref<256x10000xf32, #tpu.memory_space<hbm>> -> memref<1x10000xf32, #tpu.memory_space<hbm>>
    %dma_wait3A_66 = tpu.memref_squeeze %dma_wait3A_65 : memref<1x10000xf32, #tpu.memory_space<hbm>> -> memref<10000xf32, #tpu.memory_space<hbm>>
    tpu.wait_dma2 semaphore(%arg27 : memref<!tpu.dma_semaphore, #tpu.memory_space<semaphore_mem>>) src(%dma_wait3A_66 : memref<10000xf32, #tpu.memory_space<hbm>>) dst(%arg14 : memref<10000xf32, #tpu.memory_space<vmem>>)
    %add3A_67 = arith.constant 0 : i32
    %add3A_68 = arith.addi %add3A_4, %add3A_67 : i32
    %broadcast_in_dim3A = vector.broadcast %add3A_68 : i32 to vector<16xi32>
    %gather3A = tpu.vector_load_idx %arg10[%broadcast_in_dim3A] : memref<256xf32, #tpu.memory_space<vmem>>[vector<16xi32>], vector<16xf32>,
    %add3A_69 = arith.constant 1 : i32
    %add3A_70 = arith.addi %add3A_4, %add3A_69 : i32
    %broadcast_in_dim3A_71 = vector.broadcast %add3A_70 : i32 to vector<16xi32>
    %gather3A_72 = tpu.vector_load_idx %arg10[%broadcast_in_dim3A_71] : memref<256xf32, #tpu.memory_space<vmem>>[vector<16xi32>], vector<16xf32>,
    %add3A_73 = arith.constant 2 : i32
    %add3A_74 = arith.addi %add3A_4, %add3A_73 : i32
    %broadcast_in_dim3A_75 = vector.broadcast %add3A_74 : i32 to vector<16xi32>
    %gather3A_76 = tpu.vector_load_idx %arg10[%broadcast_in_dim3A_75] : memref<256xf32, #tpu.memory_space<vmem>>[vector<16xi32>], vector<16xf32>,
    %add3A_77 = arith.constant 3 : i32
    %add3A_78 = arith.addi %add3A_4, %add3A_77 : i32
    %broadcast_in_dim3A_79 = vector.broadcast %add3A_78 : i32 to vector<16xi32>
    %gather3A_80 = tpu.vector_load_idx %arg10[%broadcast_in_dim3A_79] : memref<256xf32, #tpu.memory_space<vmem>>[vector<16xi32>], vector<16xf32>,
    %parallel_loop3A = arith.constant 0 : i32
    %parallel_loop3A_81 = arith.constant 625 : i32
    %parallel_loop3A_82 = arith.constant 1 : i32
    scf.for %parallel_loop3A_335 = %parallel_loop3A to %parallel_loop3A_81 step %parallel_loop3A_82  : i32 {
      %parallel_loop3A_336 = arith.constant 16 : i32
      %parallel_loop3A_337 = arith.muli %parallel_loop3A_335, %parallel_loop3A_336 : i32
      %parallel_loop3A_338 = arith.index_cast %parallel_loop3A_337 : i32 to index
      %parallel_loop3A_339 = tpu.vector_load %arg9[%parallel_loop3A_338] {strides = array<i32>} : memref<10240xf32, #tpu.memory_space<vmem>>, vector<16xf32>,
      %parallel_loop3A_340 = arith.mulf %parallel_loop3A_339, %parallel_loop3A_339 : vector<16xf32>
      %parallel_loop3A_341 = arith.constant 16 : i32
      %parallel_loop3A_342 = arith.muli %parallel_loop3A_335, %parallel_loop3A_341 : i32
      %parallel_loop3A_343 = arith.index_cast %parallel_loop3A_342 : i32 to index
      %parallel_loop3A_344 = tpu.vector_load %arg11[%parallel_loop3A_343] {strides = array<i32>} : memref<10000xf32, #tpu.memory_space<vmem>>, vector<16xf32>,
      %parallel_loop3A_345 = arith.mulf %parallel_loop3A_344, %parallel_loop3A_340 : vector<16xf32>
      %parallel_loop3A_346 = arith.addf %parallel_loop3A_345, %gather3A : vector<16xf32>
      %parallel_loop3A_347 = arith.constant 16 : i32
      %parallel_loop3A_348 = arith.muli %parallel_loop3A_335, %parallel_loop3A_347 : i32
      %parallel_loop3A_349 = arith.index_cast %parallel_loop3A_348 : i32 to index
      %parallel_loop3A_350 = tpu.vector_load %arg15[%parallel_loop3A_349] {strides = array<i32>} : memref<10000xf32, #tpu.memory_space<vmem>>, vector<16xf32>,
      tpu.vector_store %arg15[%parallel_loop3A_349], %parallel_loop3A_346 {strides = array<i32>} : memref<10000xf32, #tpu.memory_space<vmem>>, vector<16xf32>,
      %parallel_loop3A_351 = arith.constant 16 : i32
      %parallel_loop3A_352 = arith.muli %parallel_loop3A_335, %parallel_loop3A_351 : i32
      %parallel_loop3A_353 = arith.index_cast %parallel_loop3A_352 : i32 to index
      %parallel_loop3A_354 = tpu.vector_load %arg12[%parallel_loop3A_353] {strides = array<i32>} : memref<10000xf32, #tpu.memory_space<vmem>>, vector<16xf32>,
      %parallel_loop3A_355 = arith.mulf %parallel_loop3A_354, %parallel_loop3A_340 : vector<16xf32>
      %parallel_loop3A_356 = arith.addf %parallel_loop3A_355, %gather3A_72 : vector<16xf32>
      %parallel_loop3A_357 = arith.constant 16 : i32
      %parallel_loop3A_358 = arith.muli %parallel_loop3A_335, %parallel_loop3A_357 : i32
      %parallel_loop3A_359 = arith.index_cast %parallel_loop3A_358 : i32 to index
      %parallel_loop3A_360 = tpu.vector_load %arg16[%parallel_loop3A_359] {strides = array<i32>} : memref<10000xf32, #tpu.memory_space<vmem>>, vector<16xf32>,
      tpu.vector_store %arg16[%parallel_loop3A_359], %parallel_loop3A_356 {strides = array<i32>} : memref<10000xf32, #tpu.memory_space<vmem>>, vector<16xf32>,
      %parallel_loop3A_361 = arith.constant 16 : i32
      %parallel_loop3A_362 = arith.muli %parallel_loop3A_335, %parallel_loop3A_361 : i32
      %parallel_loop3A_363 = arith.index_cast %parallel_loop3A_362 : i32 to index
      %parallel_loop3A_364 = tpu.vector_load %arg13[%parallel_loop3A_363] {strides = array<i32>} : memref<10000xf32, #tpu.memory_space<vmem>>, vector<16xf32>,
      %parallel_loop3A_365 = arith.mulf %parallel_loop3A_364, %parallel_loop3A_340 : vector<16xf32>
      %parallel_loop3A_366 = arith.addf %parallel_loop3A_365, %gather3A_76 : vector<16xf32>
      %parallel_loop3A_367 = arith.constant 16 : i32
      %parallel_loop3A_368 = arith.muli %parallel_loop3A_335, %parallel_loop3A_367 : i32
      %parallel_loop3A_369 = arith.index_cast %parallel_loop3A_368 : i32 to index
      %parallel_loop3A_370 = tpu.vector_load %arg17[%parallel_loop3A_369] {strides = array<i32>} : memref<10000xf32, #tpu.memory_space<vmem>>, vector<16xf32>,
      tpu.vector_store %arg17[%parallel_loop3A_369], %parallel_loop3A_366 {strides = array<i32>} : memref<10000xf32, #tpu.memory_space<vmem>>, vector<16xf32>,
      %parallel_loop3A_371 = arith.constant 16 : i32
      %parallel_loop3A_372 = arith.muli %parallel_loop3A_335, %parallel_loop3A_371 : i32
      %parallel_loop3A_373 = arith.index_cast %parallel_loop3A_372 : i32 to index
      %parallel_loop3A_374 = tpu.vector_load %arg14[%parallel_loop3A_373] {strides = array<i32>} : memref<10000xf32, #tpu.memory_space<vmem>>, vector<16xf32>,
      %parallel_loop3A_375 = arith.mulf %parallel_loop3A_374, %parallel_loop3A_340 : vector<16xf32>
      %parallel_loop3A_376 = arith.addf %parallel_loop3A_375, %gather3A_80 : vector<16xf32>
      %parallel_loop3A_377 = arith.constant 16 : i32
      %parallel_loop3A_378 = arith.muli %parallel_loop3A_335, %parallel_loop3A_377 : i32
      %parallel_loop3A_379 = arith.index_cast %parallel_loop3A_378 : i32 to index
      %parallel_loop3A_380 = tpu.vector_load %arg18[%parallel_loop3A_379] {strides = array<i32>} : memref<10000xf32, #tpu.memory_space<vmem>>, vector<16xf32>,
      tpu.vector_store %arg18[%parallel_loop3A_379], %parallel_loop3A_376 {strides = array<i32>} : memref<10000xf32, #tpu.memory_space<vmem>>, vector<16xf32>,
    } {sc.loop_unroll_factor = 4 : i64, sc.parallel_access}
    %dma_start3A_83 = arith.constant 0 : i32
    %dma_start3A_84 = tpu.memref_slice %arg3[%dma_start3A_83] : memref<320000xi32, #tpu.memory_space<hbm>> -> memref<3200xi32, #tpu.memory_space<hbm>>
    %dma_start3A_85 = arith.constant 0 : i32
    %dma_start3A_86 = tpu.memref_slice %arg3[%dma_start3A_85] : memref<320000xi32, #tpu.memory_space<hbm>> -> memref<3200xi32, #tpu.memory_space<hbm>>
    tpu.enqueue_dma source(%dma_start3A_86 : memref<3200xi32, #tpu.memory_space<hbm>>) target(%arg19 : memref<3200xi32, #tpu.memory_space<vmem>>) target_semaphore(%arg25 : memref<!tpu.dma_semaphore, #tpu.memory_space<semaphore_mem>>)
    %dma_start3A_87 = arith.constant 0 : i32
    %dma_start3A_88 = tpu.memref_slice %arg4[%dma_start3A_87] : memref<320000xi32, #tpu.memory_space<hbm>> -> memref<3200xi32, #tpu.memory_space<hbm>>
    %dma_start3A_89 = arith.constant 0 : i32
    %dma_start3A_90 = tpu.memref_slice %arg4[%dma_start3A_89] : memref<320000xi32, #tpu.memory_space<hbm>> -> memref<3200xi32, #tpu.memory_space<hbm>>
    tpu.enqueue_dma source(%dma_start3A_90 : memref<3200xi32, #tpu.memory_space<hbm>>) target(%arg21 : memref<3200xi32, #tpu.memory_space<vmem>>) target_semaphore(%arg25 : memref<!tpu.dma_semaphore, #tpu.memory_space<semaphore_mem>>)
    %dma_start3A_91 = arith.constant 0 : i32
    %dma_start3A_92 = tpu.memref_slice %arg5[%dma_start3A_91] : memref<320000xf32, #tpu.memory_space<hbm>> -> memref<3200xf32, #tpu.memory_space<hbm>>
    %dma_start3A_93 = arith.constant 0 : i32
    %dma_start3A_94 = tpu.memref_slice %arg5[%dma_start3A_93] : memref<320000xf32, #tpu.memory_space<hbm>> -> memref<3200xf32, #tpu.memory_space<hbm>>
    tpu.enqueue_dma source(%dma_start3A_94 : memref<3200xf32, #tpu.memory_space<hbm>>) target(%arg23 : memref<3200xf32, #tpu.memory_space<vmem>>) target_semaphore(%arg25 : memref<!tpu.dma_semaphore, #tpu.memory_space<semaphore_mem>>)
    %scan3A = arith.constant 0 : i32
    %scan3A_95 = arith.constant 0 : i32
    %scan3A_96 = arith.constant 50 : i32
    %scan3A_97 = arith.addi %scan3A_95, %scan3A_96 : i32
    %scan3A_98 = arith.constant 1 : i32
    %scan3A_99 = scf.for %scan3A_335 = %scan3A_95 to %scan3A_97 step %scan3A_98 iter_args(%scan3A_336 = %scan3A) -> (i32)  : i32 {
      %mul3A_337 = arith.constant 2 : i32
      %mul3A_338 = arith.muli %scan3A_335, %mul3A_337 : i32
      %add3A_339 = arith.constant 0 : i32
      %add3A_340 = arith.addi %mul3A_338, %add3A_339 : i32
      %mul3A_341 = arith.constant 3200 : i32
      %mul3A_342 = arith.muli %add3A_340, %mul3A_341 : i32
      %dma_wait3A_343 = tpu.memref_slice %arg3[%mul3A_342] : memref<320000xi32, #tpu.memory_space<hbm>> -> memref<3200xi32, #tpu.memory_space<hbm>>
      %dma_wait3A_344 = tpu.memref_slice %arg3[%mul3A_342] : memref<320000xi32, #tpu.memory_space<hbm>> -> memref<3200xi32, #tpu.memory_space<hbm>>
      tpu.wait_dma2 semaphore(%arg25 : memref<!tpu.dma_semaphore, #tpu.memory_space<semaphore_mem>>) src(%dma_wait3A_344 : memref<3200xi32, #tpu.memory_space<hbm>>) dst(%arg19 : memref<3200xi32, #tpu.memory_space<vmem>>)
      %mul3A_345 = arith.constant 3200 : i32
      %mul3A_346 = arith.muli %add3A_340, %mul3A_345 : i32
      %dma_wait3A_347 = tpu.memref_slice %arg4[%mul3A_346] : memref<320000xi32, #tpu.memory_space<hbm>> -> memref<3200xi32, #tpu.memory_space<hbm>>
      %dma_wait3A_348 = tpu.memref_slice %arg4[%mul3A_346] : memref<320000xi32, #tpu.memory_space<hbm>> -> memref<3200xi32, #tpu.memory_space<hbm>>
      tpu.wait_dma2 semaphore(%arg25 : memref<!tpu.dma_semaphore, #tpu.memory_space<semaphore_mem>>) src(%dma_wait3A_348 : memref<3200xi32, #tpu.memory_space<hbm>>) dst(%arg21 : memref<3200xi32, #tpu.memory_space<vmem>>)
      %mul3A_349 = arith.constant 3200 : i32
      %mul3A_350 = arith.muli %add3A_340, %mul3A_349 : i32
      %dma_wait3A_351 = tpu.memref_slice %arg5[%mul3A_350] : memref<320000xf32, #tpu.memory_space<hbm>> -> memref<3200xf32, #tpu.memory_space<hbm>>
      %dma_wait3A_352 = tpu.memref_slice %arg5[%mul3A_350] : memref<320000xf32, #tpu.memory_space<hbm>> -> memref<3200xf32, #tpu.memory_space<hbm>>
      tpu.wait_dma2 semaphore(%arg25 : memref<!tpu.dma_semaphore, #tpu.memory_space<semaphore_mem>>) src(%dma_wait3A_352 : memref<3200xf32, #tpu.memory_space<hbm>>) dst(%arg23 : memref<3200xf32, #tpu.memory_space<vmem>>)
      %add3A_353 = arith.constant 1 : i32
      %add3A_354 = arith.addi %add3A_340, %add3A_353 : i32
      %lt3A = arith.constant 100 : i32
      %lt3A_355 = arith.cmpi slt, %add3A_354, %lt3A : i32
      %convert_element_type3A = arith.extui %lt3A_355 : i1 to i32
      %cond3A = arith.constant 0 : i32
      %cond3A_356 = arith.cmpi ne, %convert_element_type3A, %cond3A : i32
      scf.if %cond3A_356 {
        %add3A_387 = arith.constant 1 : i32
        %add3A_388 = arith.addi %add3A_340, %add3A_387 : i32
        %mul3A_389 = arith.constant 3200 : i32
        %mul3A_390 = arith.muli %add3A_388, %mul3A_389 : i32
        %dma_start3A_391 = tpu.memref_slice %arg3[%mul3A_390] : memref<320000xi32, #tpu.memory_space<hbm>> -> memref<3200xi32, #tpu.memory_space<hbm>>
        %dma_start3A_392 = tpu.memref_slice %arg3[%mul3A_390] : memref<320000xi32, #tpu.memory_space<hbm>> -> memref<3200xi32, #tpu.memory_space<hbm>>
        tpu.enqueue_dma source(%dma_start3A_392 : memref<3200xi32, #tpu.memory_space<hbm>>) target(%arg20 : memref<3200xi32, #tpu.memory_space<vmem>>) target_semaphore(%arg26 : memref<!tpu.dma_semaphore, #tpu.memory_space<semaphore_mem>>)
        %mul3A_393 = arith.constant 3200 : i32
        %mul3A_394 = arith.muli %add3A_388, %mul3A_393 : i32
        %dma_start3A_395 = tpu.memref_slice %arg4[%mul3A_394] : memref<320000xi32, #tpu.memory_space<hbm>> -> memref<3200xi32, #tpu.memory_space<hbm>>
        %dma_start3A_396 = tpu.memref_slice %arg4[%mul3A_394] : memref<320000xi32, #tpu.memory_space<hbm>> -> memref<3200xi32, #tpu.memory_space<hbm>>
        tpu.enqueue_dma source(%dma_start3A_396 : memref<3200xi32, #tpu.memory_space<hbm>>) target(%arg22 : memref<3200xi32, #tpu.memory_space<vmem>>) target_semaphore(%arg26 : memref<!tpu.dma_semaphore, #tpu.memory_space<semaphore_mem>>)
        %mul3A_397 = arith.constant 3200 : i32
        %mul3A_398 = arith.muli %add3A_388, %mul3A_397 : i32
        %dma_start3A_399 = tpu.memref_slice %arg5[%mul3A_398] : memref<320000xf32, #tpu.memory_space<hbm>> -> memref<3200xf32, #tpu.memory_space<hbm>>
        %dma_start3A_400 = tpu.memref_slice %arg5[%mul3A_398] : memref<320000xf32, #tpu.memory_space<hbm>> -> memref<3200xf32, #tpu.memory_space<hbm>>
        tpu.enqueue_dma source(%dma_start3A_400 : memref<3200xf32, #tpu.memory_space<hbm>>) target(%arg24 : memref<3200xf32, #tpu.memory_space<vmem>>) target_semaphore(%arg26 : memref<!tpu.dma_semaphore, #tpu.memory_space<semaphore_mem>>)
      } else {
      }
      %parallel_loop3A_357 = arith.constant 0 : i32
      %parallel_loop3A_358 = arith.constant 200 : i32
      %parallel_loop3A_359 = arith.constant 1 : i32
      scf.for %parallel_loop3A_387 = %parallel_loop3A_357 to %parallel_loop3A_358 step %parallel_loop3A_359  : i32 {
        %parallel_loop3A_388 = arith.constant 16 : i32
        %parallel_loop3A_389 = arith.muli %parallel_loop3A_387, %parallel_loop3A_388 : i32
        %parallel_loop3A_390 = arith.index_cast %parallel_loop3A_389 : i32 to index
        %parallel_loop3A_391 = tpu.vector_load %arg19[%parallel_loop3A_390] {strides = array<i32>} : memref<3200xi32, #tpu.memory_space<vmem>>, vector<16xi32>,
        %parallel_loop3A_392 = arith.constant 16 : i32
        %parallel_loop3A_393 = arith.muli %parallel_loop3A_387, %parallel_loop3A_392 : i32
        %parallel_loop3A_394 = arith.index_cast %parallel_loop3A_393 : i32 to index
        %parallel_loop3A_395 = tpu.vector_load %arg21[%parallel_loop3A_394] {strides = array<i32>} : memref<3200xi32, #tpu.memory_space<vmem>>, vector<16xi32>,
        %parallel_loop3A_396 = arith.constant 16 : i32
        %parallel_loop3A_397 = arith.muli %parallel_loop3A_387, %parallel_loop3A_396 : i32
        %parallel_loop3A_398 = arith.index_cast %parallel_loop3A_397 : i32 to index
        %parallel_loop3A_399 = tpu.vector_load %arg23[%parallel_loop3A_398] {strides = array<i32>} : memref<3200xf32, #tpu.memory_space<vmem>>, vector<16xf32>,
        %parallel_loop3A_400 = tpu.vector_load_idx %arg11[%parallel_loop3A_391] : memref<10000xf32, #tpu.memory_space<vmem>>[vector<16xi32>], vector<16xf32>,
        %parallel_loop3A_401 = arith.mulf %parallel_loop3A_400, %parallel_loop3A_399 : vector<16xf32>
        tpu.vector_store_idx %arg15[%parallel_loop3A_395], %parallel_loop3A_401 {add = true} : memref<10000xf32, #tpu.memory_space<vmem>>[vector<16xi32>], vector<16xf32>,
        %parallel_loop3A_402 = tpu.vector_load_idx %arg12[%parallel_loop3A_391] : memref<10000xf32, #tpu.memory_space<vmem>>[vector<16xi32>], vector<16xf32>,
        %parallel_loop3A_403 = arith.mulf %parallel_loop3A_402, %parallel_loop3A_399 : vector<16xf32>
        tpu.vector_store_idx %arg16[%parallel_loop3A_395], %parallel_loop3A_403 {add = true} : memref<10000xf32, #tpu.memory_space<vmem>>[vector<16xi32>], vector<16xf32>,
        %parallel_loop3A_404 = tpu.vector_load_idx %arg13[%parallel_loop3A_391] : memref<10000xf32, #tpu.memory_space<vmem>>[vector<16xi32>], vector<16xf32>,
        %parallel_loop3A_405 = arith.mulf %parallel_loop3A_404, %parallel_loop3A_399 : vector<16xf32>
        tpu.vector_store_idx %arg17[%parallel_loop3A_395], %parallel_loop3A_405 {add = true} : memref<10000xf32, #tpu.memory_space<vmem>>[vector<16xi32>], vector<16xf32>,
        %parallel_loop3A_406 = tpu.vector_load_idx %arg14[%parallel_loop3A_391] : memref<10000xf32, #tpu.memory_space<vmem>>[vector<16xi32>], vector<16xf32>,
        %parallel_loop3A_407 = arith.mulf %parallel_loop3A_406, %parallel_loop3A_399 : vector<16xf32>
        tpu.vector_store_idx %arg18[%parallel_loop3A_395], %parallel_loop3A_407 {add = true} : memref<10000xf32, #tpu.memory_space<vmem>>[vector<16xi32>], vector<16xf32>,
      } {sc.loop_unroll_factor = 4 : i64, sc.parallel_access}
      %mul3A_360 = arith.constant 2 : i32
      %mul3A_361 = arith.muli %scan3A_335, %mul3A_360 : i32
      %add3A_362 = arith.constant 1 : i32
      %add3A_363 = arith.addi %mul3A_361, %add3A_362 : i32
      %mul3A_364 = arith.constant 3200 : i32
      %mul3A_365 = arith.muli %add3A_363, %mul3A_364 : i32
      %dma_wait3A_366 = tpu.memref_slice %arg3[%mul3A_365] : memref<320000xi32, #tpu.memory_space<hbm>> -> memref<3200xi32, #tpu.memory_space<hbm>>
      %dma_wait3A_367 = tpu.memref_slice %arg3[%mul3A_365] : memref<320000xi32, #tpu.memory_space<hbm>> -> memref<3200xi32, #tpu.memory_space<hbm>>
      tpu.wait_dma2 semaphore(%arg26 : memref<!tpu.dma_semaphore, #tpu.memory_space<semaphore_mem>>) src(%dma_wait3A_367 : memref<3200xi32, #tpu.memory_space<hbm>>) dst(%arg20 : memref<3200xi32, #tpu.memory_space<vmem>>)
      %mul3A_368 = arith.constant 3200 : i32
      %mul3A_369 = arith.muli %add3A_363, %mul3A_368 : i32
      %dma_wait3A_370 = tpu.memref_slice %arg4[%mul3A_369] : memref<320000xi32, #tpu.memory_space<hbm>> -> memref<3200xi32, #tpu.memory_space<hbm>>
      %dma_wait3A_371 = tpu.memref_slice %arg4[%mul3A_369] : memref<320000xi32, #tpu.memory_space<hbm>> -> memref<3200xi32, #tpu.memory_space<hbm>>
      tpu.wait_dma2 semaphore(%arg26 : memref<!tpu.dma_semaphore, #tpu.memory_space<semaphore_mem>>) src(%dma_wait3A_371 : memref<3200xi32, #tpu.memory_space<hbm>>) dst(%arg22 : memref<3200xi32, #tpu.memory_space<vmem>>)
      %mul3A_372 = arith.constant 3200 : i32
      %mul3A_373 = arith.muli %add3A_363, %mul3A_372 : i32
      %dma_wait3A_374 = tpu.memref_slice %arg5[%mul3A_373] : memref<320000xf32, #tpu.memory_space<hbm>> -> memref<3200xf32, #tpu.memory_space<hbm>>
      %dma_wait3A_375 = tpu.memref_slice %arg5[%mul3A_373] : memref<320000xf32, #tpu.memory_space<hbm>> -> memref<3200xf32, #tpu.memory_space<hbm>>
      tpu.wait_dma2 semaphore(%arg26 : memref<!tpu.dma_semaphore, #tpu.memory_space<semaphore_mem>>) src(%dma_wait3A_375 : memref<3200xf32, #tpu.memory_space<hbm>>) dst(%arg24 : memref<3200xf32, #tpu.memory_space<vmem>>)
      %add3A_376 = arith.constant 1 : i32
      %add3A_377 = arith.addi %add3A_363, %add3A_376 : i32
      %lt3A_378 = arith.constant 100 : i32
      %lt3A_379 = arith.cmpi slt, %add3A_377, %lt3A_378 : i32
      %convert_element_type3A_380 = arith.extui %lt3A_379 : i1 to i32
      %cond3A_381 = arith.constant 0 : i32
      %cond3A_382 = arith.cmpi ne, %convert_element_type3A_380, %cond3A_381 : i32
      scf.if %cond3A_382 {
        %add3A_387 = arith.constant 1 : i32
        %add3A_388 = arith.addi %add3A_363, %add3A_387 : i32
        %mul3A_389 = arith.constant 3200 : i32
        %mul3A_390 = arith.muli %add3A_388, %mul3A_389 : i32
        %dma_start3A_391 = tpu.memref_slice %arg3[%mul3A_390] : memref<320000xi32, #tpu.memory_space<hbm>> -> memref<3200xi32, #tpu.memory_space<hbm>>
        %dma_start3A_392 = tpu.memref_slice %arg3[%mul3A_390] : memref<320000xi32, #tpu.memory_space<hbm>> -> memref<3200xi32, #tpu.memory_space<hbm>>
        tpu.enqueue_dma source(%dma_start3A_392 : memref<3200xi32, #tpu.memory_space<hbm>>) target(%arg19 : memref<3200xi32, #tpu.memory_space<vmem>>) target_semaphore(%arg25 : memref<!tpu.dma_semaphore, #tpu.memory_space<semaphore_mem>>)
        %mul3A_393 = arith.constant 3200 : i32
        %mul3A_394 = arith.muli %add3A_388, %mul3A_393 : i32
        %dma_start3A_395 = tpu.memref_slice %arg4[%mul3A_394] : memref<320000xi32, #tpu.memory_space<hbm>> -> memref<3200xi32, #tpu.memory_space<hbm>>
        %dma_start3A_396 = tpu.memref_slice %arg4[%mul3A_394] : memref<320000xi32, #tpu.memory_space<hbm>> -> memref<3200xi32, #tpu.memory_space<hbm>>
        tpu.enqueue_dma source(%dma_start3A_396 : memref<3200xi32, #tpu.memory_space<hbm>>) target(%arg21 : memref<3200xi32, #tpu.memory_space<vmem>>) target_semaphore(%arg25 : memref<!tpu.dma_semaphore, #tpu.memory_space<semaphore_mem>>)
        %mul3A_397 = arith.constant 3200 : i32
        %mul3A_398 = arith.muli %add3A_388, %mul3A_397 : i32
        %dma_start3A_399 = tpu.memref_slice %arg5[%mul3A_398] : memref<320000xf32, #tpu.memory_space<hbm>> -> memref<3200xf32, #tpu.memory_space<hbm>>
        %dma_start3A_400 = tpu.memref_slice %arg5[%mul3A_398] : memref<320000xf32, #tpu.memory_space<hbm>> -> memref<3200xf32, #tpu.memory_space<hbm>>
        tpu.enqueue_dma source(%dma_start3A_400 : memref<3200xf32, #tpu.memory_space<hbm>>) target(%arg23 : memref<3200xf32, #tpu.memory_space<vmem>>) target_semaphore(%arg25 : memref<!tpu.dma_semaphore, #tpu.memory_space<semaphore_mem>>)
      } else {
      }
      %parallel_loop3A_383 = arith.constant 0 : i32
      %parallel_loop3A_384 = arith.constant 200 : i32
      %parallel_loop3A_385 = arith.constant 1 : i32
      scf.for %parallel_loop3A_387 = %parallel_loop3A_383 to %parallel_loop3A_384 step %parallel_loop3A_385  : i32 {
        %parallel_loop3A_388 = arith.constant 16 : i32
        %parallel_loop3A_389 = arith.muli %parallel_loop3A_387, %parallel_loop3A_388 : i32
        %parallel_loop3A_390 = arith.index_cast %parallel_loop3A_389 : i32 to index
        %parallel_loop3A_391 = tpu.vector_load %arg20[%parallel_loop3A_390] {strides = array<i32>} : memref<3200xi32, #tpu.memory_space<vmem>>, vector<16xi32>,
        %parallel_loop3A_392 = arith.constant 16 : i32
        %parallel_loop3A_393 = arith.muli %parallel_loop3A_387, %parallel_loop3A_392 : i32
        %parallel_loop3A_394 = arith.index_cast %parallel_loop3A_393 : i32 to index
        %parallel_loop3A_395 = tpu.vector_load %arg22[%parallel_loop3A_394] {strides = array<i32>} : memref<3200xi32, #tpu.memory_space<vmem>>, vector<16xi32>,
        %parallel_loop3A_396 = arith.constant 16 : i32
        %parallel_loop3A_397 = arith.muli %parallel_loop3A_387, %parallel_loop3A_396 : i32
        %parallel_loop3A_398 = arith.index_cast %parallel_loop3A_397 : i32 to index
        %parallel_loop3A_399 = tpu.vector_load %arg24[%parallel_loop3A_398] {strides = array<i32>} : memref<3200xf32, #tpu.memory_space<vmem>>, vector<16xf32>,
        %parallel_loop3A_400 = tpu.vector_load_idx %arg11[%parallel_loop3A_391] : memref<10000xf32, #tpu.memory_space<vmem>>[vector<16xi32>], vector<16xf32>,
        %parallel_loop3A_401 = arith.mulf %parallel_loop3A_400, %parallel_loop3A_399 : vector<16xf32>
        tpu.vector_store_idx %arg15[%parallel_loop3A_395], %parallel_loop3A_401 {add = true} : memref<10000xf32, #tpu.memory_space<vmem>>[vector<16xi32>], vector<16xf32>,
        %parallel_loop3A_402 = tpu.vector_load_idx %arg12[%parallel_loop3A_391] : memref<10000xf32, #tpu.memory_space<vmem>>[vector<16xi32>], vector<16xf32>,
        %parallel_loop3A_403 = arith.mulf %parallel_loop3A_402, %parallel_loop3A_399 : vector<16xf32>
        tpu.vector_store_idx %arg16[%parallel_loop3A_395], %parallel_loop3A_403 {add = true} : memref<10000xf32, #tpu.memory_space<vmem>>[vector<16xi32>], vector<16xf32>,
        %parallel_loop3A_404 = tpu.vector_load_idx %arg13[%parallel_loop3A_391] : memref<10000xf32, #tpu.memory_space<vmem>>[vector<16xi32>], vector<16xf32>,
        %parallel_loop3A_405 = arith.mulf %parallel_loop3A_404, %parallel_loop3A_399 : vector<16xf32>
        tpu.vector_store_idx %arg17[%parallel_loop3A_395], %parallel_loop3A_405 {add = true} : memref<10000xf32, #tpu.memory_space<vmem>>[vector<16xi32>], vector<16xf32>,
        %parallel_loop3A_406 = tpu.vector_load_idx %arg14[%parallel_loop3A_391] : memref<10000xf32, #tpu.memory_space<vmem>>[vector<16xi32>], vector<16xf32>,
        %parallel_loop3A_407 = arith.mulf %parallel_loop3A_406, %parallel_loop3A_399 : vector<16xf32>
        tpu.vector_store_idx %arg18[%parallel_loop3A_395], %parallel_loop3A_407 {add = true} : memref<10000xf32, #tpu.memory_space<vmem>>[vector<16xi32>], vector<16xf32>,
      } {sc.loop_unroll_factor = 4 : i64, sc.parallel_access}
      %scan3A_386 = arith.constant 0 : i32
      scf.yield %scan3A_386 : i32
    }
    %scan3A_100 = arith.constant 50 : i32
    %add3A_101 = arith.constant 0 : i32
    %add3A_102 = arith.addi %add3A_4, %add3A_101 : i32
    %dma_start3A_103 = arith.constant 0 : i32
    %dma_start3A_104 = tpu.memref_slice %arg8[%add3A_102, %dma_start3A_103] : memref<256x10000xf32, #tpu.memory_space<hbm>> -> memref<1x10000xf32, #tpu.memory_space<hbm>>
    %dma_start3A_105 = tpu.memref_squeeze %dma_start3A_104 : memref<1x10000xf32, #tpu.memory_space<hbm>> -> memref<10000xf32, #tpu.memory_space<hbm>>
    %dma_start3A_106 = arith.constant 0 : i32
    %dma_start3A_107 = tpu.memref_slice %arg8[%add3A_102, %dma_start3A_106] : memref<256x10000xf32, #tpu.memory_space<hbm>> -> memref<1x10000xf32, #tpu.memory_space<hbm>>
    %dma_start3A_108 = tpu.memref_squeeze %dma_start3A_107 : memref<1x10000xf32, #tpu.memory_space<hbm>> -> memref<10000xf32, #tpu.memory_space<hbm>>
    tpu.enqueue_dma source(%arg15 : memref<10000xf32, #tpu.memory_space<vmem>>) target(%dma_start3A_108 : memref<10000xf32, #tpu.memory_space<hbm>>) target_semaphore(%arg27 : memref<!tpu.dma_semaphore, #tpu.memory_space<semaphore_mem>>)
    %add3A_109 = arith.constant 1 : i32
    %add3A_110 = arith.addi %add3A_4, %add3A_109 : i32
    %dma_start3A_111 = arith.constant 0 : i32
    %dma_start3A_112 = tpu.memref_slice %arg8[%add3A_110, %dma_start3A_111] : memref<256x10000xf32, #tpu.memory_space<hbm>> -> memref<1x10000xf32, #tpu.memory_space<hbm>>
    %dma_start3A_113 = tpu.memref_squeeze %dma_start3A_112 : memref<1x10000xf32, #tpu.memory_space<hbm>> -> memref<10000xf32, #tpu.memory_space<hbm>>
    %dma_start3A_114 = arith.constant 0 : i32
    %dma_start3A_115 = tpu.memref_slice %arg8[%add3A_110, %dma_start3A_114] : memref<256x10000xf32, #tpu.memory_space<hbm>> -> memref<1x10000xf32, #tpu.memory_space<hbm>>
    %dma_start3A_116 = tpu.memref_squeeze %dma_start3A_115 : memref<1x10000xf32, #tpu.memory_space<hbm>> -> memref<10000xf32, #tpu.memory_space<hbm>>
    tpu.enqueue_dma source(%arg16 : memref<10000xf32, #tpu.memory_space<vmem>>) target(%dma_start3A_116 : memref<10000xf32, #tpu.memory_space<hbm>>) target_semaphore(%arg27 : memref<!tpu.dma_semaphore, #tpu.memory_space<semaphore_mem>>)
    %add3A_117 = arith.constant 2 : i32
    %add3A_118 = arith.addi %add3A_4, %add3A_117 : i32
    %dma_start3A_119 = arith.constant 0 : i32
    %dma_start3A_120 = tpu.memref_slice %arg8[%add3A_118, %dma_start3A_119] : memref<256x10000xf32, #tpu.memory_space<hbm>> -> memref<1x10000xf32, #tpu.memory_space<hbm>>
    %dma_start3A_121 = tpu.memref_squeeze %dma_start3A_120 : memref<1x10000xf32, #tpu.memory_space<hbm>> -> memref<10000xf32, #tpu.memory_space<hbm>>
    %dma_start3A_122 = arith.constant 0 : i32
    %dma_start3A_123 = tpu.memref_slice %arg8[%add3A_118, %dma_start3A_122] : memref<256x10000xf32, #tpu.memory_space<hbm>> -> memref<1x10000xf32, #tpu.memory_space<hbm>>
    %dma_start3A_124 = tpu.memref_squeeze %dma_start3A_123 : memref<1x10000xf32, #tpu.memory_space<hbm>> -> memref<10000xf32, #tpu.memory_space<hbm>>
    tpu.enqueue_dma source(%arg17 : memref<10000xf32, #tpu.memory_space<vmem>>) target(%dma_start3A_124 : memref<10000xf32, #tpu.memory_space<hbm>>) target_semaphore(%arg27 : memref<!tpu.dma_semaphore, #tpu.memory_space<semaphore_mem>>)
    %add3A_125 = arith.constant 3 : i32
    %add3A_126 = arith.addi %add3A_4, %add3A_125 : i32
    %dma_start3A_127 = arith.constant 0 : i32
    %dma_start3A_128 = tpu.memref_slice %arg8[%add3A_126, %dma_start3A_127] : memref<256x10000xf32, #tpu.memory_space<hbm>> -> memref<1x10000xf32, #tpu.memory_space<hbm>>
    %dma_start3A_129 = tpu.memref_squeeze %dma_start3A_128 : memref<1x10000xf32, #tpu.memory_space<hbm>> -> memref<10000xf32, #tpu.memory_space<hbm>>
    %dma_start3A_130 = arith.constant 0 : i32
    %dma_start3A_131 = tpu.memref_slice %arg8[%add3A_126, %dma_start3A_130] : memref<256x10000xf32, #tpu.memory_space<hbm>> -> memref<1x10000xf32, #tpu.memory_space<hbm>>
    %dma_start3A_132 = tpu.memref_squeeze %dma_start3A_131 : memref<1x10000xf32, #tpu.memory_space<hbm>> -> memref<10000xf32, #tpu.memory_space<hbm>>
    tpu.enqueue_dma source(%arg18 : memref<10000xf32, #tpu.memory_space<vmem>>) target(%dma_start3A_132 : memref<10000xf32, #tpu.memory_space<hbm>>) target_semaphore(%arg27 : memref<!tpu.dma_semaphore, #tpu.memory_space<semaphore_mem>>)
    %add3A_133 = arith.constant 0 : i32
    %add3A_134 = arith.addi %add3A_4, %add3A_133 : i32
    %dma_wait3A_135 = arith.constant 0 : i32
    %dma_wait3A_136 = tpu.memref_slice %arg8[%add3A_134, %dma_wait3A_135] : memref<256x10000xf32, #tpu.memory_space<hbm>> -> memref<1x10000xf32, #tpu.memory_space<hbm>>
    %dma_wait3A_137 = tpu.memref_squeeze %dma_wait3A_136 : memref<1x10000xf32, #tpu.memory_space<hbm>> -> memref<10000xf32, #tpu.memory_space<hbm>>
    %dma_wait3A_138 = arith.constant 0 : i32
    %dma_wait3A_139 = tpu.memref_slice %arg8[%add3A_134, %dma_wait3A_138] : memref<256x10000xf32, #tpu.memory_space<hbm>> -> memref<1x10000xf32, #tpu.memory_space<hbm>>
    %dma_wait3A_140 = tpu.memref_squeeze %dma_wait3A_139 : memref<1x10000xf32, #tpu.memory_space<hbm>> -> memref<10000xf32, #tpu.memory_space<hbm>>
    tpu.wait_dma2 semaphore(%arg27 : memref<!tpu.dma_semaphore, #tpu.memory_space<semaphore_mem>>) src(%arg15 : memref<10000xf32, #tpu.memory_space<vmem>>) dst(%dma_wait3A_140 : memref<10000xf32, #tpu.memory_space<hbm>>)
    %add3A_141 = arith.constant 1 : i32
    %add3A_142 = arith.addi %add3A_4, %add3A_141 : i32
    %dma_wait3A_143 = arith.constant 0 : i32
    %dma_wait3A_144 = tpu.memref_slice %arg8[%add3A_142, %dma_wait3A_143] : memref<256x10000xf32, #tpu.memory_space<hbm>> -> memref<1x10000xf32, #tpu.memory_space<hbm>>
    %dma_wait3A_145 = tpu.memref_squeeze %dma_wait3A_144 : memref<1x10000xf32, #tpu.memory_space<hbm>> -> memref<10000xf32, #tpu.memory_space<hbm>>
    %dma_wait3A_146 = arith.constant 0 : i32
    %dma_wait3A_147 = tpu.memref_slice %arg8[%add3A_142, %dma_wait3A_146] : memref<256x10000xf32, #tpu.memory_space<hbm>> -> memref<1x10000xf32, #tpu.memory_space<hbm>>
    %dma_wait3A_148 = tpu.memref_squeeze %dma_wait3A_147 : memref<1x10000xf32, #tpu.memory_space<hbm>> -> memref<10000xf32, #tpu.memory_space<hbm>>
    tpu.wait_dma2 semaphore(%arg27 : memref<!tpu.dma_semaphore, #tpu.memory_space<semaphore_mem>>) src(%arg16 : memref<10000xf32, #tpu.memory_space<vmem>>) dst(%dma_wait3A_148 : memref<10000xf32, #tpu.memory_space<hbm>>)
    %add3A_149 = arith.constant 2 : i32
    %add3A_150 = arith.addi %add3A_4, %add3A_149 : i32
    %dma_wait3A_151 = arith.constant 0 : i32
    %dma_wait3A_152 = tpu.memref_slice %arg8[%add3A_150, %dma_wait3A_151] : memref<256x10000xf32, #tpu.memory_space<hbm>> -> memref<1x10000xf32, #tpu.memory_space<hbm>>
    %dma_wait3A_153 = tpu.memref_squeeze %dma_wait3A_152 : memref<1x10000xf32, #tpu.memory_space<hbm>> -> memref<10000xf32, #tpu.memory_space<hbm>>
    %dma_wait3A_154 = arith.constant 0 : i32
    %dma_wait3A_155 = tpu.memref_slice %arg8[%add3A_150, %dma_wait3A_154] : memref<256x10000xf32, #tpu.memory_space<hbm>> -> memref<1x10000xf32, #tpu.memory_space<hbm>>
    %dma_wait3A_156 = tpu.memref_squeeze %dma_wait3A_155 : memref<1x10000xf32, #tpu.memory_space<hbm>> -> memref<10000xf32, #tpu.memory_space<hbm>>
    tpu.wait_dma2 semaphore(%arg27 : memref<!tpu.dma_semaphore, #tpu.memory_space<semaphore_mem>>) src(%arg17 : memref<10000xf32, #tpu.memory_space<vmem>>) dst(%dma_wait3A_156 : memref<10000xf32, #tpu.memory_space<hbm>>)
    %add3A_157 = arith.constant 3 : i32
    %add3A_158 = arith.addi %add3A_4, %add3A_157 : i32
    %dma_wait3A_159 = arith.constant 0 : i32
    %dma_wait3A_160 = tpu.memref_slice %arg8[%add3A_158, %dma_wait3A_159] : memref<256x10000xf32, #tpu.memory_space<hbm>> -> memref<1x10000xf32, #tpu.memory_space<hbm>>
    %dma_wait3A_161 = tpu.memref_squeeze %dma_wait3A_160 : memref<1x10000xf32, #tpu.memory_space<hbm>> -> memref<10000xf32, #tpu.memory_space<hbm>>
    %dma_wait3A_162 = arith.constant 0 : i32
    %dma_wait3A_163 = tpu.memref_slice %arg8[%add3A_158, %dma_wait3A_162] : memref<256x10000xf32, #tpu.memory_space<hbm>> -> memref<1x10000xf32, #tpu.memory_space<hbm>>
    %dma_wait3A_164 = tpu.memref_squeeze %dma_wait3A_163 : memref<1x10000xf32, #tpu.memory_space<hbm>> -> memref<10000xf32, #tpu.memory_space<hbm>>
    tpu.wait_dma2 semaphore(%arg27 : memref<!tpu.dma_semaphore, #tpu.memory_space<semaphore_mem>>) src(%arg18 : memref<10000xf32, #tpu.memory_space<vmem>>) dst(%dma_wait3A_164 : memref<10000xf32, #tpu.memory_space<hbm>>)
    %mul3A_165 = arith.constant 4 : i32
    %mul3A_166 = arith.muli %add3A, %mul3A_165 : i32
    %add3A_167 = arith.constant 128 : i32
    %add3A_168 = arith.addi %add3A_167, %mul3A_166 : i32
    %add3A_169 = arith.constant 0 : i32
    %add3A_170 = arith.addi %add3A_168, %add3A_169 : i32
    %dma_start3A_171 = arith.constant 0 : i32
    %dma_start3A_172 = tpu.memref_slice %arg2[%add3A_170, %dma_start3A_171] : memref<256x10000xf32, #tpu.memory_space<hbm>> -> memref<1x10000xf32, #tpu.memory_space<hbm>>
    %dma_start3A_173 = tpu.memref_squeeze %dma_start3A_172 : memref<1x10000xf32, #tpu.memory_space<hbm>> -> memref<10000xf32, #tpu.memory_space<hbm>>
    %dma_start3A_174 = arith.constant 0 : i32
    %dma_start3A_175 = tpu.memref_slice %arg2[%add3A_170, %dma_start3A_174] : memref<256x10000xf32, #tpu.memory_space<hbm>> -> memref<1x10000xf32, #tpu.memory_space<hbm>>
    %dma_start3A_176 = tpu.memref_squeeze %dma_start3A_175 : memref<1x10000xf32, #tpu.memory_space<hbm>> -> memref<10000xf32, #tpu.memory_space<hbm>>
    tpu.enqueue_dma source(%dma_start3A_176 : memref<10000xf32, #tpu.memory_space<hbm>>) target(%arg11 : memref<10000xf32, #tpu.memory_space<vmem>>) target_semaphore(%arg27 : memref<!tpu.dma_semaphore, #tpu.memory_space<semaphore_mem>>)
    %add3A_177 = arith.constant 1 : i32
    %add3A_178 = arith.addi %add3A_168, %add3A_177 : i32
    %dma_start3A_179 = arith.constant 0 : i32
    %dma_start3A_180 = tpu.memref_slice %arg2[%add3A_178, %dma_start3A_179] : memref<256x10000xf32, #tpu.memory_space<hbm>> -> memref<1x10000xf32, #tpu.memory_space<hbm>>
    %dma_start3A_181 = tpu.memref_squeeze %dma_start3A_180 : memref<1x10000xf32, #tpu.memory_space<hbm>> -> memref<10000xf32, #tpu.memory_space<hbm>>
    %dma_start3A_182 = arith.constant 0 : i32
    %dma_start3A_183 = tpu.memref_slice %arg2[%add3A_178, %dma_start3A_182] : memref<256x10000xf32, #tpu.memory_space<hbm>> -> memref<1x10000xf32, #tpu.memory_space<hbm>>
    %dma_start3A_184 = tpu.memref_squeeze %dma_start3A_183 : memref<1x10000xf32, #tpu.memory_space<hbm>> -> memref<10000xf32, #tpu.memory_space<hbm>>
    tpu.enqueue_dma source(%dma_start3A_184 : memref<10000xf32, #tpu.memory_space<hbm>>) target(%arg12 : memref<10000xf32, #tpu.memory_space<vmem>>) target_semaphore(%arg27 : memref<!tpu.dma_semaphore, #tpu.memory_space<semaphore_mem>>)
    %add3A_185 = arith.constant 2 : i32
    %add3A_186 = arith.addi %add3A_168, %add3A_185 : i32
    %dma_start3A_187 = arith.constant 0 : i32
    %dma_start3A_188 = tpu.memref_slice %arg2[%add3A_186, %dma_start3A_187] : memref<256x10000xf32, #tpu.memory_space<hbm>> -> memref<1x10000xf32, #tpu.memory_space<hbm>>
    %dma_start3A_189 = tpu.memref_squeeze %dma_start3A_188 : memref<1x10000xf32, #tpu.memory_space<hbm>> -> memref<10000xf32, #tpu.memory_space<hbm>>
    %dma_start3A_190 = arith.constant 0 : i32
    %dma_start3A_191 = tpu.memref_slice %arg2[%add3A_186, %dma_start3A_190] : memref<256x10000xf32, #tpu.memory_space<hbm>> -> memref<1x10000xf32, #tpu.memory_space<hbm>>
    %dma_start3A_192 = tpu.memref_squeeze %dma_start3A_191 : memref<1x10000xf32, #tpu.memory_space<hbm>> -> memref<10000xf32, #tpu.memory_space<hbm>>
    tpu.enqueue_dma source(%dma_start3A_192 : memref<10000xf32, #tpu.memory_space<hbm>>) target(%arg13 : memref<10000xf32, #tpu.memory_space<vmem>>) target_semaphore(%arg27 : memref<!tpu.dma_semaphore, #tpu.memory_space<semaphore_mem>>)
    %add3A_193 = arith.constant 3 : i32
    %add3A_194 = arith.addi %add3A_168, %add3A_193 : i32
    %dma_start3A_195 = arith.constant 0 : i32
    %dma_start3A_196 = tpu.memref_slice %arg2[%add3A_194, %dma_start3A_195] : memref<256x10000xf32, #tpu.memory_space<hbm>> -> memref<1x10000xf32, #tpu.memory_space<hbm>>
    %dma_start3A_197 = tpu.memref_squeeze %dma_start3A_196 : memref<1x10000xf32, #tpu.memory_space<hbm>> -> memref<10000xf32, #tpu.memory_space<hbm>>
    %dma_start3A_198 = arith.constant 0 : i32
    %dma_start3A_199 = tpu.memref_slice %arg2[%add3A_194, %dma_start3A_198] : memref<256x10000xf32, #tpu.memory_space<hbm>> -> memref<1x10000xf32, #tpu.memory_space<hbm>>
    %dma_start3A_200 = tpu.memref_squeeze %dma_start3A_199 : memref<1x10000xf32, #tpu.memory_space<hbm>> -> memref<10000xf32, #tpu.memory_space<hbm>>
    tpu.enqueue_dma source(%dma_start3A_200 : memref<10000xf32, #tpu.memory_space<hbm>>) target(%arg14 : memref<10000xf32, #tpu.memory_space<vmem>>) target_semaphore(%arg27 : memref<!tpu.dma_semaphore, #tpu.memory_space<semaphore_mem>>)
    %add3A_201 = arith.constant 0 : i32
    %add3A_202 = arith.addi %add3A_168, %add3A_201 : i32
    %dma_wait3A_203 = arith.constant 0 : i32
    %dma_wait3A_204 = tpu.memref_slice %arg2[%add3A_202, %dma_wait3A_203] : memref<256x10000xf32, #tpu.memory_space<hbm>> -> memref<1x10000xf32, #tpu.memory_space<hbm>>
    %dma_wait3A_205 = tpu.memref_squeeze %dma_wait3A_204 : memref<1x10000xf32, #tpu.memory_space<hbm>> -> memref<10000xf32, #tpu.memory_space<hbm>>
    %dma_wait3A_206 = arith.constant 0 : i32
    %dma_wait3A_207 = tpu.memref_slice %arg2[%add3A_202, %dma_wait3A_206] : memref<256x10000xf32, #tpu.memory_space<hbm>> -> memref<1x10000xf32, #tpu.memory_space<hbm>>
    %dma_wait3A_208 = tpu.memref_squeeze %dma_wait3A_207 : memref<1x10000xf32, #tpu.memory_space<hbm>> -> memref<10000xf32, #tpu.memory_space<hbm>>
    tpu.wait_dma2 semaphore(%arg27 : memref<!tpu.dma_semaphore, #tpu.memory_space<semaphore_mem>>) src(%dma_wait3A_208 : memref<10000xf32, #tpu.memory_space<hbm>>) dst(%arg11 : memref<10000xf32, #tpu.memory_space<vmem>>)
    %add3A_209 = arith.constant 1 : i32
    %add3A_210 = arith.addi %add3A_168, %add3A_209 : i32
    %dma_wait3A_211 = arith.constant 0 : i32
    %dma_wait3A_212 = tpu.memref_slice %arg2[%add3A_210, %dma_wait3A_211] : memref<256x10000xf32, #tpu.memory_space<hbm>> -> memref<1x10000xf32, #tpu.memory_space<hbm>>
    %dma_wait3A_213 = tpu.memref_squeeze %dma_wait3A_212 : memref<1x10000xf32, #tpu.memory_space<hbm>> -> memref<10000xf32, #tpu.memory_space<hbm>>
    %dma_wait3A_214 = arith.constant 0 : i32
    %dma_wait3A_215 = tpu.memref_slice %arg2[%add3A_210, %dma_wait3A_214] : memref<256x10000xf32, #tpu.memory_space<hbm>> -> memref<1x10000xf32, #tpu.memory_space<hbm>>
    %dma_wait3A_216 = tpu.memref_squeeze %dma_wait3A_215 : memref<1x10000xf32, #tpu.memory_space<hbm>> -> memref<10000xf32, #tpu.memory_space<hbm>>
    tpu.wait_dma2 semaphore(%arg27 : memref<!tpu.dma_semaphore, #tpu.memory_space<semaphore_mem>>) src(%dma_wait3A_216 : memref<10000xf32, #tpu.memory_space<hbm>>) dst(%arg12 : memref<10000xf32, #tpu.memory_space<vmem>>)
    %add3A_217 = arith.constant 2 : i32
    %add3A_218 = arith.addi %add3A_168, %add3A_217 : i32
    %dma_wait3A_219 = arith.constant 0 : i32
    %dma_wait3A_220 = tpu.memref_slice %arg2[%add3A_218, %dma_wait3A_219] : memref<256x10000xf32, #tpu.memory_space<hbm>> -> memref<1x10000xf32, #tpu.memory_space<hbm>>
    %dma_wait3A_221 = tpu.memref_squeeze %dma_wait3A_220 : memref<1x10000xf32, #tpu.memory_space<hbm>> -> memref<10000xf32, #tpu.memory_space<hbm>>
    %dma_wait3A_222 = arith.constant 0 : i32
    %dma_wait3A_223 = tpu.memref_slice %arg2[%add3A_218, %dma_wait3A_222] : memref<256x10000xf32, #tpu.memory_space<hbm>> -> memref<1x10000xf32, #tpu.memory_space<hbm>>
    %dma_wait3A_224 = tpu.memref_squeeze %dma_wait3A_223 : memref<1x10000xf32, #tpu.memory_space<hbm>> -> memref<10000xf32, #tpu.memory_space<hbm>>
    tpu.wait_dma2 semaphore(%arg27 : memref<!tpu.dma_semaphore, #tpu.memory_space<semaphore_mem>>) src(%dma_wait3A_224 : memref<10000xf32, #tpu.memory_space<hbm>>) dst(%arg13 : memref<10000xf32, #tpu.memory_space<vmem>>)
    %add3A_225 = arith.constant 3 : i32
    %add3A_226 = arith.addi %add3A_168, %add3A_225 : i32
    %dma_wait3A_227 = arith.constant 0 : i32
    %dma_wait3A_228 = tpu.memref_slice %arg2[%add3A_226, %dma_wait3A_227] : memref<256x10000xf32, #tpu.memory_space<hbm>> -> memref<1x10000xf32, #tpu.memory_space<hbm>>
    %dma_wait3A_229 = tpu.memref_squeeze %dma_wait3A_228 : memref<1x10000xf32, #tpu.memory_space<hbm>> -> memref<10000xf32, #tpu.memory_space<hbm>>
    %dma_wait3A_230 = arith.constant 0 : i32
    %dma_wait3A_231 = tpu.memref_slice %arg2[%add3A_226, %dma_wait3A_230] : memref<256x10000xf32, #tpu.memory_space<hbm>> -> memref<1x10000xf32, #tpu.memory_space<hbm>>
    %dma_wait3A_232 = tpu.memref_squeeze %dma_wait3A_231 : memref<1x10000xf32, #tpu.memory_space<hbm>> -> memref<10000xf32, #tpu.memory_space<hbm>>
    tpu.wait_dma2 semaphore(%arg27 : memref<!tpu.dma_semaphore, #tpu.memory_space<semaphore_mem>>) src(%dma_wait3A_232 : memref<10000xf32, #tpu.memory_space<hbm>>) dst(%arg14 : memref<10000xf32, #tpu.memory_space<vmem>>)
    %add3A_233 = arith.constant 0 : i32
    %add3A_234 = arith.addi %add3A_168, %add3A_233 : i32
    %broadcast_in_dim3A_235 = vector.broadcast %add3A_234 : i32 to vector<16xi32>
    %gather3A_236 = tpu.vector_load_idx %arg10[%broadcast_in_dim3A_235] : memref<256xf32, #tpu.memory_space<vmem>>[vector<16xi32>], vector<16xf32>,
    %add3A_237 = arith.constant 1 : i32
    %add3A_238 = arith.addi %add3A_168, %add3A_237 : i32
    %broadcast_in_dim3A_239 = vector.broadcast %add3A_238 : i32 to vector<16xi32>
    %gather3A_240 = tpu.vector_load_idx %arg10[%broadcast_in_dim3A_239] : memref<256xf32, #tpu.memory_space<vmem>>[vector<16xi32>], vector<16xf32>,
    %add3A_241 = arith.constant 2 : i32
    %add3A_242 = arith.addi %add3A_168, %add3A_241 : i32
    %broadcast_in_dim3A_243 = vector.broadcast %add3A_242 : i32 to vector<16xi32>
    %gather3A_244 = tpu.vector_load_idx %arg10[%broadcast_in_dim3A_243] : memref<256xf32, #tpu.memory_space<vmem>>[vector<16xi32>], vector<16xf32>,
    %add3A_245 = arith.constant 3 : i32
    %add3A_246 = arith.addi %add3A_168, %add3A_245 : i32
    %broadcast_in_dim3A_247 = vector.broadcast %add3A_246 : i32 to vector<16xi32>
    %gather3A_248 = tpu.vector_load_idx %arg10[%broadcast_in_dim3A_247] : memref<256xf32, #tpu.memory_space<vmem>>[vector<16xi32>], vector<16xf32>,
    %parallel_loop3A_249 = arith.constant 0 : i32
    %parallel_loop3A_250 = arith.constant 625 : i32
    %parallel_loop3A_251 = arith.constant 1 : i32
    scf.for %parallel_loop3A_335 = %parallel_loop3A_249 to %parallel_loop3A_250 step %parallel_loop3A_251  : i32 {
      %parallel_loop3A_336 = arith.constant 16 : i32
      %parallel_loop3A_337 = arith.muli %parallel_loop3A_335, %parallel_loop3A_336 : i32
      %parallel_loop3A_338 = arith.index_cast %parallel_loop3A_337 : i32 to index
      %parallel_loop3A_339 = tpu.vector_load %arg9[%parallel_loop3A_338] {strides = array<i32>} : memref<10240xf32, #tpu.memory_space<vmem>>, vector<16xf32>,
      %parallel_loop3A_340 = arith.mulf %parallel_loop3A_339, %parallel_loop3A_339 : vector<16xf32>
      %parallel_loop3A_341 = arith.constant 16 : i32
      %parallel_loop3A_342 = arith.muli %parallel_loop3A_335, %parallel_loop3A_341 : i32
      %parallel_loop3A_343 = arith.index_cast %parallel_loop3A_342 : i32 to index
      %parallel_loop3A_344 = tpu.vector_load %arg11[%parallel_loop3A_343] {strides = array<i32>} : memref<10000xf32, #tpu.memory_space<vmem>>, vector<16xf32>,
      %parallel_loop3A_345 = arith.mulf %parallel_loop3A_344, %parallel_loop3A_340 : vector<16xf32>
      %parallel_loop3A_346 = arith.addf %parallel_loop3A_345, %gather3A_236 : vector<16xf32>
      %parallel_loop3A_347 = arith.constant 16 : i32
      %parallel_loop3A_348 = arith.muli %parallel_loop3A_335, %parallel_loop3A_347 : i32
      %parallel_loop3A_349 = arith.index_cast %parallel_loop3A_348 : i32 to index
      %parallel_loop3A_350 = tpu.vector_load %arg15[%parallel_loop3A_349] {strides = array<i32>} : memref<10000xf32, #tpu.memory_space<vmem>>, vector<16xf32>,
      tpu.vector_store %arg15[%parallel_loop3A_349], %parallel_loop3A_346 {strides = array<i32>} : memref<10000xf32, #tpu.memory_space<vmem>>, vector<16xf32>,
      %parallel_loop3A_351 = arith.constant 16 : i32
      %parallel_loop3A_352 = arith.muli %parallel_loop3A_335, %parallel_loop3A_351 : i32
      %parallel_loop3A_353 = arith.index_cast %parallel_loop3A_352 : i32 to index
      %parallel_loop3A_354 = tpu.vector_load %arg12[%parallel_loop3A_353] {strides = array<i32>} : memref<10000xf32, #tpu.memory_space<vmem>>, vector<16xf32>,
      %parallel_loop3A_355 = arith.mulf %parallel_loop3A_354, %parallel_loop3A_340 : vector<16xf32>
      %parallel_loop3A_356 = arith.addf %parallel_loop3A_355, %gather3A_240 : vector<16xf32>
      %parallel_loop3A_357 = arith.constant 16 : i32
      %parallel_loop3A_358 = arith.muli %parallel_loop3A_335, %parallel_loop3A_357 : i32
      %parallel_loop3A_359 = arith.index_cast %parallel_loop3A_358 : i32 to index
      %parallel_loop3A_360 = tpu.vector_load %arg16[%parallel_loop3A_359] {strides = array<i32>} : memref<10000xf32, #tpu.memory_space<vmem>>, vector<16xf32>,
      tpu.vector_store %arg16[%parallel_loop3A_359], %parallel_loop3A_356 {strides = array<i32>} : memref<10000xf32, #tpu.memory_space<vmem>>, vector<16xf32>,
      %parallel_loop3A_361 = arith.constant 16 : i32
      %parallel_loop3A_362 = arith.muli %parallel_loop3A_335, %parallel_loop3A_361 : i32
      %parallel_loop3A_363 = arith.index_cast %parallel_loop3A_362 : i32 to index
      %parallel_loop3A_364 = tpu.vector_load %arg13[%parallel_loop3A_363] {strides = array<i32>} : memref<10000xf32, #tpu.memory_space<vmem>>, vector<16xf32>,
      %parallel_loop3A_365 = arith.mulf %parallel_loop3A_364, %parallel_loop3A_340 : vector<16xf32>
      %parallel_loop3A_366 = arith.addf %parallel_loop3A_365, %gather3A_244 : vector<16xf32>
      %parallel_loop3A_367 = arith.constant 16 : i32
      %parallel_loop3A_368 = arith.muli %parallel_loop3A_335, %parallel_loop3A_367 : i32
      %parallel_loop3A_369 = arith.index_cast %parallel_loop3A_368 : i32 to index
      %parallel_loop3A_370 = tpu.vector_load %arg17[%parallel_loop3A_369] {strides = array<i32>} : memref<10000xf32, #tpu.memory_space<vmem>>, vector<16xf32>,
      tpu.vector_store %arg17[%parallel_loop3A_369], %parallel_loop3A_366 {strides = array<i32>} : memref<10000xf32, #tpu.memory_space<vmem>>, vector<16xf32>,
      %parallel_loop3A_371 = arith.constant 16 : i32
      %parallel_loop3A_372 = arith.muli %parallel_loop3A_335, %parallel_loop3A_371 : i32
      %parallel_loop3A_373 = arith.index_cast %parallel_loop3A_372 : i32 to index
      %parallel_loop3A_374 = tpu.vector_load %arg14[%parallel_loop3A_373] {strides = array<i32>} : memref<10000xf32, #tpu.memory_space<vmem>>, vector<16xf32>,
      %parallel_loop3A_375 = arith.mulf %parallel_loop3A_374, %parallel_loop3A_340 : vector<16xf32>
      %parallel_loop3A_376 = arith.addf %parallel_loop3A_375, %gather3A_248 : vector<16xf32>
      %parallel_loop3A_377 = arith.constant 16 : i32
      %parallel_loop3A_378 = arith.muli %parallel_loop3A_335, %parallel_loop3A_377 : i32
      %parallel_loop3A_379 = arith.index_cast %parallel_loop3A_378 : i32 to index
      %parallel_loop3A_380 = tpu.vector_load %arg18[%parallel_loop3A_379] {strides = array<i32>} : memref<10000xf32, #tpu.memory_space<vmem>>, vector<16xf32>,
      tpu.vector_store %arg18[%parallel_loop3A_379], %parallel_loop3A_376 {strides = array<i32>} : memref<10000xf32, #tpu.memory_space<vmem>>, vector<16xf32>,
    } {sc.loop_unroll_factor = 4 : i64, sc.parallel_access}
    %dma_start3A_252 = arith.constant 0 : i32
    %dma_start3A_253 = tpu.memref_slice %arg3[%dma_start3A_252] : memref<320000xi32, #tpu.memory_space<hbm>> -> memref<3200xi32, #tpu.memory_space<hbm>>
    %dma_start3A_254 = arith.constant 0 : i32
    %dma_start3A_255 = tpu.memref_slice %arg3[%dma_start3A_254] : memref<320000xi32, #tpu.memory_space<hbm>> -> memref<3200xi32, #tpu.memory_space<hbm>>
    tpu.enqueue_dma source(%dma_start3A_255 : memref<3200xi32, #tpu.memory_space<hbm>>) target(%arg19 : memref<3200xi32, #tpu.memory_space<vmem>>) target_semaphore(%arg25 : memref<!tpu.dma_semaphore, #tpu.memory_space<semaphore_mem>>)
    %dma_start3A_256 = arith.constant 0 : i32
    %dma_start3A_257 = tpu.memref_slice %arg4[%dma_start3A_256] : memref<320000xi32, #tpu.memory_space<hbm>> -> memref<3200xi32, #tpu.memory_space<hbm>>
    %dma_start3A_258 = arith.constant 0 : i32
    %dma_start3A_259 = tpu.memref_slice %arg4[%dma_start3A_258] : memref<320000xi32, #tpu.memory_space<hbm>> -> memref<3200xi32, #tpu.memory_space<hbm>>
    tpu.enqueue_dma source(%dma_start3A_259 : memref<3200xi32, #tpu.memory_space<hbm>>) target(%arg21 : memref<3200xi32, #tpu.memory_space<vmem>>) target_semaphore(%arg25 : memref<!tpu.dma_semaphore, #tpu.memory_space<semaphore_mem>>)
    %dma_start3A_260 = arith.constant 0 : i32
    %dma_start3A_261 = tpu.memref_slice %arg5[%dma_start3A_260] : memref<320000xf32, #tpu.memory_space<hbm>> -> memref<3200xf32, #tpu.memory_space<hbm>>
    %dma_start3A_262 = arith.constant 0 : i32
    %dma_start3A_263 = tpu.memref_slice %arg5[%dma_start3A_262] : memref<320000xf32, #tpu.memory_space<hbm>> -> memref<3200xf32, #tpu.memory_space<hbm>>
    tpu.enqueue_dma source(%dma_start3A_263 : memref<3200xf32, #tpu.memory_space<hbm>>) target(%arg23 : memref<3200xf32, #tpu.memory_space<vmem>>) target_semaphore(%arg25 : memref<!tpu.dma_semaphore, #tpu.memory_space<semaphore_mem>>)
    %scan3A_264 = arith.constant 0 : i32
    %scan3A_265 = arith.constant 0 : i32
    %scan3A_266 = arith.constant 50 : i32
    %scan3A_267 = arith.addi %scan3A_265, %scan3A_266 : i32
    %scan3A_268 = arith.constant 1 : i32
    %scan3A_269 = scf.for %scan3A_335 = %scan3A_265 to %scan3A_267 step %scan3A_268 iter_args(%scan3A_336 = %scan3A_264) -> (i32)  : i32 {
      %mul3A_337 = arith.constant 2 : i32
      %mul3A_338 = arith.muli %scan3A_335, %mul3A_337 : i32
      %add3A_339 = arith.constant 0 : i32
      %add3A_340 = arith.addi %mul3A_338, %add3A_339 : i32
      %mul3A_341 = arith.constant 3200 : i32
      %mul3A_342 = arith.muli %add3A_340, %mul3A_341 : i32
      %dma_wait3A_343 = tpu.memref_slice %arg3[%mul3A_342] : memref<320000xi32, #tpu.memory_space<hbm>> -> memref<3200xi32, #tpu.memory_space<hbm>>
      %dma_wait3A_344 = tpu.memref_slice %arg3[%mul3A_342] : memref<320000xi32, #tpu.memory_space<hbm>> -> memref<3200xi32, #tpu.memory_space<hbm>>
      tpu.wait_dma2 semaphore(%arg25 : memref<!tpu.dma_semaphore, #tpu.memory_space<semaphore_mem>>) src(%dma_wait3A_344 : memref<3200xi32, #tpu.memory_space<hbm>>) dst(%arg19 : memref<3200xi32, #tpu.memory_space<vmem>>)
      %mul3A_345 = arith.constant 3200 : i32
      %mul3A_346 = arith.muli %add3A_340, %mul3A_345 : i32
      %dma_wait3A_347 = tpu.memref_slice %arg4[%mul3A_346] : memref<320000xi32, #tpu.memory_space<hbm>> -> memref<3200xi32, #tpu.memory_space<hbm>>
      %dma_wait3A_348 = tpu.memref_slice %arg4[%mul3A_346] : memref<320000xi32, #tpu.memory_space<hbm>> -> memref<3200xi32, #tpu.memory_space<hbm>>
      tpu.wait_dma2 semaphore(%arg25 : memref<!tpu.dma_semaphore, #tpu.memory_space<semaphore_mem>>) src(%dma_wait3A_348 : memref<3200xi32, #tpu.memory_space<hbm>>) dst(%arg21 : memref<3200xi32, #tpu.memory_space<vmem>>)
      %mul3A_349 = arith.constant 3200 : i32
      %mul3A_350 = arith.muli %add3A_340, %mul3A_349 : i32
      %dma_wait3A_351 = tpu.memref_slice %arg5[%mul3A_350] : memref<320000xf32, #tpu.memory_space<hbm>> -> memref<3200xf32, #tpu.memory_space<hbm>>
      %dma_wait3A_352 = tpu.memref_slice %arg5[%mul3A_350] : memref<320000xf32, #tpu.memory_space<hbm>> -> memref<3200xf32, #tpu.memory_space<hbm>>
      tpu.wait_dma2 semaphore(%arg25 : memref<!tpu.dma_semaphore, #tpu.memory_space<semaphore_mem>>) src(%dma_wait3A_352 : memref<3200xf32, #tpu.memory_space<hbm>>) dst(%arg23 : memref<3200xf32, #tpu.memory_space<vmem>>)
      %add3A_353 = arith.constant 1 : i32
      %add3A_354 = arith.addi %add3A_340, %add3A_353 : i32
      %lt3A = arith.constant 100 : i32
      %lt3A_355 = arith.cmpi slt, %add3A_354, %lt3A : i32
      %convert_element_type3A = arith.extui %lt3A_355 : i1 to i32
      %cond3A = arith.constant 0 : i32
      %cond3A_356 = arith.cmpi ne, %convert_element_type3A, %cond3A : i32
      scf.if %cond3A_356 {
        %add3A_387 = arith.constant 1 : i32
        %add3A_388 = arith.addi %add3A_340, %add3A_387 : i32
        %mul3A_389 = arith.constant 3200 : i32
        %mul3A_390 = arith.muli %add3A_388, %mul3A_389 : i32
        %dma_start3A_391 = tpu.memref_slice %arg3[%mul3A_390] : memref<320000xi32, #tpu.memory_space<hbm>> -> memref<3200xi32, #tpu.memory_space<hbm>>
        %dma_start3A_392 = tpu.memref_slice %arg3[%mul3A_390] : memref<320000xi32, #tpu.memory_space<hbm>> -> memref<3200xi32, #tpu.memory_space<hbm>>
        tpu.enqueue_dma source(%dma_start3A_392 : memref<3200xi32, #tpu.memory_space<hbm>>) target(%arg20 : memref<3200xi32, #tpu.memory_space<vmem>>) target_semaphore(%arg26 : memref<!tpu.dma_semaphore, #tpu.memory_space<semaphore_mem>>)
        %mul3A_393 = arith.constant 3200 : i32
        %mul3A_394 = arith.muli %add3A_388, %mul3A_393 : i32
        %dma_start3A_395 = tpu.memref_slice %arg4[%mul3A_394] : memref<320000xi32, #tpu.memory_space<hbm>> -> memref<3200xi32, #tpu.memory_space<hbm>>
        %dma_start3A_396 = tpu.memref_slice %arg4[%mul3A_394] : memref<320000xi32, #tpu.memory_space<hbm>> -> memref<3200xi32, #tpu.memory_space<hbm>>
        tpu.enqueue_dma source(%dma_start3A_396 : memref<3200xi32, #tpu.memory_space<hbm>>) target(%arg22 : memref<3200xi32, #tpu.memory_space<vmem>>) target_semaphore(%arg26 : memref<!tpu.dma_semaphore, #tpu.memory_space<semaphore_mem>>)
        %mul3A_397 = arith.constant 3200 : i32
        %mul3A_398 = arith.muli %add3A_388, %mul3A_397 : i32
        %dma_start3A_399 = tpu.memref_slice %arg5[%mul3A_398] : memref<320000xf32, #tpu.memory_space<hbm>> -> memref<3200xf32, #tpu.memory_space<hbm>>
        %dma_start3A_400 = tpu.memref_slice %arg5[%mul3A_398] : memref<320000xf32, #tpu.memory_space<hbm>> -> memref<3200xf32, #tpu.memory_space<hbm>>
        tpu.enqueue_dma source(%dma_start3A_400 : memref<3200xf32, #tpu.memory_space<hbm>>) target(%arg24 : memref<3200xf32, #tpu.memory_space<vmem>>) target_semaphore(%arg26 : memref<!tpu.dma_semaphore, #tpu.memory_space<semaphore_mem>>)
      } else {
      }
      %parallel_loop3A_357 = arith.constant 0 : i32
      %parallel_loop3A_358 = arith.constant 200 : i32
      %parallel_loop3A_359 = arith.constant 1 : i32
      scf.for %parallel_loop3A_387 = %parallel_loop3A_357 to %parallel_loop3A_358 step %parallel_loop3A_359  : i32 {
        %parallel_loop3A_388 = arith.constant 16 : i32
        %parallel_loop3A_389 = arith.muli %parallel_loop3A_387, %parallel_loop3A_388 : i32
        %parallel_loop3A_390 = arith.index_cast %parallel_loop3A_389 : i32 to index
        %parallel_loop3A_391 = tpu.vector_load %arg19[%parallel_loop3A_390] {strides = array<i32>} : memref<3200xi32, #tpu.memory_space<vmem>>, vector<16xi32>,
        %parallel_loop3A_392 = arith.constant 16 : i32
        %parallel_loop3A_393 = arith.muli %parallel_loop3A_387, %parallel_loop3A_392 : i32
        %parallel_loop3A_394 = arith.index_cast %parallel_loop3A_393 : i32 to index
        %parallel_loop3A_395 = tpu.vector_load %arg21[%parallel_loop3A_394] {strides = array<i32>} : memref<3200xi32, #tpu.memory_space<vmem>>, vector<16xi32>,
        %parallel_loop3A_396 = arith.constant 16 : i32
        %parallel_loop3A_397 = arith.muli %parallel_loop3A_387, %parallel_loop3A_396 : i32
        %parallel_loop3A_398 = arith.index_cast %parallel_loop3A_397 : i32 to index
        %parallel_loop3A_399 = tpu.vector_load %arg23[%parallel_loop3A_398] {strides = array<i32>} : memref<3200xf32, #tpu.memory_space<vmem>>, vector<16xf32>,
        %parallel_loop3A_400 = tpu.vector_load_idx %arg11[%parallel_loop3A_391] : memref<10000xf32, #tpu.memory_space<vmem>>[vector<16xi32>], vector<16xf32>,
        %parallel_loop3A_401 = arith.mulf %parallel_loop3A_400, %parallel_loop3A_399 : vector<16xf32>
        tpu.vector_store_idx %arg15[%parallel_loop3A_395], %parallel_loop3A_401 {add = true} : memref<10000xf32, #tpu.memory_space<vmem>>[vector<16xi32>], vector<16xf32>,
        %parallel_loop3A_402 = tpu.vector_load_idx %arg12[%parallel_loop3A_391] : memref<10000xf32, #tpu.memory_space<vmem>>[vector<16xi32>], vector<16xf32>,
        %parallel_loop3A_403 = arith.mulf %parallel_loop3A_402, %parallel_loop3A_399 : vector<16xf32>
        tpu.vector_store_idx %arg16[%parallel_loop3A_395], %parallel_loop3A_403 {add = true} : memref<10000xf32, #tpu.memory_space<vmem>>[vector<16xi32>], vector<16xf32>,
        %parallel_loop3A_404 = tpu.vector_load_idx %arg13[%parallel_loop3A_391] : memref<10000xf32, #tpu.memory_space<vmem>>[vector<16xi32>], vector<16xf32>,
        %parallel_loop3A_405 = arith.mulf %parallel_loop3A_404, %parallel_loop3A_399 : vector<16xf32>
        tpu.vector_store_idx %arg17[%parallel_loop3A_395], %parallel_loop3A_405 {add = true} : memref<10000xf32, #tpu.memory_space<vmem>>[vector<16xi32>], vector<16xf32>,
        %parallel_loop3A_406 = tpu.vector_load_idx %arg14[%parallel_loop3A_391] : memref<10000xf32, #tpu.memory_space<vmem>>[vector<16xi32>], vector<16xf32>,
        %parallel_loop3A_407 = arith.mulf %parallel_loop3A_406, %parallel_loop3A_399 : vector<16xf32>
        tpu.vector_store_idx %arg18[%parallel_loop3A_395], %parallel_loop3A_407 {add = true} : memref<10000xf32, #tpu.memory_space<vmem>>[vector<16xi32>], vector<16xf32>,
      } {sc.loop_unroll_factor = 4 : i64, sc.parallel_access}
      %mul3A_360 = arith.constant 2 : i32
      %mul3A_361 = arith.muli %scan3A_335, %mul3A_360 : i32
      %add3A_362 = arith.constant 1 : i32
      %add3A_363 = arith.addi %mul3A_361, %add3A_362 : i32
      %mul3A_364 = arith.constant 3200 : i32
      %mul3A_365 = arith.muli %add3A_363, %mul3A_364 : i32
      %dma_wait3A_366 = tpu.memref_slice %arg3[%mul3A_365] : memref<320000xi32, #tpu.memory_space<hbm>> -> memref<3200xi32, #tpu.memory_space<hbm>>
      %dma_wait3A_367 = tpu.memref_slice %arg3[%mul3A_365] : memref<320000xi32, #tpu.memory_space<hbm>> -> memref<3200xi32, #tpu.memory_space<hbm>>
      tpu.wait_dma2 semaphore(%arg26 : memref<!tpu.dma_semaphore, #tpu.memory_space<semaphore_mem>>) src(%dma_wait3A_367 : memref<3200xi32, #tpu.memory_space<hbm>>) dst(%arg20 : memref<3200xi32, #tpu.memory_space<vmem>>)
      %mul3A_368 = arith.constant 3200 : i32
      %mul3A_369 = arith.muli %add3A_363, %mul3A_368 : i32
      %dma_wait3A_370 = tpu.memref_slice %arg4[%mul3A_369] : memref<320000xi32, #tpu.memory_space<hbm>> -> memref<3200xi32, #tpu.memory_space<hbm>>
      %dma_wait3A_371 = tpu.memref_slice %arg4[%mul3A_369] : memref<320000xi32, #tpu.memory_space<hbm>> -> memref<3200xi32, #tpu.memory_space<hbm>>
      tpu.wait_dma2 semaphore(%arg26 : memref<!tpu.dma_semaphore, #tpu.memory_space<semaphore_mem>>) src(%dma_wait3A_371 : memref<3200xi32, #tpu.memory_space<hbm>>) dst(%arg22 : memref<3200xi32, #tpu.memory_space<vmem>>)
      %mul3A_372 = arith.constant 3200 : i32
      %mul3A_373 = arith.muli %add3A_363, %mul3A_372 : i32
      %dma_wait3A_374 = tpu.memref_slice %arg5[%mul3A_373] : memref<320000xf32, #tpu.memory_space<hbm>> -> memref<3200xf32, #tpu.memory_space<hbm>>
      %dma_wait3A_375 = tpu.memref_slice %arg5[%mul3A_373] : memref<320000xf32, #tpu.memory_space<hbm>> -> memref<3200xf32, #tpu.memory_space<hbm>>
      tpu.wait_dma2 semaphore(%arg26 : memref<!tpu.dma_semaphore, #tpu.memory_space<semaphore_mem>>) src(%dma_wait3A_375 : memref<3200xf32, #tpu.memory_space<hbm>>) dst(%arg24 : memref<3200xf32, #tpu.memory_space<vmem>>)
      %add3A_376 = arith.constant 1 : i32
      %add3A_377 = arith.addi %add3A_363, %add3A_376 : i32
      %lt3A_378 = arith.constant 100 : i32
      %lt3A_379 = arith.cmpi slt, %add3A_377, %lt3A_378 : i32
      %convert_element_type3A_380 = arith.extui %lt3A_379 : i1 to i32
      %cond3A_381 = arith.constant 0 : i32
      %cond3A_382 = arith.cmpi ne, %convert_element_type3A_380, %cond3A_381 : i32
      scf.if %cond3A_382 {
        %add3A_387 = arith.constant 1 : i32
        %add3A_388 = arith.addi %add3A_363, %add3A_387 : i32
        %mul3A_389 = arith.constant 3200 : i32
        %mul3A_390 = arith.muli %add3A_388, %mul3A_389 : i32
        %dma_start3A_391 = tpu.memref_slice %arg3[%mul3A_390] : memref<320000xi32, #tpu.memory_space<hbm>> -> memref<3200xi32, #tpu.memory_space<hbm>>
        %dma_start3A_392 = tpu.memref_slice %arg3[%mul3A_390] : memref<320000xi32, #tpu.memory_space<hbm>> -> memref<3200xi32, #tpu.memory_space<hbm>>
        tpu.enqueue_dma source(%dma_start3A_392 : memref<3200xi32, #tpu.memory_space<hbm>>) target(%arg19 : memref<3200xi32, #tpu.memory_space<vmem>>) target_semaphore(%arg25 : memref<!tpu.dma_semaphore, #tpu.memory_space<semaphore_mem>>)
        %mul3A_393 = arith.constant 3200 : i32
        %mul3A_394 = arith.muli %add3A_388, %mul3A_393 : i32
        %dma_start3A_395 = tpu.memref_slice %arg4[%mul3A_394] : memref<320000xi32, #tpu.memory_space<hbm>> -> memref<3200xi32, #tpu.memory_space<hbm>>
        %dma_start3A_396 = tpu.memref_slice %arg4[%mul3A_394] : memref<320000xi32, #tpu.memory_space<hbm>> -> memref<3200xi32, #tpu.memory_space<hbm>>
        tpu.enqueue_dma source(%dma_start3A_396 : memref<3200xi32, #tpu.memory_space<hbm>>) target(%arg21 : memref<3200xi32, #tpu.memory_space<vmem>>) target_semaphore(%arg25 : memref<!tpu.dma_semaphore, #tpu.memory_space<semaphore_mem>>)
        %mul3A_397 = arith.constant 3200 : i32
        %mul3A_398 = arith.muli %add3A_388, %mul3A_397 : i32
        %dma_start3A_399 = tpu.memref_slice %arg5[%mul3A_398] : memref<320000xf32, #tpu.memory_space<hbm>> -> memref<3200xf32, #tpu.memory_space<hbm>>
        %dma_start3A_400 = tpu.memref_slice %arg5[%mul3A_398] : memref<320000xf32, #tpu.memory_space<hbm>> -> memref<3200xf32, #tpu.memory_space<hbm>>
        tpu.enqueue_dma source(%dma_start3A_400 : memref<3200xf32, #tpu.memory_space<hbm>>) target(%arg23 : memref<3200xf32, #tpu.memory_space<vmem>>) target_semaphore(%arg25 : memref<!tpu.dma_semaphore, #tpu.memory_space<semaphore_mem>>)
      } else {
      }
      %parallel_loop3A_383 = arith.constant 0 : i32
      %parallel_loop3A_384 = arith.constant 200 : i32
      %parallel_loop3A_385 = arith.constant 1 : i32
      scf.for %parallel_loop3A_387 = %parallel_loop3A_383 to %parallel_loop3A_384 step %parallel_loop3A_385  : i32 {
        %parallel_loop3A_388 = arith.constant 16 : i32
        %parallel_loop3A_389 = arith.muli %parallel_loop3A_387, %parallel_loop3A_388 : i32
        %parallel_loop3A_390 = arith.index_cast %parallel_loop3A_389 : i32 to index
        %parallel_loop3A_391 = tpu.vector_load %arg20[%parallel_loop3A_390] {strides = array<i32>} : memref<3200xi32, #tpu.memory_space<vmem>>, vector<16xi32>,
        %parallel_loop3A_392 = arith.constant 16 : i32
        %parallel_loop3A_393 = arith.muli %parallel_loop3A_387, %parallel_loop3A_392 : i32
        %parallel_loop3A_394 = arith.index_cast %parallel_loop3A_393 : i32 to index
        %parallel_loop3A_395 = tpu.vector_load %arg22[%parallel_loop3A_394] {strides = array<i32>} : memref<3200xi32, #tpu.memory_space<vmem>>, vector<16xi32>,
        %parallel_loop3A_396 = arith.constant 16 : i32
        %parallel_loop3A_397 = arith.muli %parallel_loop3A_387, %parallel_loop3A_396 : i32
        %parallel_loop3A_398 = arith.index_cast %parallel_loop3A_397 : i32 to index
        %parallel_loop3A_399 = tpu.vector_load %arg24[%parallel_loop3A_398] {strides = array<i32>} : memref<3200xf32, #tpu.memory_space<vmem>>, vector<16xf32>,
        %parallel_loop3A_400 = tpu.vector_load_idx %arg11[%parallel_loop3A_391] : memref<10000xf32, #tpu.memory_space<vmem>>[vector<16xi32>], vector<16xf32>,
        %parallel_loop3A_401 = arith.mulf %parallel_loop3A_400, %parallel_loop3A_399 : vector<16xf32>
        tpu.vector_store_idx %arg15[%parallel_loop3A_395], %parallel_loop3A_401 {add = true} : memref<10000xf32, #tpu.memory_space<vmem>>[vector<16xi32>], vector<16xf32>,
        %parallel_loop3A_402 = tpu.vector_load_idx %arg12[%parallel_loop3A_391] : memref<10000xf32, #tpu.memory_space<vmem>>[vector<16xi32>], vector<16xf32>,
        %parallel_loop3A_403 = arith.mulf %parallel_loop3A_402, %parallel_loop3A_399 : vector<16xf32>
        tpu.vector_store_idx %arg16[%parallel_loop3A_395], %parallel_loop3A_403 {add = true} : memref<10000xf32, #tpu.memory_space<vmem>>[vector<16xi32>], vector<16xf32>,
        %parallel_loop3A_404 = tpu.vector_load_idx %arg13[%parallel_loop3A_391] : memref<10000xf32, #tpu.memory_space<vmem>>[vector<16xi32>], vector<16xf32>,
        %parallel_loop3A_405 = arith.mulf %parallel_loop3A_404, %parallel_loop3A_399 : vector<16xf32>
        tpu.vector_store_idx %arg17[%parallel_loop3A_395], %parallel_loop3A_405 {add = true} : memref<10000xf32, #tpu.memory_space<vmem>>[vector<16xi32>], vector<16xf32>,
        %parallel_loop3A_406 = tpu.vector_load_idx %arg14[%parallel_loop3A_391] : memref<10000xf32, #tpu.memory_space<vmem>>[vector<16xi32>], vector<16xf32>,
        %parallel_loop3A_407 = arith.mulf %parallel_loop3A_406, %parallel_loop3A_399 : vector<16xf32>
        tpu.vector_store_idx %arg18[%parallel_loop3A_395], %parallel_loop3A_407 {add = true} : memref<10000xf32, #tpu.memory_space<vmem>>[vector<16xi32>], vector<16xf32>,
      } {sc.loop_unroll_factor = 4 : i64, sc.parallel_access}
      %scan3A_386 = arith.constant 0 : i32
      scf.yield %scan3A_386 : i32
    }
    %scan3A_270 = arith.constant 50 : i32
    %add3A_271 = arith.constant 0 : i32
    %add3A_272 = arith.addi %add3A_168, %add3A_271 : i32
    %dma_start3A_273 = arith.constant 0 : i32
    %dma_start3A_274 = tpu.memref_slice %arg8[%add3A_272, %dma_start3A_273] : memref<256x10000xf32, #tpu.memory_space<hbm>> -> memref<1x10000xf32, #tpu.memory_space<hbm>>
    %dma_start3A_275 = tpu.memref_squeeze %dma_start3A_274 : memref<1x10000xf32, #tpu.memory_space<hbm>> -> memref<10000xf32, #tpu.memory_space<hbm>>
    %dma_start3A_276 = arith.constant 0 : i32
    %dma_start3A_277 = tpu.memref_slice %arg8[%add3A_272, %dma_start3A_276] : memref<256x10000xf32, #tpu.memory_space<hbm>> -> memref<1x10000xf32, #tpu.memory_space<hbm>>
    %dma_start3A_278 = tpu.memref_squeeze %dma_start3A_277 : memref<1x10000xf32, #tpu.memory_space<hbm>> -> memref<10000xf32, #tpu.memory_space<hbm>>
    tpu.enqueue_dma source(%arg15 : memref<10000xf32, #tpu.memory_space<vmem>>) target(%dma_start3A_278 : memref<10000xf32, #tpu.memory_space<hbm>>) target_semaphore(%arg27 : memref<!tpu.dma_semaphore, #tpu.memory_space<semaphore_mem>>)
    %add3A_279 = arith.constant 1 : i32
    %add3A_280 = arith.addi %add3A_168, %add3A_279 : i32
    %dma_start3A_281 = arith.constant 0 : i32
    %dma_start3A_282 = tpu.memref_slice %arg8[%add3A_280, %dma_start3A_281] : memref<256x10000xf32, #tpu.memory_space<hbm>> -> memref<1x10000xf32, #tpu.memory_space<hbm>>
    %dma_start3A_283 = tpu.memref_squeeze %dma_start3A_282 : memref<1x10000xf32, #tpu.memory_space<hbm>> -> memref<10000xf32, #tpu.memory_space<hbm>>
    %dma_start3A_284 = arith.constant 0 : i32
    %dma_start3A_285 = tpu.memref_slice %arg8[%add3A_280, %dma_start3A_284] : memref<256x10000xf32, #tpu.memory_space<hbm>> -> memref<1x10000xf32, #tpu.memory_space<hbm>>
    %dma_start3A_286 = tpu.memref_squeeze %dma_start3A_285 : memref<1x10000xf32, #tpu.memory_space<hbm>> -> memref<10000xf32, #tpu.memory_space<hbm>>
    tpu.enqueue_dma source(%arg16 : memref<10000xf32, #tpu.memory_space<vmem>>) target(%dma_start3A_286 : memref<10000xf32, #tpu.memory_space<hbm>>) target_semaphore(%arg27 : memref<!tpu.dma_semaphore, #tpu.memory_space<semaphore_mem>>)
    %add3A_287 = arith.constant 2 : i32
    %add3A_288 = arith.addi %add3A_168, %add3A_287 : i32
    %dma_start3A_289 = arith.constant 0 : i32
    %dma_start3A_290 = tpu.memref_slice %arg8[%add3A_288, %dma_start3A_289] : memref<256x10000xf32, #tpu.memory_space<hbm>> -> memref<1x10000xf32, #tpu.memory_space<hbm>>
    %dma_start3A_291 = tpu.memref_squeeze %dma_start3A_290 : memref<1x10000xf32, #tpu.memory_space<hbm>> -> memref<10000xf32, #tpu.memory_space<hbm>>
    %dma_start3A_292 = arith.constant 0 : i32
    %dma_start3A_293 = tpu.memref_slice %arg8[%add3A_288, %dma_start3A_292] : memref<256x10000xf32, #tpu.memory_space<hbm>> -> memref<1x10000xf32, #tpu.memory_space<hbm>>
    %dma_start3A_294 = tpu.memref_squeeze %dma_start3A_293 : memref<1x10000xf32, #tpu.memory_space<hbm>> -> memref<10000xf32, #tpu.memory_space<hbm>>
    tpu.enqueue_dma source(%arg17 : memref<10000xf32, #tpu.memory_space<vmem>>) target(%dma_start3A_294 : memref<10000xf32, #tpu.memory_space<hbm>>) target_semaphore(%arg27 : memref<!tpu.dma_semaphore, #tpu.memory_space<semaphore_mem>>)
    %add3A_295 = arith.constant 3 : i32
    %add3A_296 = arith.addi %add3A_168, %add3A_295 : i32
    %dma_start3A_297 = arith.constant 0 : i32
    %dma_start3A_298 = tpu.memref_slice %arg8[%add3A_296, %dma_start3A_297] : memref<256x10000xf32, #tpu.memory_space<hbm>> -> memref<1x10000xf32, #tpu.memory_space<hbm>>
    %dma_start3A_299 = tpu.memref_squeeze %dma_start3A_298 : memref<1x10000xf32, #tpu.memory_space<hbm>> -> memref<10000xf32, #tpu.memory_space<hbm>>
    %dma_start3A_300 = arith.constant 0 : i32
    %dma_start3A_301 = tpu.memref_slice %arg8[%add3A_296, %dma_start3A_300] : memref<256x10000xf32, #tpu.memory_space<hbm>> -> memref<1x10000xf32, #tpu.memory_space<hbm>>
    %dma_start3A_302 = tpu.memref_squeeze %dma_start3A_301 : memref<1x10000xf32, #tpu.memory_space<hbm>> -> memref<10000xf32, #tpu.memory_space<hbm>>
    tpu.enqueue_dma source(%arg18 : memref<10000xf32, #tpu.memory_space<vmem>>) target(%dma_start3A_302 : memref<10000xf32, #tpu.memory_space<hbm>>) target_semaphore(%arg27 : memref<!tpu.dma_semaphore, #tpu.memory_space<semaphore_mem>>)
    %add3A_303 = arith.constant 0 : i32
    %add3A_304 = arith.addi %add3A_168, %add3A_303 : i32
    %dma_wait3A_305 = arith.constant 0 : i32
    %dma_wait3A_306 = tpu.memref_slice %arg8[%add3A_304, %dma_wait3A_305] : memref<256x10000xf32, #tpu.memory_space<hbm>> -> memref<1x10000xf32, #tpu.memory_space<hbm>>
    %dma_wait3A_307 = tpu.memref_squeeze %dma_wait3A_306 : memref<1x10000xf32, #tpu.memory_space<hbm>> -> memref<10000xf32, #tpu.memory_space<hbm>>
    %dma_wait3A_308 = arith.constant 0 : i32
    %dma_wait3A_309 = tpu.memref_slice %arg8[%add3A_304, %dma_wait3A_308] : memref<256x10000xf32, #tpu.memory_space<hbm>> -> memref<1x10000xf32, #tpu.memory_space<hbm>>
    %dma_wait3A_310 = tpu.memref_squeeze %dma_wait3A_309 : memref<1x10000xf32, #tpu.memory_space<hbm>> -> memref<10000xf32, #tpu.memory_space<hbm>>
    tpu.wait_dma2 semaphore(%arg27 : memref<!tpu.dma_semaphore, #tpu.memory_space<semaphore_mem>>) src(%arg15 : memref<10000xf32, #tpu.memory_space<vmem>>) dst(%dma_wait3A_310 : memref<10000xf32, #tpu.memory_space<hbm>>)
    %add3A_311 = arith.constant 1 : i32
    %add3A_312 = arith.addi %add3A_168, %add3A_311 : i32
    %dma_wait3A_313 = arith.constant 0 : i32
    %dma_wait3A_314 = tpu.memref_slice %arg8[%add3A_312, %dma_wait3A_313] : memref<256x10000xf32, #tpu.memory_space<hbm>> -> memref<1x10000xf32, #tpu.memory_space<hbm>>
    %dma_wait3A_315 = tpu.memref_squeeze %dma_wait3A_314 : memref<1x10000xf32, #tpu.memory_space<hbm>> -> memref<10000xf32, #tpu.memory_space<hbm>>
    %dma_wait3A_316 = arith.constant 0 : i32
    %dma_wait3A_317 = tpu.memref_slice %arg8[%add3A_312, %dma_wait3A_316] : memref<256x10000xf32, #tpu.memory_space<hbm>> -> memref<1x10000xf32, #tpu.memory_space<hbm>>
    %dma_wait3A_318 = tpu.memref_squeeze %dma_wait3A_317 : memref<1x10000xf32, #tpu.memory_space<hbm>> -> memref<10000xf32, #tpu.memory_space<hbm>>
    tpu.wait_dma2 semaphore(%arg27 : memref<!tpu.dma_semaphore, #tpu.memory_space<semaphore_mem>>) src(%arg16 : memref<10000xf32, #tpu.memory_space<vmem>>) dst(%dma_wait3A_318 : memref<10000xf32, #tpu.memory_space<hbm>>)
    %add3A_319 = arith.constant 2 : i32
    %add3A_320 = arith.addi %add3A_168, %add3A_319 : i32
    %dma_wait3A_321 = arith.constant 0 : i32
    %dma_wait3A_322 = tpu.memref_slice %arg8[%add3A_320, %dma_wait3A_321] : memref<256x10000xf32, #tpu.memory_space<hbm>> -> memref<1x10000xf32, #tpu.memory_space<hbm>>
    %dma_wait3A_323 = tpu.memref_squeeze %dma_wait3A_322 : memref<1x10000xf32, #tpu.memory_space<hbm>> -> memref<10000xf32, #tpu.memory_space<hbm>>
    %dma_wait3A_324 = arith.constant 0 : i32
    %dma_wait3A_325 = tpu.memref_slice %arg8[%add3A_320, %dma_wait3A_324] : memref<256x10000xf32, #tpu.memory_space<hbm>> -> memref<1x10000xf32, #tpu.memory_space<hbm>>
    %dma_wait3A_326 = tpu.memref_squeeze %dma_wait3A_325 : memref<1x10000xf32, #tpu.memory_space<hbm>> -> memref<10000xf32, #tpu.memory_space<hbm>>
    tpu.wait_dma2 semaphore(%arg27 : memref<!tpu.dma_semaphore, #tpu.memory_space<semaphore_mem>>) src(%arg17 : memref<10000xf32, #tpu.memory_space<vmem>>) dst(%dma_wait3A_326 : memref<10000xf32, #tpu.memory_space<hbm>>)
    %add3A_327 = arith.constant 3 : i32
    %add3A_328 = arith.addi %add3A_168, %add3A_327 : i32
    %dma_wait3A_329 = arith.constant 0 : i32
    %dma_wait3A_330 = tpu.memref_slice %arg8[%add3A_328, %dma_wait3A_329] : memref<256x10000xf32, #tpu.memory_space<hbm>> -> memref<1x10000xf32, #tpu.memory_space<hbm>>
    %dma_wait3A_331 = tpu.memref_squeeze %dma_wait3A_330 : memref<1x10000xf32, #tpu.memory_space<hbm>> -> memref<10000xf32, #tpu.memory_space<hbm>>
    %dma_wait3A_332 = arith.constant 0 : i32
    %dma_wait3A_333 = tpu.memref_slice %arg8[%add3A_328, %dma_wait3A_332] : memref<256x10000xf32, #tpu.memory_space<hbm>> -> memref<1x10000xf32, #tpu.memory_space<hbm>>
    %dma_wait3A_334 = tpu.memref_squeeze %dma_wait3A_333 : memref<1x10000xf32, #tpu.memory_space<hbm>> -> memref<10000xf32, #tpu.memory_space<hbm>>
    tpu.wait_dma2 semaphore(%arg27 : memref<!tpu.dma_semaphore, #tpu.memory_space<semaphore_mem>>) src(%arg18 : memref<10000xf32, #tpu.memory_space<vmem>>) dst(%dma_wait3A_334 : memref<10000xf32, #tpu.memory_space<hbm>>)
    return
  }
}

#map = affine_map<(d0, d1) -> (0, 0)>
#map1 = affine_map<(d0, d1) -> (0)>
module attributes {stable_mosaic.version = 14 : i64} {
  func.func @_prop_body(%arg0: i32, %arg1: i32, %arg2: memref<256x10000xf32, #tpu.memory_space<hbm>>, %arg3: memref<320000xi32, #tpu.memory_space<hbm>>, %arg4: memref<320000xi32, #tpu.memory_space<hbm>>, %arg5: memref<320000xf32, #tpu.memory_space<hbm>>, %arg6: memref<10240xf32, #tpu.memory_space<hbm>>, %arg7: memref<256xf32, #tpu.memory_space<hbm>>, %arg8: memref<256x10000xf32, #tpu.memory_space<hbm>>, %arg9: memref<10240xf32, #tpu.memory_space<vmem>>, %arg10: memref<256xf32, #tpu.memory_space<vmem>>, %arg11: memref<10000xf32, #tpu.memory_space<vmem>>, %arg12: memref<10000xf32, #tpu.memory_space<vmem>>, %arg13: memref<10000xf32, #tpu.memory_space<vmem>>, %arg14: memref<10000xf32, #tpu.memory_space<vmem>>, %arg15: memref<10000xf32, #tpu.memory_space<vmem>>, %arg16: memref<10000xf32, #tpu.memory_space<vmem>>, %arg17: memref<10000xf32, #tpu.memory_space<vmem>>, %arg18: memref<10000xf32, #tpu.memory_space<vmem>>, %arg19: memref<3200xi32, #tpu.memory_space<vmem>>, %arg20: memref<3200xi32, #tpu.memory_space<vmem>>, %arg21: memref<3200xi32, #tpu.memory_space<vmem>>, %arg22: memref<3200xi32, #tpu.memory_space<vmem>>, %arg23: memref<3200xf32, #tpu.memory_space<vmem>>, %arg24: memref<3200xf32, #tpu.memory_space<vmem>>, %arg25: memref<!tpu.dma_semaphore, #tpu.memory_space<semaphore_mem>>, %arg26: memref<!tpu.dma_semaphore, #tpu.memory_space<semaphore_mem>>, %arg27: memref<!tpu.dma_semaphore, #tpu.memory_space<semaphore_mem>>) attributes {dimension_semantics = [#tpu.dimension_semantics<core_parallel>, #tpu.dimension_semantics<subcore_parallel>], iteration_bounds = array<i64: 2, 16>, scalar_prefetch = 0 : i64, scratch_operands = 19 : i64, tpu.core_type = #tpu.core_type<sc_vector_subcore>, window_params = [{transform_indices = #map}, {transform_indices = #map1}, {transform_indices = #map1}, {transform_indices = #map1}, {transform_indices = #map1}, {transform_indices = #map1}, {transform_indices = #map}]} {
    %mul3A = arith.constant 2 : i32
    %mul3A_0 = arith.muli %arg1, %mul3A : i32
    %add3A = arith.addi %mul3A_0, %arg0 : i32
    "tpu.region"() ({
      %run_scoped3A = tpu.sem_alloc : memref<!tpu.dma_semaphore, #tpu.memory_space<semaphore_mem>>
      tpu.enqueue_dma source(%arg6 : memref<10240xf32, #tpu.memory_space<hbm>>) target(%arg9 : memref<10240xf32, #tpu.memory_space<vmem>>) target_semaphore(%run_scoped3A : memref<!tpu.dma_semaphore, #tpu.memory_space<semaphore_mem>>)
      tpu.wait_dma2 semaphore(%run_scoped3A : memref<!tpu.dma_semaphore, #tpu.memory_space<semaphore_mem>>) src(%arg6 : memref<10240xf32, #tpu.memory_space<hbm>>) dst(%arg9 : memref<10240xf32, #tpu.memory_space<vmem>>)
      tpu.yield
    }) : () -> ()
    "tpu.region"() ({
      %run_scoped3A = tpu.sem_alloc : memref<!tpu.dma_semaphore, #tpu.memory_space<semaphore_mem>>
      tpu.enqueue_dma source(%arg7 : memref<256xf32, #tpu.memory_space<hbm>>) target(%arg10 : memref<256xf32, #tpu.memory_space<vmem>>) target_semaphore(%run_scoped3A : memref<!tpu.dma_semaphore, #tpu.memory_space<semaphore_mem>>)
      tpu.wait_dma2 semaphore(%run_scoped3A : memref<!tpu.dma_semaphore, #tpu.memory_space<semaphore_mem>>) src(%arg7 : memref<256xf32, #tpu.memory_space<hbm>>) dst(%arg10 : memref<256xf32, #tpu.memory_space<vmem>>)
      tpu.yield
    }) : () -> ()
    %mul3A_1 = arith.constant 4 : i32
    %mul3A_2 = arith.muli %add3A, %mul3A_1 : i32
    %add3A_3 = arith.constant 0 : i32
    %add3A_4 = arith.addi %add3A_3, %mul3A_2 : i32
    %add3A_5 = arith.constant 0 : i32
    %add3A_6 = arith.addi %add3A_4, %add3A_5 : i32
    %dma_start3A = arith.constant 0 : i32
    %dma_start3A_7 = tpu.memref_slice %arg2[%add3A_6, %dma_start3A] : memref<256x10000xf32, #tpu.memory_space<hbm>> -> memref<1x10000xf32, #tpu.memory_space<hbm>>
    %dma_start3A_8 = tpu.memref_squeeze %dma_start3A_7 : memref<1x10000xf32, #tpu.memory_space<hbm>> -> memref<10000xf32, #tpu.memory_space<hbm>>
    %dma_start3A_9 = arith.constant 0 : i32
    %dma_start3A_10 = tpu.memref_slice %arg2[%add3A_6, %dma_start3A_9] : memref<256x10000xf32, #tpu.memory_space<hbm>> -> memref<1x10000xf32, #tpu.memory_space<hbm>>
    %dma_start3A_11 = tpu.memref_squeeze %dma_start3A_10 : memref<1x10000xf32, #tpu.memory_space<hbm>> -> memref<10000xf32, #tpu.memory_space<hbm>>
    tpu.enqueue_dma source(%dma_start3A_11 : memref<10000xf32, #tpu.memory_space<hbm>>) target(%arg11 : memref<10000xf32, #tpu.memory_space<vmem>>) target_semaphore(%arg27 : memref<!tpu.dma_semaphore, #tpu.memory_space<semaphore_mem>>)
    %add3A_12 = arith.constant 1 : i32
    %add3A_13 = arith.addi %add3A_4, %add3A_12 : i32
    %dma_start3A_14 = arith.constant 0 : i32
    %dma_start3A_15 = tpu.memref_slice %arg2[%add3A_13, %dma_start3A_14] : memref<256x10000xf32, #tpu.memory_space<hbm>> -> memref<1x10000xf32, #tpu.memory_space<hbm>>
    %dma_start3A_16 = tpu.memref_squeeze %dma_start3A_15 : memref<1x10000xf32, #tpu.memory_space<hbm>> -> memref<10000xf32, #tpu.memory_space<hbm>>
    %dma_start3A_17 = arith.constant 0 : i32
    %dma_start3A_18 = tpu.memref_slice %arg2[%add3A_13, %dma_start3A_17] : memref<256x10000xf32, #tpu.memory_space<hbm>> -> memref<1x10000xf32, #tpu.memory_space<hbm>>
    %dma_start3A_19 = tpu.memref_squeeze %dma_start3A_18 : memref<1x10000xf32, #tpu.memory_space<hbm>> -> memref<10000xf32, #tpu.memory_space<hbm>>
    tpu.enqueue_dma source(%dma_start3A_19 : memref<10000xf32, #tpu.memory_space<hbm>>) target(%arg12 : memref<10000xf32, #tpu.memory_space<vmem>>) target_semaphore(%arg27 : memref<!tpu.dma_semaphore, #tpu.memory_space<semaphore_mem>>)
    %add3A_20 = arith.constant 2 : i32
    %add3A_21 = arith.addi %add3A_4, %add3A_20 : i32
    %dma_start3A_22 = arith.constant 0 : i32
    %dma_start3A_23 = tpu.memref_slice %arg2[%add3A_21, %dma_start3A_22] : memref<256x10000xf32, #tpu.memory_space<hbm>> -> memref<1x10000xf32, #tpu.memory_space<hbm>>
    %dma_start3A_24 = tpu.memref_squeeze %dma_start3A_23 : memref<1x10000xf32, #tpu.memory_space<hbm>> -> memref<10000xf32, #tpu.memory_space<hbm>>
    %dma_start3A_25 = arith.constant 0 : i32
    %dma_start3A_26 = tpu.memref_slice %arg2[%add3A_21, %dma_start3A_25] : memref<256x10000xf32, #tpu.memory_space<hbm>> -> memref<1x10000xf32, #tpu.memory_space<hbm>>
    %dma_start3A_27 = tpu.memref_squeeze %dma_start3A_26 : memref<1x10000xf32, #tpu.memory_space<hbm>> -> memref<10000xf32, #tpu.memory_space<hbm>>
    tpu.enqueue_dma source(%dma_start3A_27 : memref<10000xf32, #tpu.memory_space<hbm>>) target(%arg13 : memref<10000xf32, #tpu.memory_space<vmem>>) target_semaphore(%arg27 : memref<!tpu.dma_semaphore, #tpu.memory_space<semaphore_mem>>)
    %add3A_28 = arith.constant 3 : i32
    %add3A_29 = arith.addi %add3A_4, %add3A_28 : i32
    %dma_start3A_30 = arith.constant 0 : i32
    %dma_start3A_31 = tpu.memref_slice %arg2[%add3A_29, %dma_start3A_30] : memref<256x10000xf32, #tpu.memory_space<hbm>> -> memref<1x10000xf32, #tpu.memory_space<hbm>>
    %dma_start3A_32 = tpu.memref_squeeze %dma_start3A_31 : memref<1x10000xf32, #tpu.memory_space<hbm>> -> memref<10000xf32, #tpu.memory_space<hbm>>
    %dma_start3A_33 = arith.constant 0 : i32
    %dma_start3A_34 = tpu.memref_slice %arg2[%add3A_29, %dma_start3A_33] : memref<256x10000xf32, #tpu.memory_space<hbm>> -> memref<1x10000xf32, #tpu.memory_space<hbm>>
    %dma_start3A_35 = tpu.memref_squeeze %dma_start3A_34 : memref<1x10000xf32, #tpu.memory_space<hbm>> -> memref<10000xf32, #tpu.memory_space<hbm>>
    tpu.enqueue_dma source(%dma_start3A_35 : memref<10000xf32, #tpu.memory_space<hbm>>) target(%arg14 : memref<10000xf32, #tpu.memory_space<vmem>>) target_semaphore(%arg27 : memref<!tpu.dma_semaphore, #tpu.memory_space<semaphore_mem>>)
    %add3A_36 = arith.constant 0 : i32
    %add3A_37 = arith.addi %add3A_4, %add3A_36 : i32
    %dma_wait3A = arith.constant 0 : i32
    %dma_wait3A_38 = tpu.memref_slice %arg2[%add3A_37, %dma_wait3A] : memref<256x10000xf32, #tpu.memory_space<hbm>> -> memref<1x10000xf32, #tpu.memory_space<hbm>>
    %dma_wait3A_39 = tpu.memref_squeeze %dma_wait3A_38 : memref<1x10000xf32, #tpu.memory_space<hbm>> -> memref<10000xf32, #tpu.memory_space<hbm>>
    %dma_wait3A_40 = arith.constant 0 : i32
    %dma_wait3A_41 = tpu.memref_slice %arg2[%add3A_37, %dma_wait3A_40] : memref<256x10000xf32, #tpu.memory_space<hbm>> -> memref<1x10000xf32, #tpu.memory_space<hbm>>
    %dma_wait3A_42 = tpu.memref_squeeze %dma_wait3A_41 : memref<1x10000xf32, #tpu.memory_space<hbm>> -> memref<10000xf32, #tpu.memory_space<hbm>>
    tpu.wait_dma2 semaphore(%arg27 : memref<!tpu.dma_semaphore, #tpu.memory_space<semaphore_mem>>) src(%dma_wait3A_42 : memref<10000xf32, #tpu.memory_space<hbm>>) dst(%arg11 : memref<10000xf32, #tpu.memory_space<vmem>>)
    %add3A_43 = arith.constant 1 : i32
    %add3A_44 = arith.addi %add3A_4, %add3A_43 : i32
    %dma_wait3A_45 = arith.constant 0 : i32
    %dma_wait3A_46 = tpu.memref_slice %arg2[%add3A_44, %dma_wait3A_45] : memref<256x10000xf32, #tpu.memory_space<hbm>> -> memref<1x10000xf32, #tpu.memory_space<hbm>>
    %dma_wait3A_47 = tpu.memref_squeeze %dma_wait3A_46 : memref<1x10000xf32, #tpu.memory_space<hbm>> -> memref<10000xf32, #tpu.memory_space<hbm>>
    %dma_wait3A_48 = arith.constant 0 : i32
    %dma_wait3A_49 = tpu.memref_slice %arg2[%add3A_44, %dma_wait3A_48] : memref<256x10000xf32, #tpu.memory_space<hbm>> -> memref<1x10000xf32, #tpu.memory_space<hbm>>
    %dma_wait3A_50 = tpu.memref_squeeze %dma_wait3A_49 : memref<1x10000xf32, #tpu.memory_space<hbm>> -> memref<10000xf32, #tpu.memory_space<hbm>>
    tpu.wait_dma2 semaphore(%arg27 : memref<!tpu.dma_semaphore, #tpu.memory_space<semaphore_mem>>) src(%dma_wait3A_50 : memref<10000xf32, #tpu.memory_space<hbm>>) dst(%arg12 : memref<10000xf32, #tpu.memory_space<vmem>>)
    %add3A_51 = arith.constant 2 : i32
    %add3A_52 = arith.addi %add3A_4, %add3A_51 : i32
    %dma_wait3A_53 = arith.constant 0 : i32
    %dma_wait3A_54 = tpu.memref_slice %arg2[%add3A_52, %dma_wait3A_53] : memref<256x10000xf32, #tpu.memory_space<hbm>> -> memref<1x10000xf32, #tpu.memory_space<hbm>>
    %dma_wait3A_55 = tpu.memref_squeeze %dma_wait3A_54 : memref<1x10000xf32, #tpu.memory_space<hbm>> -> memref<10000xf32, #tpu.memory_space<hbm>>
    %dma_wait3A_56 = arith.constant 0 : i32
    %dma_wait3A_57 = tpu.memref_slice %arg2[%add3A_52, %dma_wait3A_56] : memref<256x10000xf32, #tpu.memory_space<hbm>> -> memref<1x10000xf32, #tpu.memory_space<hbm>>
    %dma_wait3A_58 = tpu.memref_squeeze %dma_wait3A_57 : memref<1x10000xf32, #tpu.memory_space<hbm>> -> memref<10000xf32, #tpu.memory_space<hbm>>
    tpu.wait_dma2 semaphore(%arg27 : memref<!tpu.dma_semaphore, #tpu.memory_space<semaphore_mem>>) src(%dma_wait3A_58 : memref<10000xf32, #tpu.memory_space<hbm>>) dst(%arg13 : memref<10000xf32, #tpu.memory_space<vmem>>)
    %add3A_59 = arith.constant 3 : i32
    %add3A_60 = arith.addi %add3A_4, %add3A_59 : i32
    %dma_wait3A_61 = arith.constant 0 : i32
    %dma_wait3A_62 = tpu.memref_slice %arg2[%add3A_60, %dma_wait3A_61] : memref<256x10000xf32, #tpu.memory_space<hbm>> -> memref<1x10000xf32, #tpu.memory_space<hbm>>
    %dma_wait3A_63 = tpu.memref_squeeze %dma_wait3A_62 : memref<1x10000xf32, #tpu.memory_space<hbm>> -> memref<10000xf32, #tpu.memory_space<hbm>>
    %dma_wait3A_64 = arith.constant 0 : i32
    %dma_wait3A_65 = tpu.memref_slice %arg2[%add3A_60, %dma_wait3A_64] : memref<256x10000xf32, #tpu.memory_space<hbm>> -> memref<1x10000xf32, #tpu.memory_space<hbm>>
    %dma_wait3A_66 = tpu.memref_squeeze %dma_wait3A_65 : memref<1x10000xf32, #tpu.memory_space<hbm>> -> memref<10000xf32, #tpu.memory_space<hbm>>
    tpu.wait_dma2 semaphore(%arg27 : memref<!tpu.dma_semaphore, #tpu.memory_space<semaphore_mem>>) src(%dma_wait3A_66 : memref<10000xf32, #tpu.memory_space<hbm>>) dst(%arg14 : memref<10000xf32, #tpu.memory_space<vmem>>)
    %add3A_67 = arith.constant 0 : i32
    %add3A_68 = arith.addi %add3A_4, %add3A_67 : i32
    %broadcast_in_dim3A = vector.broadcast %add3A_68 : i32 to vector<16xi32>
    %gather3A = tpu.vector_load_idx %arg10[%broadcast_in_dim3A] : memref<256xf32, #tpu.memory_space<vmem>>[vector<16xi32>], vector<16xf32>,
    %add3A_69 = arith.constant 1 : i32
    %add3A_70 = arith.addi %add3A_4, %add3A_69 : i32
    %broadcast_in_dim3A_71 = vector.broadcast %add3A_70 : i32 to vector<16xi32>
    %gather3A_72 = tpu.vector_load_idx %arg10[%broadcast_in_dim3A_71] : memref<256xf32, #tpu.memory_space<vmem>>[vector<16xi32>], vector<16xf32>,
    %add3A_73 = arith.constant 2 : i32
    %add3A_74 = arith.addi %add3A_4, %add3A_73 : i32
    %broadcast_in_dim3A_75 = vector.broadcast %add3A_74 : i32 to vector<16xi32>
    %gather3A_76 = tpu.vector_load_idx %arg10[%broadcast_in_dim3A_75] : memref<256xf32, #tpu.memory_space<vmem>>[vector<16xi32>], vector<16xf32>,
    %add3A_77 = arith.constant 3 : i32
    %add3A_78 = arith.addi %add3A_4, %add3A_77 : i32
    %broadcast_in_dim3A_79 = vector.broadcast %add3A_78 : i32 to vector<16xi32>
    %gather3A_80 = tpu.vector_load_idx %arg10[%broadcast_in_dim3A_79] : memref<256xf32, #tpu.memory_space<vmem>>[vector<16xi32>], vector<16xf32>,
    %parallel_loop3A = arith.constant 0 : i32
    %parallel_loop3A_81 = arith.constant 625 : i32
    %parallel_loop3A_82 = arith.constant 1 : i32
    scf.for %parallel_loop3A_335 = %parallel_loop3A to %parallel_loop3A_81 step %parallel_loop3A_82  : i32 {
      %parallel_loop3A_336 = arith.constant 16 : i32
      %parallel_loop3A_337 = arith.muli %parallel_loop3A_335, %parallel_loop3A_336 : i32
      %parallel_loop3A_338 = arith.index_cast %parallel_loop3A_337 : i32 to index
      %parallel_loop3A_339 = tpu.vector_load %arg9[%parallel_loop3A_338] {strides = array<i32>} : memref<10240xf32, #tpu.memory_space<vmem>>, vector<16xf32>,
      %parallel_loop3A_340 = arith.mulf %parallel_loop3A_339, %parallel_loop3A_339 : vector<16xf32>
      %parallel_loop3A_341 = arith.constant 16 : i32
      %parallel_loop3A_342 = arith.muli %parallel_loop3A_335, %parallel_loop3A_341 : i32
      %parallel_loop3A_343 = arith.index_cast %parallel_loop3A_342 : i32 to index
      %parallel_loop3A_344 = tpu.vector_load %arg11[%parallel_loop3A_343] {strides = array<i32>} : memref<10000xf32, #tpu.memory_space<vmem>>, vector<16xf32>,
      %parallel_loop3A_345 = arith.mulf %parallel_loop3A_344, %parallel_loop3A_340 : vector<16xf32>
      %parallel_loop3A_346 = arith.addf %parallel_loop3A_345, %gather3A : vector<16xf32>
      %parallel_loop3A_347 = arith.constant 16 : i32
      %parallel_loop3A_348 = arith.muli %parallel_loop3A_335, %parallel_loop3A_347 : i32
      %parallel_loop3A_349 = arith.index_cast %parallel_loop3A_348 : i32 to index
      %parallel_loop3A_350 = tpu.vector_load %arg15[%parallel_loop3A_349] {strides = array<i32>} : memref<10000xf32, #tpu.memory_space<vmem>>, vector<16xf32>,
      tpu.vector_store %arg15[%parallel_loop3A_349], %parallel_loop3A_346 {strides = array<i32>} : memref<10000xf32, #tpu.memory_space<vmem>>, vector<16xf32>,
      %parallel_loop3A_351 = arith.constant 16 : i32
      %parallel_loop3A_352 = arith.muli %parallel_loop3A_335, %parallel_loop3A_351 : i32
      %parallel_loop3A_353 = arith.index_cast %parallel_loop3A_352 : i32 to index
      %parallel_loop3A_354 = tpu.vector_load %arg12[%parallel_loop3A_353] {strides = array<i32>} : memref<10000xf32, #tpu.memory_space<vmem>>, vector<16xf32>,
      %parallel_loop3A_355 = arith.mulf %parallel_loop3A_354, %parallel_loop3A_340 : vector<16xf32>
      %parallel_loop3A_356 = arith.addf %parallel_loop3A_355, %gather3A_72 : vector<16xf32>
      %parallel_loop3A_357 = arith.constant 16 : i32
      %parallel_loop3A_358 = arith.muli %parallel_loop3A_335, %parallel_loop3A_357 : i32
      %parallel_loop3A_359 = arith.index_cast %parallel_loop3A_358 : i32 to index
      %parallel_loop3A_360 = tpu.vector_load %arg16[%parallel_loop3A_359] {strides = array<i32>} : memref<10000xf32, #tpu.memory_space<vmem>>, vector<16xf32>,
      tpu.vector_store %arg16[%parallel_loop3A_359], %parallel_loop3A_356 {strides = array<i32>} : memref<10000xf32, #tpu.memory_space<vmem>>, vector<16xf32>,
      %parallel_loop3A_361 = arith.constant 16 : i32
      %parallel_loop3A_362 = arith.muli %parallel_loop3A_335, %parallel_loop3A_361 : i32
      %parallel_loop3A_363 = arith.index_cast %parallel_loop3A_362 : i32 to index
      %parallel_loop3A_364 = tpu.vector_load %arg13[%parallel_loop3A_363] {strides = array<i32>} : memref<10000xf32, #tpu.memory_space<vmem>>, vector<16xf32>,
      %parallel_loop3A_365 = arith.mulf %parallel_loop3A_364, %parallel_loop3A_340 : vector<16xf32>
      %parallel_loop3A_366 = arith.addf %parallel_loop3A_365, %gather3A_76 : vector<16xf32>
      %parallel_loop3A_367 = arith.constant 16 : i32
      %parallel_loop3A_368 = arith.muli %parallel_loop3A_335, %parallel_loop3A_367 : i32
      %parallel_loop3A_369 = arith.index_cast %parallel_loop3A_368 : i32 to index
      %parallel_loop3A_370 = tpu.vector_load %arg17[%parallel_loop3A_369] {strides = array<i32>} : memref<10000xf32, #tpu.memory_space<vmem>>, vector<16xf32>,
      tpu.vector_store %arg17[%parallel_loop3A_369], %parallel_loop3A_366 {strides = array<i32>} : memref<10000xf32, #tpu.memory_space<vmem>>, vector<16xf32>,
      %parallel_loop3A_371 = arith.constant 16 : i32
      %parallel_loop3A_372 = arith.muli %parallel_loop3A_335, %parallel_loop3A_371 : i32
      %parallel_loop3A_373 = arith.index_cast %parallel_loop3A_372 : i32 to index
      %parallel_loop3A_374 = tpu.vector_load %arg14[%parallel_loop3A_373] {strides = array<i32>} : memref<10000xf32, #tpu.memory_space<vmem>>, vector<16xf32>,
      %parallel_loop3A_375 = arith.mulf %parallel_loop3A_374, %parallel_loop3A_340 : vector<16xf32>
      %parallel_loop3A_376 = arith.addf %parallel_loop3A_375, %gather3A_80 : vector<16xf32>
      %parallel_loop3A_377 = arith.constant 16 : i32
      %parallel_loop3A_378 = arith.muli %parallel_loop3A_335, %parallel_loop3A_377 : i32
      %parallel_loop3A_379 = arith.index_cast %parallel_loop3A_378 : i32 to index
      %parallel_loop3A_380 = tpu.vector_load %arg18[%parallel_loop3A_379] {strides = array<i32>} : memref<10000xf32, #tpu.memory_space<vmem>>, vector<16xf32>,
      tpu.vector_store %arg18[%parallel_loop3A_379], %parallel_loop3A_376 {strides = array<i32>} : memref<10000xf32, #tpu.memory_space<vmem>>, vector<16xf32>,
    } {sc.loop_unroll_factor = 4 : i64, sc.parallel_access}
    %dma_start3A_83 = arith.constant 0 : i32
    %dma_start3A_84 = tpu.memref_slice %arg3[%dma_start3A_83] : memref<320000xi32, #tpu.memory_space<hbm>> -> memref<3200xi32, #tpu.memory_space<hbm>>
    %dma_start3A_85 = arith.constant 0 : i32
    %dma_start3A_86 = tpu.memref_slice %arg3[%dma_start3A_85] : memref<320000xi32, #tpu.memory_space<hbm>> -> memref<3200xi32, #tpu.memory_space<hbm>>
    tpu.enqueue_dma source(%dma_start3A_86 : memref<3200xi32, #tpu.memory_space<hbm>>) target(%arg19 : memref<3200xi32, #tpu.memory_space<vmem>>) target_semaphore(%arg25 : memref<!tpu.dma_semaphore, #tpu.memory_space<semaphore_mem>>)
    %dma_start3A_87 = arith.constant 0 : i32
    %dma_start3A_88 = tpu.memref_slice %arg4[%dma_start3A_87] : memref<320000xi32, #tpu.memory_space<hbm>> -> memref<3200xi32, #tpu.memory_space<hbm>>
    %dma_start3A_89 = arith.constant 0 : i32
    %dma_start3A_90 = tpu.memref_slice %arg4[%dma_start3A_89] : memref<320000xi32, #tpu.memory_space<hbm>> -> memref<3200xi32, #tpu.memory_space<hbm>>
    tpu.enqueue_dma source(%dma_start3A_90 : memref<3200xi32, #tpu.memory_space<hbm>>) target(%arg21 : memref<3200xi32, #tpu.memory_space<vmem>>) target_semaphore(%arg25 : memref<!tpu.dma_semaphore, #tpu.memory_space<semaphore_mem>>)
    %dma_start3A_91 = arith.constant 0 : i32
    %dma_start3A_92 = tpu.memref_slice %arg5[%dma_start3A_91] : memref<320000xf32, #tpu.memory_space<hbm>> -> memref<3200xf32, #tpu.memory_space<hbm>>
    %dma_start3A_93 = arith.constant 0 : i32
    %dma_start3A_94 = tpu.memref_slice %arg5[%dma_start3A_93] : memref<320000xf32, #tpu.memory_space<hbm>> -> memref<3200xf32, #tpu.memory_space<hbm>>
    tpu.enqueue_dma source(%dma_start3A_94 : memref<3200xf32, #tpu.memory_space<hbm>>) target(%arg23 : memref<3200xf32, #tpu.memory_space<vmem>>) target_semaphore(%arg25 : memref<!tpu.dma_semaphore, #tpu.memory_space<semaphore_mem>>)
    %scan3A = arith.constant 0 : i32
    %scan3A_95 = arith.constant 0 : i32
    %scan3A_96 = arith.constant 50 : i32
    %scan3A_97 = arith.addi %scan3A_95, %scan3A_96 : i32
    %scan3A_98 = arith.constant 1 : i32
    %scan3A_99 = scf.for %scan3A_335 = %scan3A_95 to %scan3A_97 step %scan3A_98 iter_args(%scan3A_336 = %scan3A) -> (i32)  : i32 {
      %mul3A_337 = arith.constant 2 : i32
      %mul3A_338 = arith.muli %scan3A_335, %mul3A_337 : i32
      %add3A_339 = arith.constant 0 : i32
      %add3A_340 = arith.addi %mul3A_338, %add3A_339 : i32
      %mul3A_341 = arith.constant 3200 : i32
      %mul3A_342 = arith.muli %add3A_340, %mul3A_341 : i32
      %dma_wait3A_343 = tpu.memref_slice %arg3[%mul3A_342] : memref<320000xi32, #tpu.memory_space<hbm>> -> memref<3200xi32, #tpu.memory_space<hbm>>
      %dma_wait3A_344 = tpu.memref_slice %arg3[%mul3A_342] : memref<320000xi32, #tpu.memory_space<hbm>> -> memref<3200xi32, #tpu.memory_space<hbm>>
      tpu.wait_dma2 semaphore(%arg25 : memref<!tpu.dma_semaphore, #tpu.memory_space<semaphore_mem>>) src(%dma_wait3A_344 : memref<3200xi32, #tpu.memory_space<hbm>>) dst(%arg19 : memref<3200xi32, #tpu.memory_space<vmem>>)
      %mul3A_345 = arith.constant 3200 : i32
      %mul3A_346 = arith.muli %add3A_340, %mul3A_345 : i32
      %dma_wait3A_347 = tpu.memref_slice %arg4[%mul3A_346] : memref<320000xi32, #tpu.memory_space<hbm>> -> memref<3200xi32, #tpu.memory_space<hbm>>
      %dma_wait3A_348 = tpu.memref_slice %arg4[%mul3A_346] : memref<320000xi32, #tpu.memory_space<hbm>> -> memref<3200xi32, #tpu.memory_space<hbm>>
      tpu.wait_dma2 semaphore(%arg25 : memref<!tpu.dma_semaphore, #tpu.memory_space<semaphore_mem>>) src(%dma_wait3A_348 : memref<3200xi32, #tpu.memory_space<hbm>>) dst(%arg21 : memref<3200xi32, #tpu.memory_space<vmem>>)
      %mul3A_349 = arith.constant 3200 : i32
      %mul3A_350 = arith.muli %add3A_340, %mul3A_349 : i32
      %dma_wait3A_351 = tpu.memref_slice %arg5[%mul3A_350] : memref<320000xf32, #tpu.memory_space<hbm>> -> memref<3200xf32, #tpu.memory_space<hbm>>
      %dma_wait3A_352 = tpu.memref_slice %arg5[%mul3A_350] : memref<320000xf32, #tpu.memory_space<hbm>> -> memref<3200xf32, #tpu.memory_space<hbm>>
      tpu.wait_dma2 semaphore(%arg25 : memref<!tpu.dma_semaphore, #tpu.memory_space<semaphore_mem>>) src(%dma_wait3A_352 : memref<3200xf32, #tpu.memory_space<hbm>>) dst(%arg23 : memref<3200xf32, #tpu.memory_space<vmem>>)
      %add3A_353 = arith.constant 1 : i32
      %add3A_354 = arith.addi %add3A_340, %add3A_353 : i32
      %lt3A = arith.constant 100 : i32
      %lt3A_355 = arith.cmpi slt, %add3A_354, %lt3A : i32
      %convert_element_type3A = arith.extui %lt3A_355 : i1 to i32
      %cond3A = arith.constant 0 : i32
      %cond3A_356 = arith.cmpi ne, %convert_element_type3A, %cond3A : i32
      scf.if %cond3A_356 {
        %add3A_387 = arith.constant 1 : i32
        %add3A_388 = arith.addi %add3A_340, %add3A_387 : i32
        %mul3A_389 = arith.constant 3200 : i32
        %mul3A_390 = arith.muli %add3A_388, %mul3A_389 : i32
        %dma_start3A_391 = tpu.memref_slice %arg3[%mul3A_390] : memref<320000xi32, #tpu.memory_space<hbm>> -> memref<3200xi32, #tpu.memory_space<hbm>>
        %dma_start3A_392 = tpu.memref_slice %arg3[%mul3A_390] : memref<320000xi32, #tpu.memory_space<hbm>> -> memref<3200xi32, #tpu.memory_space<hbm>>
        tpu.enqueue_dma source(%dma_start3A_392 : memref<3200xi32, #tpu.memory_space<hbm>>) target(%arg20 : memref<3200xi32, #tpu.memory_space<vmem>>) target_semaphore(%arg26 : memref<!tpu.dma_semaphore, #tpu.memory_space<semaphore_mem>>)
        %mul3A_393 = arith.constant 3200 : i32
        %mul3A_394 = arith.muli %add3A_388, %mul3A_393 : i32
        %dma_start3A_395 = tpu.memref_slice %arg4[%mul3A_394] : memref<320000xi32, #tpu.memory_space<hbm>> -> memref<3200xi32, #tpu.memory_space<hbm>>
        %dma_start3A_396 = tpu.memref_slice %arg4[%mul3A_394] : memref<320000xi32, #tpu.memory_space<hbm>> -> memref<3200xi32, #tpu.memory_space<hbm>>
        tpu.enqueue_dma source(%dma_start3A_396 : memref<3200xi32, #tpu.memory_space<hbm>>) target(%arg22 : memref<3200xi32, #tpu.memory_space<vmem>>) target_semaphore(%arg26 : memref<!tpu.dma_semaphore, #tpu.memory_space<semaphore_mem>>)
        %mul3A_397 = arith.constant 3200 : i32
        %mul3A_398 = arith.muli %add3A_388, %mul3A_397 : i32
        %dma_start3A_399 = tpu.memref_slice %arg5[%mul3A_398] : memref<320000xf32, #tpu.memory_space<hbm>> -> memref<3200xf32, #tpu.memory_space<hbm>>
        %dma_start3A_400 = tpu.memref_slice %arg5[%mul3A_398] : memref<320000xf32, #tpu.memory_space<hbm>> -> memref<3200xf32, #tpu.memory_space<hbm>>
        tpu.enqueue_dma source(%dma_start3A_400 : memref<3200xf32, #tpu.memory_space<hbm>>) target(%arg24 : memref<3200xf32, #tpu.memory_space<vmem>>) target_semaphore(%arg26 : memref<!tpu.dma_semaphore, #tpu.memory_space<semaphore_mem>>)
      } else {
      }
      %parallel_loop3A_357 = arith.constant 0 : i32
      %parallel_loop3A_358 = arith.constant 200 : i32
      %parallel_loop3A_359 = arith.constant 1 : i32
      scf.for %parallel_loop3A_387 = %parallel_loop3A_357 to %parallel_loop3A_358 step %parallel_loop3A_359  : i32 {
        %parallel_loop3A_388 = arith.constant 16 : i32
        %parallel_loop3A_389 = arith.muli %parallel_loop3A_387, %parallel_loop3A_388 : i32
        %parallel_loop3A_390 = arith.index_cast %parallel_loop3A_389 : i32 to index
        %parallel_loop3A_391 = tpu.vector_load %arg19[%parallel_loop3A_390] {strides = array<i32>} : memref<3200xi32, #tpu.memory_space<vmem>>, vector<16xi32>,
        %parallel_loop3A_392 = arith.constant 16 : i32
        %parallel_loop3A_393 = arith.muli %parallel_loop3A_387, %parallel_loop3A_392 : i32
        %parallel_loop3A_394 = arith.index_cast %parallel_loop3A_393 : i32 to index
        %parallel_loop3A_395 = tpu.vector_load %arg21[%parallel_loop3A_394] {strides = array<i32>} : memref<3200xi32, #tpu.memory_space<vmem>>, vector<16xi32>,
        %parallel_loop3A_396 = arith.constant 16 : i32
        %parallel_loop3A_397 = arith.muli %parallel_loop3A_387, %parallel_loop3A_396 : i32
        %parallel_loop3A_398 = arith.index_cast %parallel_loop3A_397 : i32 to index
        %parallel_loop3A_399 = tpu.vector_load %arg23[%parallel_loop3A_398] {strides = array<i32>} : memref<3200xf32, #tpu.memory_space<vmem>>, vector<16xf32>,
        %parallel_loop3A_400 = tpu.vector_load_idx %arg11[%parallel_loop3A_391] : memref<10000xf32, #tpu.memory_space<vmem>>[vector<16xi32>], vector<16xf32>,
        %parallel_loop3A_401 = arith.mulf %parallel_loop3A_400, %parallel_loop3A_399 : vector<16xf32>
        tpu.vector_store_idx %arg15[%parallel_loop3A_395], %parallel_loop3A_401 {add = true} : memref<10000xf32, #tpu.memory_space<vmem>>[vector<16xi32>], vector<16xf32>,
        %parallel_loop3A_402 = tpu.vector_load_idx %arg12[%parallel_loop3A_391] : memref<10000xf32, #tpu.memory_space<vmem>>[vector<16xi32>], vector<16xf32>,
        %parallel_loop3A_403 = arith.mulf %parallel_loop3A_402, %parallel_loop3A_399 : vector<16xf32>
        tpu.vector_store_idx %arg16[%parallel_loop3A_395], %parallel_loop3A_403 {add = true} : memref<10000xf32, #tpu.memory_space<vmem>>[vector<16xi32>], vector<16xf32>,
        %parallel_loop3A_404 = tpu.vector_load_idx %arg13[%parallel_loop3A_391] : memref<10000xf32, #tpu.memory_space<vmem>>[vector<16xi32>], vector<16xf32>,
        %parallel_loop3A_405 = arith.mulf %parallel_loop3A_404, %parallel_loop3A_399 : vector<16xf32>
        tpu.vector_store_idx %arg17[%parallel_loop3A_395], %parallel_loop3A_405 {add = true} : memref<10000xf32, #tpu.memory_space<vmem>>[vector<16xi32>], vector<16xf32>,
        %parallel_loop3A_406 = tpu.vector_load_idx %arg14[%parallel_loop3A_391] : memref<10000xf32, #tpu.memory_space<vmem>>[vector<16xi32>], vector<16xf32>,
        %parallel_loop3A_407 = arith.mulf %parallel_loop3A_406, %parallel_loop3A_399 : vector<16xf32>
        tpu.vector_store_idx %arg18[%parallel_loop3A_395], %parallel_loop3A_407 {add = true} : memref<10000xf32, #tpu.memory_space<vmem>>[vector<16xi32>], vector<16xf32>,
      } {sc.loop_unroll_factor = 4 : i64, sc.parallel_access}
      %mul3A_360 = arith.constant 2 : i32
      %mul3A_361 = arith.muli %scan3A_335, %mul3A_360 : i32
      %add3A_362 = arith.constant 1 : i32
      %add3A_363 = arith.addi %mul3A_361, %add3A_362 : i32
      %mul3A_364 = arith.constant 3200 : i32
      %mul3A_365 = arith.muli %add3A_363, %mul3A_364 : i32
      %dma_wait3A_366 = tpu.memref_slice %arg3[%mul3A_365] : memref<320000xi32, #tpu.memory_space<hbm>> -> memref<3200xi32, #tpu.memory_space<hbm>>
      %dma_wait3A_367 = tpu.memref_slice %arg3[%mul3A_365] : memref<320000xi32, #tpu.memory_space<hbm>> -> memref<3200xi32, #tpu.memory_space<hbm>>
      tpu.wait_dma2 semaphore(%arg26 : memref<!tpu.dma_semaphore, #tpu.memory_space<semaphore_mem>>) src(%dma_wait3A_367 : memref<3200xi32, #tpu.memory_space<hbm>>) dst(%arg20 : memref<3200xi32, #tpu.memory_space<vmem>>)
      %mul3A_368 = arith.constant 3200 : i32
      %mul3A_369 = arith.muli %add3A_363, %mul3A_368 : i32
      %dma_wait3A_370 = tpu.memref_slice %arg4[%mul3A_369] : memref<320000xi32, #tpu.memory_space<hbm>> -> memref<3200xi32, #tpu.memory_space<hbm>>
      %dma_wait3A_371 = tpu.memref_slice %arg4[%mul3A_369] : memref<320000xi32, #tpu.memory_space<hbm>> -> memref<3200xi32, #tpu.memory_space<hbm>>
      tpu.wait_dma2 semaphore(%arg26 : memref<!tpu.dma_semaphore, #tpu.memory_space<semaphore_mem>>) src(%dma_wait3A_371 : memref<3200xi32, #tpu.memory_space<hbm>>) dst(%arg22 : memref<3200xi32, #tpu.memory_space<vmem>>)
      %mul3A_372 = arith.constant 3200 : i32
      %mul3A_373 = arith.muli %add3A_363, %mul3A_372 : i32
      %dma_wait3A_374 = tpu.memref_slice %arg5[%mul3A_373] : memref<320000xf32, #tpu.memory_space<hbm>> -> memref<3200xf32, #tpu.memory_space<hbm>>
      %dma_wait3A_375 = tpu.memref_slice %arg5[%mul3A_373] : memref<320000xf32, #tpu.memory_space<hbm>> -> memref<3200xf32, #tpu.memory_space<hbm>>
      tpu.wait_dma2 semaphore(%arg26 : memref<!tpu.dma_semaphore, #tpu.memory_space<semaphore_mem>>) src(%dma_wait3A_375 : memref<3200xf32, #tpu.memory_space<hbm>>) dst(%arg24 : memref<3200xf32, #tpu.memory_space<vmem>>)
      %add3A_376 = arith.constant 1 : i32
      %add3A_377 = arith.addi %add3A_363, %add3A_376 : i32
      %lt3A_378 = arith.constant 100 : i32
      %lt3A_379 = arith.cmpi slt, %add3A_377, %lt3A_378 : i32
      %convert_element_type3A_380 = arith.extui %lt3A_379 : i1 to i32
      %cond3A_381 = arith.constant 0 : i32
      %cond3A_382 = arith.cmpi ne, %convert_element_type3A_380, %cond3A_381 : i32
      scf.if %cond3A_382 {
        %add3A_387 = arith.constant 1 : i32
        %add3A_388 = arith.addi %add3A_363, %add3A_387 : i32
        %mul3A_389 = arith.constant 3200 : i32
        %mul3A_390 = arith.muli %add3A_388, %mul3A_389 : i32
        %dma_start3A_391 = tpu.memref_slice %arg3[%mul3A_390] : memref<320000xi32, #tpu.memory_space<hbm>> -> memref<3200xi32, #tpu.memory_space<hbm>>
        %dma_start3A_392 = tpu.memref_slice %arg3[%mul3A_390] : memref<320000xi32, #tpu.memory_space<hbm>> -> memref<3200xi32, #tpu.memory_space<hbm>>
        tpu.enqueue_dma source(%dma_start3A_392 : memref<3200xi32, #tpu.memory_space<hbm>>) target(%arg19 : memref<3200xi32, #tpu.memory_space<vmem>>) target_semaphore(%arg25 : memref<!tpu.dma_semaphore, #tpu.memory_space<semaphore_mem>>)
        %mul3A_393 = arith.constant 3200 : i32
        %mul3A_394 = arith.muli %add3A_388, %mul3A_393 : i32
        %dma_start3A_395 = tpu.memref_slice %arg4[%mul3A_394] : memref<320000xi32, #tpu.memory_space<hbm>> -> memref<3200xi32, #tpu.memory_space<hbm>>
        %dma_start3A_396 = tpu.memref_slice %arg4[%mul3A_394] : memref<320000xi32, #tpu.memory_space<hbm>> -> memref<3200xi32, #tpu.memory_space<hbm>>
        tpu.enqueue_dma source(%dma_start3A_396 : memref<3200xi32, #tpu.memory_space<hbm>>) target(%arg21 : memref<3200xi32, #tpu.memory_space<vmem>>) target_semaphore(%arg25 : memref<!tpu.dma_semaphore, #tpu.memory_space<semaphore_mem>>)
        %mul3A_397 = arith.constant 3200 : i32
        %mul3A_398 = arith.muli %add3A_388, %mul3A_397 : i32
        %dma_start3A_399 = tpu.memref_slice %arg5[%mul3A_398] : memref<320000xf32, #tpu.memory_space<hbm>> -> memref<3200xf32, #tpu.memory_space<hbm>>
        %dma_start3A_400 = tpu.memref_slice %arg5[%mul3A_398] : memref<320000xf32, #tpu.memory_space<hbm>> -> memref<3200xf32, #tpu.memory_space<hbm>>
        tpu.enqueue_dma source(%dma_start3A_400 : memref<3200xf32, #tpu.memory_space<hbm>>) target(%arg23 : memref<3200xf32, #tpu.memory_space<vmem>>) target_semaphore(%arg25 : memref<!tpu.dma_semaphore, #tpu.memory_space<semaphore_mem>>)
      } else {
      }
      %parallel_loop3A_383 = arith.constant 0 : i32
      %parallel_loop3A_384 = arith.constant 200 : i32
      %parallel_loop3A_385 = arith.constant 1 : i32
      scf.for %parallel_loop3A_387 = %parallel_loop3A_383 to %parallel_loop3A_384 step %parallel_loop3A_385  : i32 {
        %parallel_loop3A_388 = arith.constant 16 : i32
        %parallel_loop3A_389 = arith.muli %parallel_loop3A_387, %parallel_loop3A_388 : i32
        %parallel_loop3A_390 = arith.index_cast %parallel_loop3A_389 : i32 to index
        %parallel_loop3A_391 = tpu.vector_load %arg20[%parallel_loop3A_390] {strides = array<i32>} : memref<3200xi32, #tpu.memory_space<vmem>>, vector<16xi32>,
        %parallel_loop3A_392 = arith.constant 16 : i32
        %parallel_loop3A_393 = arith.muli %parallel_loop3A_387, %parallel_loop3A_392 : i32
        %parallel_loop3A_394 = arith.index_cast %parallel_loop3A_393 : i32 to index
        %parallel_loop3A_395 = tpu.vector_load %arg22[%parallel_loop3A_394] {strides = array<i32>} : memref<3200xi32, #tpu.memory_space<vmem>>, vector<16xi32>,
        %parallel_loop3A_396 = arith.constant 16 : i32
        %parallel_loop3A_397 = arith.muli %parallel_loop3A_387, %parallel_loop3A_396 : i32
        %parallel_loop3A_398 = arith.index_cast %parallel_loop3A_397 : i32 to index
        %parallel_loop3A_399 = tpu.vector_load %arg24[%parallel_loop3A_398] {strides = array<i32>} : memref<3200xf32, #tpu.memory_space<vmem>>, vector<16xf32>,
        %parallel_loop3A_400 = tpu.vector_load_idx %arg11[%parallel_loop3A_391] : memref<10000xf32, #tpu.memory_space<vmem>>[vector<16xi32>], vector<16xf32>,
        %parallel_loop3A_401 = arith.mulf %parallel_loop3A_400, %parallel_loop3A_399 : vector<16xf32>
        tpu.vector_store_idx %arg15[%parallel_loop3A_395], %parallel_loop3A_401 {add = true} : memref<10000xf32, #tpu.memory_space<vmem>>[vector<16xi32>], vector<16xf32>,
        %parallel_loop3A_402 = tpu.vector_load_idx %arg12[%parallel_loop3A_391] : memref<10000xf32, #tpu.memory_space<vmem>>[vector<16xi32>], vector<16xf32>,
        %parallel_loop3A_403 = arith.mulf %parallel_loop3A_402, %parallel_loop3A_399 : vector<16xf32>
        tpu.vector_store_idx %arg16[%parallel_loop3A_395], %parallel_loop3A_403 {add = true} : memref<10000xf32, #tpu.memory_space<vmem>>[vector<16xi32>], vector<16xf32>,
        %parallel_loop3A_404 = tpu.vector_load_idx %arg13[%parallel_loop3A_391] : memref<10000xf32, #tpu.memory_space<vmem>>[vector<16xi32>], vector<16xf32>,
        %parallel_loop3A_405 = arith.mulf %parallel_loop3A_404, %parallel_loop3A_399 : vector<16xf32>
        tpu.vector_store_idx %arg17[%parallel_loop3A_395], %parallel_loop3A_405 {add = true} : memref<10000xf32, #tpu.memory_space<vmem>>[vector<16xi32>], vector<16xf32>,
        %parallel_loop3A_406 = tpu.vector_load_idx %arg14[%parallel_loop3A_391] : memref<10000xf32, #tpu.memory_space<vmem>>[vector<16xi32>], vector<16xf32>,
        %parallel_loop3A_407 = arith.mulf %parallel_loop3A_406, %parallel_loop3A_399 : vector<16xf32>
        tpu.vector_store_idx %arg18[%parallel_loop3A_395], %parallel_loop3A_407 {add = true} : memref<10000xf32, #tpu.memory_space<vmem>>[vector<16xi32>], vector<16xf32>,
      } {sc.loop_unroll_factor = 4 : i64, sc.parallel_access}
      %scan3A_386 = arith.constant 0 : i32
      scf.yield %scan3A_386 : i32
    }
    %scan3A_100 = arith.constant 50 : i32
    %add3A_101 = arith.constant 0 : i32
    %add3A_102 = arith.addi %add3A_4, %add3A_101 : i32
    %dma_start3A_103 = arith.constant 0 : i32
    %dma_start3A_104 = tpu.memref_slice %arg8[%add3A_102, %dma_start3A_103] : memref<256x10000xf32, #tpu.memory_space<hbm>> -> memref<1x10000xf32, #tpu.memory_space<hbm>>
    %dma_start3A_105 = tpu.memref_squeeze %dma_start3A_104 : memref<1x10000xf32, #tpu.memory_space<hbm>> -> memref<10000xf32, #tpu.memory_space<hbm>>
    %dma_start3A_106 = arith.constant 0 : i32
    %dma_start3A_107 = tpu.memref_slice %arg8[%add3A_102, %dma_start3A_106] : memref<256x10000xf32, #tpu.memory_space<hbm>> -> memref<1x10000xf32, #tpu.memory_space<hbm>>
    %dma_start3A_108 = tpu.memref_squeeze %dma_start3A_107 : memref<1x10000xf32, #tpu.memory_space<hbm>> -> memref<10000xf32, #tpu.memory_space<hbm>>
    tpu.enqueue_dma source(%arg15 : memref<10000xf32, #tpu.memory_space<vmem>>) target(%dma_start3A_108 : memref<10000xf32, #tpu.memory_space<hbm>>) target_semaphore(%arg27 : memref<!tpu.dma_semaphore, #tpu.memory_space<semaphore_mem>>)
    %add3A_109 = arith.constant 1 : i32
    %add3A_110 = arith.addi %add3A_4, %add3A_109 : i32
    %dma_start3A_111 = arith.constant 0 : i32
    %dma_start3A_112 = tpu.memref_slice %arg8[%add3A_110, %dma_start3A_111] : memref<256x10000xf32, #tpu.memory_space<hbm>> -> memref<1x10000xf32, #tpu.memory_space<hbm>>
    %dma_start3A_113 = tpu.memref_squeeze %dma_start3A_112 : memref<1x10000xf32, #tpu.memory_space<hbm>> -> memref<10000xf32, #tpu.memory_space<hbm>>
    %dma_start3A_114 = arith.constant 0 : i32
    %dma_start3A_115 = tpu.memref_slice %arg8[%add3A_110, %dma_start3A_114] : memref<256x10000xf32, #tpu.memory_space<hbm>> -> memref<1x10000xf32, #tpu.memory_space<hbm>>
    %dma_start3A_116 = tpu.memref_squeeze %dma_start3A_115 : memref<1x10000xf32, #tpu.memory_space<hbm>> -> memref<10000xf32, #tpu.memory_space<hbm>>
    tpu.enqueue_dma source(%arg16 : memref<10000xf32, #tpu.memory_space<vmem>>) target(%dma_start3A_116 : memref<10000xf32, #tpu.memory_space<hbm>>) target_semaphore(%arg27 : memref<!tpu.dma_semaphore, #tpu.memory_space<semaphore_mem>>)
    %add3A_117 = arith.constant 2 : i32
    %add3A_118 = arith.addi %add3A_4, %add3A_117 : i32
    %dma_start3A_119 = arith.constant 0 : i32
    %dma_start3A_120 = tpu.memref_slice %arg8[%add3A_118, %dma_start3A_119] : memref<256x10000xf32, #tpu.memory_space<hbm>> -> memref<1x10000xf32, #tpu.memory_space<hbm>>
    %dma_start3A_121 = tpu.memref_squeeze %dma_start3A_120 : memref<1x10000xf32, #tpu.memory_space<hbm>> -> memref<10000xf32, #tpu.memory_space<hbm>>
    %dma_start3A_122 = arith.constant 0 : i32
    %dma_start3A_123 = tpu.memref_slice %arg8[%add3A_118, %dma_start3A_122] : memref<256x10000xf32, #tpu.memory_space<hbm>> -> memref<1x10000xf32, #tpu.memory_space<hbm>>
    %dma_start3A_124 = tpu.memref_squeeze %dma_start3A_123 : memref<1x10000xf32, #tpu.memory_space<hbm>> -> memref<10000xf32, #tpu.memory_space<hbm>>
    tpu.enqueue_dma source(%arg17 : memref<10000xf32, #tpu.memory_space<vmem>>) target(%dma_start3A_124 : memref<10000xf32, #tpu.memory_space<hbm>>) target_semaphore(%arg27 : memref<!tpu.dma_semaphore, #tpu.memory_space<semaphore_mem>>)
    %add3A_125 = arith.constant 3 : i32
    %add3A_126 = arith.addi %add3A_4, %add3A_125 : i32
    %dma_start3A_127 = arith.constant 0 : i32
    %dma_start3A_128 = tpu.memref_slice %arg8[%add3A_126, %dma_start3A_127] : memref<256x10000xf32, #tpu.memory_space<hbm>> -> memref<1x10000xf32, #tpu.memory_space<hbm>>
    %dma_start3A_129 = tpu.memref_squeeze %dma_start3A_128 : memref<1x10000xf32, #tpu.memory_space<hbm>> -> memref<10000xf32, #tpu.memory_space<hbm>>
    %dma_start3A_130 = arith.constant 0 : i32
    %dma_start3A_131 = tpu.memref_slice %arg8[%add3A_126, %dma_start3A_130] : memref<256x10000xf32, #tpu.memory_space<hbm>> -> memref<1x10000xf32, #tpu.memory_space<hbm>>
    %dma_start3A_132 = tpu.memref_squeeze %dma_start3A_131 : memref<1x10000xf32, #tpu.memory_space<hbm>> -> memref<10000xf32, #tpu.memory_space<hbm>>
    tpu.enqueue_dma source(%arg18 : memref<10000xf32, #tpu.memory_space<vmem>>) target(%dma_start3A_132 : memref<10000xf32, #tpu.memory_space<hbm>>) target_semaphore(%arg27 : memref<!tpu.dma_semaphore, #tpu.memory_space<semaphore_mem>>)
    %add3A_133 = arith.constant 0 : i32
    %add3A_134 = arith.addi %add3A_4, %add3A_133 : i32
    %dma_wait3A_135 = arith.constant 0 : i32
    %dma_wait3A_136 = tpu.memref_slice %arg8[%add3A_134, %dma_wait3A_135] : memref<256x10000xf32, #tpu.memory_space<hbm>> -> memref<1x10000xf32, #tpu.memory_space<hbm>>
    %dma_wait3A_137 = tpu.memref_squeeze %dma_wait3A_136 : memref<1x10000xf32, #tpu.memory_space<hbm>> -> memref<10000xf32, #tpu.memory_space<hbm>>
    %dma_wait3A_138 = arith.constant 0 : i32
    %dma_wait3A_139 = tpu.memref_slice %arg8[%add3A_134, %dma_wait3A_138] : memref<256x10000xf32, #tpu.memory_space<hbm>> -> memref<1x10000xf32, #tpu.memory_space<hbm>>
    %dma_wait3A_140 = tpu.memref_squeeze %dma_wait3A_139 : memref<1x10000xf32, #tpu.memory_space<hbm>> -> memref<10000xf32, #tpu.memory_space<hbm>>
    tpu.wait_dma2 semaphore(%arg27 : memref<!tpu.dma_semaphore, #tpu.memory_space<semaphore_mem>>) src(%arg15 : memref<10000xf32, #tpu.memory_space<vmem>>) dst(%dma_wait3A_140 : memref<10000xf32, #tpu.memory_space<hbm>>)
    %add3A_141 = arith.constant 1 : i32
    %add3A_142 = arith.addi %add3A_4, %add3A_141 : i32
    %dma_wait3A_143 = arith.constant 0 : i32
    %dma_wait3A_144 = tpu.memref_slice %arg8[%add3A_142, %dma_wait3A_143] : memref<256x10000xf32, #tpu.memory_space<hbm>> -> memref<1x10000xf32, #tpu.memory_space<hbm>>
    %dma_wait3A_145 = tpu.memref_squeeze %dma_wait3A_144 : memref<1x10000xf32, #tpu.memory_space<hbm>> -> memref<10000xf32, #tpu.memory_space<hbm>>
    %dma_wait3A_146 = arith.constant 0 : i32
    %dma_wait3A_147 = tpu.memref_slice %arg8[%add3A_142, %dma_wait3A_146] : memref<256x10000xf32, #tpu.memory_space<hbm>> -> memref<1x10000xf32, #tpu.memory_space<hbm>>
    %dma_wait3A_148 = tpu.memref_squeeze %dma_wait3A_147 : memref<1x10000xf32, #tpu.memory_space<hbm>> -> memref<10000xf32, #tpu.memory_space<hbm>>
    tpu.wait_dma2 semaphore(%arg27 : memref<!tpu.dma_semaphore, #tpu.memory_space<semaphore_mem>>) src(%arg16 : memref<10000xf32, #tpu.memory_space<vmem>>) dst(%dma_wait3A_148 : memref<10000xf32, #tpu.memory_space<hbm>>)
    %add3A_149 = arith.constant 2 : i32
    %add3A_150 = arith.addi %add3A_4, %add3A_149 : i32
    %dma_wait3A_151 = arith.constant 0 : i32
    %dma_wait3A_152 = tpu.memref_slice %arg8[%add3A_150, %dma_wait3A_151] : memref<256x10000xf32, #tpu.memory_space<hbm>> -> memref<1x10000xf32, #tpu.memory_space<hbm>>
    %dma_wait3A_153 = tpu.memref_squeeze %dma_wait3A_152 : memref<1x10000xf32, #tpu.memory_space<hbm>> -> memref<10000xf32, #tpu.memory_space<hbm>>
    %dma_wait3A_154 = arith.constant 0 : i32
    %dma_wait3A_155 = tpu.memref_slice %arg8[%add3A_150, %dma_wait3A_154] : memref<256x10000xf32, #tpu.memory_space<hbm>> -> memref<1x10000xf32, #tpu.memory_space<hbm>>
    %dma_wait3A_156 = tpu.memref_squeeze %dma_wait3A_155 : memref<1x10000xf32, #tpu.memory_space<hbm>> -> memref<10000xf32, #tpu.memory_space<hbm>>
    tpu.wait_dma2 semaphore(%arg27 : memref<!tpu.dma_semaphore, #tpu.memory_space<semaphore_mem>>) src(%arg17 : memref<10000xf32, #tpu.memory_space<vmem>>) dst(%dma_wait3A_156 : memref<10000xf32, #tpu.memory_space<hbm>>)
    %add3A_157 = arith.constant 3 : i32
    %add3A_158 = arith.addi %add3A_4, %add3A_157 : i32
    %dma_wait3A_159 = arith.constant 0 : i32
    %dma_wait3A_160 = tpu.memref_slice %arg8[%add3A_158, %dma_wait3A_159] : memref<256x10000xf32, #tpu.memory_space<hbm>> -> memref<1x10000xf32, #tpu.memory_space<hbm>>
    %dma_wait3A_161 = tpu.memref_squeeze %dma_wait3A_160 : memref<1x10000xf32, #tpu.memory_space<hbm>> -> memref<10000xf32, #tpu.memory_space<hbm>>
    %dma_wait3A_162 = arith.constant 0 : i32
    %dma_wait3A_163 = tpu.memref_slice %arg8[%add3A_158, %dma_wait3A_162] : memref<256x10000xf32, #tpu.memory_space<hbm>> -> memref<1x10000xf32, #tpu.memory_space<hbm>>
    %dma_wait3A_164 = tpu.memref_squeeze %dma_wait3A_163 : memref<1x10000xf32, #tpu.memory_space<hbm>> -> memref<10000xf32, #tpu.memory_space<hbm>>
    tpu.wait_dma2 semaphore(%arg27 : memref<!tpu.dma_semaphore, #tpu.memory_space<semaphore_mem>>) src(%arg18 : memref<10000xf32, #tpu.memory_space<vmem>>) dst(%dma_wait3A_164 : memref<10000xf32, #tpu.memory_space<hbm>>)
    %mul3A_165 = arith.constant 4 : i32
    %mul3A_166 = arith.muli %add3A, %mul3A_165 : i32
    %add3A_167 = arith.constant 128 : i32
    %add3A_168 = arith.addi %add3A_167, %mul3A_166 : i32
    %add3A_169 = arith.constant 0 : i32
    %add3A_170 = arith.addi %add3A_168, %add3A_169 : i32
    %dma_start3A_171 = arith.constant 0 : i32
    %dma_start3A_172 = tpu.memref_slice %arg2[%add3A_170, %dma_start3A_171] : memref<256x10000xf32, #tpu.memory_space<hbm>> -> memref<1x10000xf32, #tpu.memory_space<hbm>>
    %dma_start3A_173 = tpu.memref_squeeze %dma_start3A_172 : memref<1x10000xf32, #tpu.memory_space<hbm>> -> memref<10000xf32, #tpu.memory_space<hbm>>
    %dma_start3A_174 = arith.constant 0 : i32
    %dma_start3A_175 = tpu.memref_slice %arg2[%add3A_170, %dma_start3A_174] : memref<256x10000xf32, #tpu.memory_space<hbm>> -> memref<1x10000xf32, #tpu.memory_space<hbm>>
    %dma_start3A_176 = tpu.memref_squeeze %dma_start3A_175 : memref<1x10000xf32, #tpu.memory_space<hbm>> -> memref<10000xf32, #tpu.memory_space<hbm>>
    tpu.enqueue_dma source(%dma_start3A_176 : memref<10000xf32, #tpu.memory_space<hbm>>) target(%arg11 : memref<10000xf32, #tpu.memory_space<vmem>>) target_semaphore(%arg27 : memref<!tpu.dma_semaphore, #tpu.memory_space<semaphore_mem>>)
    %add3A_177 = arith.constant 1 : i32
    %add3A_178 = arith.addi %add3A_168, %add3A_177 : i32
    %dma_start3A_179 = arith.constant 0 : i32
    %dma_start3A_180 = tpu.memref_slice %arg2[%add3A_178, %dma_start3A_179] : memref<256x10000xf32, #tpu.memory_space<hbm>> -> memref<1x10000xf32, #tpu.memory_space<hbm>>
    %dma_start3A_181 = tpu.memref_squeeze %dma_start3A_180 : memref<1x10000xf32, #tpu.memory_space<hbm>> -> memref<10000xf32, #tpu.memory_space<hbm>>
    %dma_start3A_182 = arith.constant 0 : i32
    %dma_start3A_183 = tpu.memref_slice %arg2[%add3A_178, %dma_start3A_182] : memref<256x10000xf32, #tpu.memory_space<hbm>> -> memref<1x10000xf32, #tpu.memory_space<hbm>>
    %dma_start3A_184 = tpu.memref_squeeze %dma_start3A_183 : memref<1x10000xf32, #tpu.memory_space<hbm>> -> memref<10000xf32, #tpu.memory_space<hbm>>
    tpu.enqueue_dma source(%dma_start3A_184 : memref<10000xf32, #tpu.memory_space<hbm>>) target(%arg12 : memref<10000xf32, #tpu.memory_space<vmem>>) target_semaphore(%arg27 : memref<!tpu.dma_semaphore, #tpu.memory_space<semaphore_mem>>)
    %add3A_185 = arith.constant 2 : i32
    %add3A_186 = arith.addi %add3A_168, %add3A_185 : i32
    %dma_start3A_187 = arith.constant 0 : i32
    %dma_start3A_188 = tpu.memref_slice %arg2[%add3A_186, %dma_start3A_187] : memref<256x10000xf32, #tpu.memory_space<hbm>> -> memref<1x10000xf32, #tpu.memory_space<hbm>>
    %dma_start3A_189 = tpu.memref_squeeze %dma_start3A_188 : memref<1x10000xf32, #tpu.memory_space<hbm>> -> memref<10000xf32, #tpu.memory_space<hbm>>
    %dma_start3A_190 = arith.constant 0 : i32
    %dma_start3A_191 = tpu.memref_slice %arg2[%add3A_186, %dma_start3A_190] : memref<256x10000xf32, #tpu.memory_space<hbm>> -> memref<1x10000xf32, #tpu.memory_space<hbm>>
    %dma_start3A_192 = tpu.memref_squeeze %dma_start3A_191 : memref<1x10000xf32, #tpu.memory_space<hbm>> -> memref<10000xf32, #tpu.memory_space<hbm>>
    tpu.enqueue_dma source(%dma_start3A_192 : memref<10000xf32, #tpu.memory_space<hbm>>) target(%arg13 : memref<10000xf32, #tpu.memory_space<vmem>>) target_semaphore(%arg27 : memref<!tpu.dma_semaphore, #tpu.memory_space<semaphore_mem>>)
    %add3A_193 = arith.constant 3 : i32
    %add3A_194 = arith.addi %add3A_168, %add3A_193 : i32
    %dma_start3A_195 = arith.constant 0 : i32
    %dma_start3A_196 = tpu.memref_slice %arg2[%add3A_194, %dma_start3A_195] : memref<256x10000xf32, #tpu.memory_space<hbm>> -> memref<1x10000xf32, #tpu.memory_space<hbm>>
    %dma_start3A_197 = tpu.memref_squeeze %dma_start3A_196 : memref<1x10000xf32, #tpu.memory_space<hbm>> -> memref<10000xf32, #tpu.memory_space<hbm>>
    %dma_start3A_198 = arith.constant 0 : i32
    %dma_start3A_199 = tpu.memref_slice %arg2[%add3A_194, %dma_start3A_198] : memref<256x10000xf32, #tpu.memory_space<hbm>> -> memref<1x10000xf32, #tpu.memory_space<hbm>>
    %dma_start3A_200 = tpu.memref_squeeze %dma_start3A_199 : memref<1x10000xf32, #tpu.memory_space<hbm>> -> memref<10000xf32, #tpu.memory_space<hbm>>
    tpu.enqueue_dma source(%dma_start3A_200 : memref<10000xf32, #tpu.memory_space<hbm>>) target(%arg14 : memref<10000xf32, #tpu.memory_space<vmem>>) target_semaphore(%arg27 : memref<!tpu.dma_semaphore, #tpu.memory_space<semaphore_mem>>)
    %add3A_201 = arith.constant 0 : i32
    %add3A_202 = arith.addi %add3A_168, %add3A_201 : i32
    %dma_wait3A_203 = arith.constant 0 : i32
    %dma_wait3A_204 = tpu.memref_slice %arg2[%add3A_202, %dma_wait3A_203] : memref<256x10000xf32, #tpu.memory_space<hbm>> -> memref<1x10000xf32, #tpu.memory_space<hbm>>
    %dma_wait3A_205 = tpu.memref_squeeze %dma_wait3A_204 : memref<1x10000xf32, #tpu.memory_space<hbm>> -> memref<10000xf32, #tpu.memory_space<hbm>>
    %dma_wait3A_206 = arith.constant 0 : i32
    %dma_wait3A_207 = tpu.memref_slice %arg2[%add3A_202, %dma_wait3A_206] : memref<256x10000xf32, #tpu.memory_space<hbm>> -> memref<1x10000xf32, #tpu.memory_space<hbm>>
    %dma_wait3A_208 = tpu.memref_squeeze %dma_wait3A_207 : memref<1x10000xf32, #tpu.memory_space<hbm>> -> memref<10000xf32, #tpu.memory_space<hbm>>
    tpu.wait_dma2 semaphore(%arg27 : memref<!tpu.dma_semaphore, #tpu.memory_space<semaphore_mem>>) src(%dma_wait3A_208 : memref<10000xf32, #tpu.memory_space<hbm>>) dst(%arg11 : memref<10000xf32, #tpu.memory_space<vmem>>)
    %add3A_209 = arith.constant 1 : i32
    %add3A_210 = arith.addi %add3A_168, %add3A_209 : i32
    %dma_wait3A_211 = arith.constant 0 : i32
    %dma_wait3A_212 = tpu.memref_slice %arg2[%add3A_210, %dma_wait3A_211] : memref<256x10000xf32, #tpu.memory_space<hbm>> -> memref<1x10000xf32, #tpu.memory_space<hbm>>
    %dma_wait3A_213 = tpu.memref_squeeze %dma_wait3A_212 : memref<1x10000xf32, #tpu.memory_space<hbm>> -> memref<10000xf32, #tpu.memory_space<hbm>>
    %dma_wait3A_214 = arith.constant 0 : i32
    %dma_wait3A_215 = tpu.memref_slice %arg2[%add3A_210, %dma_wait3A_214] : memref<256x10000xf32, #tpu.memory_space<hbm>> -> memref<1x10000xf32, #tpu.memory_space<hbm>>
    %dma_wait3A_216 = tpu.memref_squeeze %dma_wait3A_215 : memref<1x10000xf32, #tpu.memory_space<hbm>> -> memref<10000xf32, #tpu.memory_space<hbm>>
    tpu.wait_dma2 semaphore(%arg27 : memref<!tpu.dma_semaphore, #tpu.memory_space<semaphore_mem>>) src(%dma_wait3A_216 : memref<10000xf32, #tpu.memory_space<hbm>>) dst(%arg12 : memref<10000xf32, #tpu.memory_space<vmem>>)
    %add3A_217 = arith.constant 2 : i32
    %add3A_218 = arith.addi %add3A_168, %add3A_217 : i32
    %dma_wait3A_219 = arith.constant 0 : i32
    %dma_wait3A_220 = tpu.memref_slice %arg2[%add3A_218, %dma_wait3A_219] : memref<256x10000xf32, #tpu.memory_space<hbm>> -> memref<1x10000xf32, #tpu.memory_space<hbm>>
    %dma_wait3A_221 = tpu.memref_squeeze %dma_wait3A_220 : memref<1x10000xf32, #tpu.memory_space<hbm>> -> memref<10000xf32, #tpu.memory_space<hbm>>
    %dma_wait3A_222 = arith.constant 0 : i32
    %dma_wait3A_223 = tpu.memref_slice %arg2[%add3A_218, %dma_wait3A_222] : memref<256x10000xf32, #tpu.memory_space<hbm>> -> memref<1x10000xf32, #tpu.memory_space<hbm>>
    %dma_wait3A_224 = tpu.memref_squeeze %dma_wait3A_223 : memref<1x10000xf32, #tpu.memory_space<hbm>> -> memref<10000xf32, #tpu.memory_space<hbm>>
    tpu.wait_dma2 semaphore(%arg27 : memref<!tpu.dma_semaphore, #tpu.memory_space<semaphore_mem>>) src(%dma_wait3A_224 : memref<10000xf32, #tpu.memory_space<hbm>>) dst(%arg13 : memref<10000xf32, #tpu.memory_space<vmem>>)
    %add3A_225 = arith.constant 3 : i32
    %add3A_226 = arith.addi %add3A_168, %add3A_225 : i32
    %dma_wait3A_227 = arith.constant 0 : i32
    %dma_wait3A_228 = tpu.memref_slice %arg2[%add3A_226, %dma_wait3A_227] : memref<256x10000xf32, #tpu.memory_space<hbm>> -> memref<1x10000xf32, #tpu.memory_space<hbm>>
    %dma_wait3A_229 = tpu.memref_squeeze %dma_wait3A_228 : memref<1x10000xf32, #tpu.memory_space<hbm>> -> memref<10000xf32, #tpu.memory_space<hbm>>
    %dma_wait3A_230 = arith.constant 0 : i32
    %dma_wait3A_231 = tpu.memref_slice %arg2[%add3A_226, %dma_wait3A_230] : memref<256x10000xf32, #tpu.memory_space<hbm>> -> memref<1x10000xf32, #tpu.memory_space<hbm>>
    %dma_wait3A_232 = tpu.memref_squeeze %dma_wait3A_231 : memref<1x10000xf32, #tpu.memory_space<hbm>> -> memref<10000xf32, #tpu.memory_space<hbm>>
    tpu.wait_dma2 semaphore(%arg27 : memref<!tpu.dma_semaphore, #tpu.memory_space<semaphore_mem>>) src(%dma_wait3A_232 : memref<10000xf32, #tpu.memory_space<hbm>>) dst(%arg14 : memref<10000xf32, #tpu.memory_space<vmem>>)
    %add3A_233 = arith.constant 0 : i32
    %add3A_234 = arith.addi %add3A_168, %add3A_233 : i32
    %broadcast_in_dim3A_235 = vector.broadcast %add3A_234 : i32 to vector<16xi32>
    %gather3A_236 = tpu.vector_load_idx %arg10[%broadcast_in_dim3A_235] : memref<256xf32, #tpu.memory_space<vmem>>[vector<16xi32>], vector<16xf32>,
    %add3A_237 = arith.constant 1 : i32
    %add3A_238 = arith.addi %add3A_168, %add3A_237 : i32
    %broadcast_in_dim3A_239 = vector.broadcast %add3A_238 : i32 to vector<16xi32>
    %gather3A_240 = tpu.vector_load_idx %arg10[%broadcast_in_dim3A_239] : memref<256xf32, #tpu.memory_space<vmem>>[vector<16xi32>], vector<16xf32>,
    %add3A_241 = arith.constant 2 : i32
    %add3A_242 = arith.addi %add3A_168, %add3A_241 : i32
    %broadcast_in_dim3A_243 = vector.broadcast %add3A_242 : i32 to vector<16xi32>
    %gather3A_244 = tpu.vector_load_idx %arg10[%broadcast_in_dim3A_243] : memref<256xf32, #tpu.memory_space<vmem>>[vector<16xi32>], vector<16xf32>,
    %add3A_245 = arith.constant 3 : i32
    %add3A_246 = arith.addi %add3A_168, %add3A_245 : i32
    %broadcast_in_dim3A_247 = vector.broadcast %add3A_246 : i32 to vector<16xi32>
    %gather3A_248 = tpu.vector_load_idx %arg10[%broadcast_in_dim3A_247] : memref<256xf32, #tpu.memory_space<vmem>>[vector<16xi32>], vector<16xf32>,
    %parallel_loop3A_249 = arith.constant 0 : i32
    %parallel_loop3A_250 = arith.constant 625 : i32
    %parallel_loop3A_251 = arith.constant 1 : i32
    scf.for %parallel_loop3A_335 = %parallel_loop3A_249 to %parallel_loop3A_250 step %parallel_loop3A_251  : i32 {
      %parallel_loop3A_336 = arith.constant 16 : i32
      %parallel_loop3A_337 = arith.muli %parallel_loop3A_335, %parallel_loop3A_336 : i32
      %parallel_loop3A_338 = arith.index_cast %parallel_loop3A_337 : i32 to index
      %parallel_loop3A_339 = tpu.vector_load %arg9[%parallel_loop3A_338] {strides = array<i32>} : memref<10240xf32, #tpu.memory_space<vmem>>, vector<16xf32>,
      %parallel_loop3A_340 = arith.mulf %parallel_loop3A_339, %parallel_loop3A_339 : vector<16xf32>
      %parallel_loop3A_341 = arith.constant 16 : i32
      %parallel_loop3A_342 = arith.muli %parallel_loop3A_335, %parallel_loop3A_341 : i32
      %parallel_loop3A_343 = arith.index_cast %parallel_loop3A_342 : i32 to index
      %parallel_loop3A_344 = tpu.vector_load %arg11[%parallel_loop3A_343] {strides = array<i32>} : memref<10000xf32, #tpu.memory_space<vmem>>, vector<16xf32>,
      %parallel_loop3A_345 = arith.mulf %parallel_loop3A_344, %parallel_loop3A_340 : vector<16xf32>
      %parallel_loop3A_346 = arith.addf %parallel_loop3A_345, %gather3A_236 : vector<16xf32>
      %parallel_loop3A_347 = arith.constant 16 : i32
      %parallel_loop3A_348 = arith.muli %parallel_loop3A_335, %parallel_loop3A_347 : i32
      %parallel_loop3A_349 = arith.index_cast %parallel_loop3A_348 : i32 to index
      %parallel_loop3A_350 = tpu.vector_load %arg15[%parallel_loop3A_349] {strides = array<i32>} : memref<10000xf32, #tpu.memory_space<vmem>>, vector<16xf32>,
      tpu.vector_store %arg15[%parallel_loop3A_349], %parallel_loop3A_346 {strides = array<i32>} : memref<10000xf32, #tpu.memory_space<vmem>>, vector<16xf32>,
      %parallel_loop3A_351 = arith.constant 16 : i32
      %parallel_loop3A_352 = arith.muli %parallel_loop3A_335, %parallel_loop3A_351 : i32
      %parallel_loop3A_353 = arith.index_cast %parallel_loop3A_352 : i32 to index
      %parallel_loop3A_354 = tpu.vector_load %arg12[%parallel_loop3A_353] {strides = array<i32>} : memref<10000xf32, #tpu.memory_space<vmem>>, vector<16xf32>,
      %parallel_loop3A_355 = arith.mulf %parallel_loop3A_354, %parallel_loop3A_340 : vector<16xf32>
      %parallel_loop3A_356 = arith.addf %parallel_loop3A_355, %gather3A_240 : vector<16xf32>
      %parallel_loop3A_357 = arith.constant 16 : i32
      %parallel_loop3A_358 = arith.muli %parallel_loop3A_335, %parallel_loop3A_357 : i32
      %parallel_loop3A_359 = arith.index_cast %parallel_loop3A_358 : i32 to index
      %parallel_loop3A_360 = tpu.vector_load %arg16[%parallel_loop3A_359] {strides = array<i32>} : memref<10000xf32, #tpu.memory_space<vmem>>, vector<16xf32>,
      tpu.vector_store %arg16[%parallel_loop3A_359], %parallel_loop3A_356 {strides = array<i32>} : memref<10000xf32, #tpu.memory_space<vmem>>, vector<16xf32>,
      %parallel_loop3A_361 = arith.constant 16 : i32
      %parallel_loop3A_362 = arith.muli %parallel_loop3A_335, %parallel_loop3A_361 : i32
      %parallel_loop3A_363 = arith.index_cast %parallel_loop3A_362 : i32 to index
      %parallel_loop3A_364 = tpu.vector_load %arg13[%parallel_loop3A_363] {strides = array<i32>} : memref<10000xf32, #tpu.memory_space<vmem>>, vector<16xf32>,
      %parallel_loop3A_365 = arith.mulf %parallel_loop3A_364, %parallel_loop3A_340 : vector<16xf32>
      %parallel_loop3A_366 = arith.addf %parallel_loop3A_365, %gather3A_244 : vector<16xf32>
      %parallel_loop3A_367 = arith.constant 16 : i32
      %parallel_loop3A_368 = arith.muli %parallel_loop3A_335, %parallel_loop3A_367 : i32
      %parallel_loop3A_369 = arith.index_cast %parallel_loop3A_368 : i32 to index
      %parallel_loop3A_370 = tpu.vector_load %arg17[%parallel_loop3A_369] {strides = array<i32>} : memref<10000xf32, #tpu.memory_space<vmem>>, vector<16xf32>,
      tpu.vector_store %arg17[%parallel_loop3A_369], %parallel_loop3A_366 {strides = array<i32>} : memref<10000xf32, #tpu.memory_space<vmem>>, vector<16xf32>,
      %parallel_loop3A_371 = arith.constant 16 : i32
      %parallel_loop3A_372 = arith.muli %parallel_loop3A_335, %parallel_loop3A_371 : i32
      %parallel_loop3A_373 = arith.index_cast %parallel_loop3A_372 : i32 to index
      %parallel_loop3A_374 = tpu.vector_load %arg14[%parallel_loop3A_373] {strides = array<i32>} : memref<10000xf32, #tpu.memory_space<vmem>>, vector<16xf32>,
      %parallel_loop3A_375 = arith.mulf %parallel_loop3A_374, %parallel_loop3A_340 : vector<16xf32>
      %parallel_loop3A_376 = arith.addf %parallel_loop3A_375, %gather3A_248 : vector<16xf32>
      %parallel_loop3A_377 = arith.constant 16 : i32
      %parallel_loop3A_378 = arith.muli %parallel_loop3A_335, %parallel_loop3A_377 : i32
      %parallel_loop3A_379 = arith.index_cast %parallel_loop3A_378 : i32 to index
      %parallel_loop3A_380 = tpu.vector_load %arg18[%parallel_loop3A_379] {strides = array<i32>} : memref<10000xf32, #tpu.memory_space<vmem>>, vector<16xf32>,
      tpu.vector_store %arg18[%parallel_loop3A_379], %parallel_loop3A_376 {strides = array<i32>} : memref<10000xf32, #tpu.memory_space<vmem>>, vector<16xf32>,
    } {sc.loop_unroll_factor = 4 : i64, sc.parallel_access}
    %dma_start3A_252 = arith.constant 0 : i32
    %dma_start3A_253 = tpu.memref_slice %arg3[%dma_start3A_252] : memref<320000xi32, #tpu.memory_space<hbm>> -> memref<3200xi32, #tpu.memory_space<hbm>>
    %dma_start3A_254 = arith.constant 0 : i32
    %dma_start3A_255 = tpu.memref_slice %arg3[%dma_start3A_254] : memref<320000xi32, #tpu.memory_space<hbm>> -> memref<3200xi32, #tpu.memory_space<hbm>>
    tpu.enqueue_dma source(%dma_start3A_255 : memref<3200xi32, #tpu.memory_space<hbm>>) target(%arg19 : memref<3200xi32, #tpu.memory_space<vmem>>) target_semaphore(%arg25 : memref<!tpu.dma_semaphore, #tpu.memory_space<semaphore_mem>>)
    %dma_start3A_256 = arith.constant 0 : i32
    %dma_start3A_257 = tpu.memref_slice %arg4[%dma_start3A_256] : memref<320000xi32, #tpu.memory_space<hbm>> -> memref<3200xi32, #tpu.memory_space<hbm>>
    %dma_start3A_258 = arith.constant 0 : i32
    %dma_start3A_259 = tpu.memref_slice %arg4[%dma_start3A_258] : memref<320000xi32, #tpu.memory_space<hbm>> -> memref<3200xi32, #tpu.memory_space<hbm>>
    tpu.enqueue_dma source(%dma_start3A_259 : memref<3200xi32, #tpu.memory_space<hbm>>) target(%arg21 : memref<3200xi32, #tpu.memory_space<vmem>>) target_semaphore(%arg25 : memref<!tpu.dma_semaphore, #tpu.memory_space<semaphore_mem>>)
    %dma_start3A_260 = arith.constant 0 : i32
    %dma_start3A_261 = tpu.memref_slice %arg5[%dma_start3A_260] : memref<320000xf32, #tpu.memory_space<hbm>> -> memref<3200xf32, #tpu.memory_space<hbm>>
    %dma_start3A_262 = arith.constant 0 : i32
    %dma_start3A_263 = tpu.memref_slice %arg5[%dma_start3A_262] : memref<320000xf32, #tpu.memory_space<hbm>> -> memref<3200xf32, #tpu.memory_space<hbm>>
    tpu.enqueue_dma source(%dma_start3A_263 : memref<3200xf32, #tpu.memory_space<hbm>>) target(%arg23 : memref<3200xf32, #tpu.memory_space<vmem>>) target_semaphore(%arg25 : memref<!tpu.dma_semaphore, #tpu.memory_space<semaphore_mem>>)
    %scan3A_264 = arith.constant 0 : i32
    %scan3A_265 = arith.constant 0 : i32
    %scan3A_266 = arith.constant 50 : i32
    %scan3A_267 = arith.addi %scan3A_265, %scan3A_266 : i32
    %scan3A_268 = arith.constant 1 : i32
    %scan3A_269 = scf.for %scan3A_335 = %scan3A_265 to %scan3A_267 step %scan3A_268 iter_args(%scan3A_336 = %scan3A_264) -> (i32)  : i32 {
      %mul3A_337 = arith.constant 2 : i32
      %mul3A_338 = arith.muli %scan3A_335, %mul3A_337 : i32
      %add3A_339 = arith.constant 0 : i32
      %add3A_340 = arith.addi %mul3A_338, %add3A_339 : i32
      %mul3A_341 = arith.constant 3200 : i32
      %mul3A_342 = arith.muli %add3A_340, %mul3A_341 : i32
      %dma_wait3A_343 = tpu.memref_slice %arg3[%mul3A_342] : memref<320000xi32, #tpu.memory_space<hbm>> -> memref<3200xi32, #tpu.memory_space<hbm>>
      %dma_wait3A_344 = tpu.memref_slice %arg3[%mul3A_342] : memref<320000xi32, #tpu.memory_space<hbm>> -> memref<3200xi32, #tpu.memory_space<hbm>>
      tpu.wait_dma2 semaphore(%arg25 : memref<!tpu.dma_semaphore, #tpu.memory_space<semaphore_mem>>) src(%dma_wait3A_344 : memref<3200xi32, #tpu.memory_space<hbm>>) dst(%arg19 : memref<3200xi32, #tpu.memory_space<vmem>>)
      %mul3A_345 = arith.constant 3200 : i32
      %mul3A_346 = arith.muli %add3A_340, %mul3A_345 : i32
      %dma_wait3A_347 = tpu.memref_slice %arg4[%mul3A_346] : memref<320000xi32, #tpu.memory_space<hbm>> -> memref<3200xi32, #tpu.memory_space<hbm>>
      %dma_wait3A_348 = tpu.memref_slice %arg4[%mul3A_346] : memref<320000xi32, #tpu.memory_space<hbm>> -> memref<3200xi32, #tpu.memory_space<hbm>>
      tpu.wait_dma2 semaphore(%arg25 : memref<!tpu.dma_semaphore, #tpu.memory_space<semaphore_mem>>) src(%dma_wait3A_348 : memref<3200xi32, #tpu.memory_space<hbm>>) dst(%arg21 : memref<3200xi32, #tpu.memory_space<vmem>>)
      %mul3A_349 = arith.constant 3200 : i32
      %mul3A_350 = arith.muli %add3A_340, %mul3A_349 : i32
      %dma_wait3A_351 = tpu.memref_slice %arg5[%mul3A_350] : memref<320000xf32, #tpu.memory_space<hbm>> -> memref<3200xf32, #tpu.memory_space<hbm>>
      %dma_wait3A_352 = tpu.memref_slice %arg5[%mul3A_350] : memref<320000xf32, #tpu.memory_space<hbm>> -> memref<3200xf32, #tpu.memory_space<hbm>>
      tpu.wait_dma2 semaphore(%arg25 : memref<!tpu.dma_semaphore, #tpu.memory_space<semaphore_mem>>) src(%dma_wait3A_352 : memref<3200xf32, #tpu.memory_space<hbm>>) dst(%arg23 : memref<3200xf32, #tpu.memory_space<vmem>>)
      %add3A_353 = arith.constant 1 : i32
      %add3A_354 = arith.addi %add3A_340, %add3A_353 : i32
      %lt3A = arith.constant 100 : i32
      %lt3A_355 = arith.cmpi slt, %add3A_354, %lt3A : i32
      %convert_element_type3A = arith.extui %lt3A_355 : i1 to i32
      %cond3A = arith.constant 0 : i32
      %cond3A_356 = arith.cmpi ne, %convert_element_type3A, %cond3A : i32
      scf.if %cond3A_356 {
        %add3A_387 = arith.constant 1 : i32
        %add3A_388 = arith.addi %add3A_340, %add3A_387 : i32
        %mul3A_389 = arith.constant 3200 : i32
        %mul3A_390 = arith.muli %add3A_388, %mul3A_389 : i32
        %dma_start3A_391 = tpu.memref_slice %arg3[%mul3A_390] : memref<320000xi32, #tpu.memory_space<hbm>> -> memref<3200xi32, #tpu.memory_space<hbm>>
        %dma_start3A_392 = tpu.memref_slice %arg3[%mul3A_390] : memref<320000xi32, #tpu.memory_space<hbm>> -> memref<3200xi32, #tpu.memory_space<hbm>>
        tpu.enqueue_dma source(%dma_start3A_392 : memref<3200xi32, #tpu.memory_space<hbm>>) target(%arg20 : memref<3200xi32, #tpu.memory_space<vmem>>) target_semaphore(%arg26 : memref<!tpu.dma_semaphore, #tpu.memory_space<semaphore_mem>>)
        %mul3A_393 = arith.constant 3200 : i32
        %mul3A_394 = arith.muli %add3A_388, %mul3A_393 : i32
        %dma_start3A_395 = tpu.memref_slice %arg4[%mul3A_394] : memref<320000xi32, #tpu.memory_space<hbm>> -> memref<3200xi32, #tpu.memory_space<hbm>>
        %dma_start3A_396 = tpu.memref_slice %arg4[%mul3A_394] : memref<320000xi32, #tpu.memory_space<hbm>> -> memref<3200xi32, #tpu.memory_space<hbm>>
        tpu.enqueue_dma source(%dma_start3A_396 : memref<3200xi32, #tpu.memory_space<hbm>>) target(%arg22 : memref<3200xi32, #tpu.memory_space<vmem>>) target_semaphore(%arg26 : memref<!tpu.dma_semaphore, #tpu.memory_space<semaphore_mem>>)
        %mul3A_397 = arith.constant 3200 : i32
        %mul3A_398 = arith.muli %add3A_388, %mul3A_397 : i32
        %dma_start3A_399 = tpu.memref_slice %arg5[%mul3A_398] : memref<320000xf32, #tpu.memory_space<hbm>> -> memref<3200xf32, #tpu.memory_space<hbm>>
        %dma_start3A_400 = tpu.memref_slice %arg5[%mul3A_398] : memref<320000xf32, #tpu.memory_space<hbm>> -> memref<3200xf32, #tpu.memory_space<hbm>>
        tpu.enqueue_dma source(%dma_start3A_400 : memref<3200xf32, #tpu.memory_space<hbm>>) target(%arg24 : memref<3200xf32, #tpu.memory_space<vmem>>) target_semaphore(%arg26 : memref<!tpu.dma_semaphore, #tpu.memory_space<semaphore_mem>>)
      } else {
      }
      %parallel_loop3A_357 = arith.constant 0 : i32
      %parallel_loop3A_358 = arith.constant 200 : i32
      %parallel_loop3A_359 = arith.constant 1 : i32
      scf.for %parallel_loop3A_387 = %parallel_loop3A_357 to %parallel_loop3A_358 step %parallel_loop3A_359  : i32 {
        %parallel_loop3A_388 = arith.constant 16 : i32
        %parallel_loop3A_389 = arith.muli %parallel_loop3A_387, %parallel_loop3A_388 : i32
        %parallel_loop3A_390 = arith.index_cast %parallel_loop3A_389 : i32 to index
        %parallel_loop3A_391 = tpu.vector_load %arg19[%parallel_loop3A_390] {strides = array<i32>} : memref<3200xi32, #tpu.memory_space<vmem>>, vector<16xi32>,
        %parallel_loop3A_392 = arith.constant 16 : i32
        %parallel_loop3A_393 = arith.muli %parallel_loop3A_387, %parallel_loop3A_392 : i32
        %parallel_loop3A_394 = arith.index_cast %parallel_loop3A_393 : i32 to index
        %parallel_loop3A_395 = tpu.vector_load %arg21[%parallel_loop3A_394] {strides = array<i32>} : memref<3200xi32, #tpu.memory_space<vmem>>, vector<16xi32>,
        %parallel_loop3A_396 = arith.constant 16 : i32
        %parallel_loop3A_397 = arith.muli %parallel_loop3A_387, %parallel_loop3A_396 : i32
        %parallel_loop3A_398 = arith.index_cast %parallel_loop3A_397 : i32 to index
        %parallel_loop3A_399 = tpu.vector_load %arg23[%parallel_loop3A_398] {strides = array<i32>} : memref<3200xf32, #tpu.memory_space<vmem>>, vector<16xf32>,
        %parallel_loop3A_400 = tpu.vector_load_idx %arg11[%parallel_loop3A_391] : memref<10000xf32, #tpu.memory_space<vmem>>[vector<16xi32>], vector<16xf32>,
        %parallel_loop3A_401 = arith.mulf %parallel_loop3A_400, %parallel_loop3A_399 : vector<16xf32>
        tpu.vector_store_idx %arg15[%parallel_loop3A_395], %parallel_loop3A_401 {add = true} : memref<10000xf32, #tpu.memory_space<vmem>>[vector<16xi32>], vector<16xf32>,
        %parallel_loop3A_402 = tpu.vector_load_idx %arg12[%parallel_loop3A_391] : memref<10000xf32, #tpu.memory_space<vmem>>[vector<16xi32>], vector<16xf32>,
        %parallel_loop3A_403 = arith.mulf %parallel_loop3A_402, %parallel_loop3A_399 : vector<16xf32>
        tpu.vector_store_idx %arg16[%parallel_loop3A_395], %parallel_loop3A_403 {add = true} : memref<10000xf32, #tpu.memory_space<vmem>>[vector<16xi32>], vector<16xf32>,
        %parallel_loop3A_404 = tpu.vector_load_idx %arg13[%parallel_loop3A_391] : memref<10000xf32, #tpu.memory_space<vmem>>[vector<16xi32>], vector<16xf32>,
        %parallel_loop3A_405 = arith.mulf %parallel_loop3A_404, %parallel_loop3A_399 : vector<16xf32>
        tpu.vector_store_idx %arg17[%parallel_loop3A_395], %parallel_loop3A_405 {add = true} : memref<10000xf32, #tpu.memory_space<vmem>>[vector<16xi32>], vector<16xf32>,
        %parallel_loop3A_406 = tpu.vector_load_idx %arg14[%parallel_loop3A_391] : memref<10000xf32, #tpu.memory_space<vmem>>[vector<16xi32>], vector<16xf32>,
        %parallel_loop3A_407 = arith.mulf %parallel_loop3A_406, %parallel_loop3A_399 : vector<16xf32>
        tpu.vector_store_idx %arg18[%parallel_loop3A_395], %parallel_loop3A_407 {add = true} : memref<10000xf32, #tpu.memory_space<vmem>>[vector<16xi32>], vector<16xf32>,
      } {sc.loop_unroll_factor = 4 : i64, sc.parallel_access}
      %mul3A_360 = arith.constant 2 : i32
      %mul3A_361 = arith.muli %scan3A_335, %mul3A_360 : i32
      %add3A_362 = arith.constant 1 : i32
      %add3A_363 = arith.addi %mul3A_361, %add3A_362 : i32
      %mul3A_364 = arith.constant 3200 : i32
      %mul3A_365 = arith.muli %add3A_363, %mul3A_364 : i32
      %dma_wait3A_366 = tpu.memref_slice %arg3[%mul3A_365] : memref<320000xi32, #tpu.memory_space<hbm>> -> memref<3200xi32, #tpu.memory_space<hbm>>
      %dma_wait3A_367 = tpu.memref_slice %arg3[%mul3A_365] : memref<320000xi32, #tpu.memory_space<hbm>> -> memref<3200xi32, #tpu.memory_space<hbm>>
      tpu.wait_dma2 semaphore(%arg26 : memref<!tpu.dma_semaphore, #tpu.memory_space<semaphore_mem>>) src(%dma_wait3A_367 : memref<3200xi32, #tpu.memory_space<hbm>>) dst(%arg20 : memref<3200xi32, #tpu.memory_space<vmem>>)
      %mul3A_368 = arith.constant 3200 : i32
      %mul3A_369 = arith.muli %add3A_363, %mul3A_368 : i32
      %dma_wait3A_370 = tpu.memref_slice %arg4[%mul3A_369] : memref<320000xi32, #tpu.memory_space<hbm>> -> memref<3200xi32, #tpu.memory_space<hbm>>
      %dma_wait3A_371 = tpu.memref_slice %arg4[%mul3A_369] : memref<320000xi32, #tpu.memory_space<hbm>> -> memref<3200xi32, #tpu.memory_space<hbm>>
      tpu.wait_dma2 semaphore(%arg26 : memref<!tpu.dma_semaphore, #tpu.memory_space<semaphore_mem>>) src(%dma_wait3A_371 : memref<3200xi32, #tpu.memory_space<hbm>>) dst(%arg22 : memref<3200xi32, #tpu.memory_space<vmem>>)
      %mul3A_372 = arith.constant 3200 : i32
      %mul3A_373 = arith.muli %add3A_363, %mul3A_372 : i32
      %dma_wait3A_374 = tpu.memref_slice %arg5[%mul3A_373] : memref<320000xf32, #tpu.memory_space<hbm>> -> memref<3200xf32, #tpu.memory_space<hbm>>
      %dma_wait3A_375 = tpu.memref_slice %arg5[%mul3A_373] : memref<320000xf32, #tpu.memory_space<hbm>> -> memref<3200xf32, #tpu.memory_space<hbm>>
      tpu.wait_dma2 semaphore(%arg26 : memref<!tpu.dma_semaphore, #tpu.memory_space<semaphore_mem>>) src(%dma_wait3A_375 : memref<3200xf32, #tpu.memory_space<hbm>>) dst(%arg24 : memref<3200xf32, #tpu.memory_space<vmem>>)
      %add3A_376 = arith.constant 1 : i32
      %add3A_377 = arith.addi %add3A_363, %add3A_376 : i32
      %lt3A_378 = arith.constant 100 : i32
      %lt3A_379 = arith.cmpi slt, %add3A_377, %lt3A_378 : i32
      %convert_element_type3A_380 = arith.extui %lt3A_379 : i1 to i32
      %cond3A_381 = arith.constant 0 : i32
      %cond3A_382 = arith.cmpi ne, %convert_element_type3A_380, %cond3A_381 : i32
      scf.if %cond3A_382 {
        %add3A_387 = arith.constant 1 : i32
        %add3A_388 = arith.addi %add3A_363, %add3A_387 : i32
        %mul3A_389 = arith.constant 3200 : i32
        %mul3A_390 = arith.muli %add3A_388, %mul3A_389 : i32
        %dma_start3A_391 = tpu.memref_slice %arg3[%mul3A_390] : memref<320000xi32, #tpu.memory_space<hbm>> -> memref<3200xi32, #tpu.memory_space<hbm>>
        %dma_start3A_392 = tpu.memref_slice %arg3[%mul3A_390] : memref<320000xi32, #tpu.memory_space<hbm>> -> memref<3200xi32, #tpu.memory_space<hbm>>
        tpu.enqueue_dma source(%dma_start3A_392 : memref<3200xi32, #tpu.memory_space<hbm>>) target(%arg19 : memref<3200xi32, #tpu.memory_space<vmem>>) target_semaphore(%arg25 : memref<!tpu.dma_semaphore, #tpu.memory_space<semaphore_mem>>)
        %mul3A_393 = arith.constant 3200 : i32
        %mul3A_394 = arith.muli %add3A_388, %mul3A_393 : i32
        %dma_start3A_395 = tpu.memref_slice %arg4[%mul3A_394] : memref<320000xi32, #tpu.memory_space<hbm>> -> memref<3200xi32, #tpu.memory_space<hbm>>
        %dma_start3A_396 = tpu.memref_slice %arg4[%mul3A_394] : memref<320000xi32, #tpu.memory_space<hbm>> -> memref<3200xi32, #tpu.memory_space<hbm>>
        tpu.enqueue_dma source(%dma_start3A_396 : memref<3200xi32, #tpu.memory_space<hbm>>) target(%arg21 : memref<3200xi32, #tpu.memory_space<vmem>>) target_semaphore(%arg25 : memref<!tpu.dma_semaphore, #tpu.memory_space<semaphore_mem>>)
        %mul3A_397 = arith.constant 3200 : i32
        %mul3A_398 = arith.muli %add3A_388, %mul3A_397 : i32
        %dma_start3A_399 = tpu.memref_slice %arg5[%mul3A_398] : memref<320000xf32, #tpu.memory_space<hbm>> -> memref<3200xf32, #tpu.memory_space<hbm>>
        %dma_start3A_400 = tpu.memref_slice %arg5[%mul3A_398] : memref<320000xf32, #tpu.memory_space<hbm>> -> memref<3200xf32, #tpu.memory_space<hbm>>
        tpu.enqueue_dma source(%dma_start3A_400 : memref<3200xf32, #tpu.memory_space<hbm>>) target(%arg23 : memref<3200xf32, #tpu.memory_space<vmem>>) target_semaphore(%arg25 : memref<!tpu.dma_semaphore, #tpu.memory_space<semaphore_mem>>)
      } else {
      }
      %parallel_loop3A_383 = arith.constant 0 : i32
      %parallel_loop3A_384 = arith.constant 200 : i32
      %parallel_loop3A_385 = arith.constant 1 : i32
      scf.for %parallel_loop3A_387 = %parallel_loop3A_383 to %parallel_loop3A_384 step %parallel_loop3A_385  : i32 {
        %parallel_loop3A_388 = arith.constant 16 : i32
        %parallel_loop3A_389 = arith.muli %parallel_loop3A_387, %parallel_loop3A_388 : i32
        %parallel_loop3A_390 = arith.index_cast %parallel_loop3A_389 : i32 to index
        %parallel_loop3A_391 = tpu.vector_load %arg20[%parallel_loop3A_390] {strides = array<i32>} : memref<3200xi32, #tpu.memory_space<vmem>>, vector<16xi32>,
        %parallel_loop3A_392 = arith.constant 16 : i32
        %parallel_loop3A_393 = arith.muli %parallel_loop3A_387, %parallel_loop3A_392 : i32
        %parallel_loop3A_394 = arith.index_cast %parallel_loop3A_393 : i32 to index
        %parallel_loop3A_395 = tpu.vector_load %arg22[%parallel_loop3A_394] {strides = array<i32>} : memref<3200xi32, #tpu.memory_space<vmem>>, vector<16xi32>,
        %parallel_loop3A_396 = arith.constant 16 : i32
        %parallel_loop3A_397 = arith.muli %parallel_loop3A_387, %parallel_loop3A_396 : i32
        %parallel_loop3A_398 = arith.index_cast %parallel_loop3A_397 : i32 to index
        %parallel_loop3A_399 = tpu.vector_load %arg24[%parallel_loop3A_398] {strides = array<i32>} : memref<3200xf32, #tpu.memory_space<vmem>>, vector<16xf32>,
        %parallel_loop3A_400 = tpu.vector_load_idx %arg11[%parallel_loop3A_391] : memref<10000xf32, #tpu.memory_space<vmem>>[vector<16xi32>], vector<16xf32>,
        %parallel_loop3A_401 = arith.mulf %parallel_loop3A_400, %parallel_loop3A_399 : vector<16xf32>
        tpu.vector_store_idx %arg15[%parallel_loop3A_395], %parallel_loop3A_401 {add = true} : memref<10000xf32, #tpu.memory_space<vmem>>[vector<16xi32>], vector<16xf32>,
        %parallel_loop3A_402 = tpu.vector_load_idx %arg12[%parallel_loop3A_391] : memref<10000xf32, #tpu.memory_space<vmem>>[vector<16xi32>], vector<16xf32>,
        %parallel_loop3A_403 = arith.mulf %parallel_loop3A_402, %parallel_loop3A_399 : vector<16xf32>
        tpu.vector_store_idx %arg16[%parallel_loop3A_395], %parallel_loop3A_403 {add = true} : memref<10000xf32, #tpu.memory_space<vmem>>[vector<16xi32>], vector<16xf32>,
        %parallel_loop3A_404 = tpu.vector_load_idx %arg13[%parallel_loop3A_391] : memref<10000xf32, #tpu.memory_space<vmem>>[vector<16xi32>], vector<16xf32>,
        %parallel_loop3A_405 = arith.mulf %parallel_loop3A_404, %parallel_loop3A_399 : vector<16xf32>
        tpu.vector_store_idx %arg17[%parallel_loop3A_395], %parallel_loop3A_405 {add = true} : memref<10000xf32, #tpu.memory_space<vmem>>[vector<16xi32>], vector<16xf32>,
        %parallel_loop3A_406 = tpu.vector_load_idx %arg14[%parallel_loop3A_391] : memref<10000xf32, #tpu.memory_space<vmem>>[vector<16xi32>], vector<16xf32>,
        %parallel_loop3A_407 = arith.mulf %parallel_loop3A_406, %parallel_loop3A_399 : vector<16xf32>
        tpu.vector_store_idx %arg18[%parallel_loop3A_395], %parallel_loop3A_407 {add = true} : memref<10000xf32, #tpu.memory_space<vmem>>[vector<16xi32>], vector<16xf32>,
      } {sc.loop_unroll_factor = 4 : i64, sc.parallel_access}
      %scan3A_386 = arith.constant 0 : i32
      scf.yield %scan3A_386 : i32
    }
    %scan3A_270 = arith.constant 50 : i32
    %add3A_271 = arith.constant 0 : i32
    %add3A_272 = arith.addi %add3A_168, %add3A_271 : i32
    %dma_start3A_273 = arith.constant 0 : i32
    %dma_start3A_274 = tpu.memref_slice %arg8[%add3A_272, %dma_start3A_273] : memref<256x10000xf32, #tpu.memory_space<hbm>> -> memref<1x10000xf32, #tpu.memory_space<hbm>>
    %dma_start3A_275 = tpu.memref_squeeze %dma_start3A_274 : memref<1x10000xf32, #tpu.memory_space<hbm>> -> memref<10000xf32, #tpu.memory_space<hbm>>
    %dma_start3A_276 = arith.constant 0 : i32
    %dma_start3A_277 = tpu.memref_slice %arg8[%add3A_272, %dma_start3A_276] : memref<256x10000xf32, #tpu.memory_space<hbm>> -> memref<1x10000xf32, #tpu.memory_space<hbm>>
    %dma_start3A_278 = tpu.memref_squeeze %dma_start3A_277 : memref<1x10000xf32, #tpu.memory_space<hbm>> -> memref<10000xf32, #tpu.memory_space<hbm>>
    tpu.enqueue_dma source(%arg15 : memref<10000xf32, #tpu.memory_space<vmem>>) target(%dma_start3A_278 : memref<10000xf32, #tpu.memory_space<hbm>>) target_semaphore(%arg27 : memref<!tpu.dma_semaphore, #tpu.memory_space<semaphore_mem>>)
    %add3A_279 = arith.constant 1 : i32
    %add3A_280 = arith.addi %add3A_168, %add3A_279 : i32
    %dma_start3A_281 = arith.constant 0 : i32
    %dma_start3A_282 = tpu.memref_slice %arg8[%add3A_280, %dma_start3A_281] : memref<256x10000xf32, #tpu.memory_space<hbm>> -> memref<1x10000xf32, #tpu.memory_space<hbm>>
    %dma_start3A_283 = tpu.memref_squeeze %dma_start3A_282 : memref<1x10000xf32, #tpu.memory_space<hbm>> -> memref<10000xf32, #tpu.memory_space<hbm>>
    %dma_start3A_284 = arith.constant 0 : i32
    %dma_start3A_285 = tpu.memref_slice %arg8[%add3A_280, %dma_start3A_284] : memref<256x10000xf32, #tpu.memory_space<hbm>> -> memref<1x10000xf32, #tpu.memory_space<hbm>>
    %dma_start3A_286 = tpu.memref_squeeze %dma_start3A_285 : memref<1x10000xf32, #tpu.memory_space<hbm>> -> memref<10000xf32, #tpu.memory_space<hbm>>
    tpu.enqueue_dma source(%arg16 : memref<10000xf32, #tpu.memory_space<vmem>>) target(%dma_start3A_286 : memref<10000xf32, #tpu.memory_space<hbm>>) target_semaphore(%arg27 : memref<!tpu.dma_semaphore, #tpu.memory_space<semaphore_mem>>)
    %add3A_287 = arith.constant 2 : i32
    %add3A_288 = arith.addi %add3A_168, %add3A_287 : i32
    %dma_start3A_289 = arith.constant 0 : i32
    %dma_start3A_290 = tpu.memref_slice %arg8[%add3A_288, %dma_start3A_289] : memref<256x10000xf32, #tpu.memory_space<hbm>> -> memref<1x10000xf32, #tpu.memory_space<hbm>>
    %dma_start3A_291 = tpu.memref_squeeze %dma_start3A_290 : memref<1x10000xf32, #tpu.memory_space<hbm>> -> memref<10000xf32, #tpu.memory_space<hbm>>
    %dma_start3A_292 = arith.constant 0 : i32
    %dma_start3A_293 = tpu.memref_slice %arg8[%add3A_288, %dma_start3A_292] : memref<256x10000xf32, #tpu.memory_space<hbm>> -> memref<1x10000xf32, #tpu.memory_space<hbm>>
    %dma_start3A_294 = tpu.memref_squeeze %dma_start3A_293 : memref<1x10000xf32, #tpu.memory_space<hbm>> -> memref<10000xf32, #tpu.memory_space<hbm>>
    tpu.enqueue_dma source(%arg17 : memref<10000xf32, #tpu.memory_space<vmem>>) target(%dma_start3A_294 : memref<10000xf32, #tpu.memory_space<hbm>>) target_semaphore(%arg27 : memref<!tpu.dma_semaphore, #tpu.memory_space<semaphore_mem>>)
    %add3A_295 = arith.constant 3 : i32
    %add3A_296 = arith.addi %add3A_168, %add3A_295 : i32
    %dma_start3A_297 = arith.constant 0 : i32
    %dma_start3A_298 = tpu.memref_slice %arg8[%add3A_296, %dma_start3A_297] : memref<256x10000xf32, #tpu.memory_space<hbm>> -> memref<1x10000xf32, #tpu.memory_space<hbm>>
    %dma_start3A_299 = tpu.memref_squeeze %dma_start3A_298 : memref<1x10000xf32, #tpu.memory_space<hbm>> -> memref<10000xf32, #tpu.memory_space<hbm>>
    %dma_start3A_300 = arith.constant 0 : i32
    %dma_start3A_301 = tpu.memref_slice %arg8[%add3A_296, %dma_start3A_300] : memref<256x10000xf32, #tpu.memory_space<hbm>> -> memref<1x10000xf32, #tpu.memory_space<hbm>>
    %dma_start3A_302 = tpu.memref_squeeze %dma_start3A_301 : memref<1x10000xf32, #tpu.memory_space<hbm>> -> memref<10000xf32, #tpu.memory_space<hbm>>
    tpu.enqueue_dma source(%arg18 : memref<10000xf32, #tpu.memory_space<vmem>>) target(%dma_start3A_302 : memref<10000xf32, #tpu.memory_space<hbm>>) target_semaphore(%arg27 : memref<!tpu.dma_semaphore, #tpu.memory_space<semaphore_mem>>)
    %add3A_303 = arith.constant 0 : i32
    %add3A_304 = arith.addi %add3A_168, %add3A_303 : i32
    %dma_wait3A_305 = arith.constant 0 : i32
    %dma_wait3A_306 = tpu.memref_slice %arg8[%add3A_304, %dma_wait3A_305] : memref<256x10000xf32, #tpu.memory_space<hbm>> -> memref<1x10000xf32, #tpu.memory_space<hbm>>
    %dma_wait3A_307 = tpu.memref_squeeze %dma_wait3A_306 : memref<1x10000xf32, #tpu.memory_space<hbm>> -> memref<10000xf32, #tpu.memory_space<hbm>>
    %dma_wait3A_308 = arith.constant 0 : i32
    %dma_wait3A_309 = tpu.memref_slice %arg8[%add3A_304, %dma_wait3A_308] : memref<256x10000xf32, #tpu.memory_space<hbm>> -> memref<1x10000xf32, #tpu.memory_space<hbm>>
    %dma_wait3A_310 = tpu.memref_squeeze %dma_wait3A_309 : memref<1x10000xf32, #tpu.memory_space<hbm>> -> memref<10000xf32, #tpu.memory_space<hbm>>
    tpu.wait_dma2 semaphore(%arg27 : memref<!tpu.dma_semaphore, #tpu.memory_space<semaphore_mem>>) src(%arg15 : memref<10000xf32, #tpu.memory_space<vmem>>) dst(%dma_wait3A_310 : memref<10000xf32, #tpu.memory_space<hbm>>)
    %add3A_311 = arith.constant 1 : i32
    %add3A_312 = arith.addi %add3A_168, %add3A_311 : i32
    %dma_wait3A_313 = arith.constant 0 : i32
    %dma_wait3A_314 = tpu.memref_slice %arg8[%add3A_312, %dma_wait3A_313] : memref<256x10000xf32, #tpu.memory_space<hbm>> -> memref<1x10000xf32, #tpu.memory_space<hbm>>
    %dma_wait3A_315 = tpu.memref_squeeze %dma_wait3A_314 : memref<1x10000xf32, #tpu.memory_space<hbm>> -> memref<10000xf32, #tpu.memory_space<hbm>>
    %dma_wait3A_316 = arith.constant 0 : i32
    %dma_wait3A_317 = tpu.memref_slice %arg8[%add3A_312, %dma_wait3A_316] : memref<256x10000xf32, #tpu.memory_space<hbm>> -> memref<1x10000xf32, #tpu.memory_space<hbm>>
    %dma_wait3A_318 = tpu.memref_squeeze %dma_wait3A_317 : memref<1x10000xf32, #tpu.memory_space<hbm>> -> memref<10000xf32, #tpu.memory_space<hbm>>
    tpu.wait_dma2 semaphore(%arg27 : memref<!tpu.dma_semaphore, #tpu.memory_space<semaphore_mem>>) src(%arg16 : memref<10000xf32, #tpu.memory_space<vmem>>) dst(%dma_wait3A_318 : memref<10000xf32, #tpu.memory_space<hbm>>)
    %add3A_319 = arith.constant 2 : i32
    %add3A_320 = arith.addi %add3A_168, %add3A_319 : i32
    %dma_wait3A_321 = arith.constant 0 : i32
    %dma_wait3A_322 = tpu.memref_slice %arg8[%add3A_320, %dma_wait3A_321] : memref<256x10000xf32, #tpu.memory_space<hbm>> -> memref<1x10000xf32, #tpu.memory_space<hbm>>
    %dma_wait3A_323 = tpu.memref_squeeze %dma_wait3A_322 : memref<1x10000xf32, #tpu.memory_space<hbm>> -> memref<10000xf32, #tpu.memory_space<hbm>>
    %dma_wait3A_324 = arith.constant 0 : i32
    %dma_wait3A_325 = tpu.memref_slice %arg8[%add3A_320, %dma_wait3A_324] : memref<256x10000xf32, #tpu.memory_space<hbm>> -> memref<1x10000xf32, #tpu.memory_space<hbm>>
    %dma_wait3A_326 = tpu.memref_squeeze %dma_wait3A_325 : memref<1x10000xf32, #tpu.memory_space<hbm>> -> memref<10000xf32, #tpu.memory_space<hbm>>
    tpu.wait_dma2 semaphore(%arg27 : memref<!tpu.dma_semaphore, #tpu.memory_space<semaphore_mem>>) src(%arg17 : memref<10000xf32, #tpu.memory_space<vmem>>) dst(%dma_wait3A_326 : memref<10000xf32, #tpu.memory_space<hbm>>)
    %add3A_327 = arith.constant 3 : i32
    %add3A_328 = arith.addi %add3A_168, %add3A_327 : i32
    %dma_wait3A_329 = arith.constant 0 : i32
    %dma_wait3A_330 = tpu.memref_slice %arg8[%add3A_328, %dma_wait3A_329] : memref<256x10000xf32, #tpu.memory_space<hbm>> -> memref<1x10000xf32, #tpu.memory_space<hbm>>
    %dma_wait3A_331 = tpu.memref_squeeze %dma_wait3A_330 : memref<1x10000xf32, #tpu.memory_space<hbm>> -> memref<10000xf32, #tpu.memory_space<hbm>>
    %dma_wait3A_332 = arith.constant 0 : i32
    %dma_wait3A_333 = tpu.memref_slice %arg8[%add3A_328, %dma_wait3A_332] : memref<256x10000xf32, #tpu.memory_space<hbm>> -> memref<1x10000xf32, #tpu.memory_space<hbm>>
    %dma_wait3A_334 = tpu.memref_squeeze %dma_wait3A_333 : memref<1x10000xf32, #tpu.memory_space<hbm>> -> memref<10000xf32, #tpu.memory_space<hbm>>
    tpu.wait_dma2 semaphore(%arg27 : memref<!tpu.dma_semaphore, #tpu.memory_space<semaphore_mem>>) src(%arg18 : memref<10000xf32, #tpu.memory_space<vmem>>) dst(%dma_wait3A_334 : memref<10000xf32, #tpu.memory_space<hbm>>)
    return
  }
}

module attributes {stable_mosaic.version = 14 : i64} {
  func.func @_dis_body(%arg0: memref<32x10240xf32, #tpu.memory_space<vmem>>, %arg1: memref<10240xf32, #tpu.memory_space<vmem>>) attributes {dimension_semantics = [], scalar_prefetch = 0 : i64, scratch_operands = 0 : i64, tpu.core_type = #tpu.core_type<tc>} {
    %get3A = arith.constant 0 : index
    %get3A_0 = arith.constant 0 : index
    %get3A_1 = vector.load %arg0[%get3A, %get3A_0] : memref<32x10240xf32, #tpu.memory_space<vmem>>, vector<32x10240xf32>
    %reduce_sum3A = arith.constant dense<0.000000e+00> : vector<10240xf32>
    %reduce_sum3A_2 = vector.multi_reduction <add>, %get3A_1, %reduce_sum3A [0] : vector<32x10240xf32> to vector<10240xf32>
    %add3A = arith.constant 1.000000e+00 : f32
    %add3A_3 = vector.broadcast %add3A : f32 to vector<10240xf32>
    %add3A_4 = arith.addf %reduce_sum3A_2, %add3A_3 : vector<10240xf32>
    %rsqrt3A = math.rsqrt %add3A_4 : vector<10240xf32>
    %swap3A = arith.constant 0 : index
    %swap3A_5 = vector.load %arg1[%swap3A] : memref<10240xf32, #tpu.memory_space<vmem>>, vector<10240xf32>
    tpu.vector_store %arg1[%swap3A], %rsqrt3A {strides = array<i32>} : memref<10240xf32, #tpu.memory_space<vmem>>, vector<10240xf32>,
    return
  }
}

module attributes {stable_mosaic.version = 14 : i64} {
  func.func @_mm1_body(%arg0: i32, %arg1: memref<128x128xf32, #tpu.memory_space<vmem>>, %arg2: memref<10000x128xf32, #tpu.memory_space<vmem>>, %arg3: memref<128x10000xf32, #tpu.memory_space<vmem>>) attributes {dimension_semantics = [#tpu.dimension_semantics<arbitrary>], iteration_bounds = array<i64: 2>, scalar_prefetch = 0 : i64, scratch_operands = 0 : i64, tpu.core_type = #tpu.core_type<tc>, window_params = [{transform_indices = @transform_0, window_bounds = array<i64: 128, 128>}, {pipeline_mode = #tpu.pipeline_mode<synchronous>, transform_indices = @transform_1, window_bounds = array<i64: 10000, 128>}, {transform_indices = @transform_2, window_bounds = array<i64: 128, 10000>}]} {
    %get3A = arith.constant 0 : index
    %get3A_0 = arith.constant 0 : index
    %get3A_1 = vector.load %arg1[%get3A, %get3A_0] : memref<128x128xf32, #tpu.memory_space<vmem>>, vector<128x128xf32>
    %get3A_2 = arith.constant 0 : index
    %get3A_3 = arith.constant 0 : index
    %get3A_4 = vector.load %arg2[%get3A_2, %get3A_3] : memref<10000x128xf32, #tpu.memory_space<vmem>>, vector<10000x128xf32>
    %dot_general3A = arith.constant dense<0.000000e+00> : vector<128x10000xf32>
    %dot_general3A_5 = tpu.matmul %get3A_1, %get3A_4, %dot_general3A {dimension_numbers = #tpu.dot_dimension_numbers<[0], [1], [1], [0], [0, 1, 1, 0], [], []>, transpose_lhs_hint = false} : vector<128x128xf32>, vector<10000x128xf32>, vector<128x10000xf32> -> vector<128x10000xf32>
    %swap3A = arith.constant 0 : index
    %swap3A_6 = arith.constant 0 : index
    %swap3A_7 = vector.load %arg3[%swap3A, %swap3A_6] : memref<128x10000xf32, #tpu.memory_space<vmem>>, vector<128x10000xf32>
    tpu.vector_store %arg3[%swap3A, %swap3A_6], %dot_general3A_5 {strides = array<i32>} : memref<128x10000xf32, #tpu.memory_space<vmem>>, vector<128x10000xf32>,
    return
  }
  func.func @transform_0(%arg0: i32) -> (i32, i32) {
    %c0_i32 = arith.constant 0 : i32
    %c0_i32_0 = arith.constant 0 : i32
    return %c0_i32, %arg0 : i32, i32
  }
  func.func @transform_1(%arg0: i32) -> (i32, i32) {
    %c0_i32 = arith.constant 0 : i32
    %c0_i32_0 = arith.constant 0 : i32
    %c0_i32_1 = arith.constant 0 : i32
    return %c0_i32, %c0_i32_0 : i32, i32
  }
  func.func @transform_2(%arg0: i32) -> (i32, i32) {
    %c0_i32 = arith.constant 0 : i32
    %c0_i32_0 = arith.constant 0 : i32
    return %arg0, %c0_i32 : i32, i32
  }
}

module attributes {stable_mosaic.version = 14 : i64} {
  func.func @_mm2_body(%arg0: i32, %arg1: memref<256x128xf32, #tpu.memory_space<vmem>>, %arg2: memref<256x10000xf32, #tpu.memory_space<vmem>>, %arg3: memref<128x10000xf32, #tpu.memory_space<vmem>>) attributes {dimension_semantics = [#tpu.dimension_semantics<arbitrary>], iteration_bounds = array<i64: 2>, scalar_prefetch = 0 : i64, scratch_operands = 0 : i64, tpu.core_type = #tpu.core_type<tc>, window_params = [{transform_indices = @transform_0, window_bounds = array<i64: 256, 128>}, {pipeline_mode = #tpu.pipeline_mode<synchronous>, transform_indices = @transform_1, window_bounds = array<i64: 256, 10000>}, {transform_indices = @transform_2, window_bounds = array<i64: 128, 10000>}]} {
    %get3A = arith.constant 0 : index
    %get3A_0 = arith.constant 0 : index
    %get3A_1 = vector.load %arg2[%get3A, %get3A_0] : memref<256x10000xf32, #tpu.memory_space<vmem>>, vector<256x10000xf32>
    %max3A = arith.constant 0.000000e+00 : f32
    %max3A_2 = vector.broadcast %max3A : f32 to vector<256x10000xf32>
    %max3A_3 = arith.maximumf %get3A_1, %max3A_2 : vector<256x10000xf32>
    %get3A_4 = arith.constant 0 : index
    %get3A_5 = arith.constant 0 : index
    %get3A_6 = vector.load %arg1[%get3A_4, %get3A_5] : memref<256x128xf32, #tpu.memory_space<vmem>>, vector<256x128xf32>
    %dot_general3A = arith.constant dense<0.000000e+00> : vector<128x10000xf32>
    %dot_general3A_7 = tpu.matmul %get3A_6, %max3A_3, %dot_general3A {dimension_numbers = #tpu.dot_dimension_numbers<[0], [0], [1], [1], [0, 1, 1, 1], [], []>, transpose_lhs_hint = false} : vector<256x128xf32>, vector<256x10000xf32>, vector<128x10000xf32> -> vector<128x10000xf32>
    %swap3A = arith.constant 0 : index
    %swap3A_8 = arith.constant 0 : index
    %swap3A_9 = vector.load %arg3[%swap3A, %swap3A_8] : memref<128x10000xf32, #tpu.memory_space<vmem>>, vector<128x10000xf32>
    tpu.vector_store %arg3[%swap3A, %swap3A_8], %dot_general3A_7 {strides = array<i32>} : memref<128x10000xf32, #tpu.memory_space<vmem>>, vector<128x10000xf32>,
    return
  }
  func.func @transform_0(%arg0: i32) -> (i32, i32) {
    %c0_i32 = arith.constant 0 : i32
    %c0_i32_0 = arith.constant 0 : i32
    return %c0_i32, %arg0 : i32, i32
  }
  func.func @transform_1(%arg0: i32) -> (i32, i32) {
    %c0_i32 = arith.constant 0 : i32
    %c0_i32_0 = arith.constant 0 : i32
    %c0_i32_1 = arith.constant 0 : i32
    return %c0_i32, %c0_i32_0 : i32, i32
  }
  func.func @transform_2(%arg0: i32) -> (i32, i32) {
    %c0_i32 = arith.constant 0 : i32
    %c0_i32_0 = arith.constant 0 : i32
    return %arg0, %c0_i32 : i32, i32
  }
}

</mosaic_0001>

<sc_bundles>
// kernel: kernel.12.cloned.1.call-start
scs
__scs_entry_jumppad:
0x0: {  	(pc) =	sbr.rel $0x88, $3  }
0x1: {  	(tag) =	ssettag $0x0;
	lr =	simm.s32 $0x1  }
0x2: {  	[smem:$0x3F98] =	sst lr;
	_ =	strace $0xD0000000  }
0x3: {  	_ = 	snop  }
0x4: {  	_ = 	snop  }
0x5: {  	_ = 	snop  }
0x6: {  	_ = 	snop  }
0x7: {  	_ = 	snop  }
__scs_overlays_trampoline_lowered:
0x8: {  	[smem:$0x3FA7] =	sst s0  }
0x9: {  	[smem:$0x3FA8] =	sst s1  }
0xa: {  	[smem:$0x3FA9] =	sst s2  }
0xb: {  	[smem:$0x3FAA] =	sst s3  }
0xc: {  	[smem:$0x3FAB] =	sst s4  }
0xd: {  	[smem:$0x3FAC] =	sst s5  }
0xe: {  	[smem:$0x3FAD] =	sst s6  }
0xf: {  	[smem:$0x3FAE] =	sst s7  }
0x10: {  	[smem:$0x3FAF] =	sst s8  }
0x11: {  	[smem:$0x3FB0] =	sst s9;
	s0 =	simm.s32 @!p0 $0x0  }
0x12: {  	s1 =	sld [smem:$0x3F96];
	s0 =	simm.s32 @p0 $0x1  }
0x13: {  	[smem:$0x3FB1] =	sst s0;
	s0 =	simm.s32 @!p1 $0x0  }
0x14: {  	s2 =	sld [smem:$0x3F95];
	s0 =	simm.s32 @p1 $0x1  }
0x15: {  	[smem:$0x3FB2] =	sst s0;
	s0 =	simm.s32 @!p2 $0x0  }
0x16: {  	s3 =	sld [smem:$0x3FDB];
	s0 =	simm.s32 @p2 $0x1  }
0x17: {  	s4 =	simm.s32 $0x1BF5;
	[smem:$0x3FB4] =	sst s0  }
0x18: {  	s0 =	sld [smem:$0x3F97];
	_ =	swait.ge [sflag:s4], $0x0  }
0x19: {  	s7 =	sld [smem:$0x3F98]  }
0x1a: {  	s8 =	sadd.s32 $0xFFFFE003, lr  }
0x1b: {  	s9 =	sadd.s32 $0xFFFFFEF7, lr;
	s5 =	simm.s32 $0xFFFFFFFF;
	p2 =	slt.u32 s8, $0xFFFFF086  }
0x1c: {  	p1 =	slt.u32 s9, $0xF7A;
	s5 =	simm.s32 @!p2 $0x0  }
0x1d: {  	s5 =	simm.s32 @p1 $0x1;
	p0 =	seq.s32 s7, s2  }
0x1e: {  	s7 =	smul.u32 @!p0 $0xF7A, s2;
	p2 =	seq.s32 @!p0 s5, $0x0  }
0x1f: {  	s9 =	smul.u32 $0xF7A, s1;
	s8 =	simm.s32 @!p0 $0x1BF5;
	p2 =	por !p2, p0  }
0x20: {  	[sflag:s8] =	ssyncset.s32 @!p0 $0xFFFFF086;
	s6 =	sadd.s32 @!p0 s3, s7;
	s7 =	simm.s32 @!p0 $0x108  }
0x21: {  	s3 =	sadd.s32 s3, s9;
	s6 =	sadd.s32 @!p0 $0x88, s6;
	s7 =	simm.s32 @p2 $0x1082  }
0x22: {  	[simem:s7], [sflag:s8] =	dma.local @!p0 [hbm:s6], $0xF7A  }
0x23: {  	s9 =	sor.u32 $0xD0000000, s2;
	s6 =	simm.s32 $0x108;
	_ =	swait.ge @!p0 [sflag:s8], $0x0  }
0x24: {  	s3 =	sadd.s32 $0x88, s3;
	s6 =	simm.s32 @!p1 $0x1082;
	[sflag:s4] =	ssyncset.s32 $0xFFFFF086  }
0x25: {  	[simem:s6], [sflag:s4] =	dma.local [hbm:s3], $0xF7A  }
0x26: {  	[smem:$0x3F98] =	sst s1;
	(tag) =	ssettag s2;
	_ =	strace s9  }
0x27: {  	s1 =	sld [smem:$0x3FA8]  }
0x28: {  	s2 =	sld [smem:$0x3FA9]  }
0x29: {  	s4 =	sld [smem:$0x3FAB]  }
0x2a: {  	p0 =	seq.s32 s5, $0x0;
	s5 =	sld [smem:$0x3FAC]  }
0x2b: {  	s6 =	sld [smem:$0x3FAD]  }
0x2c: {  	s7 =	sld [smem:$0x3FAE]  }
0x2d: {  	s3 =	simm.s32 $0x108;
	s8 =	sld [smem:$0x3FAF]  }
0x2e: {  	s3 =	simm.s32 @!p0 $0x1082;
	s9 =	sld [smem:$0x3FB0]  }
0x2f: {  	lr =	sadd.s32 s0, s3;
	s0 =	sld [smem:$0x3FA7]  }
0x30: {  	s3 =	sld [smem:$0x3FAA]  }
0x31: {  	[smem:$0x3FB3] =	sst s10  }
0x32: {  	s10 =	sld [smem:$0x3FB1];
	_ =	sdelay $0x3  }
0x33: {  	p0 =	seq.s32 s10, $0x1;
	s10 =	sld [smem:$0x3FB3];
	_ =	sdelay $0x3  }
0x34: {  	[smem:$0x3FB3] =	sst s10  }
0x35: {  	s10 =	sld [smem:$0x3FB2];
	_ =	sdelay $0x3  }
0x36: {  	p1 =	seq.s32 s10, $0x1;
	s10 =	sld [smem:$0x3FB3];
	_ =	sdelay $0x3  }
0x37: {  	[smem:$0x3FB3] =	sst s10  }
0x38: {  	s10 =	sld [smem:$0x3FB4]  }
0x39: {  	_ = 	snop;
	(pc) =	sbr.ind lr, $3  }
0x3a: {  	_ = 	snop  }
0x3b: {  	_ = 	snop  }
0x3c: {  	p2 =	seq.s32 s10, $0x1;
	s10 =	sld [smem:$0x3FB3]  }
0x3d: {  	_ =	shalt  }
0x3e: {  	_ =	shalt  }
0x3f: {  	_ =	shalt  }
0x40: {  	_ =	shalt  }
0x41: {  	_ =	shalt  }
0x42: {  	_ =	shalt  }
0x43: {  	_ =	shalt  }
0x44: {  	_ =	shalt  }
0x45: {  	_ =	shalt  }
0x46: {  	_ =	shalt  }
0x47: {  	_ =	shalt  }
0x48: {  	_ =	shalt  }
0x49: {  	_ =	shalt  }
0x4a: {  	_ =	shalt  }
0x4b: {  	_ =	shalt  }
0x4c: {  	_ =	shalt  }
0x4d: {  	_ =	shalt  }
0x4e: {  	_ =	shalt  }
0x4f: {  	_ =	shalt  }
0x50: {  	_ =	shalt  }
0x51: {  	_ =	shalt  }
0x52: {  	_ =	shalt  }
0x53: {  	_ =	shalt  }
0x54: {  	_ =	shalt  }
0x55: {  	_ =	shalt  }
0x56: {  	_ =	shalt  }
0x57: {  	_ =	shalt  }
0x58: {  	_ =	shalt  }
0x59: {  	_ =	shalt  }
0x5a: {  	_ =	shalt  }
0x5b: {  	_ =	shalt  }
0x5c: {  	_ =	shalt  }
0x5d: {  	_ =	shalt  }
0x5e: {  	_ =	shalt  }
0x5f: {  	_ =	shalt  }
0x60: {  	_ =	shalt  }
0x61: {  	_ =	shalt  }
0x62: {  	_ =	shalt  }
0x63: {  	_ =	shalt  }
0x64: {  	_ =	shalt  }
0x65: {  	_ =	shalt  }
0x66: {  	_ =	shalt  }
0x67: {  	_ =	shalt  }
0x68: {  	_ =	shalt  }
0x69: {  	_ =	shalt  }
0x6a: {  	_ =	shalt  }
0x6b: {  	_ =	shalt  }
0x6c: {  	_ =	shalt  }
0x6d: {  	_ =	shalt  }
0x6e: {  	_ =	shalt  }
0x6f: {  	_ =	shalt  }
0x70: {  	_ =	shalt  }
0x71: {  	_ =	shalt  }
0x72: {  	_ =	shalt  }
0x73: {  	_ =	shalt  }
0x74: {  	_ =	shalt  }
0x75: {  	_ =	shalt  }
0x76: {  	_ =	shalt  }
0x77: {  	_ =	shalt  }
0x78: {  	_ =	shalt  }
0x79: {  	_ =	shalt  }
0x7a: {  	_ =	shalt  }
0x7b: {  	_ =	shalt  }
0x7c: {  	_ =	shalt  }
0x7d: {  	_ =	shalt  }
0x7e: {  	_ =	shalt  }
0x7f: {  	_ =	shalt  }
0x80: {  	_ =	shalt  }
0x81: {  	_ =	shalt  }
0x82: {  	_ =	shalt  }
0x83: {  	_ =	shalt  }
0x84: {  	_ =	shalt  }
0x85: {  	_ =	shalt  }
0x86: {  	_ =	shalt  }
0x87: {  	_ =	shalt  }
.Lfunc_end0:
.L_simem_size_0:
called_computation.1_lowered:
.L_overlay_start_0:
0x88: {  	s2 =	sld [smem:$0x3FD9]  }
0x89: {  	s3 =	sld [smem:$0x3FFE];
	_ =	sdelay $0x1  }
0x8a: {  	s1 =	srdreg.scid  }
0x8b: {  	s0 =	sand.u32 $0x1, s1  }
0x8c: {  	s14 =	sshll.u32 s0, $0xA;
	s2 =	sadd.s32 s3, s2  }
0x8d: {  	s2 =	sadd.s32 s2, s14  }
0x8e: {  	[smem:$0x3FBF] =	sst s2  }
0x8f: {  	_ = 	snop  }
0x90: {  	s2 =	sld [smem:$0x3FD0];
	_ =	sdelay $0x2  }
0x91: {  	s4 =	simm.s32 $0xA;
	s5 =	simm.s32 $0x10;
	s15 =	sld [smem:$0x3FC7]  }
0x92: {  	[smem:s5], [sflag:s4] =	dma.local [hbm:s2], $0x1  }
0x93: {  	_ =	swait.eq [sflag:s4], $0x1  }
0x94: {  	[sflag:s4] =	ssyncset.done $0x0  }
0x95: {  	s16 =	sld [smem:$0x10];
	[sflag:s4] =	ssyncadd.s32 $0xFFFFFFFF  }
0x96: {  	s17 =	sld [smem:$0x11];
	(tm) =	ssettm $0x1  }
0x97: {  	s18 =	sld [smem:$0x3FFB];
	_ =	sdelay $0x3  }
0x98: {  	_ =	strace s18  }
0x99: {  	s5 =	sld [smem:$0x3FFC];
	_ =	sdelay $0x3  }
0x9a: {  	_ =	strace s5  }
0x9b: {  	s5 =	sld [smem:$0x3FFD];
	_ =	sdelay $0x3  }
0x9c: {  	_ =	strace s5  }
0x9d: {  	_ =	strace $0x8FFFFFFF  }
0x9e: {  	s19 =	sld [smem:$0x3FDB];
	_ =	sdelay $0x1  }
0x9f: {  	s6 =	simm.s32 $_scs_section_size  }
0xa0: {  	s7 =	simm.s32 $_size__tile_overlayer_lowered;
	s8 =	simm.s32 $_tile_overlayer_lowered  }
0xa1: {  	s22 =	simm.s32 $0x1BFF;
	s21 =	sshll.u32 s8, $0x1;
	s5 =	sadd.s32 s6, s19  }
0xa2: {  	s9 =	simm.s32 $0x0;
	s20 =	sshll.u32 s7, $0x1;
	s7 =	sadd.s32 s21, s5  }
0xa3: {  	[timem:s9], [sflag:s22] =	dma.local [hbm:s7], s20  }
0xa4: {  	_ =	swait.ge [sflag:s22], s20  }
0xa5: {  	s6 =	ssub.s32 $0x0, s20;
	[sflag:s22] =	ssyncset.done $0x0  }
0xa6: {  	[sflag:s22] =	ssyncadd.s32 s6;
	_ =	sdelay $0x1  }
0xa7: {  	s23 =	simm.s32 $0x1B8B  }
0xa8: {  	_ =	swait.ge [sflag:s23], $0x1  }
0xa9: {  	[sflag:s23] =	ssyncset.done $0x0  }
0xaa: {  	s25 =	simm.s32 $0x1B8E;
	s24 =	sld [smem:$0x3FFE];
	[sflag:s23] =	ssyncadd.s32 $0xFFFFFFFF  }
0xab: {  	s26 =	simm.s32 $execute0_lowered;
	[smem:$0x3FD2] =	sst s25  }
0xac: {  	s7 =	sshll.u32 s26, $0x1;
	_ =	strace $0x80000049;
	[dreg:$0x1] =	wrdreg $0xFFFFFFFF  }
0xad: {  	s28 =	simm.s32 $_size_execute0_lowered;
	s5 =	sadd.s32 s5, s7;
	[dreg:$0x0] =	wrdreg $0x0  }
0xae: {  	s7 =	sshll.u32 s28, $0x1;
	[dreg:$0x2] =	wrdreg s5  }
0xaf: {  	[dreg:$0x3] =	wrdreg s7  }
0xb0: {  	[dreg:$0x4] =	wrdreg $0xC0  }
0xb1: {  	_ =	task [dreg:s9], $0x5FFFF  }
0xb2: {  	[dreg:$0x1] =	wrdreg $0xFFFFFFFF  }
0xb3: {  	[dreg:$0x0] =	wrdreg $0x60  }
0xb4: {  	[dreg:$0x2] =	wrdreg s24  }
0xb5: {  	[dreg:$0x3] =	wrdreg s16  }
0xb6: {  	[dreg:$0x4] =	wrdreg s15  }
0xb7: {  	[dreg:$0x5] =	wrdreg s17  }
0xb8: {  	[dreg:$0x6] =	wrdreg $0x9  }
0xb9: {  	_ =	task.clear_ibuf [dreg:s9], $0x7FFFF;
	_ =	strace $0x90000049  }
0xba: {  	s29 =	simm.s32 $0x9;
	_ =	strace $0x8000004B  }
0xbb: {  	_ =	swait.ge [sflag:s29], $0x1  }
0xbc: {  	[sflag:s29] =	ssyncadd.s32 $0xFFFFFFFF  }
0xbd: {  	_ =	strace $0x9000004B  }
0xbe: {  	_ =	sfence  }
0xbf: {  	s30 =	sld [smem:$0x0];
	_ =	sdelay $0x2  }
0xc0: {  	s31 =	sshll.u32 s1, $0xD;
	s1 =	sshrl.u32 s1, $0x2  }
0xc1: {  	s3 =	sand.u32 $0x4000, s31;
	s1 =	sadd.s32 s1, s30  }
0xc2: {  	s0 =	sor.u32 s3, s0;
	s1 =	sshll.u32 s1, $0x11  }
0xc3: {  	s0 =	sor.u32 s1, s0  }
0xc4: {  	s0 =	sadd.s32 $0x8F2B, s0  }
0xc5: {  	[sflag:s0] =	ssyncadd.remote.s32 $0x1  }
0xc6: {  	_ =	sfence.sel $0xFFFF  }
0xc7: {  	[dreg:$0x0] =	wrdreg $0xFFFFFFFF;
	(pc) =	sbr.abs _section_cstart, $3  }
0xc8: {  	[dreg:$0x1] =	wrdreg $0xFFFFFFFF  }
0xc9: {  	_ =	task.clear_ibuf [dreg:s9], $0x2FFFF;
	_ =	strace $0x9FFFFFFF  }
0xca: {  	(tm) =	ssettm $0x7FFFFFFF  }
0xcb: {  	_ =	shalt  }
tec
execute0_lowered:
.L_overlay_start_1:
0x0: {  	(tag) =	ssettag $0x1  }
0x1: {  	s3 =	rddreg [dreg:$0x0]  }
0x2: {  	s5 =	rddreg [dreg:$0x1];
	s1 =	srdreg.scid  }
0x3: {  	s0 =	stileid.u32;
	s6 =	rddreg [dreg:$0x2]  }
0x4: {  	s7 =	rddreg [dreg:$0x3];
	s2 =	simm.s32 $0x0;
	s11 =	simm.s32 $0x4F80  }
0x5: {  	s12 =	simm.s32 $0x7700;
	s4 =	sand.u32 $0x1, s1;
	s31 =	sshll.u32 s0, $0x1  }
0x6: {  	s13 =	simm.s32 $0x0;
	s8 =	sor.u32 s4, s31;
	s4 =	ssub.s32 $0x2, s4  }
0x7: {  	[smem:$0x7FF] =	sst s2;
	s8 =	smul.u32 $0x4E2, s8;
	s10 =	sshrl.u32 s4, $0x1  }
0x8: {  	s1 =	rddreg [dreg:$0x4];
	_ =	strace $0x8000004A;
	s10 =	ssub.s32 s4, s10  }
0x9: {  	s9 =	sadd.s32 s8, s3;
	s3 =	sadd.s32 $0xC400, s3;
	s5 =	sadd.s32 s5, s8  }
0xa: {  	s6 =	sadd.s32 s6, s8;
	s7 =	sadd.s32 s7, s8;
	s8 =	smax.u32 s10, $0x1  }
0xb: {  	s10 =	simm.s32 $0x2800;
	s4 =	sadd.s32 $0x2600, s9;
	s9 =	simm.s32 $0x1  }
.LBB2_1:
0xc: {  	[tilespmem:s2], [sflag:$0x1] =	stream.linear.gather [hbm4b:s3+s2], $0x2800, $0x38;
	[tilespmem:$0x9E80] =	vst v63  }
0xd: {  	_ =	swait.ge [sflag:s9], $0x2800  }
0xe: {  	[sflag:s9] =	ssyncset.done $0x0  }
0xf: {  	[sflag:s9] =	ssyncadd.s32 $0xFFFFD800  }
0x10: {  	[tilespmem:s10], [sflag:$0x1] =	stream.linear.gather [hbm4b:s4+s2], $0x2710, $0x38;
	[tilespmem:$0x9E80] =	vst v63  }
0x11: {  	_ =	swait.ge [sflag:s9], $0x2710  }
0x12: {  	[sflag:s9] =	ssyncset.done $0x0  }
0x13: {  	[sflag:s9] =	ssyncadd.s32 $0xFFFFD8F0  }
0x14: {  	[tilespmem:s11], [sflag:$0x1] =	stream.linear.gather [hbm4b:s5+s2], $0x2710, $0x38;
	[tilespmem:$0x9E80] =	vst v63  }
0x15: {  	_ =	swait.ge [sflag:s9], $0x2710  }
0x16: {  	[sflag:s9] =	ssyncset.done $0x0  }
0x17: {  	[sflag:s9] =	ssyncadd.s32 $0xFFFFD8F0  }
0x18: {  	[tilespmem:s12], [sflag:$0x1] =	stream.linear.gather [hbm4b:s6+s2], $0x2710, $0x38;
	[tilespmem:$0x9E80] =	vst v63  }
0x19: {  	_ =	swait.ge [sflag:s9], $0x2710  }
0x1a: {  	[sflag:s9] =	ssyncset.done $0x0  }
0x1b: {  	s14 =	simm.s32 $0x0;
	[sflag:s9] =	ssyncadd.s32 $0xFFFFD8F0  }
0x1c: {  	v0 =	vld [tilespmem:s14+$0x2800]  }
0x1d: {  	v2 =	vld [tilespmem:s14+$0x4F80];
	_ =	sdelay $0x5  }
0x1e: {  	v1 =	vld [tilespmem:s14+$0x7700]  }
0x1f: {  	v0 =	vld.idx.msk [tilespmem:v0+s2+$0x0], $0xffff  }
0x20: {  	s15 =	simm.s32 $0x10;
	s16 =	simm.s32 $0x80;
	v2 =	vld.idx.msk [tilespmem:v2+s2+$0x0], $0xffff  }
.LBB2_2:
0x21: {  	p0 =	sne.s32 s16, $0x9C00;
	v3 =	vld [tilespmem:s15+$0x2800];
	_ =	sdelay $0x1  }
0x22: {  	v4 =	vld [tilespmem:s15+$0x4F80]  }
0x23: {  	v0 =	vmul.f32 v0, v1;
	_ =	sdelay $0x1  }
0x24: {  	v0 =	vmul.f32 v2, v0  }
.Ltmp0:
0x25: {  	(pc) =	sbr.rel @p0 .LBB2_2-.Ltmp0, $4  }
0x26: {  	[tilespmem:s14+$0x7700] =	vst v0;
	s14 =	smov.u32 s15  }
0x27: {  	v0 =	vld.idx.msk [tilespmem:v3+s2+$0x0], $0xffff  }
0x28: {  	v1 =	vld [tilespmem:s14+$0x7700]  }
0x29: {  	s15 =	sshra.s32 s16, $0x2;
	s16 =	sadd.s32 $0x40, s16;
	v2 =	vld.idx.msk [tilespmem:v4+s2+$0x0], $0xffff  }
0x2a: {  	v3 =	vld [tilespmem:s15+$0x2800];
	_ =	sdelay $0x2  }
0x2b: {  	v4 =	vld [tilespmem:s15+$0x4F80];
	v0 =	vmul.f32 v0, v1;
	_ =	sdelay $0x1  }
0x2c: {  	v0 =	vmul.f32 v2, v0;
	_ =	sdelay $0x1  }
0x2d: {  	[tilespmem:s14+$0x7700] =	vst v0  }
0x2e: {  	v0 =	vld.idx.msk [tilespmem:v3+s2+$0x0], $0xffff  }
0x2f: {  	v62 =	vld [tilespmem:s15+$0x7700];
	_ =	sdelay $0x1  }
0x30: {  	v63 =	vld.idx.msk [tilespmem:v4+s2+$0x0], $0xffff;
	_ =	sdelay $0x2  }
0x31: {  	v0 =	vmul.f32 v0, v62;
	_ =	sdelay $0x1  }
0x32: {  	s13 =	sadd.s32 $0x1, s13;
	v0 =	vmul.f32 v63, v0  }
0x33: {  	p0 =	sne.s32 s13, s8  }
.Ltmp1:
0x34: {  	[tilespmem:s15+$0x7700] =	vst v0;
	(pc) =	sbr.rel @p0 .LBB2_1-.Ltmp1, $4  }
0x35: {  	[hbm4b:s7+s2] =	stream.linear.scatter [tilespmem:s12], [sflag:$0x1], $0x2710, $0x38;
	[tilespmem:$0x9E80] =	vst v63  }
0x36: {  	_ =	swait.ge [sflag:s9], $0x2710  }
0x37: {  	[sflag:s9] =	ssyncset.done $0x0  }
0x38: {  	[sflag:s9] =	ssyncadd.s32 $0xFFFFD8F0  }
0x39: {  	_ =	sfence.sel $0x180000  }
0x3a: {  	[bflag:$0x0] =	sbarrier.arrive $0xFFFF  }
0x3b: {  	p0 =	sne.s32 s0, $0x0;
	_ =	strace $0x9000004A  }
0x3c: {  	s0 =	sadd.s32 @!p0 $0x100000, s1;
	[bflag:$0x2] =	sbarrier.arrive $0xFFFF  }
0x3d: {  	[sflag:s0] =	ssyncadd.tile.s32 @!p0 $0x1;
	_ =	shalt  }
.Lfunc_end2:
_tile_overlayer_lowered:
.L_overlay_start_2:
0x3e: {  	(tag) =	ssettag $0x2  }
0x3f: {  	s0 =	rddreg [dreg:$0x0];
	s2 =	stileid.u32  }
0x40: {  	s1 =	rddreg [dreg:$0x1];
	p0 =	sne.s32 s2, $0x0  }
0x41: {  	s3 =	rddreg [dreg:$0x2];
	[bflag:$0x3] =	sbarrier.arrive $0xFFFF;
	s2 =	simm.s32 @!p0 $0x1C01  }
0x42: {  	[timem:s3], [sflag:s2] =	dma.local @!p0 [hbm:s0], s1  }
0x43: {  	s0 =	simm.s32 @!p0 $0x1  }
0x44: {  	_ =	swait.ge @!p0 [sflag:s0], s1  }
0x45: {  	s1 =	ssub.s32 @!p0 $0x0, s1;
	[sflag:s0] =	ssyncset.done @!p0 $0x0  }
0x46: {  	[sflag:s0] =	ssyncadd.s32 @!p0 s1  }
0x47: {  	[bflag:$0x3] =	sbarrier.arrive $0xFFFF  }
0x48: {  	_ =	shalt  }

// kernel: kernel.15.cloned.1.call-start
scs
__scs_entry_jumppad:
0x0: {  	(pc) =	sbr.rel $0x88, $3  }
0x1: {  	(tag) =	ssettag $0x0;
	lr =	simm.s32 $0x1  }
0x2: {  	[smem:$0x3F98] =	sst lr;
	_ =	strace $0xD0000000  }
0x3: {  	_ = 	snop  }
0x4: {  	_ = 	snop  }
0x5: {  	_ = 	snop  }
0x6: {  	_ = 	snop  }
0x7: {  	_ = 	snop  }
__scs_overlays_trampoline_lowered:
0x8: {  	[smem:$0x3FA7] =	sst s0  }
0x9: {  	[smem:$0x3FA8] =	sst s1  }
0xa: {  	[smem:$0x3FA9] =	sst s2  }
0xb: {  	[smem:$0x3FAA] =	sst s3  }
0xc: {  	[smem:$0x3FAB] =	sst s4  }
0xd: {  	[smem:$0x3FAC] =	sst s5  }
0xe: {  	[smem:$0x3FAD] =	sst s6  }
0xf: {  	[smem:$0x3FAE] =	sst s7  }
0x10: {  	[smem:$0x3FAF] =	sst s8  }
0x11: {  	[smem:$0x3FB0] =	sst s9;
	s0 =	simm.s32 @!p0 $0x0  }
0x12: {  	s1 =	sld [smem:$0x3F96];
	s0 =	simm.s32 @p0 $0x1  }
0x13: {  	[smem:$0x3FB1] =	sst s0;
	s0 =	simm.s32 @!p1 $0x0  }
0x14: {  	s2 =	sld [smem:$0x3F95];
	s0 =	simm.s32 @p1 $0x1  }
0x15: {  	[smem:$0x3FB2] =	sst s0;
	s0 =	simm.s32 @!p2 $0x0  }
0x16: {  	s3 =	sld [smem:$0x3FDB];
	s0 =	simm.s32 @p2 $0x1  }
0x17: {  	s4 =	simm.s32 $0x1BF5;
	[smem:$0x3FB4] =	sst s0  }
0x18: {  	s0 =	sld [smem:$0x3F97];
	_ =	swait.ge [sflag:s4], $0x0  }
0x19: {  	s7 =	sld [smem:$0x3F98]  }
0x1a: {  	s8 =	sadd.s32 $0xFFFFE003, lr  }
0x1b: {  	s9 =	sadd.s32 $0xFFFFFEF7, lr;
	s5 =	simm.s32 $0xFFFFFFFF;
	p2 =	slt.u32 s8, $0xFFFFF086  }
0x1c: {  	p1 =	slt.u32 s9, $0xF7A;
	s5 =	simm.s32 @!p2 $0x0  }
0x1d: {  	s5 =	simm.s32 @p1 $0x1;
	p0 =	seq.s32 s7, s2  }
0x1e: {  	s7 =	smul.u32 @!p0 $0xF7A, s2;
	p2 =	seq.s32 @!p0 s5, $0x0  }
0x1f: {  	s9 =	smul.u32 $0xF7A, s1;
	s8 =	simm.s32 @!p0 $0x1BF5;
	p2 =	por !p2, p0  }
0x20: {  	[sflag:s8] =	ssyncset.s32 @!p0 $0xFFFFF086;
	s6 =	sadd.s32 @!p0 s3, s7;
	s7 =	simm.s32 @!p0 $0x108  }
0x21: {  	s3 =	sadd.s32 s3, s9;
	s6 =	sadd.s32 @!p0 $0x88, s6;
	s7 =	simm.s32 @p2 $0x1082  }
0x22: {  	[simem:s7], [sflag:s8] =	dma.local @!p0 [hbm:s6], $0xF7A  }
0x23: {  	s9 =	sor.u32 $0xD0000000, s2;
	s6 =	simm.s32 $0x108;
	_ =	swait.ge @!p0 [sflag:s8], $0x0  }
0x24: {  	s3 =	sadd.s32 $0x88, s3;
	s6 =	simm.s32 @!p1 $0x1082;
	[sflag:s4] =	ssyncset.s32 $0xFFFFF086  }
0x25: {  	[simem:s6], [sflag:s4] =	dma.local [hbm:s3], $0xF7A  }
0x26: {  	[smem:$0x3F98] =	sst s1;
	(tag) =	ssettag s2;
	_ =	strace s9  }
0x27: {  	s1 =	sld [smem:$0x3FA8]  }
0x28: {  	s2 =	sld [smem:$0x3FA9]  }
0x29: {  	s4 =	sld [smem:$0x3FAB]  }
0x2a: {  	p0 =	seq.s32 s5, $0x0;
	s5 =	sld [smem:$0x3FAC]  }
0x2b: {  	s6 =	sld [smem:$0x3FAD]  }
0x2c: {  	s7 =	sld [smem:$0x3FAE]  }
0x2d: {  	s3 =	simm.s32 $0x108;
	s8 =	sld [smem:$0x3FAF]  }
0x2e: {  	s3 =	simm.s32 @!p0 $0x1082;
	s9 =	sld [smem:$0x3FB0]  }
0x2f: {  	lr =	sadd.s32 s0, s3;
	s0 =	sld [smem:$0x3FA7]  }
0x30: {  	s3 =	sld [smem:$0x3FAA]  }
0x31: {  	[smem:$0x3FB3] =	sst s10  }
0x32: {  	s10 =	sld [smem:$0x3FB1];
	_ =	sdelay $0x3  }
0x33: {  	p0 =	seq.s32 s10, $0x1;
	s10 =	sld [smem:$0x3FB3];
	_ =	sdelay $0x3  }
0x34: {  	[smem:$0x3FB3] =	sst s10  }
0x35: {  	s10 =	sld [smem:$0x3FB2];
	_ =	sdelay $0x3  }
0x36: {  	p1 =	seq.s32 s10, $0x1;
	s10 =	sld [smem:$0x3FB3];
	_ =	sdelay $0x3  }
0x37: {  	[smem:$0x3FB3] =	sst s10  }
0x38: {  	s10 =	sld [smem:$0x3FB4]  }
0x39: {  	_ = 	snop;
	(pc) =	sbr.ind lr, $3  }
0x3a: {  	_ = 	snop  }
0x3b: {  	_ = 	snop  }
0x3c: {  	p2 =	seq.s32 s10, $0x1;
	s10 =	sld [smem:$0x3FB3]  }
0x3d: {  	_ =	shalt  }
0x3e: {  	_ =	shalt  }
0x3f: {  	_ =	shalt  }
0x40: {  	_ =	shalt  }
0x41: {  	_ =	shalt  }
0x42: {  	_ =	shalt  }
0x43: {  	_ =	shalt  }
0x44: {  	_ =	shalt  }
0x45: {  	_ =	shalt  }
0x46: {  	_ =	shalt  }
0x47: {  	_ =	shalt  }
0x48: {  	_ =	shalt  }
0x49: {  	_ =	shalt  }
0x4a: {  	_ =	shalt  }
0x4b: {  	_ =	shalt  }
0x4c: {  	_ =	shalt  }
0x4d: {  	_ =	shalt  }
0x4e: {  	_ =	shalt  }
0x4f: {  	_ =	shalt  }
0x50: {  	_ =	shalt  }
0x51: {  	_ =	shalt  }
0x52: {  	_ =	shalt  }
0x53: {  	_ =	shalt  }
0x54: {  	_ =	shalt  }
0x55: {  	_ =	shalt  }
0x56: {  	_ =	shalt  }
0x57: {  	_ =	shalt  }
0x58: {  	_ =	shalt  }
0x59: {  	_ =	shalt  }
0x5a: {  	_ =	shalt  }
0x5b: {  	_ =	shalt  }
0x5c: {  	_ =	shalt  }
0x5d: {  	_ =	shalt  }
0x5e: {  	_ =	shalt  }
0x5f: {  	_ =	shalt  }
0x60: {  	_ =	shalt  }
0x61: {  	_ =	shalt  }
0x62: {  	_ =	shalt  }
0x63: {  	_ =	shalt  }
0x64: {  	_ =	shalt  }
0x65: {  	_ =	shalt  }
0x66: {  	_ =	shalt  }
0x67: {  	_ =	shalt  }
0x68: {  	_ =	shalt  }
0x69: {  	_ =	shalt  }
0x6a: {  	_ =	shalt  }
0x6b: {  	_ =	shalt  }
0x6c: {  	_ =	shalt  }
0x6d: {  	_ =	shalt  }
0x6e: {  	_ =	shalt  }
0x6f: {  	_ =	shalt  }
0x70: {  	_ =	shalt  }
0x71: {  	_ =	shalt  }
0x72: {  	_ =	shalt  }
0x73: {  	_ =	shalt  }
0x74: {  	_ =	shalt  }
0x75: {  	_ =	shalt  }
0x76: {  	_ =	shalt  }
0x77: {  	_ =	shalt  }
0x78: {  	_ =	shalt  }
0x79: {  	_ =	shalt  }
0x7a: {  	_ =	shalt  }
0x7b: {  	_ =	shalt  }
0x7c: {  	_ =	shalt  }
0x7d: {  	_ =	shalt  }
0x7e: {  	_ =	shalt  }
0x7f: {  	_ =	shalt  }
0x80: {  	_ =	shalt  }
0x81: {  	_ =	shalt  }
0x82: {  	_ =	shalt  }
0x83: {  	_ =	shalt  }
0x84: {  	_ =	shalt  }
0x85: {  	_ =	shalt  }
0x86: {  	_ =	shalt  }
0x87: {  	_ =	shalt  }
.Lfunc_end0:
.L_simem_size_0:
called_computation.2_lowered:
.L_overlay_start_0:
0x88: {  	s2 =	sld [smem:$0x3FD9]  }
0x89: {  	s3 =	sld [smem:$0x3FFE];
	_ =	sdelay $0x1  }
0x8a: {  	s1 =	srdreg.scid  }
0x8b: {  	s0 =	sand.u32 $0x1, s1  }
0x8c: {  	s14 =	sshll.u32 s0, $0xA;
	s2 =	sadd.s32 s3, s2  }
0x8d: {  	s2 =	sadd.s32 s2, s14  }
0x8e: {  	[smem:$0x3FBF] =	sst s2  }
0x8f: {  	_ = 	snop  }
0x90: {  	s2 =	sld [smem:$0x3FD0];
	_ =	sdelay $0x2  }
0x91: {  	s4 =	simm.s32 $0xA;
	s5 =	simm.s32 $0x10;
	s15 =	sld [smem:$0x3FC5]  }
0x92: {  	[smem:s5], [sflag:s4] =	dma.local [hbm:s2], $0x1  }
0x93: {  	_ =	swait.eq [sflag:s4], $0x1  }
0x94: {  	[sflag:s4] =	ssyncset.done $0x0  }
0x95: {  	s16 =	sld [smem:$0x10];
	[sflag:s4] =	ssyncadd.s32 $0xFFFFFFFF  }
0x96: {  	s17 =	sld [smem:$0x11];
	(tm) =	ssettm $0x1  }
0x97: {  	s18 =	sld [smem:$0x3FFB];
	_ =	sdelay $0x3  }
0x98: {  	_ =	strace s18  }
0x99: {  	s5 =	sld [smem:$0x3FFC];
	_ =	sdelay $0x3  }
0x9a: {  	_ =	strace s5  }
0x9b: {  	s5 =	sld [smem:$0x3FFD];
	_ =	sdelay $0x3  }
0x9c: {  	_ =	strace s5  }
0x9d: {  	_ =	strace $0x8FFFFFFF  }
0x9e: {  	s19 =	sld [smem:$0x3FDB];
	_ =	sdelay $0x1  }
0x9f: {  	s6 =	simm.s32 $_scs_section_size  }
0xa0: {  	s7 =	simm.s32 $_size__tile_overlayer_lowered;
	s8 =	simm.s32 $_tile_overlayer_lowered  }
0xa1: {  	s22 =	simm.s32 $0x1BFF;
	s21 =	sshll.u32 s8, $0x1;
	s5 =	sadd.s32 s6, s19  }
0xa2: {  	s9 =	simm.s32 $0x0;
	s20 =	sshll.u32 s7, $0x1;
	s7 =	sadd.s32 s21, s5  }
0xa3: {  	[timem:s9], [sflag:s22] =	dma.local [hbm:s7], s20  }
0xa4: {  	_ =	swait.ge [sflag:s22], s20  }
0xa5: {  	s6 =	ssub.s32 $0x0, s20;
	[sflag:s22] =	ssyncset.done $0x0  }
0xa6: {  	[sflag:s22] =	ssyncadd.s32 s6;
	_ =	sdelay $0x1  }
0xa7: {  	s23 =	simm.s32 $0x1B8B  }
0xa8: {  	_ =	swait.ge [sflag:s23], $0x1  }
0xa9: {  	[sflag:s23] =	ssyncset.done $0x0  }
0xaa: {  	s25 =	simm.s32 $0x1B8E;
	s24 =	sld [smem:$0x3FFE];
	[sflag:s23] =	ssyncadd.s32 $0xFFFFFFFF  }
0xab: {  	s26 =	simm.s32 $execute0_lowered;
	[smem:$0x3FD2] =	sst s25  }
0xac: {  	s7 =	sshll.u32 s26, $0x1;
	_ =	strace $0x8000004C;
	[dreg:$0x1] =	wrdreg $0xFFFFFFFF  }
0xad: {  	s28 =	simm.s32 $_size_execute0_lowered;
	s5 =	sadd.s32 s5, s7;
	[dreg:$0x0] =	wrdreg $0x0  }
0xae: {  	s7 =	sshll.u32 s28, $0x1;
	[dreg:$0x2] =	wrdreg s5  }
0xaf: {  	[dreg:$0x3] =	wrdreg s7  }
0xb0: {  	[dreg:$0x4] =	wrdreg $0xC0  }
0xb1: {  	_ =	task [dreg:s9], $0x5FFFF  }
0xb2: {  	[dreg:$0x1] =	wrdreg $0xFFFFFFFF  }
0xb3: {  	[dreg:$0x0] =	wrdreg $0x60  }
0xb4: {  	[dreg:$0x2] =	wrdreg s24  }
0xb5: {  	[dreg:$0x3] =	wrdreg s16  }
0xb6: {  	[dreg:$0x4] =	wrdreg s17  }
0xb7: {  	[dreg:$0x5] =	wrdreg s15  }
0xb8: {  	[dreg:$0x6] =	wrdreg $0x9  }
0xb9: {  	_ =	task.clear_ibuf [dreg:s9], $0x7FFFF;
	_ =	strace $0x9000004C  }
0xba: {  	s29 =	simm.s32 $0x9;
	_ =	strace $0x8000004E  }
0xbb: {  	_ =	swait.ge [sflag:s29], $0x1  }
0xbc: {  	[sflag:s29] =	ssyncadd.s32 $0xFFFFFFFF  }
0xbd: {  	_ =	strace $0x9000004E  }
0xbe: {  	_ =	sfence  }
0xbf: {  	s30 =	sld [smem:$0x0];
	_ =	sdelay $0x2  }
0xc0: {  	s31 =	sshll.u32 s1, $0xD;
	s1 =	sshrl.u32 s1, $0x2  }
0xc1: {  	s3 =	sand.u32 $0x4000, s31;
	s1 =	sadd.s32 s1, s30  }
0xc2: {  	s0 =	sor.u32 s3, s0;
	s1 =	sshll.u32 s1, $0x11  }
0xc3: {  	s0 =	sor.u32 s1, s0  }
0xc4: {  	s0 =	sadd.s32 $0x8F2B, s0  }
0xc5: {  	[sflag:s0] =	ssyncadd.remote.s32 $0x1  }
0xc6: {  	_ =	sfence.sel $0xFFFF  }
0xc7: {  	[dreg:$0x0] =	wrdreg $0xFFFFFFFF;
	(pc) =	sbr.abs _section_cstart, $3  }
0xc8: {  	[dreg:$0x1] =	wrdreg $0xFFFFFFFF  }
0xc9: {  	_ =	task.clear_ibuf [dreg:s9], $0x2FFFF;
	_ =	strace $0x9FFFFFFF  }
0xca: {  	(tm) =	ssettm $0x7FFFFFFF  }
0xcb: {  	_ =	shalt  }
tec
execute0_lowered:
.L_overlay_start_1:
0x0: {  	(tag) =	ssettag $0x1  }
0x1: {  	s0 =	rddreg [dreg:$0x0];
	s1 =	simm.s32 $0x0  }
0x2: {  	s2 =	srdreg.scid;
	s5 =	stileid.u32;
	s29 =	simm.s32 $0x400  }
0x3: {  	s30 =	simm.s32 $0x2900;
	s31 =	simm.s32 $0x5080;
	[smem:$0x7FF] =	sst s1  }
0x4: {  	s3 =	sand.u32 $0x1, s2;
	s8 =	sadd.s32 $0xCA00, s0;
	s20 =	sshll.u32 s5, $0x3  }
0x5: {  	s6 =	sadd.s32 $0x5BA00, s0;
	s9 =	smul.u32 $0x13C00, s5;
	s4 =	sshll.u32 s3, $0x2  }
0x6: {  	s21 =	ssub.s32 $0x2, s3;
	s10 =	sshll.u32 s3, $0x9;
	s2 =	sor.u32 s4, s20  }
0x7: {  	s22 =	sshrl.u32 s21, $0x1;
	s7 =	sor.u32 s10, s9;
	s3 =	sor.u32 $0x1, s2  }
0x8: {  	s12 =	ssub.s32 s21, s22;
	s14 =	sshrl.u32 s7, $0x3;
	s4 =	sor.u32 $0x2, s2  }
0x9: {  	s5 =	sor.u32 $0x80, s2;
	s7 =	sor.u32 $0x3, s2;
	s11 =	sshll.u32 s3, $0x7  }
0xa: {  	s24 =	sadd.s32 s8, s14;
	s26 =	sshll.u32 s4, $0x7;
	s15 =	sshrl.u32 s5, $0x3  }
0xb: {  	s16 =	sshll.u32 s7, $0x7;
	s14 =	sadd.s32 s6, s14;
	v4 =	vmov s5;
	s5 =	simm.s32 $0x1  }
0xc: {  	v3 =	vmov s4;
	v0 =	vmov s7;
	s7 =	simm.s32 $0x18A80;
	s4 =	simm.s32 $0x0;
	s23 =	sand.u32 $0x280, s11  }
0xd: {  	[dreg:$0x5] =	wrdreg s24;
	s13 =	sand.u32 $0x300, s26;
	s15 =	smul.u32 $0x13C00, s15  }
0xe: {  	s19 =	sand.u32 $0x380, s16;
	[dreg:$0x9] =	wrdreg s14;
	s25 =	sor.u32 s9, s23  }
0xf: {  	s13 =	sor.u32 s9, s13;
	s16 =	sor.u32 s9, s19;
	s9 =	sor.u32 $0x82, s2  }
0x10: {  	s11 =	sshrl.u32 s25, $0x3;
	s28 =	sshrl.u32 s13, $0x3;
	s10 =	sor.u32 s10, s15  }
0x11: {  	s15 =	sor.u32 $0x81, s2;
	s21 =	sshrl.u32 s9, $0x3;
	s13 =	sor.u32 $0x83, s2  }
0x12: {  	v1 =	vmov s2;
	s16 =	sshrl.u32 s16, $0x3;
	s2 =	simm.s32 $0xEE80;
	s17 =	sadd.s32 s8, s11  }
0x13: {  	s20 =	sshrl.u32 s15, $0x3;
	s18 =	sshll.u32 s15, $0x7;
	s26 =	sadd.s32 s8, s16  }
0x14: {  	s14 =	sadd.s32 s6, s16;
	s16 =	sshrl.u32 s10, $0x3;
	s10 =	rddreg [dreg:$0x1]  }
0x15: {  	s23 =	sshrl.u32 s13, $0x3;
	s25 =	sshll.u32 s13, $0x7;
	[dreg:$0x6] =	wrdreg s17  }
0x16: {  	s11 =	sadd.s32 s6, s11;
	v5 =	vmov s13;
	s13 =	simm.s32 $0x13D80;
	[dreg:$0x8] =	wrdreg s26  }
0x17: {  	v6 =	vmov s15;
	s15 =	simm.s32 $0x2;
	s19 =	smul.u32 $0x13C00, s20;
	[dreg:$0xa] =	wrdreg s11  }
0x18: {  	s18 =	sand.u32 $0x280, s18;
	s20 =	smul.u32 $0x13C00, s21;
	[dreg:$0xc] =	wrdreg s14  }
0x19: {  	s21 =	sshll.u32 s9, $0x7;
	s24 =	smul.u32 $0x13C00, s23;
	s11 =	rddreg [dreg:$0x2]  }
0x1a: {  	v7 =	vmov s9;
	s14 =	simm.s32 $0x7800;
	s9 =	simm.s32 $0xC700;
	s22 =	sand.u32 $0x300, s21  }
0x1b: {  	s18 =	sor.u32 s18, s19;
	s19 =	sor.u32 s22, s20;
	s22 =	sadd.s32 s8, s28  }
0x1c: {  	s21 =	sand.u32 $0x380, s25;
	s28 =	sadd.s32 s6, s28;
	[dreg:$0x7] =	wrdreg s22  }
0x1d: {  	s20 =	sor.u32 s21, s24;
	s21 =	sadd.s32 s8, s16;
	[dreg:$0xb] =	wrdreg s28  }
0x1e: {  	s24 =	sadd.s32 s6, s16;
	s17 =	sshrl.u32 s18, $0x3;
	[dreg:$0xd] =	wrdreg s21  }
0x1f: {  	s18 =	sshrl.u32 s19, $0x3;
	[dreg:$0x11] =	wrdreg s24;
	s22 =	sadd.s32 s8, s17  }
0x20: {  	s20 =	sshrl.u32 s20, $0x3;
	s23 =	sadd.s32 s8, s18;
	[dreg:$0xe] =	wrdreg s22  }
0x21: {  	s28 =	smax.u32 s12, $0x1;
	s8 =	sadd.s32 s8, s20;
	[dreg:$0xf] =	wrdreg s23  }
0x22: {  	s12 =	simm.s32 $0x11600;
	s25 =	sadd.s32 s6, s17;
	[dreg:$0x10] =	wrdreg s8  }
0x23: {  	s26 =	sadd.s32 s6, s18;
	s6 =	sadd.s32 s6, s20;
	[dreg:$0x12] =	wrdreg s25  }
0x24: {  	v2 =	vmov s3;
	s17 =	simm.s32 $0x80;
	s18 =	simm.s32 $0x3;
	[dreg:$0x13] =	wrdreg s26  }
0x25: {  	v1 =	vbroadcast v1, $0x0;
	v2 =	vbroadcast v2, $0x0;
	[dreg:$0x14] =	wrdreg s6;
	s22 =	sadd.s32 $0x2600, s0;
	s0 =	sadd.s32 $0xC400, s0  }
0x26: {  	v3 =	vbroadcast v3, $0x0;
	v4 =	vbroadcast v4, $0x0;
	s6 =	simm.s32 $0x17180;
	_ =	strace $0x8000004D;
	[dreg:$0x15] =	wrdreg s0  }
0x27: {  	v7 =	vbroadcast v7, $0x0;
	v6 =	vbroadcast v6, $0x0;
	s8 =	simm.s32 $0x1A380;
	[dreg:$0x16] =	wrdreg s28;
	s0 =	simm.s32 $0x9F80  }
.LBB2_1:
0x28: {  	[dreg:$0x17] =	wrdreg s4  }
0x29: {  	s3 =	rddreg [dreg:$0x15];
	s26 =	simm.s32 $0x4  }
0x2a: {  	[tilespmem:s1], [sflag:$0x4] =	stream.linear.gather [hbm4b:s3+s1], $0x2800, $0x38;
	[tilespmem:$0x1B000] =	vst v63  }
0x2b: {  	_ =	swait.ge [sflag:s26], $0x2800  }
0x2c: {  	[sflag:s26] =	ssyncset.done $0x0  }
0x2d: {  	[sflag:s26] =	ssyncadd.s32 $0xFFFFD800  }
0x2e: {  	s16 =	simm.s32 $0x2800;
	s19 =	rddreg [dreg:$0x3]  }
0x2f: {  	[tilespmem:s16], [sflag:$0x4] =	stream.linear.gather [hbm4b:s19+s1], $0x100, $0x38;
	[tilespmem:$0x1B000] =	vst v63  }
0x30: {  	_ =	swait.ge [sflag:s26], $0x100  }
0x31: {  	[sflag:s26] =	ssyncset.done $0x0  }
0x32: {  	s20 =	rddreg [dreg:$0x5];
	[sflag:s26] =	ssyncadd.s32 $0xFFFFFF00  }
0x33: {  	[tilespmem:s30], [sflag:$0x3] =	stream.strided.gather [hbm4b:s20+s17], $0x2780, s29, s17, $0x38;
	[tilespmem:$0x1B000] =	vst v63  }
0x34: {  	s21 =	rddreg [dreg:$0x6]  }
0x35: {  	[tilespmem:s31], [sflag:$0x3] =	stream.strided.gather [hbm4b:s21+s17], $0x2780, s29, s17, $0x38;
	[tilespmem:$0x1B000] =	vst v63  }
0x36: {  	s23 =	rddreg [dreg:$0x7]  }
0x37: {  	[tilespmem:s14], [sflag:$0x3] =	stream.strided.gather [hbm4b:s23+s17], $0x2780, s29, s17, $0x38;
	[tilespmem:$0x1B000] =	vst v63  }
0x38: {  	s24 =	rddreg [dreg:$0x8]  }
0x39: {  	[tilespmem:s0], [sflag:$0x3] =	stream.strided.gather [hbm4b:s24+s17], $0x2780, s29, s17, $0x38;
	[tilespmem:$0x1B000] =	vst v63  }
0x3a: {  	_ =	swait.ge [sflag:s18], $0x2780  }
0x3b: {  	[sflag:s18] =	ssyncset.done $0x0  }
0x3c: {  	[sflag:s18] =	ssyncadd.s32 $0xFFFFD880  }
0x3d: {  	_ =	swait.ge [sflag:s18], $0x2780  }
0x3e: {  	[sflag:s18] =	ssyncset.done $0x0  }
0x3f: {  	[sflag:s18] =	ssyncadd.s32 $0xFFFFD880  }
0x40: {  	_ =	swait.ge [sflag:s18], $0x2780  }
0x41: {  	[sflag:s18] =	ssyncset.done $0x0  }
0x42: {  	[sflag:s18] =	ssyncadd.s32 $0xFFFFD880  }
0x43: {  	_ =	swait.ge [sflag:s18], $0x2780  }
0x44: {  	[sflag:s18] =	ssyncset.done $0x0  }
0x45: {  	s25 =	simm.s32 $0x20;
	[sflag:s18] =	ssyncadd.s32 $0xFFFFD880  }
0x46: {  	v10 =	vld [tilespmem:s25+$0x10]  }
0x47: {  	s26 =	simm.s32 $0x2920;
	v8 =	vld.idx.msk [tilespmem:v1+s16+$0x0], $0xffff  }
0x48: {  	v11 =	vld [tilespmem:s26+$0x10]  }
0x49: {  	v12 =	vld [tilespmem:s25+$0xFFFFFFF0]  }
0x4a: {  	v13 =	vld [tilespmem:s25+$0xFFFFFFE0]  }
0x4b: {  	v14 =	vld [tilespmem:s25+$0x0];
	v18 =	vmul.f32 v10, v10  }
0x4c: {  	v15 =	vld [tilespmem:s26+$0xFFFFFFE0]  }
0x4d: {  	v16 =	vld [tilespmem:s26+$0xFFFFFFF0];
	v11 =	vmul.f32 v18, v11  }
0x4e: {  	v9 =	vld.idx.msk [tilespmem:v2+s16+$0x0], $0xffff  }
0x4f: {  	v17 =	vld [tilespmem:s26+$0x0];
	v19 =	vadd.f32 v11, v8  }
0x50: {  	s17 =	simm.s32 $0xC720;
	v10 =	vld.idx.msk [tilespmem:v3+s16+$0x0], $0xffff;
	v21 =	vmul.f32 v13, v13;
	v13 =	vmul.f32 v12, v12  }
0x51: {  	s19 =	simm.s32 $0x50A0;
	v12 =	vmul.f32 v14, v14;
	v11 =	vld.idx.msk [tilespmem:v0+s16+$0x0], $0xffff;
	[tilespmem:s17+$0x10] =	vst v19  }
0x52: {  	v14 =	vmul.f32 v21, v15;
	v15 =	vmul.f32 v13, v16;
	v16 =	vld [tilespmem:s19+$0x10];
	_ =	sdelay $0x2  }
0x53: {  	v17 =	vmul.f32 v12, v17;
	v15 =	vadd.f32 v15, v8  }
0x54: {  	s20 =	simm.s32 $0x60;
	v14 =	vadd.f32 v14, v8  }
0x55: {  	v23 =	vld [tilespmem:s20+$0xFFFFFFE0];
	v17 =	vadd.f32 v17, v8;
	[tilespmem:s17+$0xFFFFFFF0] =	vst v15;
	v15 =	vmul.f32 v16, v18  }
0x56: {  	[tilespmem:s17+$0xFFFFFFE0] =	vst v14;
	v19 =	vld [tilespmem:s20+$0x10]  }
0x57: {  	[tilespmem:s17+$0x0] =	vst v17;
	v14 =	vld [tilespmem:s19+$0xFFFFFFE0];
	v15 =	vadd.f32 v15, v9  }
0x58: {  	s21 =	simm.s32 $0xEEA0;
	s23 =	simm.s32 $0x2960;
	v17 =	vld [tilespmem:s19+$0x0]  }
0x59: {  	[tilespmem:s21+$0x10] =	vst v15;
	v15 =	vld [tilespmem:s23+$0x10]  }
0x5a: {  	v16 =	vld [tilespmem:s19+$0xFFFFFFF0]  }
0x5b: {  	v20 =	vld [tilespmem:s20+$0xFFFFFFF0]  }
0x5c: {  	s24 =	simm.s32 $0x7820;
	v27 =	vmul.f32 v19, v19;
	v19 =	vld [tilespmem:s23+$0xFFFFFFE0]  }
0x5d: {  	v14 =	vmul.f32 v14, v21;
	v22 =	vld [tilespmem:s24+$0x10]  }
0x5e: {  	v24 =	vld [tilespmem:s20+$0x0];
	v17 =	vmul.f32 v17, v12;
	v15 =	vmul.f32 v27, v15  }
0x5f: {  	v25 =	vld [tilespmem:s23+$0xFFFFFFF0];
	v26 =	vmul.f32 v16, v13;
	v16 =	vmul.f32 v23, v23  }
0x60: {  	v30 =	vadd.f32 v15, v8  }
0x61: {  	v29 =	vld [tilespmem:s23+$0x0];
	s25 =	simm.s32 $0xC760;
	s26 =	simm.s32 $0xA0;
	v28 =	vadd.f32 v14, v9;
	v17 =	vadd.f32 v17, v9;
	v19 =	vmul.f32 v16, v19  }
0x62: {  	v31 =	vld [tilespmem:s26+$0x0];
	s19 =	simm.s32 $0x50E0;
	v14 =	vmul.f32 v20, v20;
	v23 =	vadd.f32 v26, v9;
	v20 =	vmul.f32 v22, v18;
	[tilespmem:s25+$0x10] =	vst v30  }
0x63: {  	[tilespmem:s21+$0x0] =	vst v17;
	v19 =	vadd.f32 v19, v8;
	v15 =	vmul.f32 v24, v24;
	v24 =	vld [tilespmem:s19+$0x10]  }
0x64: {  	v33 =	vld [tilespmem:s26+$0xFFFFFFE0];
	s17 =	simm.s32 $0x29A0;
	[tilespmem:s21+$0xFFFFFFF0] =	vst v23;
	v23 =	vmul.f32 v14, v25;
	v20 =	vadd.f32 v20, v10  }
0x65: {  	v59 =	vld [tilespmem:s17+$0xFFFFFFF0];
	s23 =	simm.s32 $0x11620;
	[tilespmem:s25+$0xFFFFFFE0] =	vst v19  }
0x66: {  	v26 =	vld [tilespmem:s24+$0x0];
	v17 =	vmul.f32 v15, v29;
	[tilespmem:s23+$0x10] =	vst v20;
	v20 =	vadd.f32 v23, v8  }
0x67: {  	[tilespmem:s21+$0xFFFFFFE0] =	vst v28;
	v19 =	vld [tilespmem:s19+$0xFFFFFFE0]  }
0x68: {  	v22 =	vld [tilespmem:s24+$0xFFFFFFE0];
	v17 =	vadd.f32 v17, v8;
	[tilespmem:s25+$0xFFFFFFF0] =	vst v20;
	v20 =	vmul.f32 v24, v27  }
0x69: {  	v24 =	vld [tilespmem:s19+$0xFFFFFFF0]  }
0x6a: {  	[tilespmem:s25+$0x0] =	vst v17;
	v17 =	vadd.f32 v20, v9;
	v20 =	vld [tilespmem:s26+$0x10]  }
0x6b: {  	s4 =	simm.s32 $0xEEE0;
	v28 =	vld [tilespmem:s19+$0x0]  }
0x6c: {  	s16 =	simm.s32 $0x7860;
	v30 =	vld [tilespmem:s17+$0x10];
	v19 =	vmul.f32 v19, v16;
	[tilespmem:s4+$0x10] =	vst v17  }
0x6d: {  	v17 =	vmul.f32 v22, v21;
	v22 =	vld [tilespmem:s16+$0x10]  }
0x6e: {  	s3 =	simm.s32 $0x9FA0;
	v25 =	vld [tilespmem:s24+$0xFFFFFFF0];
	v19 =	vadd.f32 v19, v9  }
0x6f: {  	v23 =	vld [tilespmem:s3+$0x10];
	v24 =	vmul.f32 v24, v14;
	v32 =	vadd.f32 v17, v10;
	v17 =	vmul.f32 v20, v20  }
0x70: {  	v29 =	vld [tilespmem:s26+$0xFFFFFFF0];
	v20 =	vmul.f32 v28, v15  }
0x71: {  	[tilespmem:s4+$0xFFFFFFE0] =	vst v19;
	v28 =	vld [tilespmem:s17+$0xFFFFFFE0];
	v24 =	vadd.f32 v24, v9;
	v30 =	vmul.f32 v17, v30  }
0x72: {  	v34 =	vld [tilespmem:s17+$0x0];
	[tilespmem:s23+$0xFFFFFFE0] =	vst v32;
	v19 =	vadd.f32 v20, v9;
	v20 =	vmul.f32 v22, v27  }
0x73: {  	v26 =	vmul.f32 v26, v12;
	[tilespmem:s4+$0xFFFFFFF0] =	vst v24;
	v22 =	vmul.f32 v25, v13;
	v25 =	vld [tilespmem:s16+$0xFFFFFFE0];
	v24 =	vadd.f32 v30, v8  }
0x74: {  	s24 =	simm.s32 $0xC7A0;
	v23 =	vmul.f32 v23, v18;
	v18 =	vmul.f32 v33, v33;
	[tilespmem:s4+$0x0] =	vst v19;
	v30 =	vld [tilespmem:s16+$0xFFFFFFF0];
	v60 =	vadd.f32 v20, v10  }
0x75: {  	s25 =	simm.s32 $0x5120;
	s19 =	simm.s32 $0x11660;
	v19 =	vmul.f32 v29, v29;
	v22 =	vadd.f32 v22, v10;
	[tilespmem:s24+$0x10] =	vst v24;
	v24 =	vld [tilespmem:s16+$0x0]  }
0x76: {  	s21 =	simm.s32 $0x9FE0;
	v26 =	vadd.f32 v26, v10;
	v20 =	vmul.f32 v31, v31;
	v28 =	vmul.f32 v18, v28;
	v29 =	vld [tilespmem:s25+$0x10];
	[tilespmem:s19+$0x10] =	vst v60  }
0x77: {  	v23 =	vadd.f32 v23, v11;
	[tilespmem:s23+$0xFFFFFFF0] =	vst v22;
	v22 =	vmul.f32 v19, v59;
	v31 =	vld [tilespmem:s21+$0x10]  }
0x78: {  	s20 =	simm.s32 $0x13DA0;
	[tilespmem:s23+$0x0] =	vst v26;
	v62 =	vld [tilespmem:s3+$0xFFFFFFE0];
	v61 =	vmul.f32 v20, v34;
	v28 =	vadd.f32 v28, v8  }
0x79: {  	[tilespmem:s20+$0x10] =	vst v23;
	v25 =	vmul.f32 v25, v16;
	v23 =	vld [tilespmem:s3+$0xFFFFFFF0];
	v26 =	vadd.f32 v22, v8  }
0x7a: {  	v32 =	vadd.f32 v61, v8;
	v30 =	vmul.f32 v30, v14;
	[tilespmem:s24+$0xFFFFFFE0] =	vst v28;
	v22 =	vld [tilespmem:s3+$0x0]  }
0x7b: {  	v63 =	vadd.f32 v25, v10;
	v25 =	vld [tilespmem:s25+$0xFFFFFFE0];
	v24 =	vmul.f32 v24, v15;
	[tilespmem:s24+$0xFFFFFFF0] =	vst v26;
	v35 =	vmul.f32 v29, v17  }
0x7c: {  	s28 =	simm.s32 $0xE0;
	v28 =	vadd.f32 v30, v10;
	[tilespmem:s24+$0x0] =	vst v32;
	v26 =	vld [tilespmem:s25+$0xFFFFFFF0];
	v29 =	vmul.f32 v31, v27  }
0x7d: {  	s26 =	simm.s32 $0x9FE0;
	v21 =	vmul.f32 v62, v21;
	s23 =	simm.s32 $0x13DA0;
	s3 =	simm.s32 $0x8;
	[tilespmem:s19+$0xFFFFFFE0] =	vst v63;
	v24 =	vadd.f32 v24, v10;
	v27 =	vld [tilespmem:s25+$0x0];
	v30 =	vadd.f32 v35, v9  }
.LBB2_2:
0x7e: {  	v31 =	vld [tilespmem:s28+$0x10];
	[tilespmem:s19+$0xFFFFFFF0] =	vst v28;
	v28 =	vadd.f32 v29, v11;
	s4 =	sadd.s32 $0x40, s4;
	v23 =	vmul.f32 v23, v13;
	v13 =	vmovc v14;
	v14 =	vmov v19  }
0x7f: {  	s3 =	sadd.s32 $0x4, s3;
	s17 =	sadd.s32 $0x40, s17;
	s20 =	sadd.s32 $0x40, s20;
	v19 =	vld [tilespmem:s28+$0xFFFFFFF0];
	[tilespmem:s4+$0x10] =	vst v30;
	v21 =	vadd.f32 v21, v11;
	v22 =	vmul.f32 v22, v12;
	v12 =	vmovc v15;
	v15 =	vmov v20  }
0x80: {  	s16 =	sadd.s32 $0x40, s16;
	p0 =	slt.u32 s3, $0x26C;
	v20 =	vld [tilespmem:s17+$0x10];
	v25 =	vmul.f32 v25, v18;
	[tilespmem:s20+$0x10] =	vst v28;
	v23 =	vadd.f32 v23, v11  }
0x81: {  	v26 =	vmul.f32 v26, v14;
	v28 =	vld [tilespmem:s16+$0x10];
	[tilespmem:s19+$0x0] =	vst v24;
	v22 =	vadd.f32 v22, v11  }
0x82: {  	v24 =	vld [tilespmem:s28+$0x0];
	v25 =	vadd.f32 v25, v9;
	v27 =	vmul.f32 v27, v15;
	[tilespmem:s23+$0xFFFFFFE0] =	vst v21  }
0x83: {  	v21 =	vld [tilespmem:s28+$0xFFFFFFE0];
	v30 =	vmul.f32 v31, v31;
	v26 =	vadd.f32 v26, v9;
	[tilespmem:s23+$0xFFFFFFF0] =	vst v23  }
0x84: {  	v23 =	vld [tilespmem:s17+$0xFFFFFFE0];
	v19 =	vmul.f32 v19, v19;
	[tilespmem:s4+$0xFFFFFFE0] =	vst v25;
	v25 =	vadd.f32 v27, v9  }
0x85: {  	v27 =	vld [tilespmem:s17+$0xFFFFFFF0];
	v29 =	vmul.f32 v30, v20;
	[tilespmem:s4+$0xFFFFFFF0] =	vst v26  }
0x86: {  	v26 =	vld [tilespmem:s17+$0x0];
	[tilespmem:s4+$0x0] =	vst v25;
	v25 =	vmul.f32 v28, v17  }
0x87: {  	v20 =	vmul.f32 v24, v24;
	v24 =	vadd.f32 v29, v8;
	v28 =	vld [tilespmem:s16+$0xFFFFFFE0];
	[tilespmem:s23+$0x0] =	vst v22;
	s23 =	smov.u32 s20  }
0x88: {  	s24 =	sadd.s32 $0x40, s24;
	v31 =	vmul.f32 v21, v21;
	v21 =	vld [tilespmem:s16+$0xFFFFFFF0];
	v22 =	vadd.f32 v25, v10  }
0x89: {  	s25 =	sadd.s32 $0x40, s25;
	s19 =	sadd.s32 $0x40, s19;
	[tilespmem:s24+$0x10] =	vst v24;
	v24 =	vld [tilespmem:s16+$0x0]  }
0x8a: {  	s21 =	sadd.s32 $0x40, s21;
	v23 =	vmul.f32 v31, v23;
	v25 =	vmul.f32 v19, v27;
	v27 =	vld [tilespmem:s25+$0x10];
	[tilespmem:s19+$0x10] =	vst v22  }
0x8b: {  	v22 =	vmul.f32 v20, v26;
	v29 =	vld [tilespmem:s21+$0x10]  }
0x8c: {  	v26 =	vadd.f32 v23, v8;
	v32 =	vadd.f32 v25, v8;
	v25 =	vmul.f32 v28, v18;
	v33 =	vld [tilespmem:s26+$0xFFFFFFE0]  }
.Ltmp0:
0x8d: {  	v34 =	vadd.f32 v22, v8;
	v21 =	vmul.f32 v21, v14;
	v23 =	vld [tilespmem:s26+$0xFFFFFFF0];
	(pc) =	sbr.rel @p0 .LBB2_2-.Ltmp0, $4  }
0x8e: {  	[tilespmem:s24+$0xFFFFFFE0] =	vst v26;
	v35 =	vadd.f32 v25, v10;
	v24 =	vmul.f32 v24, v15;
	v22 =	vld [tilespmem:s26+$0x0];
	s26 =	smov.u32 s21  }
0x8f: {  	v25 =	vld [tilespmem:s25+$0xFFFFFFE0];
	[tilespmem:s24+$0xFFFFFFF0] =	vst v32;
	v32 =	vmul.f32 v27, v30;
	v28 =	vadd.f32 v21, v10  }
0x90: {  	v26 =	vld [tilespmem:s25+$0xFFFFFFF0];
	[tilespmem:s24+$0x0] =	vst v34;
	v24 =	vadd.f32 v24, v10;
	v29 =	vmul.f32 v29, v17;
	v17 =	vmov v30  }
0x91: {  	s28 =	sadd.s32 $0x40, s28;
	v27 =	vld [tilespmem:s25+$0x0];
	v30 =	vadd.f32 v32, v9;
	[tilespmem:s19+$0xFFFFFFE0] =	vst v35;
	v21 =	vmul.f32 v33, v16;
	v16 =	vmovc v18;
	v18 =	vmov v31  }
0x92: {  	_ =	sdelay $0x1  }
0x93: {  	v25 =	vmul.f32 v25, v18  }
0x94: {  	s3 =	sadd.s32 $0x40, s4;
	v26 =	vmul.f32 v26, v19  }
0x95: {  	s28 =	sadd.s32 $0x40, s16;
	[tilespmem:s3+$0x10] =	vst v30;
	v25 =	vadd.f32 v25, v9;
	v27 =	vmul.f32 v27, v20  }
0x96: {  	v30 =	vld [tilespmem:s28+$0x10];
	v26 =	vadd.f32 v26, v9  }
0x97: {  	[tilespmem:s3+$0xFFFFFFE0] =	vst v25;
	v38 =	vadd.f32 v27, v9  }
0x98: {  	[tilespmem:s3+$0xFFFFFFF0] =	vst v26;
	v39 =	vld [tilespmem:s28+$0xFFFFFFE0]  }
0x99: {  	[tilespmem:s3+$0x0] =	vst v38;
	v41 =	vld [tilespmem:s28+$0xFFFFFFF0]  }
0x9a: {  	v42 =	vld [tilespmem:s28+$0x0]  }
0x9b: {  	v40 =	vmul.f32 v30, v17;
	_ =	sdelay $0x1  }
0x9c: {  	[tilespmem:s19+$0xFFFFFFF0] =	vst v28;
	v25 =	vadd.f32 v40, v10;
	v43 =	vmul.f32 v39, v18  }
0x9d: {  	s16 =	sadd.s32 $0x40, s19;
	v29 =	vadd.f32 v29, v11;
	v45 =	vld [tilespmem:s26+$0xFFFFFFE0];
	[tilespmem:s19+$0x0] =	vst v24;
	v27 =	vmul.f32 v41, v19  }
0x9e: {  	s17 =	sadd.s32 $0x40, s21;
	s21 =	sadd.s32 $0x40, s20;
	v47 =	vld [tilespmem:s26+$0xFFFFFFF0];
	[tilespmem:s16+$0x10] =	vst v25;
	v25 =	vadd.f32 v43, v10;
	v46 =	vmul.f32 v42, v20  }
0x9f: {  	v48 =	vld [tilespmem:s26+$0x0];
	[tilespmem:s21+$0x10] =	vst v29;
	v27 =	vadd.f32 v27, v10  }
0xa0: {  	v13 =	vmul.f32 v23, v13;
	v44 =	vld [tilespmem:s17+$0x10];
	v29 =	vadd.f32 v46, v10;
	[tilespmem:s16+$0xFFFFFFE0] =	vst v25  }
0xa1: {  	v21 =	vadd.f32 v21, v11;
	v12 =	vmul.f32 v22, v12;
	[tilespmem:s16+$0xFFFFFFF0] =	vst v27;
	v49 =	vld [tilespmem:s17+$0xFFFFFFE0]  }
0xa2: {  	v13 =	vadd.f32 v13, v11;
	v16 =	vmul.f32 v45, v16;
	[tilespmem:s16+$0x0] =	vst v29;
	v51 =	vld [tilespmem:s17+$0xFFFFFFF0]  }
0xa3: {  	v12 =	vadd.f32 v12, v11;
	[tilespmem:s23+$0xFFFFFFE0] =	vst v21;
	v14 =	vmul.f32 v47, v14;
	v52 =	vld [tilespmem:s17+$0x0]  }
0xa4: {  	[tilespmem:s23+$0xFFFFFFF0] =	vst v13;
	v15 =	vmul.f32 v48, v15;
	v54 =	vadd.f32 v16, v11  }
0xa5: {  	[tilespmem:s23+$0x0] =	vst v12;
	v55 =	vadd.f32 v14, v11;
	v50 =	vmul.f32 v44, v17  }
0xa6: {  	v15 =	vadd.f32 v15, v11;
	[tilespmem:s21+$0xFFFFFFE0] =	vst v54;
	v56 =	vmul.f32 v49, v18  }
0xa7: {  	[tilespmem:s21+$0xFFFFFFF0] =	vst v55;
	v53 =	vadd.f32 v50, v11;
	v57 =	vmul.f32 v51, v19  }
0xa8: {  	s24 =	sadd.s32 $0x40, s21;
	[tilespmem:s21+$0x0] =	vst v15;
	v58 =	vadd.f32 v56, v11;
	v59 =	vmul.f32 v52, v20  }
0xa9: {  	[tilespmem:s24+$0x10] =	vst v53;
	v12 =	vadd.f32 v57, v11  }
0xaa: {  	v14 =	vadd.f32 v59, v11;
	[tilespmem:s24+$0xFFFFFFE0] =	vst v58  }
0xab: {  	[tilespmem:s24+$0xFFFFFFF0] =	vst v12  }
0xac: {  	[tilespmem:s24+$0x0] =	vst v14  }
0xad: {  	v12 =	vld [tilespmem:$0x2700]  }
0xae: {  	v13 =	vld [tilespmem:$0x5000]  }
0xaf: {  	v14 =	vld [tilespmem:$0x7780]  }
0xb0: {  	v15 =	vld [tilespmem:$0x9F00]  }
0xb1: {  	v60 =	vld [tilespmem:$0xC680]  }
0xb2: {  	v12 =	vmul.f32 v12, v12;
	_ =	sdelay $0x1  }
0xb3: {  	v13 =	vmul.f32 v12, v13  }
0xb4: {  	v14 =	vmul.f32 v14, v12  }
0xb5: {  	v61 =	vmul.f32 v15, v12;
	v12 =	vmul.f32 v60, v12;
	v8 =	vadd.f32 v13, v8  }
0xb6: {  	v62 =	vadd.f32 v14, v9  }
0xb7: {  	v63 =	vadd.f32 v12, v11;
	[tilespmem:$0xEE00] =	vst v8  }
0xb8: {  	v8 =	vadd.f32 v61, v10;
	[tilespmem:$0x11580] =	vst v62  }
0xb9: {  	[tilespmem:$0x16480] =	vst v63  }
0xba: {  	s25 =	simm.s32 $0x16500;
	s16 =	simm.s32 $0x0;
	[tilespmem:$0x13D00] =	vst v8  }
0xbb: {  	[tilespmem:s25], [sflag:$0x1] =	stream.linear.gather [hbm4b:s22+s16], $0xC80, $0x38;
	[tilespmem:$0x1B000] =	vst v63  }
0xbc: {  	s26 =	simm.s32 $0x17E00  }
0xbd: {  	[tilespmem:s26], [sflag:$0x1] =	stream.linear.gather [hbm4b:s10+s16], $0xC80, $0x38;
	[tilespmem:$0x1B000] =	vst v63  }
0xbe: {  	s28 =	simm.s32 $0x19700  }
0xbf: {  	[tilespmem:s28], [sflag:$0x1] =	stream.linear.gather [hbm4b:s11+s16], $0xC80, $0x38;
	[tilespmem:$0x1B000] =	vst v63  }
.LBB2_4:
0xc0: {  	_ =	swait.ge [sflag:s5], $0xC80  }
0xc1: {  	[sflag:s5] =	ssyncset.done $0x0  }
0xc2: {  	[sflag:s5] =	ssyncadd.s32 $0xFFFFF380  }
0xc3: {  	_ =	swait.ge [sflag:s5], $0xC80  }
0xc4: {  	s4 =	smul.u32 $0x1900, s16;
	[sflag:s5] =	ssyncset.done $0x0  }
0xc5: {  	[sflag:s5] =	ssyncadd.s32 $0xFFFFF380  }
0xc6: {  	s3 =	sshrl.u32 s4, $0x3;
	_ =	swait.ge [sflag:s5], $0xC80  }
0xc7: {  	s3 =	sadd.s32 $0x190, s3;
	[sflag:s5] =	ssyncset.done $0x0  }
0xc8: {  	s17 =	sadd.s32 s22, s3;
	[sflag:s5] =	ssyncadd.s32 $0xFFFFF380  }
0xc9: {  	[tilespmem:s6], [sflag:$0x2] =	stream.linear.gather [hbm4b:s17+s1], $0xC80, $0x38;
	[tilespmem:$0x1B000] =	vst v63  }
0xca: {  	s26 =	sadd.s32 s10, s3  }
0xcb: {  	[tilespmem:s7], [sflag:$0x2] =	stream.linear.gather [hbm4b:s26+s1], $0xC80, $0x38;
	[tilespmem:$0x1B000] =	vst v63  }
0xcc: {  	s28 =	simm.s32 $0x16520;
	s3 =	sadd.s32 s11, s3  }
0xcd: {  	[tilespmem:s8], [sflag:$0x2] =	stream.linear.gather [hbm4b:s3+s1], $0xC80, $0x38;
	[tilespmem:$0x1B000] =	vst v63  }
0xce: {  	v17 =	vld [tilespmem:s28+$0x10];
	_ =	sdelay $0x2  }
0xcf: {  	v8 =	vld [tilespmem:s28+$0xFFFFFFF0]  }
0xd0: {  	v10 =	vld [tilespmem:s28+$0xFFFFFFE0]  }
0xd1: {  	s17 =	simm.s32 $0x17E20;
	v9 =	vld [tilespmem:s28+$0x0]  }
0xd2: {  	s19 =	simm.s32 $0x19720;
	v19 =	vld [tilespmem:s17+$0x10]  }
0xd3: {  	v18 =	vld [tilespmem:s19+$0x10]  }
0xd4: {  	v12 =	vld.idx.msk [tilespmem:v17+s30+$0x0], $0xffff  }
0xd5: {  	v11 =	vld [tilespmem:s19+$0xFFFFFFE0]  }
0xd6: {  	v14 =	vld [tilespmem:s17+$0xFFFFFFF0]  }
0xd7: {  	v15 =	vld [tilespmem:s17+$0x0]  }
0xd8: {  	v16 =	vld [tilespmem:s19+$0x0]  }
0xd9: {  	v20 =	vld.idx.msk [tilespmem:v8+s30+$0x0], $0xffff;
	v13 =	vmul.f32 v12, v18  }
0xda: {  	v22 =	vld.idx.msk [tilespmem:v9+s30+$0x0], $0xffff  }
0xdb: {  	[tilespmem:v19+s9+$0x0] =	vst.idx.add.f32.msk $0xffff, v13  }
0xdc: {  	v23 =	vld.idx.msk [tilespmem:v17+s31+$0x0], $0xffff  }
0xdd: {  	v12 =	vld [tilespmem:s19+$0xFFFFFFF0]  }
0xde: {  	v13 =	vld [tilespmem:s17+$0xFFFFFFE0]  }
0xdf: {  	v21 =	vld.idx.msk [tilespmem:v10+s30+$0x0], $0xffff  }
0xe0: {  	v22 =	vmul.f32 v22, v16  }
0xe1: {  	v23 =	vmul.f32 v23, v18  }
0xe2: {  	[tilespmem:v15+s9+$0x0] =	vst.idx.add.f32.msk $0xffff, v22  }
0xe3: {  	v20 =	vmul.f32 v20, v12;
	[tilespmem:v19+s2+$0x0] =	vst.idx.add.f32.msk $0xffff, v23  }
0xe4: {  	v21 =	vmul.f32 v21, v11;
	v23 =	vld.idx.msk [tilespmem:v17+s14+$0x0], $0xffff  }
0xe5: {  	[tilespmem:v14+s9+$0x0] =	vst.idx.add.f32.msk $0xffff, v20  }
0xe6: {  	[tilespmem:v13+s9+$0x0] =	vst.idx.add.f32.msk $0xffff, v21  }
0xe7: {  	v20 =	vld.idx.msk [tilespmem:v10+s31+$0x0], $0xffff  }
0xe8: {  	v63 =	vld.idx.msk [tilespmem:v8+s31+$0x0], $0xffff  }
0xe9: {  	v22 =	vld.idx.msk [tilespmem:v9+s31+$0x0], $0xffff;
	v23 =	vmul.f32 v23, v18;
	_ =	sdelay $0x1  }
0xea: {  	[tilespmem:v19+s12+$0x0] =	vst.idx.add.f32.msk $0xffff, v23  }
0xeb: {  	v23 =	vld.idx.msk [tilespmem:v17+s0+$0x0], $0xffff;
	v17 =	vmul.f32 v20, v11  }
0xec: {  	v20 =	vmul.f32 v63, v12  }
0xed: {  	[tilespmem:v13+s2+$0x0] =	vst.idx.add.f32.msk $0xffff, v17;
	v17 =	vmul.f32 v22, v16  }
0xee: {  	[tilespmem:v14+s2+$0x0] =	vst.idx.add.f32.msk $0xffff, v20  }
0xef: {  	[tilespmem:v15+s2+$0x0] =	vst.idx.add.f32.msk $0xffff, v17  }
0xf0: {  	v17 =	vld.idx.msk [tilespmem:v10+s14+$0x0], $0xffff;
	v20 =	vmul.f32 v23, v18  }
0xf1: {  	v18 =	vld.idx.msk [tilespmem:v8+s14+$0x0], $0xffff  }
0xf2: {  	s20 =	simm.s32 $0x16560;
	s3 =	simm.s32 $0x0;
	[tilespmem:v19+s13+$0x0] =	vst.idx.add.f32.msk $0xffff, v20  }
.LBB2_5:
0xf3: {  	v19 =	vld [tilespmem:s20+$0x10];
	s3 =	sadd.s32 $0x4, s3  }
0xf4: {  	v20 =	vld [tilespmem:s20+$0xFFFFFFF0];
	p0 =	slt.u32 s3, $0xC4  }
0xf5: {  	v21 =	vld [tilespmem:s20+$0x0]  }
0xf6: {  	v17 =	vmul.f32 v17, v11;
	v22 =	vld [tilespmem:s20+$0xFFFFFFE0]  }
0xf7: {  	v18 =	vmul.f32 v18, v12;
	v23 =	vld.idx.msk [tilespmem:v9+s14+$0x0], $0xffff  }
0xf8: {  	[tilespmem:v13+s12+$0x0] =	vst.idx.add.f32.msk $0xffff, v17  }
0xf9: {  	s17 =	sadd.s32 $0x40, s17;
	[tilespmem:v14+s12+$0x0] =	vst.idx.add.f32.msk $0xffff, v18  }
0xfa: {  	v24 =	vld [tilespmem:s17+$0x10]  }
0xfb: {  	s19 =	sadd.s32 $0x40, s19;
	v17 =	vld.idx.msk [tilespmem:v19+s30+$0x0], $0xffff  }
0xfc: {  	v18 =	vld [tilespmem:s19+$0x10]  }
0xfd: {  	v23 =	vmul.f32 v23, v16;
	v25 =	vld.idx.msk [tilespmem:v20+s30+$0x0], $0xffff  }
0xfe: {  	v26 =	vld.idx.msk [tilespmem:v22+s30+$0x0], $0xffff  }
0xff: {  	v27 =	vld.idx.msk [tilespmem:v21+s30+$0x0], $0xffff  }
0x100: {  	v28 =	vld [tilespmem:s19+$0xFFFFFFE0]  }
0x101: {  	v29 =	vld [tilespmem:s19+$0xFFFFFFF0];
	v17 =	vmul.f32 v17, v18  }
0x102: {  	v30 =	vld [tilespmem:s19+$0x0]  }
0x103: {  	[tilespmem:v24+s9+$0x0] =	vst.idx.add.f32.msk $0xffff, v17  }
0x104: {  	v17 =	vld.idx.msk [tilespmem:v19+s31+$0x0], $0xffff  }
0x105: {  	v31 =	vld [tilespmem:s17+$0xFFFFFFE0];
	v26 =	vmul.f32 v26, v28  }
0x106: {  	v32 =	vld [tilespmem:s17+$0xFFFFFFF0];
	v25 =	vmul.f32 v25, v29  }
0x107: {  	v33 =	vld [tilespmem:s17+$0x0];
	v27 =	vmul.f32 v27, v30  }
0x108: {  	[tilespmem:v15+s12+$0x0] =	vst.idx.add.f32.msk $0xffff, v23  }
0x109: {  	v23 =	vld.idx.msk [tilespmem:v10+s0+$0x0], $0xffff;
	v10 =	vmov v22  }
0x10a: {  	v17 =	vmul.f32 v17, v18;
	v22 =	vld.idx.msk [tilespmem:v8+s0+$0x0], $0xffff;
	v8 =	vmov v20  }
0x10b: {  	v20 =	vld.idx.msk [tilespmem:v9+s0+$0x0], $0xffff;
	v9 =	vmov v21  }
0x10c: {  	[tilespmem:v24+s2+$0x0] =	vst.idx.add.f32.msk $0xffff, v17  }
0x10d: {  	v17 =	vld.idx.msk [tilespmem:v19+s14+$0x0], $0xffff  }
0x10e: {  	[tilespmem:v31+s9+$0x0] =	vst.idx.add.f32.msk $0xffff, v26  }
0x10f: {  	v21 =	vmul.f32 v23, v11;
	v11 =	vmov v28;
	[tilespmem:v32+s9+$0x0] =	vst.idx.add.f32.msk $0xffff, v25  }
0x110: {  	v22 =	vmul.f32 v22, v12;
	v12 =	vmov v29;
	[tilespmem:v33+s9+$0x0] =	vst.idx.add.f32.msk $0xffff, v27  }
0x111: {  	v20 =	vmul.f32 v20, v16;
	v16 =	vmov v30;
	v23 =	vld.idx.msk [tilespmem:v10+s31+$0x0], $0xffff  }
0x112: {  	v25 =	vld.idx.msk [tilespmem:v8+s31+$0x0], $0xffff  }
0x113: {  	v17 =	vmul.f32 v17, v18;
	v26 =	vld.idx.msk [tilespmem:v9+s31+$0x0], $0xffff  }
0x114: {  	[tilespmem:v13+s13+$0x0] =	vst.idx.add.f32.msk $0xffff, v21;
	v13 =	vmov v31  }
0x115: {  	[tilespmem:v24+s12+$0x0] =	vst.idx.add.f32.msk $0xffff, v17  }
0x116: {  	v19 =	vld.idx.msk [tilespmem:v19+s0+$0x0], $0xffff  }
0x117: {  	v17 =	vmul.f32 v23, v11;
	[tilespmem:v14+s13+$0x0] =	vst.idx.add.f32.msk $0xffff, v22;
	v14 =	vmov v32  }
0x118: {  	v21 =	vmul.f32 v25, v12;
	[tilespmem:v15+s13+$0x0] =	vst.idx.add.f32.msk $0xffff, v20;
	v15 =	vmov v33  }
0x119: {  	[tilespmem:v31+s2+$0x0] =	vst.idx.add.f32.msk $0xffff, v17;
	v17 =	vmul.f32 v26, v16  }
.Ltmp1:
0x11a: {  	[tilespmem:v32+s2+$0x0] =	vst.idx.add.f32.msk $0xffff, v21;
	(pc) =	sbr.rel @p0 .LBB2_5-.Ltmp1, $4  }
0x11b: {  	[tilespmem:v33+s2+$0x0] =	vst.idx.add.f32.msk $0xffff, v17  }
0x11c: {  	v19 =	vmul.f32 v19, v18;
	v17 =	vld.idx.msk [tilespmem:v10+s14+$0x0], $0xffff  }
0x11d: {  	v18 =	vld.idx.msk [tilespmem:v8+s14+$0x0], $0xffff  }
0x11e: {  	s20 =	sadd.s32 $0x40, s20;
	[tilespmem:v24+s13+$0x0] =	vst.idx.add.f32.msk $0xffff, v19  }
0x11f: {  	_ =	sdelay $0x3  }
0x120: {  	v19 =	vld.idx.msk [tilespmem:v9+s14+$0x0], $0xffff  }
0x121: {  	v17 =	vmul.f32 v17, v11  }
0x122: {  	v18 =	vmul.f32 v18, v12  }
0x123: {  	[tilespmem:v13+s12+$0x0] =	vst.idx.add.f32.msk $0xffff, v17  }
0x124: {  	[tilespmem:v14+s12+$0x0] =	vst.idx.add.f32.msk $0xffff, v18  }
0x125: {  	v17 =	vmul.f32 v19, v16;
	v10 =	vld.idx.msk [tilespmem:v10+s0+$0x0], $0xffff  }
0x126: {  	v8 =	vld.idx.msk [tilespmem:v8+s0+$0x0], $0xffff  }
0x127: {  	[tilespmem:v15+s12+$0x0] =	vst.idx.add.f32.msk $0xffff, v17  }
0x128: {  	v9 =	vld.idx.msk [tilespmem:v9+s0+$0x0], $0xffff;
	_ =	sdelay $0x2  }
0x129: {  	v10 =	vmul.f32 v10, v11  }
0x12a: {  	v8 =	vmul.f32 v8, v12  }
0x12b: {  	[tilespmem:v13+s13+$0x0] =	vst.idx.add.f32.msk $0xffff, v10;
	v9 =	vmul.f32 v9, v16  }
0x12c: {  	[tilespmem:v14+s13+$0x0] =	vst.idx.add.f32.msk $0xffff, v8  }
0x12d: {  	[tilespmem:v15+s13+$0x0] =	vst.idx.add.f32.msk $0xffff, v9  }
0x12e: {  	_ =	swait.ge [sflag:s15], $0xC80  }
0x12f: {  	[sflag:s15] =	ssyncset.done $0x0  }
0x130: {  	[sflag:s15] =	ssyncadd.s32 $0xFFFFF380  }
0x131: {  	_ =	swait.ge [sflag:s15], $0xC80  }
0x132: {  	[sflag:s15] =	ssyncset.done $0x0  }
0x133: {  	p0 =	seq.s32 s16, $0x31;
	[sflag:s15] =	ssyncadd.s32 $0xFFFFF380  }
0x134: {  	s3 =	sshrl.u32 @!p0 s4, $0x3;
	_ =	swait.ge [sflag:s15], $0xC80  }
0x135: {  	s17 =	simm.s32 @!p0 $0x0;
	s3 =	sadd.s32 @!p0 $0x320, s3;
	[sflag:s15] =	ssyncset.done $0x0  }
0x136: {  	s19 =	simm.s32 @!p0 $0x16500;
	s4 =	sadd.s32 @!p0 s22, s3;
	[sflag:s15] =	ssyncadd.s32 $0xFFFFF380  }
0x137: {  	[tilespmem:s19], [sflag:$0x1] =	stream.linear.gather @!p0 [hbm4b:s4+s17], $0xC80, $0x38;
	[tilespmem:$0x1B000] =	vst v63  }
0x138: {  	s4 =	sadd.s32 @!p0 s10, s3;
	s19 =	simm.s32 @!p0 $0x17E00  }
0x139: {  	[tilespmem:s19], [sflag:$0x1] =	stream.linear.gather @!p0 [hbm4b:s4+s17], $0xC80, $0x38;
	[tilespmem:$0x1B000] =	vst v63  }
0x13a: {  	s28 =	simm.s32 $0x171A0;
	s3 =	sadd.s32 @!p0 s11, s3;
	s4 =	simm.s32 @!p0 $0x19700  }
0x13b: {  	[tilespmem:s4], [sflag:$0x1] =	stream.linear.gather @!p0 [hbm4b:s3+s17], $0xC80, $0x38;
	[tilespmem:$0x1B000] =	vst v63  }
0x13c: {  	v17 =	vld [tilespmem:s28+$0x10];
	_ =	sdelay $0x4  }
0x13d: {  	s4 =	simm.s32 $0x18AA0;
	v10 =	vld [tilespmem:s28+$0xFFFFFFE0]  }
0x13e: {  	s17 =	simm.s32 $0x1A3A0;
	v19 =	vld [tilespmem:s4+$0x10]  }
0x13f: {  	v18 =	vld [tilespmem:s17+$0x10]  }
0x140: {  	v12 =	vld.idx.msk [tilespmem:v17+s30+$0x0], $0xffff  }
0x141: {  	v8 =	vld [tilespmem:s28+$0xFFFFFFF0]  }
0x142: {  	v9 =	vld [tilespmem:s28+$0x0]  }
0x143: {  	v11 =	vld [tilespmem:s17+$0xFFFFFFE0]  }
0x144: {  	v13 =	vld [tilespmem:s17+$0xFFFFFFF0]  }
0x145: {  	v15 =	vld [tilespmem:s4+$0xFFFFFFE0];
	v12 =	vmul.f32 v12, v18  }
0x146: {  	v21 =	vld.idx.msk [tilespmem:v10+s30+$0x0], $0xffff  }
0x147: {  	[tilespmem:v19+s9+$0x0] =	vst.idx.add.f32.msk $0xffff, v12  }
0x148: {  	v23 =	vld.idx.msk [tilespmem:v17+s31+$0x0], $0xffff  }
0x149: {  	v14 =	vld [tilespmem:s4+$0xFFFFFFF0]  }
0x14a: {  	v20 =	vld.idx.msk [tilespmem:v8+s30+$0x0], $0xffff  }
0x14b: {  	v16 =	vld [tilespmem:s17+$0x0]  }
0x14c: {  	v21 =	vmul.f32 v21, v11;
	v12 =	vld [tilespmem:s4+$0x0]  }
0x14d: {  	v22 =	vld.idx.msk [tilespmem:v9+s30+$0x0], $0xffff;
	v23 =	vmul.f32 v23, v18  }
0x14e: {  	[tilespmem:v15+s9+$0x0] =	vst.idx.add.f32.msk $0xffff, v21  }
0x14f: {  	v20 =	vmul.f32 v20, v13;
	[tilespmem:v19+s2+$0x0] =	vst.idx.add.f32.msk $0xffff, v23  }
0x150: {  	v23 =	vld.idx.msk [tilespmem:v17+s14+$0x0], $0xffff  }
0x151: {  	[tilespmem:v14+s9+$0x0] =	vst.idx.add.f32.msk $0xffff, v20  }
0x152: {  	v22 =	vmul.f32 v22, v16;
	v20 =	vld.idx.msk [tilespmem:v10+s31+$0x0], $0xffff  }
0x153: {  	v63 =	vld.idx.msk [tilespmem:v8+s31+$0x0], $0xffff  }
0x154: {  	[tilespmem:v12+s9+$0x0] =	vst.idx.add.f32.msk $0xffff, v22  }
0x155: {  	v22 =	vld.idx.msk [tilespmem:v9+s31+$0x0], $0xffff;
	v23 =	vmul.f32 v23, v18;
	_ =	sdelay $0x1  }
0x156: {  	[tilespmem:v19+s12+$0x0] =	vst.idx.add.f32.msk $0xffff, v23  }
0x157: {  	v23 =	vld.idx.msk [tilespmem:v17+s0+$0x0], $0xffff;
	v17 =	vmul.f32 v20, v11  }
0x158: {  	v20 =	vmul.f32 v63, v13  }
0x159: {  	[tilespmem:v15+s2+$0x0] =	vst.idx.add.f32.msk $0xffff, v17;
	v17 =	vmul.f32 v22, v16  }
0x15a: {  	[tilespmem:v14+s2+$0x0] =	vst.idx.add.f32.msk $0xffff, v20  }
0x15b: {  	[tilespmem:v12+s2+$0x0] =	vst.idx.add.f32.msk $0xffff, v17  }
0x15c: {  	v17 =	vld.idx.msk [tilespmem:v10+s14+$0x0], $0xffff;
	v20 =	vmul.f32 v23, v18  }
0x15d: {  	v18 =	vld.idx.msk [tilespmem:v8+s14+$0x0], $0xffff  }
0x15e: {  	s19 =	simm.s32 $0x171E0;
	s3 =	simm.s32 $0x0;
	[tilespmem:v19+s13+$0x0] =	vst.idx.add.f32.msk $0xffff, v20  }
.LBB2_7:
0x15f: {  	v19 =	vld [tilespmem:s19+$0x10];
	s3 =	sadd.s32 $0x4, s3  }
0x160: {  	v20 =	vld [tilespmem:s19+$0xFFFFFFF0];
	p0 =	slt.u32 s3, $0xC4  }
0x161: {  	v21 =	vld [tilespmem:s19+$0x0]  }
0x162: {  	v17 =	vmul.f32 v17, v11;
	v22 =	vld [tilespmem:s19+$0xFFFFFFE0]  }
0x163: {  	v18 =	vmul.f32 v18, v13;
	v23 =	vld.idx.msk [tilespmem:v9+s14+$0x0], $0xffff  }
0x164: {  	[tilespmem:v15+s12+$0x0] =	vst.idx.add.f32.msk $0xffff, v17  }
0x165: {  	s4 =	sadd.s32 $0x40, s4;
	[tilespmem:v14+s12+$0x0] =	vst.idx.add.f32.msk $0xffff, v18  }
0x166: {  	v24 =	vld [tilespmem:s4+$0x10]  }
0x167: {  	s17 =	sadd.s32 $0x40, s17;
	v17 =	vld.idx.msk [tilespmem:v19+s30+$0x0], $0xffff  }
0x168: {  	v18 =	vld [tilespmem:s17+$0x10]  }
0x169: {  	v23 =	vmul.f32 v23, v16;
	v25 =	vld.idx.msk [tilespmem:v20+s30+$0x0], $0xffff  }
0x16a: {  	v26 =	vld.idx.msk [tilespmem:v22+s30+$0x0], $0xffff  }
0x16b: {  	v27 =	vld.idx.msk [tilespmem:v21+s30+$0x0], $0xffff  }
0x16c: {  	v28 =	vld [tilespmem:s17+$0xFFFFFFE0]  }
0x16d: {  	v29 =	vld [tilespmem:s17+$0xFFFFFFF0];
	v17 =	vmul.f32 v17, v18  }
0x16e: {  	v30 =	vld [tilespmem:s17+$0x0]  }
0x16f: {  	[tilespmem:v24+s9+$0x0] =	vst.idx.add.f32.msk $0xffff, v17  }
0x170: {  	v17 =	vld.idx.msk [tilespmem:v19+s31+$0x0], $0xffff  }
0x171: {  	v31 =	vld [tilespmem:s4+$0xFFFFFFE0];
	v26 =	vmul.f32 v26, v28  }
0x172: {  	v32 =	vld [tilespmem:s4+$0xFFFFFFF0];
	v25 =	vmul.f32 v25, v29  }
0x173: {  	v33 =	vld [tilespmem:s4+$0x0];
	v27 =	vmul.f32 v27, v30  }
0x174: {  	[tilespmem:v12+s12+$0x0] =	vst.idx.add.f32.msk $0xffff, v23  }
0x175: {  	v23 =	vld.idx.msk [tilespmem:v10+s0+$0x0], $0xffff;
	v10 =	vmov v22  }
0x176: {  	v17 =	vmul.f32 v17, v18;
	v22 =	vld.idx.msk [tilespmem:v8+s0+$0x0], $0xffff;
	v8 =	vmov v20  }
0x177: {  	v20 =	vld.idx.msk [tilespmem:v9+s0+$0x0], $0xffff;
	v9 =	vmov v21  }
0x178: {  	[tilespmem:v24+s2+$0x0] =	vst.idx.add.f32.msk $0xffff, v17  }
0x179: {  	v17 =	vld.idx.msk [tilespmem:v19+s14+$0x0], $0xffff  }
0x17a: {  	[tilespmem:v31+s9+$0x0] =	vst.idx.add.f32.msk $0xffff, v26  }
0x17b: {  	v21 =	vmul.f32 v23, v11;
	v11 =	vmov v28;
	[tilespmem:v32+s9+$0x0] =	vst.idx.add.f32.msk $0xffff, v25  }
0x17c: {  	v22 =	vmul.f32 v22, v13;
	v13 =	vmov v29;
	[tilespmem:v33+s9+$0x0] =	vst.idx.add.f32.msk $0xffff, v27  }
0x17d: {  	v20 =	vmul.f32 v20, v16;
	v16 =	vmov v30;
	v23 =	vld.idx.msk [tilespmem:v10+s31+$0x0], $0xffff  }
0x17e: {  	v25 =	vld.idx.msk [tilespmem:v8+s31+$0x0], $0xffff  }
0x17f: {  	v17 =	vmul.f32 v17, v18;
	v26 =	vld.idx.msk [tilespmem:v9+s31+$0x0], $0xffff  }
0x180: {  	[tilespmem:v15+s13+$0x0] =	vst.idx.add.f32.msk $0xffff, v21;
	v15 =	vmov v31  }
0x181: {  	[tilespmem:v24+s12+$0x0] =	vst.idx.add.f32.msk $0xffff, v17  }
0x182: {  	v19 =	vld.idx.msk [tilespmem:v19+s0+$0x0], $0xffff  }
0x183: {  	v17 =	vmul.f32 v23, v11;
	[tilespmem:v14+s13+$0x0] =	vst.idx.add.f32.msk $0xffff, v22;
	v14 =	vmov v32  }
0x184: {  	v21 =	vmul.f32 v25, v13;
	[tilespmem:v12+s13+$0x0] =	vst.idx.add.f32.msk $0xffff, v20;
	v12 =	vmov v33  }
0x185: {  	[tilespmem:v31+s2+$0x0] =	vst.idx.add.f32.msk $0xffff, v17;
	v17 =	vmul.f32 v26, v16  }
.Ltmp2:
0x186: {  	[tilespmem:v32+s2+$0x0] =	vst.idx.add.f32.msk $0xffff, v21;
	(pc) =	sbr.rel @p0 .LBB2_7-.Ltmp2, $4  }
0x187: {  	[tilespmem:v33+s2+$0x0] =	vst.idx.add.f32.msk $0xffff, v17  }
0x188: {  	v19 =	vmul.f32 v19, v18;
	v17 =	vld.idx.msk [tilespmem:v10+s14+$0x0], $0xffff  }
0x189: {  	v18 =	vld.idx.msk [tilespmem:v8+s14+$0x0], $0xffff  }
0x18a: {  	s19 =	sadd.s32 $0x40, s19;
	[tilespmem:v24+s13+$0x0] =	vst.idx.add.f32.msk $0xffff, v19  }
0x18b: {  	_ =	sdelay $0x3  }
0x18c: {  	v19 =	vld.idx.msk [tilespmem:v9+s14+$0x0], $0xffff  }
0x18d: {  	v17 =	vmul.f32 v17, v11  }
0x18e: {  	v18 =	vmul.f32 v18, v13  }
0x18f: {  	[tilespmem:v15+s12+$0x0] =	vst.idx.add.f32.msk $0xffff, v17  }
0x190: {  	[tilespmem:v14+s12+$0x0] =	vst.idx.add.f32.msk $0xffff, v18  }
0x191: {  	v62 =	vmul.f32 v19, v16;
	v10 =	vld.idx.msk [tilespmem:v10+s0+$0x0], $0xffff  }
0x192: {  	v8 =	vld.idx.msk [tilespmem:v8+s0+$0x0], $0xffff  }
0x193: {  	[tilespmem:v12+s12+$0x0] =	vst.idx.add.f32.msk $0xffff, v62  }
0x194: {  	v63 =	vld.idx.msk [tilespmem:v9+s0+$0x0], $0xffff  }
0x195: {  	s16 =	sadd.s32 $0x1, s16  }
0x196: {  	p0 =	sne.s32 s16, $0x32  }
.Ltmp3:
0x197: {  	v10 =	vmul.f32 v10, v11;
	(pc) =	sbr.rel @p0 .LBB2_4-.Ltmp3, $4  }
0x198: {  	v8 =	vmul.f32 v8, v13  }
0x199: {  	[tilespmem:v15+s13+$0x0] =	vst.idx.add.f32.msk $0xffff, v10;
	v9 =	vmul.f32 v63, v16  }
0x19a: {  	[tilespmem:v14+s13+$0x0] =	vst.idx.add.f32.msk $0xffff, v8  }
0x19b: {  	[tilespmem:v12+s13+$0x0] =	vst.idx.add.f32.msk $0xffff, v9  }
0x19c: {  	s3 =	rddreg [dreg:$0x9];
	s4 =	simm.s32 $0x80  }
0x19d: {  	[hbm4b:s3+s4] =	stream.strided.scatter [tilespmem:s9], [sflag:$0x3], $0x2780, s29, s4, $0x38;
	[tilespmem:$0x1B000] =	vst v63  }
0x19e: {  	s16 =	rddreg [dreg:$0xa]  }
0x19f: {  	[hbm4b:s16+s4] =	stream.strided.scatter [tilespmem:s2], [sflag:$0x3], $0x2780, s29, s4, $0x38;
	[tilespmem:$0x1B000] =	vst v63  }
0x1a0: {  	s17 =	rddreg [dreg:$0xb]  }
0x1a1: {  	[hbm4b:s17+s4] =	stream.strided.scatter [tilespmem:s12], [sflag:$0x3], $0x2780, s29, s4, $0x38;
	[tilespmem:$0x1B000] =	vst v63  }
0x1a2: {  	s19 =	rddreg [dreg:$0xc]  }
0x1a3: {  	[hbm4b:s19+s4] =	stream.strided.scatter [tilespmem:s13], [sflag:$0x3], $0x2780, s29, s4, $0x38;
	[tilespmem:$0x1B000] =	vst v63  }
0x1a4: {  	_ =	swait.ge [sflag:s18], $0x2780  }
0x1a5: {  	[sflag:s18] =	ssyncset.done $0x0  }
0x1a6: {  	[sflag:s18] =	ssyncadd.s32 $0xFFFFD880  }
0x1a7: {  	_ =	swait.ge [sflag:s18], $0x2780  }
0x1a8: {  	[sflag:s18] =	ssyncset.done $0x0  }
0x1a9: {  	[sflag:s18] =	ssyncadd.s32 $0xFFFFD880  }
0x1aa: {  	_ =	swait.ge [sflag:s18], $0x2780  }
0x1ab: {  	[sflag:s18] =	ssyncset.done $0x0  }
0x1ac: {  	[sflag:s18] =	ssyncadd.s32 $0xFFFFD880  }
0x1ad: {  	_ =	swait.ge [sflag:s18], $0x2780  }
0x1ae: {  	[sflag:s18] =	ssyncset.done $0x0  }
0x1af: {  	s20 =	rddreg [dreg:$0xd];
	[sflag:s18] =	ssyncadd.s32 $0xFFFFD880  }
0x1b0: {  	[tilespmem:s30], [sflag:$0x3] =	stream.strided.gather [hbm4b:s20+s4], $0x2780, s29, s4, $0x38;
	[tilespmem:$0x1B000] =	vst v63  }
0x1b1: {  	s21 =	rddreg [dreg:$0xe]  }
0x1b2: {  	[tilespmem:s31], [sflag:$0x3] =	stream.strided.gather [hbm4b:s21+s4], $0x2780, s29, s4, $0x38;
	[tilespmem:$0x1B000] =	vst v63  }
0x1b3: {  	s23 =	rddreg [dreg:$0xf]  }
0x1b4: {  	[tilespmem:s14], [sflag:$0x3] =	stream.strided.gather [hbm4b:s23+s4], $0x2780, s29, s4, $0x38;
	[tilespmem:$0x1B000] =	vst v63  }
0x1b5: {  	s24 =	rddreg [dreg:$0x10]  }
0x1b6: {  	[tilespmem:s0], [sflag:$0x3] =	stream.strided.gather [hbm4b:s24+s4], $0x2780, s29, s4, $0x38;
	[tilespmem:$0x1B000] =	vst v63  }
0x1b7: {  	_ =	swait.ge [sflag:s18], $0x2780  }
0x1b8: {  	[sflag:s18] =	ssyncset.done $0x0  }
0x1b9: {  	[sflag:s18] =	ssyncadd.s32 $0xFFFFD880  }
0x1ba: {  	_ =	swait.ge [sflag:s18], $0x2780  }
0x1bb: {  	[sflag:s18] =	ssyncset.done $0x0  }
0x1bc: {  	[sflag:s18] =	ssyncadd.s32 $0xFFFFD880  }
0x1bd: {  	_ =	swait.ge [sflag:s18], $0x2780  }
0x1be: {  	[sflag:s18] =	ssyncset.done $0x0  }
0x1bf: {  	[sflag:s18] =	ssyncadd.s32 $0xFFFFD880  }
0x1c0: {  	_ =	swait.ge [sflag:s18], $0x2780  }
0x1c1: {  	[sflag:s18] =	ssyncset.done $0x0  }
0x1c2: {  	s25 =	simm.s32 $0x20;
	[sflag:s18] =	ssyncadd.s32 $0xFFFFD880  }
0x1c3: {  	s16 =	simm.s32 $0x2800;
	v10 =	vld [tilespmem:s25+$0x10]  }
0x1c4: {  	s26 =	simm.s32 $0x2920;
	v8 =	vld.idx.msk [tilespmem:v4+s16+$0x0], $0xffff  }
0x1c5: {  	v11 =	vld [tilespmem:s26+$0x10]  }
0x1c6: {  	v12 =	vld [tilespmem:s25+$0xFFFFFFF0]  }
0x1c7: {  	v13 =	vld [tilespmem:s25+$0xFFFFFFE0]  }
0x1c8: {  	v14 =	vld [tilespmem:s25+$0x0];
	v18 =	vmul.f32 v10, v10  }
0x1c9: {  	v15 =	vld [tilespmem:s26+$0xFFFFFFE0]  }
0x1ca: {  	v16 =	vld [tilespmem:s26+$0xFFFFFFF0];
	v11 =	vmul.f32 v18, v11  }
0x1cb: {  	v9 =	vld.idx.msk [tilespmem:v6+s16+$0x0], $0xffff  }
0x1cc: {  	v17 =	vld [tilespmem:s26+$0x0];
	v19 =	vadd.f32 v11, v8  }
0x1cd: {  	s17 =	simm.s32 $0xC720;
	v10 =	vld.idx.msk [tilespmem:v7+s16+$0x0], $0xffff;
	v21 =	vmul.f32 v13, v13;
	v13 =	vmul.f32 v12, v12  }
0x1ce: {  	s19 =	simm.s32 $0x50A0;
	v12 =	vmul.f32 v14, v14;
	v11 =	vld.idx.msk [tilespmem:v5+s16+$0x0], $0xffff;
	[tilespmem:s17+$0x10] =	vst v19  }
0x1cf: {  	v14 =	vmul.f32 v21, v15;
	v15 =	vmul.f32 v13, v16;
	v16 =	vld [tilespmem:s19+$0x10];
	_ =	sdelay $0x2  }
0x1d0: {  	v17 =	vmul.f32 v12, v17;
	v15 =	vadd.f32 v15, v8  }
0x1d1: {  	s20 =	simm.s32 $0x60;
	v14 =	vadd.f32 v14, v8  }
0x1d2: {  	v23 =	vld [tilespmem:s20+$0xFFFFFFE0];
	v17 =	vadd.f32 v17, v8;
	[tilespmem:s17+$0xFFFFFFF0] =	vst v15;
	v15 =	vmul.f32 v16, v18  }
0x1d3: {  	[tilespmem:s17+$0xFFFFFFE0] =	vst v14;
	v19 =	vld [tilespmem:s20+$0x10]  }
0x1d4: {  	[tilespmem:s17+$0x0] =	vst v17;
	v14 =	vld [tilespmem:s19+$0xFFFFFFE0];
	v15 =	vadd.f32 v15, v9  }
0x1d5: {  	s21 =	simm.s32 $0xEEA0;
	s24 =	simm.s32 $0x2960;
	v17 =	vld [tilespmem:s19+$0x0]  }
0x1d6: {  	[tilespmem:s21+$0x10] =	vst v15;
	v15 =	vld [tilespmem:s24+$0x10]  }
0x1d7: {  	v16 =	vld [tilespmem:s19+$0xFFFFFFF0]  }
0x1d8: {  	v20 =	vld [tilespmem:s20+$0xFFFFFFF0]  }
0x1d9: {  	s17 =	simm.s32 $0x7820;
	v27 =	vmul.f32 v19, v19;
	v19 =	vld [tilespmem:s24+$0xFFFFFFE0]  }
0x1da: {  	v14 =	vmul.f32 v14, v21;
	v22 =	vld [tilespmem:s17+$0x10]  }
0x1db: {  	v24 =	vld [tilespmem:s20+$0x0];
	v17 =	vmul.f32 v17, v12;
	v15 =	vmul.f32 v27, v15  }
0x1dc: {  	v25 =	vld [tilespmem:s24+$0xFFFFFFF0];
	v28 =	vadd.f32 v14, v9;
	v26 =	vmul.f32 v16, v13;
	v16 =	vmul.f32 v23, v23  }
0x1dd: {  	v30 =	vadd.f32 v15, v8  }
0x1de: {  	v29 =	vld [tilespmem:s24+$0x0];
	s25 =	simm.s32 $0xC760;
	s26 =	simm.s32 $0xA0;
	v17 =	vadd.f32 v17, v9;
	[tilespmem:s21+$0xFFFFFFE0] =	vst v28;
	v19 =	vmul.f32 v16, v19  }
0x1df: {  	v31 =	vld [tilespmem:s26+$0x0];
	s19 =	simm.s32 $0x50E0;
	v14 =	vmul.f32 v20, v20;
	v23 =	vadd.f32 v26, v9;
	v20 =	vmul.f32 v22, v18;
	[tilespmem:s25+$0x10] =	vst v30  }
0x1e0: {  	[tilespmem:s21+$0x0] =	vst v17;
	v19 =	vadd.f32 v19, v8;
	v15 =	vmul.f32 v24, v24;
	v24 =	vld [tilespmem:s19+$0x10]  }
0x1e1: {  	v33 =	vld [tilespmem:s26+$0xFFFFFFE0];
	[tilespmem:s21+$0xFFFFFFF0] =	vst v23;
	v23 =	vmul.f32 v14, v25;
	v20 =	vadd.f32 v20, v10  }
0x1e2: {  	s23 =	simm.s32 $0x11620;
	v26 =	vld [tilespmem:s17+$0x0];
	[tilespmem:s25+$0xFFFFFFE0] =	vst v19  }
0x1e3: {  	v22 =	vld [tilespmem:s17+$0xFFFFFFE0];
	v17 =	vmul.f32 v15, v29;
	[tilespmem:s23+$0x10] =	vst v20;
	v20 =	vadd.f32 v23, v8  }
0x1e4: {  	v19 =	vld [tilespmem:s19+$0xFFFFFFE0]  }
0x1e5: {  	v25 =	vld [tilespmem:s17+$0xFFFFFFF0];
	v17 =	vadd.f32 v17, v8;
	[tilespmem:s25+$0xFFFFFFF0] =	vst v20;
	v20 =	vmul.f32 v24, v27  }
0x1e6: {  	v24 =	vld [tilespmem:s19+$0xFFFFFFF0]  }
0x1e7: {  	[tilespmem:s25+$0x0] =	vst v17;
	v17 =	vadd.f32 v20, v9;
	v20 =	vld [tilespmem:s26+$0x10]  }
0x1e8: {  	s4 =	simm.s32 $0xEEE0;
	s17 =	simm.s32 $0x29A0;
	v28 =	vld [tilespmem:s19+$0x0]  }
0x1e9: {  	s16 =	simm.s32 $0x7860;
	v30 =	vld [tilespmem:s17+$0x10];
	v19 =	vmul.f32 v19, v16;
	[tilespmem:s4+$0x10] =	vst v17  }
0x1ea: {  	v17 =	vmul.f32 v22, v21;
	v22 =	vld [tilespmem:s16+$0x10]  }
0x1eb: {  	s3 =	simm.s32 $0x9FA0;
	v59 =	vld [tilespmem:s17+$0xFFFFFFF0];
	v19 =	vadd.f32 v19, v9  }
0x1ec: {  	v23 =	vld [tilespmem:s3+$0x10];
	v24 =	vmul.f32 v24, v14;
	v32 =	vadd.f32 v17, v10;
	v17 =	vmul.f32 v20, v20  }
0x1ed: {  	v29 =	vld [tilespmem:s26+$0xFFFFFFF0];
	v20 =	vmul.f32 v28, v15  }
0x1ee: {  	[tilespmem:s4+$0xFFFFFFE0] =	vst v19;
	v28 =	vld [tilespmem:s17+$0xFFFFFFE0];
	v24 =	vadd.f32 v24, v9;
	v30 =	vmul.f32 v17, v30  }
0x1ef: {  	v34 =	vld [tilespmem:s17+$0x0];
	[tilespmem:s23+$0xFFFFFFE0] =	vst v32;
	v19 =	vadd.f32 v20, v9;
	v20 =	vmul.f32 v22, v27  }
0x1f0: {  	v26 =	vmul.f32 v26, v12;
	[tilespmem:s4+$0xFFFFFFF0] =	vst v24;
	v22 =	vmul.f32 v25, v13;
	v25 =	vld [tilespmem:s16+$0xFFFFFFE0];
	v24 =	vadd.f32 v30, v8  }
0x1f1: {  	s24 =	simm.s32 $0xC7A0;
	v23 =	vmul.f32 v23, v18;
	v18 =	vmul.f32 v33, v33;
	[tilespmem:s4+$0x0] =	vst v19;
	v30 =	vld [tilespmem:s16+$0xFFFFFFF0];
	v60 =	vadd.f32 v20, v10  }
0x1f2: {  	s25 =	simm.s32 $0x5120;
	s19 =	simm.s32 $0x11660;
	v19 =	vmul.f32 v29, v29;
	v22 =	vadd.f32 v22, v10;
	[tilespmem:s24+$0x10] =	vst v24;
	v24 =	vld [tilespmem:s16+$0x0]  }
0x1f3: {  	s21 =	simm.s32 $0x9FE0;
	v26 =	vadd.f32 v26, v10;
	v20 =	vmul.f32 v31, v31;
	v28 =	vmul.f32 v18, v28;
	v29 =	vld [tilespmem:s25+$0x10];
	[tilespmem:s19+$0x10] =	vst v60  }
0x1f4: {  	v23 =	vadd.f32 v23, v11;
	[tilespmem:s23+$0xFFFFFFF0] =	vst v22;
	v22 =	vmul.f32 v19, v59;
	v31 =	vld [tilespmem:s21+$0x10]  }
0x1f5: {  	s20 =	simm.s32 $0x13DA0;
	[tilespmem:s23+$0x0] =	vst v26;
	v62 =	vld [tilespmem:s3+$0xFFFFFFE0];
	v61 =	vmul.f32 v20, v34;
	v28 =	vadd.f32 v28, v8  }
0x1f6: {  	[tilespmem:s20+$0x10] =	vst v23;
	v25 =	vmul.f32 v25, v16;
	v23 =	vld [tilespmem:s3+$0xFFFFFFF0];
	v26 =	vadd.f32 v22, v8  }
0x1f7: {  	v32 =	vadd.f32 v61, v8;
	v30 =	vmul.f32 v30, v14;
	[tilespmem:s24+$0xFFFFFFE0] =	vst v28;
	v22 =	vld [tilespmem:s3+$0x0]  }
0x1f8: {  	v63 =	vadd.f32 v25, v10;
	v25 =	vld [tilespmem:s25+$0xFFFFFFE0];
	v24 =	vmul.f32 v24, v15;
	[tilespmem:s24+$0xFFFFFFF0] =	vst v26;
	v35 =	vmul.f32 v29, v17  }
0x1f9: {  	s28 =	simm.s32 $0xE0;
	v28 =	vadd.f32 v30, v10;
	[tilespmem:s24+$0x0] =	vst v32;
	v26 =	vld [tilespmem:s25+$0xFFFFFFF0];
	v29 =	vmul.f32 v31, v27  }
0x1fa: {  	s26 =	simm.s32 $0x9FE0;
	v21 =	vmul.f32 v62, v21;
	s23 =	simm.s32 $0x13DA0;
	s3 =	simm.s32 $0x8;
	[tilespmem:s19+$0xFFFFFFE0] =	vst v63;
	v24 =	vadd.f32 v24, v10;
	v27 =	vld [tilespmem:s25+$0x0];
	v30 =	vadd.f32 v35, v9  }
.LBB2_10:
0x1fb: {  	v31 =	vld [tilespmem:s28+$0x10];
	[tilespmem:s19+$0xFFFFFFF0] =	vst v28;
	v28 =	vadd.f32 v29, v11;
	s4 =	sadd.s32 $0x40, s4;
	v23 =	vmul.f32 v23, v13;
	v13 =	vmovc v14;
	v14 =	vmov v19  }
0x1fc: {  	s3 =	sadd.s32 $0x4, s3;
	s17 =	sadd.s32 $0x40, s17;
	s20 =	sadd.s32 $0x40, s20;
	v19 =	vld [tilespmem:s28+$0xFFFFFFF0];
	[tilespmem:s4+$0x10] =	vst v30;
	v21 =	vadd.f32 v21, v11;
	v22 =	vmul.f32 v22, v12;
	v12 =	vmovc v15;
	v15 =	vmov v20  }
0x1fd: {  	s16 =	sadd.s32 $0x40, s16;
	p0 =	slt.u32 s3, $0x26C;
	v20 =	vld [tilespmem:s17+$0x10];
	v25 =	vmul.f32 v25, v18;
	[tilespmem:s20+$0x10] =	vst v28;
	v23 =	vadd.f32 v23, v11  }
0x1fe: {  	v26 =	vmul.f32 v26, v14;
	v28 =	vld [tilespmem:s16+$0x10];
	[tilespmem:s19+$0x0] =	vst v24;
	v22 =	vadd.f32 v22, v11  }
0x1ff: {  	v24 =	vld [tilespmem:s28+$0x0];
	v25 =	vadd.f32 v25, v9;
	v27 =	vmul.f32 v27, v15;
	[tilespmem:s23+$0xFFFFFFE0] =	vst v21  }
0x200: {  	v21 =	vld [tilespmem:s28+$0xFFFFFFE0];
	v30 =	vmul.f32 v31, v31;
	v26 =	vadd.f32 v26, v9;
	[tilespmem:s23+$0xFFFFFFF0] =	vst v23  }
0x201: {  	v23 =	vld [tilespmem:s17+$0xFFFFFFE0];
	v19 =	vmul.f32 v19, v19;
	[tilespmem:s4+$0xFFFFFFE0] =	vst v25;
	v25 =	vadd.f32 v27, v9  }
0x202: {  	v27 =	vld [tilespmem:s17+$0xFFFFFFF0];
	v29 =	vmul.f32 v30, v20;
	[tilespmem:s4+$0xFFFFFFF0] =	vst v26  }
0x203: {  	v26 =	vld [tilespmem:s17+$0x0];
	[tilespmem:s4+$0x0] =	vst v25;
	v25 =	vmul.f32 v28, v17  }
0x204: {  	v20 =	vmul.f32 v24, v24;
	v24 =	vadd.f32 v29, v8;
	v28 =	vld [tilespmem:s16+$0xFFFFFFE0];
	[tilespmem:s23+$0x0] =	vst v22;
	s23 =	smov.u32 s20  }
0x205: {  	s24 =	sadd.s32 $0x40, s24;
	v31 =	vmul.f32 v21, v21;
	v21 =	vld [tilespmem:s16+$0xFFFFFFF0];
	v22 =	vadd.f32 v25, v10  }
0x206: {  	s25 =	sadd.s32 $0x40, s25;
	s19 =	sadd.s32 $0x40, s19;
	[tilespmem:s24+$0x10] =	vst v24;
	v24 =	vld [tilespmem:s16+$0x0]  }
0x207: {  	s21 =	sadd.s32 $0x40, s21;
	v23 =	vmul.f32 v31, v23;
	v25 =	vmul.f32 v19, v27;
	v27 =	vld [tilespmem:s25+$0x10];
	[tilespmem:s19+$0x10] =	vst v22  }
0x208: {  	v22 =	vmul.f32 v20, v26;
	v29 =	vld [tilespmem:s21+$0x10]  }
0x209: {  	v26 =	vadd.f32 v23, v8;
	v32 =	vadd.f32 v25, v8;
	v25 =	vmul.f32 v28, v18;
	v33 =	vld [tilespmem:s26+$0xFFFFFFE0]  }
.Ltmp4:
0x20a: {  	v34 =	vadd.f32 v22, v8;
	v21 =	vmul.f32 v21, v14;
	v23 =	vld [tilespmem:s26+$0xFFFFFFF0];
	(pc) =	sbr.rel @p0 .LBB2_10-.Ltmp4, $4  }
0x20b: {  	[tilespmem:s24+$0xFFFFFFE0] =	vst v26;
	v35 =	vadd.f32 v25, v10;
	v24 =	vmul.f32 v24, v15;
	v22 =	vld [tilespmem:s26+$0x0];
	s26 =	smov.u32 s21  }
0x20c: {  	v25 =	vld [tilespmem:s25+$0xFFFFFFE0];
	[tilespmem:s24+$0xFFFFFFF0] =	vst v32;
	v32 =	vmul.f32 v27, v30;
	v28 =	vadd.f32 v21, v10  }
0x20d: {  	v26 =	vld [tilespmem:s25+$0xFFFFFFF0];
	[tilespmem:s24+$0x0] =	vst v34;
	v24 =	vadd.f32 v24, v10;
	v29 =	vmul.f32 v29, v17;
	v17 =	vmov v30  }
0x20e: {  	s28 =	sadd.s32 $0x40, s28;
	v27 =	vld [tilespmem:s25+$0x0];
	v30 =	vadd.f32 v32, v9;
	[tilespmem:s19+$0xFFFFFFE0] =	vst v35;
	v21 =	vmul.f32 v33, v16;
	v16 =	vmovc v18;
	v18 =	vmov v31  }
0x20f: {  	_ =	sdelay $0x1  }
0x210: {  	v25 =	vmul.f32 v25, v18  }
0x211: {  	s3 =	sadd.s32 $0x40, s4;
	v26 =	vmul.f32 v26, v19  }
0x212: {  	s28 =	sadd.s32 $0x40, s16;
	[tilespmem:s3+$0x10] =	vst v30;
	v25 =	vadd.f32 v25, v9;
	v27 =	vmul.f32 v27, v20  }
0x213: {  	v30 =	vld [tilespmem:s28+$0x10];
	v26 =	vadd.f32 v26, v9  }
0x214: {  	[tilespmem:s3+$0xFFFFFFE0] =	vst v25;
	v38 =	vadd.f32 v27, v9  }
0x215: {  	[tilespmem:s3+$0xFFFFFFF0] =	vst v26;
	v39 =	vld [tilespmem:s28+$0xFFFFFFE0]  }
0x216: {  	[tilespmem:s3+$0x0] =	vst v38;
	v41 =	vld [tilespmem:s28+$0xFFFFFFF0]  }
0x217: {  	v42 =	vld [tilespmem:s28+$0x0]  }
0x218: {  	v40 =	vmul.f32 v30, v17;
	_ =	sdelay $0x1  }
0x219: {  	[tilespmem:s19+$0xFFFFFFF0] =	vst v28;
	v25 =	vadd.f32 v40, v10;
	v43 =	vmul.f32 v39, v18  }
0x21a: {  	s16 =	sadd.s32 $0x40, s19;
	v29 =	vadd.f32 v29, v11;
	v45 =	vld [tilespmem:s26+$0xFFFFFFE0];
	[tilespmem:s19+$0x0] =	vst v24;
	v27 =	vmul.f32 v41, v19  }
0x21b: {  	s17 =	sadd.s32 $0x40, s21;
	s21 =	sadd.s32 $0x40, s20;
	v47 =	vld [tilespmem:s26+$0xFFFFFFF0];
	[tilespmem:s16+$0x10] =	vst v25;
	v25 =	vadd.f32 v43, v10;
	v46 =	vmul.f32 v42, v20  }
0x21c: {  	v48 =	vld [tilespmem:s26+$0x0];
	[tilespmem:s21+$0x10] =	vst v29;
	v27 =	vadd.f32 v27, v10  }
0x21d: {  	v13 =	vmul.f32 v23, v13;
	v44 =	vld [tilespmem:s17+$0x10];
	v29 =	vadd.f32 v46, v10;
	[tilespmem:s16+$0xFFFFFFE0] =	vst v25  }
0x21e: {  	v21 =	vadd.f32 v21, v11;
	v12 =	vmul.f32 v22, v12;
	[tilespmem:s16+$0xFFFFFFF0] =	vst v27;
	v49 =	vld [tilespmem:s17+$0xFFFFFFE0]  }
0x21f: {  	v13 =	vadd.f32 v13, v11;
	v16 =	vmul.f32 v45, v16;
	[tilespmem:s16+$0x0] =	vst v29;
	v51 =	vld [tilespmem:s17+$0xFFFFFFF0]  }
0x220: {  	v12 =	vadd.f32 v12, v11;
	[tilespmem:s23+$0xFFFFFFE0] =	vst v21;
	v14 =	vmul.f32 v47, v14;
	v52 =	vld [tilespmem:s17+$0x0]  }
0x221: {  	[tilespmem:s23+$0xFFFFFFF0] =	vst v13;
	v15 =	vmul.f32 v48, v15;
	v54 =	vadd.f32 v16, v11  }
0x222: {  	[tilespmem:s23+$0x0] =	vst v12;
	v55 =	vadd.f32 v14, v11;
	v50 =	vmul.f32 v44, v17  }
0x223: {  	v15 =	vadd.f32 v15, v11;
	[tilespmem:s21+$0xFFFFFFE0] =	vst v54;
	v56 =	vmul.f32 v49, v18  }
0x224: {  	[tilespmem:s21+$0xFFFFFFF0] =	vst v55;
	v53 =	vadd.f32 v50, v11;
	v57 =	vmul.f32 v51, v19  }
0x225: {  	s24 =	sadd.s32 $0x40, s21;
	[tilespmem:s21+$0x0] =	vst v15;
	v58 =	vadd.f32 v56, v11;
	v59 =	vmul.f32 v52, v20  }
0x226: {  	[tilespmem:s24+$0x10] =	vst v53;
	v12 =	vadd.f32 v57, v11  }
0x227: {  	v14 =	vadd.f32 v59, v11;
	[tilespmem:s24+$0xFFFFFFE0] =	vst v58  }
0x228: {  	[tilespmem:s24+$0xFFFFFFF0] =	vst v12  }
0x229: {  	[tilespmem:s24+$0x0] =	vst v14  }
0x22a: {  	v12 =	vld [tilespmem:$0x2700]  }
0x22b: {  	v13 =	vld [tilespmem:$0x5000]  }
0x22c: {  	v14 =	vld [tilespmem:$0x7780]  }
0x22d: {  	v15 =	vld [tilespmem:$0x9F00]  }
0x22e: {  	v60 =	vld [tilespmem:$0xC680]  }
0x22f: {  	v12 =	vmul.f32 v12, v12;
	_ =	sdelay $0x1  }
0x230: {  	v13 =	vmul.f32 v12, v13  }
0x231: {  	v14 =	vmul.f32 v14, v12  }
0x232: {  	v61 =	vmul.f32 v15, v12;
	v12 =	vmul.f32 v60, v12;
	v8 =	vadd.f32 v13, v8  }
0x233: {  	v62 =	vadd.f32 v14, v9  }
0x234: {  	v63 =	vadd.f32 v12, v11;
	[tilespmem:$0xEE00] =	vst v8  }
0x235: {  	v8 =	vadd.f32 v61, v10;
	[tilespmem:$0x11580] =	vst v62  }
0x236: {  	[tilespmem:$0x16480] =	vst v63  }
0x237: {  	s25 =	simm.s32 $0x16500;
	s16 =	simm.s32 $0x0;
	[tilespmem:$0x13D00] =	vst v8  }
0x238: {  	[tilespmem:s25], [sflag:$0x1] =	stream.linear.gather [hbm4b:s22+s16], $0xC80, $0x38;
	[tilespmem:$0x1B000] =	vst v63  }
0x239: {  	s26 =	simm.s32 $0x17E00  }
0x23a: {  	[tilespmem:s26], [sflag:$0x1] =	stream.linear.gather [hbm4b:s10+s16], $0xC80, $0x38;
	[tilespmem:$0x1B000] =	vst v63  }
0x23b: {  	s28 =	simm.s32 $0x19700  }
0x23c: {  	[tilespmem:s28], [sflag:$0x1] =	stream.linear.gather [hbm4b:s11+s16], $0xC80, $0x38;
	[tilespmem:$0x1B000] =	vst v63  }
.LBB2_12:
0x23d: {  	_ =	swait.ge [sflag:s5], $0xC80  }
0x23e: {  	[sflag:s5] =	ssyncset.done $0x0  }
0x23f: {  	[sflag:s5] =	ssyncadd.s32 $0xFFFFF380  }
0x240: {  	_ =	swait.ge [sflag:s5], $0xC80  }
0x241: {  	s4 =	smul.u32 $0x1900, s16;
	[sflag:s5] =	ssyncset.done $0x0  }
0x242: {  	[sflag:s5] =	ssyncadd.s32 $0xFFFFF380  }
0x243: {  	s3 =	sshrl.u32 s4, $0x3;
	_ =	swait.ge [sflag:s5], $0xC80  }
0x244: {  	s3 =	sadd.s32 $0x190, s3;
	[sflag:s5] =	ssyncset.done $0x0  }
0x245: {  	s17 =	sadd.s32 s22, s3;
	[sflag:s5] =	ssyncadd.s32 $0xFFFFF380  }
0x246: {  	[tilespmem:s6], [sflag:$0x2] =	stream.linear.gather [hbm4b:s17+s1], $0xC80, $0x38;
	[tilespmem:$0x1B000] =	vst v63  }
0x247: {  	s26 =	sadd.s32 s10, s3  }
0x248: {  	[tilespmem:s7], [sflag:$0x2] =	stream.linear.gather [hbm4b:s26+s1], $0xC80, $0x38;
	[tilespmem:$0x1B000] =	vst v63  }
0x249: {  	s28 =	simm.s32 $0x16520;
	s3 =	sadd.s32 s11, s3  }
0x24a: {  	[tilespmem:s8], [sflag:$0x2] =	stream.linear.gather [hbm4b:s3+s1], $0xC80, $0x38;
	[tilespmem:$0x1B000] =	vst v63  }
0x24b: {  	v17 =	vld [tilespmem:s28+$0x10];
	_ =	sdelay $0x2  }
0x24c: {  	v8 =	vld [tilespmem:s28+$0xFFFFFFF0]  }
0x24d: {  	v10 =	vld [tilespmem:s28+$0xFFFFFFE0]  }
0x24e: {  	s17 =	simm.s32 $0x17E20;
	v9 =	vld [tilespmem:s28+$0x0]  }
0x24f: {  	s19 =	simm.s32 $0x19720;
	v19 =	vld [tilespmem:s17+$0x10]  }
0x250: {  	v18 =	vld [tilespmem:s19+$0x10]  }
0x251: {  	v12 =	vld.idx.msk [tilespmem:v17+s30+$0x0], $0xffff  }
0x252: {  	v11 =	vld [tilespmem:s19+$0xFFFFFFE0]  }
0x253: {  	v14 =	vld [tilespmem:s17+$0xFFFFFFF0]  }
0x254: {  	v15 =	vld [tilespmem:s17+$0x0]  }
0x255: {  	v16 =	vld [tilespmem:s19+$0x0]  }
0x256: {  	v20 =	vld.idx.msk [tilespmem:v8+s30+$0x0], $0xffff;
	v13 =	vmul.f32 v12, v18  }
0x257: {  	v22 =	vld.idx.msk [tilespmem:v9+s30+$0x0], $0xffff  }
0x258: {  	[tilespmem:v19+s9+$0x0] =	vst.idx.add.f32.msk $0xffff, v13  }
0x259: {  	v23 =	vld.idx.msk [tilespmem:v17+s31+$0x0], $0xffff  }
0x25a: {  	v12 =	vld [tilespmem:s19+$0xFFFFFFF0]  }
0x25b: {  	v13 =	vld [tilespmem:s17+$0xFFFFFFE0]  }
0x25c: {  	v21 =	vld.idx.msk [tilespmem:v10+s30+$0x0], $0xffff  }
0x25d: {  	v22 =	vmul.f32 v22, v16  }
0x25e: {  	v23 =	vmul.f32 v23, v18  }
0x25f: {  	[tilespmem:v15+s9+$0x0] =	vst.idx.add.f32.msk $0xffff, v22  }
0x260: {  	v20 =	vmul.f32 v20, v12;
	[tilespmem:v19+s2+$0x0] =	vst.idx.add.f32.msk $0xffff, v23  }
0x261: {  	v21 =	vmul.f32 v21, v11;
	v23 =	vld.idx.msk [tilespmem:v17+s14+$0x0], $0xffff  }
0x262: {  	[tilespmem:v14+s9+$0x0] =	vst.idx.add.f32.msk $0xffff, v20  }
0x263: {  	[tilespmem:v13+s9+$0x0] =	vst.idx.add.f32.msk $0xffff, v21  }
0x264: {  	v20 =	vld.idx.msk [tilespmem:v10+s31+$0x0], $0xffff  }
0x265: {  	v63 =	vld.idx.msk [tilespmem:v8+s31+$0x0], $0xffff  }
0x266: {  	v22 =	vld.idx.msk [tilespmem:v9+s31+$0x0], $0xffff;
	v23 =	vmul.f32 v23, v18;
	_ =	sdelay $0x1  }
0x267: {  	[tilespmem:v19+s12+$0x0] =	vst.idx.add.f32.msk $0xffff, v23  }
0x268: {  	v23 =	vld.idx.msk [tilespmem:v17+s0+$0x0], $0xffff;
	v17 =	vmul.f32 v20, v11  }
0x269: {  	v20 =	vmul.f32 v63, v12  }
0x26a: {  	[tilespmem:v13+s2+$0x0] =	vst.idx.add.f32.msk $0xffff, v17;
	v17 =	vmul.f32 v22, v16  }
0x26b: {  	[tilespmem:v14+s2+$0x0] =	vst.idx.add.f32.msk $0xffff, v20  }
0x26c: {  	[tilespmem:v15+s2+$0x0] =	vst.idx.add.f32.msk $0xffff, v17  }
0x26d: {  	v17 =	vld.idx.msk [tilespmem:v10+s14+$0x0], $0xffff;
	v20 =	vmul.f32 v23, v18  }
0x26e: {  	v18 =	vld.idx.msk [tilespmem:v8+s14+$0x0], $0xffff  }
0x26f: {  	s20 =	simm.s32 $0x16560;
	s3 =	simm.s32 $0x0;
	[tilespmem:v19+s13+$0x0] =	vst.idx.add.f32.msk $0xffff, v20  }
.LBB2_13:
0x270: {  	v19 =	vld [tilespmem:s20+$0x10];
	s3 =	sadd.s32 $0x4, s3  }
0x271: {  	v20 =	vld [tilespmem:s20+$0xFFFFFFF0];
	p0 =	slt.u32 s3, $0xC4  }
0x272: {  	v21 =	vld [tilespmem:s20+$0x0]  }
0x273: {  	v17 =	vmul.f32 v17, v11;
	v22 =	vld [tilespmem:s20+$0xFFFFFFE0]  }
0x274: {  	v18 =	vmul.f32 v18, v12;
	v23 =	vld.idx.msk [tilespmem:v9+s14+$0x0], $0xffff  }
0x275: {  	[tilespmem:v13+s12+$0x0] =	vst.idx.add.f32.msk $0xffff, v17  }
0x276: {  	s17 =	sadd.s32 $0x40, s17;
	[tilespmem:v14+s12+$0x0] =	vst.idx.add.f32.msk $0xffff, v18  }
0x277: {  	v24 =	vld [tilespmem:s17+$0x10]  }
0x278: {  	s19 =	sadd.s32 $0x40, s19;
	v17 =	vld.idx.msk [tilespmem:v19+s30+$0x0], $0xffff  }
0x279: {  	v18 =	vld [tilespmem:s19+$0x10]  }
0x27a: {  	v23 =	vmul.f32 v23, v16;
	v25 =	vld.idx.msk [tilespmem:v20+s30+$0x0], $0xffff  }
0x27b: {  	v26 =	vld.idx.msk [tilespmem:v22+s30+$0x0], $0xffff  }
0x27c: {  	v27 =	vld.idx.msk [tilespmem:v21+s30+$0x0], $0xffff  }
0x27d: {  	v28 =	vld [tilespmem:s19+$0xFFFFFFE0]  }
0x27e: {  	v29 =	vld [tilespmem:s19+$0xFFFFFFF0];
	v17 =	vmul.f32 v17, v18  }
0x27f: {  	v30 =	vld [tilespmem:s19+$0x0]  }
0x280: {  	[tilespmem:v24+s9+$0x0] =	vst.idx.add.f32.msk $0xffff, v17  }
0x281: {  	v17 =	vld.idx.msk [tilespmem:v19+s31+$0x0], $0xffff  }
0x282: {  	v31 =	vld [tilespmem:s17+$0xFFFFFFE0];
	v26 =	vmul.f32 v26, v28  }
0x283: {  	v32 =	vld [tilespmem:s17+$0xFFFFFFF0];
	v25 =	vmul.f32 v25, v29  }
0x284: {  	v33 =	vld [tilespmem:s17+$0x0];
	v27 =	vmul.f32 v27, v30  }
0x285: {  	[tilespmem:v15+s12+$0x0] =	vst.idx.add.f32.msk $0xffff, v23  }
0x286: {  	v23 =	vld.idx.msk [tilespmem:v10+s0+$0x0], $0xffff;
	v10 =	vmov v22  }
0x287: {  	v17 =	vmul.f32 v17, v18;
	v22 =	vld.idx.msk [tilespmem:v8+s0+$0x0], $0xffff;
	v8 =	vmov v20  }
0x288: {  	v20 =	vld.idx.msk [tilespmem:v9+s0+$0x0], $0xffff;
	v9 =	vmov v21  }
0x289: {  	[tilespmem:v24+s2+$0x0] =	vst.idx.add.f32.msk $0xffff, v17  }
0x28a: {  	v17 =	vld.idx.msk [tilespmem:v19+s14+$0x0], $0xffff  }
0x28b: {  	[tilespmem:v31+s9+$0x0] =	vst.idx.add.f32.msk $0xffff, v26  }
0x28c: {  	v21 =	vmul.f32 v23, v11;
	v11 =	vmov v28;
	[tilespmem:v32+s9+$0x0] =	vst.idx.add.f32.msk $0xffff, v25  }
0x28d: {  	v22 =	vmul.f32 v22, v12;
	v12 =	vmov v29;
	[tilespmem:v33+s9+$0x0] =	vst.idx.add.f32.msk $0xffff, v27  }
0x28e: {  	v20 =	vmul.f32 v20, v16;
	v16 =	vmov v30;
	v23 =	vld.idx.msk [tilespmem:v10+s31+$0x0], $0xffff  }
0x28f: {  	v25 =	vld.idx.msk [tilespmem:v8+s31+$0x0], $0xffff  }
0x290: {  	v17 =	vmul.f32 v17, v18;
	v26 =	vld.idx.msk [tilespmem:v9+s31+$0x0], $0xffff  }
0x291: {  	[tilespmem:v13+s13+$0x0] =	vst.idx.add.f32.msk $0xffff, v21;
	v13 =	vmov v31  }
0x292: {  	[tilespmem:v24+s12+$0x0] =	vst.idx.add.f32.msk $0xffff, v17  }
0x293: {  	v19 =	vld.idx.msk [tilespmem:v19+s0+$0x0], $0xffff  }
0x294: {  	v17 =	vmul.f32 v23, v11;
	[tilespmem:v14+s13+$0x0] =	vst.idx.add.f32.msk $0xffff, v22;
	v14 =	vmov v32  }
0x295: {  	v21 =	vmul.f32 v25, v12;
	[tilespmem:v15+s13+$0x0] =	vst.idx.add.f32.msk $0xffff, v20;
	v15 =	vmov v33  }
0x296: {  	[tilespmem:v31+s2+$0x0] =	vst.idx.add.f32.msk $0xffff, v17;
	v17 =	vmul.f32 v26, v16  }
.Ltmp5:
0x297: {  	[tilespmem:v32+s2+$0x0] =	vst.idx.add.f32.msk $0xffff, v21;
	(pc) =	sbr.rel @p0 .LBB2_13-.Ltmp5, $4  }
0x298: {  	[tilespmem:v33+s2+$0x0] =	vst.idx.add.f32.msk $0xffff, v17  }
0x299: {  	v19 =	vmul.f32 v19, v18;
	v17 =	vld.idx.msk [tilespmem:v10+s14+$0x0], $0xffff  }
0x29a: {  	v18 =	vld.idx.msk [tilespmem:v8+s14+$0x0], $0xffff  }
0x29b: {  	s20 =	sadd.s32 $0x40, s20;
	[tilespmem:v24+s13+$0x0] =	vst.idx.add.f32.msk $0xffff, v19  }
0x29c: {  	_ =	sdelay $0x3  }
0x29d: {  	v19 =	vld.idx.msk [tilespmem:v9+s14+$0x0], $0xffff  }
0x29e: {  	v17 =	vmul.f32 v17, v11  }
0x29f: {  	v18 =	vmul.f32 v18, v12  }
0x2a0: {  	[tilespmem:v13+s12+$0x0] =	vst.idx.add.f32.msk $0xffff, v17  }
0x2a1: {  	[tilespmem:v14+s12+$0x0] =	vst.idx.add.f32.msk $0xffff, v18  }
0x2a2: {  	v17 =	vmul.f32 v19, v16;
	v10 =	vld.idx.msk [tilespmem:v10+s0+$0x0], $0xffff  }
0x2a3: {  	v8 =	vld.idx.msk [tilespmem:v8+s0+$0x0], $0xffff  }
0x2a4: {  	[tilespmem:v15+s12+$0x0] =	vst.idx.add.f32.msk $0xffff, v17  }
0x2a5: {  	v9 =	vld.idx.msk [tilespmem:v9+s0+$0x0], $0xffff;
	_ =	sdelay $0x2  }
0x2a6: {  	v10 =	vmul.f32 v10, v11  }
0x2a7: {  	v8 =	vmul.f32 v8, v12  }
0x2a8: {  	[tilespmem:v13+s13+$0x0] =	vst.idx.add.f32.msk $0xffff, v10;
	v9 =	vmul.f32 v9, v16  }
0x2a9: {  	[tilespmem:v14+s13+$0x0] =	vst.idx.add.f32.msk $0xffff, v8  }
0x2aa: {  	[tilespmem:v15+s13+$0x0] =	vst.idx.add.f32.msk $0xffff, v9  }
0x2ab: {  	_ =	swait.ge [sflag:s15], $0xC80  }
0x2ac: {  	[sflag:s15] =	ssyncset.done $0x0  }
0x2ad: {  	[sflag:s15] =	ssyncadd.s32 $0xFFFFF380  }
0x2ae: {  	_ =	swait.ge [sflag:s15], $0xC80  }
0x2af: {  	[sflag:s15] =	ssyncset.done $0x0  }
0x2b0: {  	p0 =	seq.s32 s16, $0x31;
	[sflag:s15] =	ssyncadd.s32 $0xFFFFF380  }
0x2b1: {  	s3 =	sshrl.u32 @!p0 s4, $0x3;
	_ =	swait.ge [sflag:s15], $0xC80  }
0x2b2: {  	s17 =	simm.s32 @!p0 $0x0;
	s3 =	sadd.s32 @!p0 $0x320, s3;
	[sflag:s15] =	ssyncset.done $0x0  }
0x2b3: {  	s19 =	simm.s32 @!p0 $0x16500;
	s4 =	sadd.s32 @!p0 s22, s3;
	[sflag:s15] =	ssyncadd.s32 $0xFFFFF380  }
0x2b4: {  	[tilespmem:s19], [sflag:$0x1] =	stream.linear.gather @!p0 [hbm4b:s4+s17], $0xC80, $0x38;
	[tilespmem:$0x1B000] =	vst v63  }
0x2b5: {  	s4 =	sadd.s32 @!p0 s10, s3;
	s19 =	simm.s32 @!p0 $0x17E00  }
0x2b6: {  	[tilespmem:s19], [sflag:$0x1] =	stream.linear.gather @!p0 [hbm4b:s4+s17], $0xC80, $0x38;
	[tilespmem:$0x1B000] =	vst v63  }
0x2b7: {  	s28 =	simm.s32 $0x171A0;
	s3 =	sadd.s32 @!p0 s11, s3;
	s4 =	simm.s32 @!p0 $0x19700  }
0x2b8: {  	[tilespmem:s4], [sflag:$0x1] =	stream.linear.gather @!p0 [hbm4b:s3+s17], $0xC80, $0x38;
	[tilespmem:$0x1B000] =	vst v63  }
0x2b9: {  	v17 =	vld [tilespmem:s28+$0x10];
	_ =	sdelay $0x4  }
0x2ba: {  	s4 =	simm.s32 $0x18AA0;
	v10 =	vld [tilespmem:s28+$0xFFFFFFE0]  }
0x2bb: {  	s17 =	simm.s32 $0x1A3A0;
	v19 =	vld [tilespmem:s4+$0x10]  }
0x2bc: {  	v18 =	vld [tilespmem:s17+$0x10]  }
0x2bd: {  	v12 =	vld.idx.msk [tilespmem:v17+s30+$0x0], $0xffff  }
0x2be: {  	v8 =	vld [tilespmem:s28+$0xFFFFFFF0]  }
0x2bf: {  	v9 =	vld [tilespmem:s28+$0x0]  }
0x2c0: {  	v11 =	vld [tilespmem:s17+$0xFFFFFFE0]  }
0x2c1: {  	v13 =	vld [tilespmem:s17+$0xFFFFFFF0]  }
0x2c2: {  	v15 =	vld [tilespmem:s4+$0xFFFFFFE0];
	v12 =	vmul.f32 v12, v18  }
0x2c3: {  	v21 =	vld.idx.msk [tilespmem:v10+s30+$0x0], $0xffff  }
0x2c4: {  	[tilespmem:v19+s9+$0x0] =	vst.idx.add.f32.msk $0xffff, v12  }
0x2c5: {  	v23 =	vld.idx.msk [tilespmem:v17+s31+$0x0], $0xffff  }
0x2c6: {  	v14 =	vld [tilespmem:s4+$0xFFFFFFF0]  }
0x2c7: {  	v20 =	vld.idx.msk [tilespmem:v8+s30+$0x0], $0xffff  }
0x2c8: {  	v16 =	vld [tilespmem:s17+$0x0]  }
0x2c9: {  	v21 =	vmul.f32 v21, v11;
	v12 =	vld [tilespmem:s4+$0x0]  }
0x2ca: {  	v22 =	vld.idx.msk [tilespmem:v9+s30+$0x0], $0xffff;
	v23 =	vmul.f32 v23, v18  }
0x2cb: {  	[tilespmem:v15+s9+$0x0] =	vst.idx.add.f32.msk $0xffff, v21  }
0x2cc: {  	v20 =	vmul.f32 v20, v13;
	[tilespmem:v19+s2+$0x0] =	vst.idx.add.f32.msk $0xffff, v23  }
0x2cd: {  	v23 =	vld.idx.msk [tilespmem:v17+s14+$0x0], $0xffff  }
0x2ce: {  	[tilespmem:v14+s9+$0x0] =	vst.idx.add.f32.msk $0xffff, v20  }
0x2cf: {  	v22 =	vmul.f32 v22, v16;
	v20 =	vld.idx.msk [tilespmem:v10+s31+$0x0], $0xffff  }
0x2d0: {  	v63 =	vld.idx.msk [tilespmem:v8+s31+$0x0], $0xffff  }
0x2d1: {  	[tilespmem:v12+s9+$0x0] =	vst.idx.add.f32.msk $0xffff, v22  }
0x2d2: {  	v22 =	vld.idx.msk [tilespmem:v9+s31+$0x0], $0xffff;
	v23 =	vmul.f32 v23, v18;
	_ =	sdelay $0x1  }
0x2d3: {  	[tilespmem:v19+s12+$0x0] =	vst.idx.add.f32.msk $0xffff, v23  }
0x2d4: {  	v23 =	vld.idx.msk [tilespmem:v17+s0+$0x0], $0xffff;
	v17 =	vmul.f32 v20, v11  }
0x2d5: {  	v20 =	vmul.f32 v63, v13  }
0x2d6: {  	[tilespmem:v15+s2+$0x0] =	vst.idx.add.f32.msk $0xffff, v17;
	v17 =	vmul.f32 v22, v16  }
0x2d7: {  	[tilespmem:v14+s2+$0x0] =	vst.idx.add.f32.msk $0xffff, v20  }
0x2d8: {  	[tilespmem:v12+s2+$0x0] =	vst.idx.add.f32.msk $0xffff, v17  }
0x2d9: {  	v17 =	vld.idx.msk [tilespmem:v10+s14+$0x0], $0xffff;
	v20 =	vmul.f32 v23, v18  }
0x2da: {  	v18 =	vld.idx.msk [tilespmem:v8+s14+$0x0], $0xffff  }
0x2db: {  	s19 =	simm.s32 $0x171E0;
	s3 =	simm.s32 $0x0;
	[tilespmem:v19+s13+$0x0] =	vst.idx.add.f32.msk $0xffff, v20  }
.LBB2_15:
0x2dc: {  	v19 =	vld [tilespmem:s19+$0x10];
	s3 =	sadd.s32 $0x4, s3  }
0x2dd: {  	v20 =	vld [tilespmem:s19+$0xFFFFFFF0];
	p0 =	slt.u32 s3, $0xC4  }
0x2de: {  	v21 =	vld [tilespmem:s19+$0x0]  }
0x2df: {  	v17 =	vmul.f32 v17, v11;
	v22 =	vld [tilespmem:s19+$0xFFFFFFE0]  }
0x2e0: {  	v18 =	vmul.f32 v18, v13;
	v23 =	vld.idx.msk [tilespmem:v9+s14+$0x0], $0xffff  }
0x2e1: {  	[tilespmem:v15+s12+$0x0] =	vst.idx.add.f32.msk $0xffff, v17  }
0x2e2: {  	s4 =	sadd.s32 $0x40, s4;
	[tilespmem:v14+s12+$0x0] =	vst.idx.add.f32.msk $0xffff, v18  }
0x2e3: {  	v24 =	vld [tilespmem:s4+$0x10]  }
0x2e4: {  	s17 =	sadd.s32 $0x40, s17;
	v17 =	vld.idx.msk [tilespmem:v19+s30+$0x0], $0xffff  }
0x2e5: {  	v18 =	vld [tilespmem:s17+$0x10]  }
0x2e6: {  	v23 =	vmul.f32 v23, v16;
	v25 =	vld.idx.msk [tilespmem:v20+s30+$0x0], $0xffff  }
0x2e7: {  	v26 =	vld.idx.msk [tilespmem:v22+s30+$0x0], $0xffff  }
0x2e8: {  	v27 =	vld.idx.msk [tilespmem:v21+s30+$0x0], $0xffff  }
0x2e9: {  	v28 =	vld [tilespmem:s17+$0xFFFFFFE0]  }
0x2ea: {  	v29 =	vld [tilespmem:s17+$0xFFFFFFF0];
	v17 =	vmul.f32 v17, v18  }
0x2eb: {  	v30 =	vld [tilespmem:s17+$0x0]  }
0x2ec: {  	[tilespmem:v24+s9+$0x0] =	vst.idx.add.f32.msk $0xffff, v17  }
0x2ed: {  	v17 =	vld.idx.msk [tilespmem:v19+s31+$0x0], $0xffff  }
0x2ee: {  	v31 =	vld [tilespmem:s4+$0xFFFFFFE0];
	v26 =	vmul.f32 v26, v28  }
0x2ef: {  	v32 =	vld [tilespmem:s4+$0xFFFFFFF0];
	v25 =	vmul.f32 v25, v29  }
0x2f0: {  	v33 =	vld [tilespmem:s4+$0x0];
	v27 =	vmul.f32 v27, v30  }
0x2f1: {  	[tilespmem:v12+s12+$0x0] =	vst.idx.add.f32.msk $0xffff, v23  }
0x2f2: {  	v23 =	vld.idx.msk [tilespmem:v10+s0+$0x0], $0xffff;
	v10 =	vmov v22  }
0x2f3: {  	v17 =	vmul.f32 v17, v18;
	v22 =	vld.idx.msk [tilespmem:v8+s0+$0x0], $0xffff;
	v8 =	vmov v20  }
0x2f4: {  	v20 =	vld.idx.msk [tilespmem:v9+s0+$0x0], $0xffff;
	v9 =	vmov v21  }
0x2f5: {  	[tilespmem:v24+s2+$0x0] =	vst.idx.add.f32.msk $0xffff, v17  }
0x2f6: {  	v17 =	vld.idx.msk [tilespmem:v19+s14+$0x0], $0xffff  }
0x2f7: {  	[tilespmem:v31+s9+$0x0] =	vst.idx.add.f32.msk $0xffff, v26  }
0x2f8: {  	v21 =	vmul.f32 v23, v11;
	v11 =	vmov v28;
	[tilespmem:v32+s9+$0x0] =	vst.idx.add.f32.msk $0xffff, v25  }
0x2f9: {  	v22 =	vmul.f32 v22, v13;
	v13 =	vmov v29;
	[tilespmem:v33+s9+$0x0] =	vst.idx.add.f32.msk $0xffff, v27  }
0x2fa: {  	v20 =	vmul.f32 v20, v16;
	v16 =	vmov v30;
	v23 =	vld.idx.msk [tilespmem:v10+s31+$0x0], $0xffff  }
0x2fb: {  	v25 =	vld.idx.msk [tilespmem:v8+s31+$0x0], $0xffff  }
0x2fc: {  	v17 =	vmul.f32 v17, v18;
	v26 =	vld.idx.msk [tilespmem:v9+s31+$0x0], $0xffff  }
0x2fd: {  	[tilespmem:v15+s13+$0x0] =	vst.idx.add.f32.msk $0xffff, v21;
	v15 =	vmov v31  }
0x2fe: {  	[tilespmem:v24+s12+$0x0] =	vst.idx.add.f32.msk $0xffff, v17  }
0x2ff: {  	v19 =	vld.idx.msk [tilespmem:v19+s0+$0x0], $0xffff  }
0x300: {  	v17 =	vmul.f32 v23, v11;
	[tilespmem:v14+s13+$0x0] =	vst.idx.add.f32.msk $0xffff, v22;
	v14 =	vmov v32  }
0x301: {  	v21 =	vmul.f32 v25, v13;
	[tilespmem:v12+s13+$0x0] =	vst.idx.add.f32.msk $0xffff, v20;
	v12 =	vmov v33  }
0x302: {  	[tilespmem:v31+s2+$0x0] =	vst.idx.add.f32.msk $0xffff, v17;
	v17 =	vmul.f32 v26, v16  }
.Ltmp6:
0x303: {  	[tilespmem:v32+s2+$0x0] =	vst.idx.add.f32.msk $0xffff, v21;
	(pc) =	sbr.rel @p0 .LBB2_15-.Ltmp6, $4  }
0x304: {  	[tilespmem:v33+s2+$0x0] =	vst.idx.add.f32.msk $0xffff, v17  }
0x305: {  	v19 =	vmul.f32 v19, v18;
	v17 =	vld.idx.msk [tilespmem:v10+s14+$0x0], $0xffff  }
0x306: {  	v18 =	vld.idx.msk [tilespmem:v8+s14+$0x0], $0xffff  }
0x307: {  	s19 =	sadd.s32 $0x40, s19;
	[tilespmem:v24+s13+$0x0] =	vst.idx.add.f32.msk $0xffff, v19  }
0x308: {  	_ =	sdelay $0x3  }
0x309: {  	v19 =	vld.idx.msk [tilespmem:v9+s14+$0x0], $0xffff  }
0x30a: {  	v17 =	vmul.f32 v17, v11  }
0x30b: {  	v18 =	vmul.f32 v18, v13  }
0x30c: {  	[tilespmem:v15+s12+$0x0] =	vst.idx.add.f32.msk $0xffff, v17  }
0x30d: {  	[tilespmem:v14+s12+$0x0] =	vst.idx.add.f32.msk $0xffff, v18  }
0x30e: {  	v62 =	vmul.f32 v19, v16;
	v10 =	vld.idx.msk [tilespmem:v10+s0+$0x0], $0xffff  }
0x30f: {  	v8 =	vld.idx.msk [tilespmem:v8+s0+$0x0], $0xffff  }
0x310: {  	[tilespmem:v12+s12+$0x0] =	vst.idx.add.f32.msk $0xffff, v62  }
0x311: {  	v63 =	vld.idx.msk [tilespmem:v9+s0+$0x0], $0xffff  }
0x312: {  	s16 =	sadd.s32 $0x1, s16  }
0x313: {  	p0 =	sne.s32 s16, $0x32  }
.Ltmp7:
0x314: {  	v10 =	vmul.f32 v10, v11;
	(pc) =	sbr.rel @p0 .LBB2_12-.Ltmp7, $4  }
0x315: {  	v8 =	vmul.f32 v8, v13  }
0x316: {  	[tilespmem:v15+s13+$0x0] =	vst.idx.add.f32.msk $0xffff, v10;
	v9 =	vmul.f32 v63, v16  }
0x317: {  	[tilespmem:v14+s13+$0x0] =	vst.idx.add.f32.msk $0xffff, v8  }
0x318: {  	[tilespmem:v12+s13+$0x0] =	vst.idx.add.f32.msk $0xffff, v9  }
0x319: {  	s3 =	rddreg [dreg:$0x11];
	s17 =	simm.s32 $0x80  }
0x31a: {  	[hbm4b:s3+s17] =	stream.strided.scatter [tilespmem:s9], [sflag:$0x3], $0x2780, s29, s17, $0x38;
	[tilespmem:$0x1B000] =	vst v63  }
0x31b: {  	s24 =	rddreg [dreg:$0x12]  }
0x31c: {  	[hbm4b:s24+s17] =	stream.strided.scatter [tilespmem:s2], [sflag:$0x3], $0x2780, s29, s17, $0x38;
	[tilespmem:$0x1B000] =	vst v63  }
0x31d: {  	s25 =	rddreg [dreg:$0x13]  }
0x31e: {  	[hbm4b:s25+s17] =	stream.strided.scatter [tilespmem:s12], [sflag:$0x3], $0x2780, s29, s17, $0x38;
	[tilespmem:$0x1B000] =	vst v63  }
0x31f: {  	s26 =	rddreg [dreg:$0x14]  }
0x320: {  	[hbm4b:s26+s17] =	stream.strided.scatter [tilespmem:s13], [sflag:$0x3], $0x2780, s29, s17, $0x38;
	[tilespmem:$0x1B000] =	vst v63  }
0x321: {  	_ =	swait.ge [sflag:s18], $0x2780  }
0x322: {  	[sflag:s18] =	ssyncset.done $0x0  }
0x323: {  	[sflag:s18] =	ssyncadd.s32 $0xFFFFD880  }
0x324: {  	_ =	swait.ge [sflag:s18], $0x2780  }
0x325: {  	[sflag:s18] =	ssyncset.done $0x0  }
0x326: {  	[sflag:s18] =	ssyncadd.s32 $0xFFFFD880  }
0x327: {  	_ =	swait.ge [sflag:s18], $0x2780  }
0x328: {  	[sflag:s18] =	ssyncset.done $0x0  }
0x329: {  	[sflag:s18] =	ssyncadd.s32 $0xFFFFD880  }
0x32a: {  	_ =	swait.ge [sflag:s18], $0x2780  }
0x32b: {  	s4 =	rddreg [dreg:$0x17]  }
0x32c: {  	s28 =	rddreg [dreg:$0x16];
	s4 =	sadd.s32 $0x1, s4  }
0x32d: {  	p0 =	sne.s32 s4, s28  }
.Ltmp8:
0x32e: {  	_ = 	snop;
	(pc) =	sbr.rel @p0 .LBB2_1-.Ltmp8, $3  }
0x32f: {  	_ =	sdelay $0x1  }
0x330: {  	[sflag:s18] =	ssyncset.done $0x0  }
0x331: {  	[sflag:s18] =	ssyncadd.s32 $0xFFFFD880  }
0x332: {  	_ =	sfence.sel $0x180000  }
0x333: {  	[bflag:$0x0] =	sbarrier.arrive $0xFFFF  }
0x334: {  	_ =	strace $0x9000004D  }
0x335: {  	s0 =	stileid.u32;
	[bflag:$0x2] =	sbarrier.arrive $0xFFFF  }
0x336: {  	p0 =	sne.s32 s0, $0x0;
	s0 =	rddreg [dreg:$0x4]  }
0x337: {  	s0 =	sadd.s32 @!p0 $0x100000, s0  }
0x338: {  	[sflag:s0] =	ssyncadd.tile.s32 @!p0 $0x1;
	_ =	shalt  }
.Lfunc_end2:
_tile_overlayer_lowered:
.L_overlay_start_2:
0x339: {  	(tag) =	ssettag $0x2  }
0x33a: {  	s0 =	rddreg [dreg:$0x0];
	s2 =	stileid.u32  }
0x33b: {  	s1 =	rddreg [dreg:$0x1];
	p0 =	sne.s32 s2, $0x0  }
0x33c: {  	s3 =	rddreg [dreg:$0x2];
	[bflag:$0x3] =	sbarrier.arrive $0xFFFF;
	s2 =	simm.s32 @!p0 $0x1C04  }
0x33d: {  	[timem:s3], [sflag:s2] =	dma.local @!p0 [hbm:s0], s1  }
0x33e: {  	s0 =	simm.s32 @!p0 $0x4  }
0x33f: {  	_ =	swait.ge @!p0 [sflag:s0], s1  }
0x340: {  	s1 =	ssub.s32 @!p0 $0x0, s1;
	[sflag:s0] =	ssyncset.done @!p0 $0x0  }
0x341: {  	[sflag:s0] =	ssyncadd.s32 @!p0 s1  }
0x342: {  	[bflag:$0x3] =	sbarrier.arrive $0xFFFF  }
0x343: {  	_ =	shalt  }

// kernel: kernel.18.cloned.1.call-start
scs
__scs_entry_jumppad:
0x0: {  	(pc) =	sbr.rel $0x88, $3  }
0x1: {  	(tag) =	ssettag $0x0;
	lr =	simm.s32 $0x1  }
0x2: {  	[smem:$0x3F98] =	sst lr;
	_ =	strace $0xD0000000  }
0x3: {  	_ = 	snop  }
0x4: {  	_ = 	snop  }
0x5: {  	_ = 	snop  }
0x6: {  	_ = 	snop  }
0x7: {  	_ = 	snop  }
__scs_overlays_trampoline_lowered:
0x8: {  	[smem:$0x3FA7] =	sst s0  }
0x9: {  	[smem:$0x3FA8] =	sst s1  }
0xa: {  	[smem:$0x3FA9] =	sst s2  }
0xb: {  	[smem:$0x3FAA] =	sst s3  }
0xc: {  	[smem:$0x3FAB] =	sst s4  }
0xd: {  	[smem:$0x3FAC] =	sst s5  }
0xe: {  	[smem:$0x3FAD] =	sst s6  }
0xf: {  	[smem:$0x3FAE] =	sst s7  }
0x10: {  	[smem:$0x3FAF] =	sst s8  }
0x11: {  	[smem:$0x3FB0] =	sst s9;
	s0 =	simm.s32 @!p0 $0x0  }
0x12: {  	s1 =	sld [smem:$0x3F96];
	s0 =	simm.s32 @p0 $0x1  }
0x13: {  	[smem:$0x3FB1] =	sst s0;
	s0 =	simm.s32 @!p1 $0x0  }
0x14: {  	s2 =	sld [smem:$0x3F95];
	s0 =	simm.s32 @p1 $0x1  }
0x15: {  	[smem:$0x3FB2] =	sst s0;
	s0 =	simm.s32 @!p2 $0x0  }
0x16: {  	s3 =	sld [smem:$0x3FDB];
	s0 =	simm.s32 @p2 $0x1  }
0x17: {  	s4 =	simm.s32 $0x1BF5;
	[smem:$0x3FB4] =	sst s0  }
0x18: {  	s0 =	sld [smem:$0x3F97];
	_ =	swait.ge [sflag:s4], $0x0  }
0x19: {  	s7 =	sld [smem:$0x3F98]  }
0x1a: {  	s8 =	sadd.s32 $0xFFFFE003, lr  }
0x1b: {  	s9 =	sadd.s32 $0xFFFFFEF7, lr;
	s5 =	simm.s32 $0xFFFFFFFF;
	p2 =	slt.u32 s8, $0xFFFFF086  }
0x1c: {  	p1 =	slt.u32 s9, $0xF7A;
	s5 =	simm.s32 @!p2 $0x0  }
0x1d: {  	s5 =	simm.s32 @p1 $0x1;
	p0 =	seq.s32 s7, s2  }
0x1e: {  	s7 =	smul.u32 @!p0 $0xF7A, s2;
	p2 =	seq.s32 @!p0 s5, $0x0  }
0x1f: {  	s9 =	smul.u32 $0xF7A, s1;
	s8 =	simm.s32 @!p0 $0x1BF5;
	p2 =	por !p2, p0  }
0x20: {  	[sflag:s8] =	ssyncset.s32 @!p0 $0xFFFFF086;
	s6 =	sadd.s32 @!p0 s3, s7;
	s7 =	simm.s32 @!p0 $0x108  }
0x21: {  	s3 =	sadd.s32 s3, s9;
	s6 =	sadd.s32 @!p0 $0x88, s6;
	s7 =	simm.s32 @p2 $0x1082  }
0x22: {  	[simem:s7], [sflag:s8] =	dma.local @!p0 [hbm:s6], $0xF7A  }
0x23: {  	s9 =	sor.u32 $0xD0000000, s2;
	s6 =	simm.s32 $0x108;
	_ =	swait.ge @!p0 [sflag:s8], $0x0  }
0x24: {  	s3 =	sadd.s32 $0x88, s3;
	s6 =	simm.s32 @!p1 $0x1082;
	[sflag:s4] =	ssyncset.s32 $0xFFFFF086  }
0x25: {  	[simem:s6], [sflag:s4] =	dma.local [hbm:s3], $0xF7A  }
0x26: {  	[smem:$0x3F98] =	sst s1;
	(tag) =	ssettag s2;
	_ =	strace s9  }
0x27: {  	s1 =	sld [smem:$0x3FA8]  }
0x28: {  	s2 =	sld [smem:$0x3FA9]  }
0x29: {  	s4 =	sld [smem:$0x3FAB]  }
0x2a: {  	p0 =	seq.s32 s5, $0x0;
	s5 =	sld [smem:$0x3FAC]  }
0x2b: {  	s6 =	sld [smem:$0x3FAD]  }
0x2c: {  	s7 =	sld [smem:$0x3FAE]  }
0x2d: {  	s3 =	simm.s32 $0x108;
	s8 =	sld [smem:$0x3FAF]  }
0x2e: {  	s3 =	simm.s32 @!p0 $0x1082;
	s9 =	sld [smem:$0x3FB0]  }
0x2f: {  	lr =	sadd.s32 s0, s3;
	s0 =	sld [smem:$0x3FA7]  }
0x30: {  	s3 =	sld [smem:$0x3FAA]  }
0x31: {  	[smem:$0x3FB3] =	sst s10  }
0x32: {  	s10 =	sld [smem:$0x3FB1];
	_ =	sdelay $0x3  }
0x33: {  	p0 =	seq.s32 s10, $0x1;
	s10 =	sld [smem:$0x3FB3];
	_ =	sdelay $0x3  }
0x34: {  	[smem:$0x3FB3] =	sst s10  }
0x35: {  	s10 =	sld [smem:$0x3FB2];
	_ =	sdelay $0x3  }
0x36: {  	p1 =	seq.s32 s10, $0x1;
	s10 =	sld [smem:$0x3FB3];
	_ =	sdelay $0x3  }
0x37: {  	[smem:$0x3FB3] =	sst s10  }
0x38: {  	s10 =	sld [smem:$0x3FB4]  }
0x39: {  	_ = 	snop;
	(pc) =	sbr.ind lr, $3  }
0x3a: {  	_ = 	snop  }
0x3b: {  	_ = 	snop  }
0x3c: {  	p2 =	seq.s32 s10, $0x1;
	s10 =	sld [smem:$0x3FB3]  }
0x3d: {  	_ =	shalt  }
0x3e: {  	_ =	shalt  }
0x3f: {  	_ =	shalt  }
0x40: {  	_ =	shalt  }
0x41: {  	_ =	shalt  }
0x42: {  	_ =	shalt  }
0x43: {  	_ =	shalt  }
0x44: {  	_ =	shalt  }
0x45: {  	_ =	shalt  }
0x46: {  	_ =	shalt  }
0x47: {  	_ =	shalt  }
0x48: {  	_ =	shalt  }
0x49: {  	_ =	shalt  }
0x4a: {  	_ =	shalt  }
0x4b: {  	_ =	shalt  }
0x4c: {  	_ =	shalt  }
0x4d: {  	_ =	shalt  }
0x4e: {  	_ =	shalt  }
0x4f: {  	_ =	shalt  }
0x50: {  	_ =	shalt  }
0x51: {  	_ =	shalt  }
0x52: {  	_ =	shalt  }
0x53: {  	_ =	shalt  }
0x54: {  	_ =	shalt  }
0x55: {  	_ =	shalt  }
0x56: {  	_ =	shalt  }
0x57: {  	_ =	shalt  }
0x58: {  	_ =	shalt  }
0x59: {  	_ =	shalt  }
0x5a: {  	_ =	shalt  }
0x5b: {  	_ =	shalt  }
0x5c: {  	_ =	shalt  }
0x5d: {  	_ =	shalt  }
0x5e: {  	_ =	shalt  }
0x5f: {  	_ =	shalt  }
0x60: {  	_ =	shalt  }
0x61: {  	_ =	shalt  }
0x62: {  	_ =	shalt  }
0x63: {  	_ =	shalt  }
0x64: {  	_ =	shalt  }
0x65: {  	_ =	shalt  }
0x66: {  	_ =	shalt  }
0x67: {  	_ =	shalt  }
0x68: {  	_ =	shalt  }
0x69: {  	_ =	shalt  }
0x6a: {  	_ =	shalt  }
0x6b: {  	_ =	shalt  }
0x6c: {  	_ =	shalt  }
0x6d: {  	_ =	shalt  }
0x6e: {  	_ =	shalt  }
0x6f: {  	_ =	shalt  }
0x70: {  	_ =	shalt  }
0x71: {  	_ =	shalt  }
0x72: {  	_ =	shalt  }
0x73: {  	_ =	shalt  }
0x74: {  	_ =	shalt  }
0x75: {  	_ =	shalt  }
0x76: {  	_ =	shalt  }
0x77: {  	_ =	shalt  }
0x78: {  	_ =	shalt  }
0x79: {  	_ =	shalt  }
0x7a: {  	_ =	shalt  }
0x7b: {  	_ =	shalt  }
0x7c: {  	_ =	shalt  }
0x7d: {  	_ =	shalt  }
0x7e: {  	_ =	shalt  }
0x7f: {  	_ =	shalt  }
0x80: {  	_ =	shalt  }
0x81: {  	_ =	shalt  }
0x82: {  	_ =	shalt  }
0x83: {  	_ =	shalt  }
0x84: {  	_ =	shalt  }
0x85: {  	_ =	shalt  }
0x86: {  	_ =	shalt  }
0x87: {  	_ =	shalt  }
.Lfunc_end0:
.L_simem_size_0:
called_computation.3_lowered:
.L_overlay_start_0:
0x88: {  	s2 =	sld [smem:$0x3FD9]  }
0x89: {  	s3 =	sld [smem:$0x3FFE];
	_ =	sdelay $0x1  }
0x8a: {  	s1 =	srdreg.scid  }
0x8b: {  	s0 =	sand.u32 $0x1, s1  }
0x8c: {  	s14 =	sshll.u32 s0, $0xA;
	s2 =	sadd.s32 s3, s2  }
0x8d: {  	s2 =	sadd.s32 s2, s14  }
0x8e: {  	[smem:$0x3FBF] =	sst s2  }
0x8f: {  	_ = 	snop  }
0x90: {  	s2 =	sld [smem:$0x3FD0];
	_ =	sdelay $0x2  }
0x91: {  	s15 =	simm.s32 $0xA;
	s4 =	simm.s32 $0x10  }
0x92: {  	[smem:s4], [sflag:s15] =	dma.local [hbm:s2], $0x1  }
0x93: {  	_ =	swait.eq [sflag:s15], $0x1  }
0x94: {  	[sflag:s15] =	ssyncset.done $0x0  }
0x95: {  	s16 =	sld [smem:$0x10];
	[sflag:s15] =	ssyncadd.s32 $0xFFFFFFFF  }
0x96: {  	s17 =	sld [smem:$0x11];
	(tm) =	ssettm $0x1  }
0x97: {  	s18 =	sld [smem:$0x3FFB];
	_ =	sdelay $0x3  }
0x98: {  	_ =	strace s18  }
0x99: {  	s4 =	sld [smem:$0x3FFC];
	_ =	sdelay $0x3  }
0x9a: {  	_ =	strace s4  }
0x9b: {  	s4 =	sld [smem:$0x3FFD];
	_ =	sdelay $0x3  }
0x9c: {  	_ =	strace s4  }
0x9d: {  	_ =	strace $0x8FFFFFFF  }
0x9e: {  	s19 =	sld [smem:$0x3FDB];
	_ =	sdelay $0x1  }
0x9f: {  	s5 =	simm.s32 $_scs_section_size  }
0xa0: {  	s6 =	simm.s32 $_size__tile_overlayer_lowered;
	s7 =	simm.s32 $_tile_overlayer_lowered  }
0xa1: {  	s22 =	simm.s32 $0x1BFF;
	s21 =	sshll.u32 s7, $0x1;
	s4 =	sadd.s32 s5, s19  }
0xa2: {  	s8 =	simm.s32 $0x0;
	s20 =	sshll.u32 s6, $0x1;
	s6 =	sadd.s32 s21, s4  }
0xa3: {  	[timem:s8], [sflag:s22] =	dma.local [hbm:s6], s20  }
0xa4: {  	_ =	swait.ge [sflag:s22], s20  }
0xa5: {  	s5 =	ssub.s32 $0x0, s20;
	[sflag:s22] =	ssyncset.done $0x0  }
0xa6: {  	[sflag:s22] =	ssyncadd.s32 s5;
	_ =	sdelay $0x1  }
0xa7: {  	s23 =	simm.s32 $0x1B8B  }
0xa8: {  	_ =	swait.ge [sflag:s23], $0x1  }
0xa9: {  	[sflag:s23] =	ssyncset.done $0x0  }
0xaa: {  	s25 =	simm.s32 $0x1B8E;
	s24 =	sld [smem:$0x3FFE];
	[sflag:s23] =	ssyncadd.s32 $0xFFFFFFFF  }
0xab: {  	s26 =	simm.s32 $execute0_lowered;
	[smem:$0x3FD2] =	sst s25  }
0xac: {  	s6 =	sshll.u32 s26, $0x1;
	_ =	strace $0x8000004F;
	[dreg:$0x1] =	wrdreg $0xFFFFFFFF  }
0xad: {  	s28 =	simm.s32 $_size_execute0_lowered;
	s4 =	sadd.s32 s4, s6;
	[dreg:$0x0] =	wrdreg $0x0  }
0xae: {  	s6 =	sshll.u32 s28, $0x1;
	[dreg:$0x2] =	wrdreg s4  }
0xaf: {  	[dreg:$0x3] =	wrdreg s6  }
0xb0: {  	[dreg:$0x4] =	wrdreg $0xC0  }
0xb1: {  	_ =	task [dreg:s8], $0x5FFFF  }
0xb2: {  	[dreg:$0x1] =	wrdreg $0xFFFFFFFF  }
0xb3: {  	[dreg:$0x0] =	wrdreg $0x60  }
0xb4: {  	[dreg:$0x2] =	wrdreg s24  }
0xb5: {  	[dreg:$0x3] =	wrdreg s16  }
0xb6: {  	[dreg:$0x4] =	wrdreg s17  }
0xb7: {  	[dreg:$0x5] =	wrdreg $0x9  }
0xb8: {  	_ =	task.clear_ibuf [dreg:s8], $0x6FFFF;
	_ =	strace $0x9000004F  }
0xb9: {  	s29 =	simm.s32 $0x9;
	_ =	strace $0x80000051  }
0xba: {  	_ =	swait.ge [sflag:s29], $0x1  }
0xbb: {  	[sflag:s29] =	ssyncadd.s32 $0xFFFFFFFF  }
0xbc: {  	_ =	strace $0x90000051  }
0xbd: {  	_ =	sfence  }
0xbe: {  	s30 =	sld [smem:$0x0];
	_ =	sdelay $0x2  }
0xbf: {  	s31 =	sshll.u32 s1, $0xD;
	s1 =	sshrl.u32 s1, $0x2  }
0xc0: {  	s3 =	sand.u32 $0x4000, s31;
	s1 =	sadd.s32 s1, s30  }
0xc1: {  	s0 =	sor.u32 s3, s0;
	s1 =	sshll.u32 s1, $0x11  }
0xc2: {  	s0 =	sor.u32 s1, s0  }
0xc3: {  	s0 =	sadd.s32 $0x8F2B, s0  }
0xc4: {  	[sflag:s0] =	ssyncadd.remote.s32 $0x1  }
0xc5: {  	_ =	sfence.sel $0xFFFF  }
0xc6: {  	[dreg:$0x0] =	wrdreg $0xFFFFFFFF;
	(pc) =	sbr.abs _section_cstart, $3  }
0xc7: {  	[dreg:$0x1] =	wrdreg $0xFFFFFFFF  }
0xc8: {  	_ =	task.clear_ibuf [dreg:s8], $0x2FFFF;
	_ =	strace $0x9FFFFFFF  }
0xc9: {  	(tm) =	ssettm $0x7FFFFFFF  }
tec
execute0_lowered:
.L_overlay_start_1:
0x0: {  	(tag) =	ssettag $0x1  }
0x1: {  	s0 =	rddreg [dreg:$0x0]  }
0x2: {  	s1 =	simm.s32 $0x0;
	s2 =	srdreg.scid;
	s5 =	stileid.u32  }
0x3: {  	s29 =	simm.s32 $0x400;
	s30 =	simm.s32 $0x2900;
	s31 =	simm.s32 $0x5080  }
0x4: {  	[smem:$0x7FF] =	sst s1;
	s3 =	sand.u32 $0x1, s2;
	s8 =	sadd.s32 $0xCA00, s0  }
0x5: {  	s6 =	sshll.u32 s5, $0x3;
	s7 =	sadd.s32 $0x5BA00, s0;
	s10 =	smul.u32 $0x13C00, s5  }
0x6: {  	s4 =	sshll.u32 s3, $0x2;
	s9 =	ssub.s32 $0x2, s3;
	s11 =	sshll.u32 s3, $0x9  }
0x7: {  	s2 =	sor.u32 s4, s6;
	s13 =	sshrl.u32 s9, $0x1;
	s6 =	sor.u32 s11, s10  }
0x8: {  	s3 =	sor.u32 $0x1, s2;
	s9 =	ssub.s32 s9, s13;
	s13 =	sshrl.u32 s6, $0x3  }
0x9: {  	s4 =	sor.u32 $0x2, s2;
	s5 =	sor.u32 $0x80, s2;
	s6 =	sor.u32 $0x3, s2  }
0xa: {  	s12 =	sshll.u32 s3, $0x7;
	s15 =	sadd.s32 s8, s13;
	s17 =	sshll.u32 s4, $0x7  }
0xb: {  	s13 =	sadd.s32 s7, s13;
	v2 =	vmov s3;
	s3 =	simm.s32 $0xEE80;
	s14 =	sand.u32 $0x280, s12  }
0xc: {  	[dreg:$0x4] =	wrdreg s15;
	s18 =	sand.u32 $0x300, s17;
	s15 =	sshrl.u32 s5, $0x3  }
0xd: {  	[dreg:$0x8] =	wrdreg s13;
	s13 =	simm.s32 $0x2;
	s16 =	sor.u32 s10, s14  }
0xe: {  	s15 =	smul.u32 $0x13C00, s15;
	s14 =	sshrl.u32 s16, $0x3;
	s16 =	sshll.u32 s6, $0x7  }
0xf: {  	s12 =	sor.u32 s10, s18;
	s17 =	sadd.s32 s8, s14;
	s19 =	sand.u32 $0x380, s16  }
0x10: {  	s15 =	sor.u32 s11, s15;
	s11 =	sor.u32 $0x81, s2;
	s28 =	sadd.s32 s7, s14  }
0x11: {  	[dreg:$0x5] =	wrdreg s17;
	s17 =	sshrl.u32 s12, $0x3;
	s16 =	sor.u32 s10, s19  }
0x12: {  	s20 =	sshrl.u32 s11, $0x3;
	s18 =	sshll.u32 s11, $0x7;
	s10 =	sor.u32 $0x82, s2  }
0x13: {  	s12 =	sor.u32 $0x83, s2;
	[dreg:$0x9] =	wrdreg s28;
	s19 =	smul.u32 $0x13C00, s20  }
0x14: {  	s18 =	sand.u32 $0x280, s18;
	s21 =	sshrl.u32 s10, $0x3;
	s23 =	sshrl.u32 s12, $0x3  }
0x15: {  	s25 =	sshll.u32 s12, $0x7;
	s16 =	sshrl.u32 s16, $0x3;
	s20 =	smul.u32 $0x13C00, s21  }
0x16: {  	s14 =	sadd.s32 s7, s17;
	s21 =	sshll.u32 s10, $0x7;
	s24 =	smul.u32 $0x13C00, s23  }
0x17: {  	s26 =	sadd.s32 s8, s16;
	[dreg:$0xa] =	wrdreg s14;
	s16 =	sadd.s32 s7, s16  }
0x18: {  	s18 =	sor.u32 s18, s19;
	s22 =	sand.u32 $0x300, s21;
	[dreg:$0x7] =	wrdreg s26  }
0x19: {  	s21 =	sand.u32 $0x380, s25;
	[dreg:$0xb] =	wrdreg s16;
	s19 =	sor.u32 s22, s20  }
0x1a: {  	s22 =	sadd.s32 s8, s17;
	s20 =	sor.u32 s21, s24;
	s17 =	sshrl.u32 s15, $0x3  }
0x1b: {  	s18 =	sshrl.u32 s18, $0x3;
	[dreg:$0x6] =	wrdreg s22;
	s15 =	sadd.s32 s8, s17  }
0x1c: {  	s21 =	sadd.s32 s8, s18;
	s24 =	sadd.s32 s7, s18;
	s18 =	rddreg [dreg:$0x2]  }
0x1d: {  	v0 =	vmov s6;
	v4 =	vmov s5;
	s5 =	simm.s32 $0x0;
	s6 =	simm.s32 $0x1;
	[dreg:$0xc] =	wrdreg s15  }
0x1e: {  	v1 =	vmov s2;
	s28 =	smax.u32 s9, $0x1;
	s2 =	simm.s32 $0x3;
	[dreg:$0xd] =	wrdreg s21  }
0x1f: {  	s9 =	simm.s32 $0x1A380;
	s23 =	sadd.s32 s7, s17;
	s15 =	rddreg [dreg:$0x1]  }
0x20: {  	v6 =	vmov s11;
	s11 =	simm.s32 $0x11600;
	s19 =	sshrl.u32 s19, $0x3;
	[dreg:$0x10] =	wrdreg s23  }
0x21: {  	s20 =	sshrl.u32 s20, $0x3;
	s22 =	sadd.s32 s8, s19;
	[dreg:$0x11] =	wrdreg s24  }
0x22: {  	v5 =	vmov s12;
	s12 =	simm.s32 $0x13D80;
	s8 =	sadd.s32 s8, s20;
	[dreg:$0xe] =	wrdreg s22  }
0x23: {  	s14 =	simm.s32 $0x7800;
	s25 =	sadd.s32 s7, s19;
	[dreg:$0xf] =	wrdreg s8  }
0x24: {  	v7 =	vmov s10;
	s10 =	simm.s32 $0xC700;
	s7 =	sadd.s32 s7, s20;
	[dreg:$0x12] =	wrdreg s25  }
0x25: {  	s26 =	sadd.s32 $0xC400, s0;
	s21 =	sadd.s32 $0x2600, s0;
	[dreg:$0x13] =	wrdreg s7  }
0x26: {  	v3 =	vmov s4;
	v1 =	vbroadcast v1, $0x0;
	v2 =	vbroadcast v2, $0x0;
	s0 =	sadd.s32 $0xAAA00, s0;
	_ =	strace $0x80000050;
	[dreg:$0x14] =	wrdreg s26  }
0x27: {  	v3 =	vbroadcast v3, $0x0;
	v4 =	vbroadcast v4, $0x0;
	s17 =	simm.s32 $0x80;
	s7 =	simm.s32 $0x17180;
	[dreg:$0x15] =	wrdreg s0  }
0x28: {  	v6 =	vbroadcast v6, $0x0;
	v7 =	vbroadcast v7, $0x0;
	s8 =	simm.s32 $0x18A80;
	[dreg:$0x16] =	wrdreg s28;
	s0 =	simm.s32 $0x9F80  }
.LBB2_1:
0x29: {  	[dreg:$0x17] =	wrdreg s5  }
0x2a: {  	s4 =	rddreg [dreg:$0x14];
	s26 =	simm.s32 $0x4  }
0x2b: {  	[tilespmem:s1], [sflag:$0x4] =	stream.linear.gather [hbm4b:s4+s1], $0x2800, $0x38;
	[tilespmem:$0x1B000] =	vst v63  }
0x2c: {  	_ =	swait.ge [sflag:s26], $0x2800  }
0x2d: {  	[sflag:s26] =	ssyncset.done $0x0  }
0x2e: {  	s16 =	simm.s32 $0x2800;
	s19 =	rddreg [dreg:$0x15];
	[sflag:s26] =	ssyncadd.s32 $0xFFFFD800  }
0x2f: {  	[tilespmem:s16], [sflag:$0x4] =	stream.linear.gather [hbm4b:s19+s1], $0x100, $0x38;
	[tilespmem:$0x1B000] =	vst v63  }
0x30: {  	_ =	swait.ge [sflag:s26], $0x100  }
0x31: {  	[sflag:s26] =	ssyncset.done $0x0  }
0x32: {  	s20 =	rddreg [dreg:$0x4];
	[sflag:s26] =	ssyncadd.s32 $0xFFFFFF00  }
0x33: {  	[tilespmem:s30], [sflag:$0x3] =	stream.strided.gather [hbm4b:s20+s17], $0x2780, s29, s17, $0x38;
	[tilespmem:$0x1B000] =	vst v63  }
0x34: {  	s22 =	rddreg [dreg:$0x5]  }
0x35: {  	[tilespmem:s31], [sflag:$0x3] =	stream.strided.gather [hbm4b:s22+s17], $0x2780, s29, s17, $0x38;
	[tilespmem:$0x1B000] =	vst v63  }
0x36: {  	s23 =	rddreg [dreg:$0x6]  }
0x37: {  	[tilespmem:s14], [sflag:$0x3] =	stream.strided.gather [hbm4b:s23+s17], $0x2780, s29, s17, $0x38;
	[tilespmem:$0x1B000] =	vst v63  }
0x38: {  	s24 =	rddreg [dreg:$0x7]  }
0x39: {  	[tilespmem:s0], [sflag:$0x3] =	stream.strided.gather [hbm4b:s24+s17], $0x2780, s29, s17, $0x38;
	[tilespmem:$0x1B000] =	vst v63  }
0x3a: {  	_ =	swait.ge [sflag:s2], $0x2780  }
0x3b: {  	[sflag:s2] =	ssyncset.done $0x0  }
0x3c: {  	[sflag:s2] =	ssyncadd.s32 $0xFFFFD880  }
0x3d: {  	_ =	swait.ge [sflag:s2], $0x2780  }
0x3e: {  	[sflag:s2] =	ssyncset.done $0x0  }
0x3f: {  	[sflag:s2] =	ssyncadd.s32 $0xFFFFD880  }
0x40: {  	_ =	swait.ge [sflag:s2], $0x2780  }
0x41: {  	[sflag:s2] =	ssyncset.done $0x0  }
0x42: {  	[sflag:s2] =	ssyncadd.s32 $0xFFFFD880  }
0x43: {  	_ =	swait.ge [sflag:s2], $0x2780  }
0x44: {  	[sflag:s2] =	ssyncset.done $0x0  }
0x45: {  	s25 =	simm.s32 $0x20;
	[sflag:s2] =	ssyncadd.s32 $0xFFFFD880  }
0x46: {  	v10 =	vld [tilespmem:s25+$0x10]  }
0x47: {  	s26 =	simm.s32 $0x2920;
	v8 =	vld.idx.msk [tilespmem:v1+s16+$0x0], $0xffff  }
0x48: {  	v11 =	vld [tilespmem:s26+$0x10]  }
0x49: {  	v12 =	vld [tilespmem:s25+$0xFFFFFFF0]  }
0x4a: {  	v13 =	vld [tilespmem:s25+$0xFFFFFFE0]  }
0x4b: {  	v14 =	vld [tilespmem:s25+$0x0];
	v18 =	vmul.f32 v10, v10  }
0x4c: {  	v15 =	vld [tilespmem:s26+$0xFFFFFFE0]  }
0x4d: {  	v16 =	vld [tilespmem:s26+$0xFFFFFFF0];
	v11 =	vmul.f32 v18, v11  }
0x4e: {  	v9 =	vld.idx.msk [tilespmem:v2+s16+$0x0], $0xffff  }
0x4f: {  	v17 =	vld [tilespmem:s26+$0x0];
	v19 =	vadd.f32 v11, v8  }
0x50: {  	s17 =	simm.s32 $0xC720;
	v10 =	vld.idx.msk [tilespmem:v3+s16+$0x0], $0xffff;
	v21 =	vmul.f32 v13, v13;
	v13 =	vmul.f32 v12, v12  }
0x51: {  	s19 =	simm.s32 $0x50A0;
	v12 =	vmul.f32 v14, v14;
	v11 =	vld.idx.msk [tilespmem:v0+s16+$0x0], $0xffff;
	[tilespmem:s17+$0x10] =	vst v19  }
0x52: {  	v14 =	vmul.f32 v21, v15;
	v15 =	vmul.f32 v13, v16;
	v16 =	vld [tilespmem:s19+$0x10];
	_ =	sdelay $0x2  }
0x53: {  	v17 =	vmul.f32 v12, v17;
	v15 =	vadd.f32 v15, v8  }
0x54: {  	s20 =	simm.s32 $0x60;
	v14 =	vadd.f32 v14, v8  }
0x55: {  	v23 =	vld [tilespmem:s20+$0xFFFFFFE0];
	v17 =	vadd.f32 v17, v8;
	[tilespmem:s17+$0xFFFFFFF0] =	vst v15;
	v15 =	vmul.f32 v16, v18  }
0x56: {  	[tilespmem:s17+$0xFFFFFFE0] =	vst v14;
	v19 =	vld [tilespmem:s20+$0x10]  }
0x57: {  	[tilespmem:s17+$0x0] =	vst v17;
	v14 =	vld [tilespmem:s19+$0xFFFFFFE0];
	v15 =	vadd.f32 v15, v9  }
0x58: {  	s22 =	simm.s32 $0xEEA0;
	s23 =	simm.s32 $0x2960;
	v17 =	vld [tilespmem:s19+$0x0]  }
0x59: {  	[tilespmem:s22+$0x10] =	vst v15;
	v15 =	vld [tilespmem:s23+$0x10]  }
0x5a: {  	v16 =	vld [tilespmem:s19+$0xFFFFFFF0]  }
0x5b: {  	v20 =	vld [tilespmem:s20+$0xFFFFFFF0]  }
0x5c: {  	s24 =	simm.s32 $0x7820;
	v27 =	vmul.f32 v19, v19;
	v19 =	vld [tilespmem:s23+$0xFFFFFFE0]  }
0x5d: {  	v14 =	vmul.f32 v14, v21;
	v22 =	vld [tilespmem:s24+$0x10]  }
0x5e: {  	v24 =	vld [tilespmem:s20+$0x0];
	v17 =	vmul.f32 v17, v12;
	v15 =	vmul.f32 v27, v15  }
0x5f: {  	v25 =	vld [tilespmem:s23+$0xFFFFFFF0];
	v26 =	vmul.f32 v16, v13;
	v16 =	vmul.f32 v23, v23  }
0x60: {  	v30 =	vadd.f32 v15, v8  }
0x61: {  	v29 =	vld [tilespmem:s23+$0x0];
	s25 =	simm.s32 $0xC760;
	s26 =	simm.s32 $0xA0;
	v28 =	vadd.f32 v14, v9;
	v17 =	vadd.f32 v17, v9;
	v19 =	vmul.f32 v16, v19  }
0x62: {  	v31 =	vld [tilespmem:s26+$0x0];
	s19 =	simm.s32 $0x50E0;
	v14 =	vmul.f32 v20, v20;
	v23 =	vadd.f32 v26, v9;
	v20 =	vmul.f32 v22, v18;
	[tilespmem:s25+$0x10] =	vst v30  }
0x63: {  	[tilespmem:s22+$0x0] =	vst v17;
	v19 =	vadd.f32 v19, v8;
	v15 =	vmul.f32 v24, v24;
	v24 =	vld [tilespmem:s19+$0x10]  }
0x64: {  	v33 =	vld [tilespmem:s26+$0xFFFFFFE0];
	s17 =	simm.s32 $0x29A0;
	[tilespmem:s22+$0xFFFFFFF0] =	vst v23;
	v23 =	vmul.f32 v14, v25;
	v20 =	vadd.f32 v20, v10  }
0x65: {  	v59 =	vld [tilespmem:s17+$0xFFFFFFF0];
	s23 =	simm.s32 $0x11620;
	[tilespmem:s25+$0xFFFFFFE0] =	vst v19  }
0x66: {  	v26 =	vld [tilespmem:s24+$0x0];
	v17 =	vmul.f32 v15, v29;
	[tilespmem:s23+$0x10] =	vst v20;
	v20 =	vadd.f32 v23, v8  }
0x67: {  	[tilespmem:s22+$0xFFFFFFE0] =	vst v28;
	v19 =	vld [tilespmem:s19+$0xFFFFFFE0]  }
0x68: {  	v22 =	vld [tilespmem:s24+$0xFFFFFFE0];
	v17 =	vadd.f32 v17, v8;
	[tilespmem:s25+$0xFFFFFFF0] =	vst v20;
	v20 =	vmul.f32 v24, v27  }
0x69: {  	v24 =	vld [tilespmem:s19+$0xFFFFFFF0]  }
0x6a: {  	[tilespmem:s25+$0x0] =	vst v17;
	v17 =	vadd.f32 v20, v9;
	v20 =	vld [tilespmem:s26+$0x10]  }
0x6b: {  	s5 =	simm.s32 $0xEEE0;
	v28 =	vld [tilespmem:s19+$0x0]  }
0x6c: {  	s16 =	simm.s32 $0x7860;
	v30 =	vld [tilespmem:s17+$0x10];
	v19 =	vmul.f32 v19, v16;
	[tilespmem:s5+$0x10] =	vst v17  }
0x6d: {  	v17 =	vmul.f32 v22, v21;
	v22 =	vld [tilespmem:s16+$0x10]  }
0x6e: {  	s4 =	simm.s32 $0x9FA0;
	v25 =	vld [tilespmem:s24+$0xFFFFFFF0];
	v19 =	vadd.f32 v19, v9  }
0x6f: {  	v23 =	vld [tilespmem:s4+$0x10];
	v24 =	vmul.f32 v24, v14;
	v32 =	vadd.f32 v17, v10;
	v17 =	vmul.f32 v20, v20  }
0x70: {  	v29 =	vld [tilespmem:s26+$0xFFFFFFF0];
	v20 =	vmul.f32 v28, v15  }
0x71: {  	[tilespmem:s5+$0xFFFFFFE0] =	vst v19;
	v28 =	vld [tilespmem:s17+$0xFFFFFFE0];
	v24 =	vadd.f32 v24, v9;
	v30 =	vmul.f32 v17, v30  }
0x72: {  	v34 =	vld [tilespmem:s17+$0x0];
	[tilespmem:s23+$0xFFFFFFE0] =	vst v32;
	v19 =	vadd.f32 v20, v9;
	v20 =	vmul.f32 v22, v27  }
0x73: {  	v26 =	vmul.f32 v26, v12;
	[tilespmem:s5+$0xFFFFFFF0] =	vst v24;
	v22 =	vmul.f32 v25, v13;
	v25 =	vld [tilespmem:s16+$0xFFFFFFE0];
	v24 =	vadd.f32 v30, v8  }
0x74: {  	s24 =	simm.s32 $0xC7A0;
	v23 =	vmul.f32 v23, v18;
	v18 =	vmul.f32 v33, v33;
	[tilespmem:s5+$0x0] =	vst v19;
	v30 =	vld [tilespmem:s16+$0xFFFFFFF0];
	v60 =	vadd.f32 v20, v10  }
0x75: {  	s25 =	simm.s32 $0x5120;
	s19 =	simm.s32 $0x11660;
	v19 =	vmul.f32 v29, v29;
	v22 =	vadd.f32 v22, v10;
	[tilespmem:s24+$0x10] =	vst v24;
	v24 =	vld [tilespmem:s16+$0x0]  }
0x76: {  	s22 =	simm.s32 $0x9FE0;
	v26 =	vadd.f32 v26, v10;
	v20 =	vmul.f32 v31, v31;
	v28 =	vmul.f32 v18, v28;
	v29 =	vld [tilespmem:s25+$0x10];
	[tilespmem:s19+$0x10] =	vst v60  }
0x77: {  	v23 =	vadd.f32 v23, v11;
	[tilespmem:s23+$0xFFFFFFF0] =	vst v22;
	v22 =	vmul.f32 v19, v59;
	v31 =	vld [tilespmem:s22+$0x10]  }
0x78: {  	s20 =	simm.s32 $0x13DA0;
	[tilespmem:s23+$0x0] =	vst v26;
	v62 =	vld [tilespmem:s4+$0xFFFFFFE0];
	v61 =	vmul.f32 v20, v34;
	v28 =	vadd.f32 v28, v8  }
0x79: {  	[tilespmem:s20+$0x10] =	vst v23;
	v25 =	vmul.f32 v25, v16;
	v23 =	vld [tilespmem:s4+$0xFFFFFFF0];
	v26 =	vadd.f32 v22, v8  }
0x7a: {  	v32 =	vadd.f32 v61, v8;
	v30 =	vmul.f32 v30, v14;
	[tilespmem:s24+$0xFFFFFFE0] =	vst v28;
	v22 =	vld [tilespmem:s4+$0x0]  }
0x7b: {  	v63 =	vadd.f32 v25, v10;
	v25 =	vld [tilespmem:s25+$0xFFFFFFE0];
	v24 =	vmul.f32 v24, v15;
	[tilespmem:s24+$0xFFFFFFF0] =	vst v26;
	v35 =	vmul.f32 v29, v17  }
0x7c: {  	s28 =	simm.s32 $0xE0;
	v28 =	vadd.f32 v30, v10;
	[tilespmem:s24+$0x0] =	vst v32;
	v26 =	vld [tilespmem:s25+$0xFFFFFFF0];
	v29 =	vmul.f32 v31, v27  }
0x7d: {  	s26 =	simm.s32 $0x9FE0;
	v21 =	vmul.f32 v62, v21;
	s23 =	simm.s32 $0x13DA0;
	s4 =	simm.s32 $0x8;
	[tilespmem:s19+$0xFFFFFFE0] =	vst v63;
	v24 =	vadd.f32 v24, v10;
	v27 =	vld [tilespmem:s25+$0x0];
	v30 =	vadd.f32 v35, v9  }
.LBB2_2:
0x7e: {  	v31 =	vld [tilespmem:s28+$0x10];
	[tilespmem:s19+$0xFFFFFFF0] =	vst v28;
	v28 =	vadd.f32 v29, v11;
	s5 =	sadd.s32 $0x40, s5;
	v23 =	vmul.f32 v23, v13;
	v13 =	vmovc v14;
	v14 =	vmov v19  }
0x7f: {  	s4 =	sadd.s32 $0x4, s4;
	s17 =	sadd.s32 $0x40, s17;
	s20 =	sadd.s32 $0x40, s20;
	v19 =	vld [tilespmem:s28+$0xFFFFFFF0];
	[tilespmem:s5+$0x10] =	vst v30;
	v21 =	vadd.f32 v21, v11;
	v22 =	vmul.f32 v22, v12;
	v12 =	vmovc v15;
	v15 =	vmov v20  }
0x80: {  	s16 =	sadd.s32 $0x40, s16;
	p0 =	slt.u32 s4, $0x26C;
	v20 =	vld [tilespmem:s17+$0x10];
	v25 =	vmul.f32 v25, v18;
	[tilespmem:s20+$0x10] =	vst v28;
	v23 =	vadd.f32 v23, v11  }
0x81: {  	v26 =	vmul.f32 v26, v14;
	v28 =	vld [tilespmem:s16+$0x10];
	[tilespmem:s19+$0x0] =	vst v24;
	v22 =	vadd.f32 v22, v11  }
0x82: {  	v24 =	vld [tilespmem:s28+$0x0];
	v25 =	vadd.f32 v25, v9;
	v27 =	vmul.f32 v27, v15;
	[tilespmem:s23+$0xFFFFFFE0] =	vst v21  }
0x83: {  	v21 =	vld [tilespmem:s28+$0xFFFFFFE0];
	v30 =	vmul.f32 v31, v31;
	v26 =	vadd.f32 v26, v9;
	[tilespmem:s23+$0xFFFFFFF0] =	vst v23  }
0x84: {  	v23 =	vld [tilespmem:s17+$0xFFFFFFE0];
	v19 =	vmul.f32 v19, v19;
	[tilespmem:s5+$0xFFFFFFE0] =	vst v25;
	v25 =	vadd.f32 v27, v9  }
0x85: {  	v27 =	vld [tilespmem:s17+$0xFFFFFFF0];
	v29 =	vmul.f32 v30, v20;
	[tilespmem:s5+$0xFFFFFFF0] =	vst v26  }
0x86: {  	v26 =	vld [tilespmem:s17+$0x0];
	[tilespmem:s5+$0x0] =	vst v25;
	v25 =	vmul.f32 v28, v17  }
0x87: {  	v20 =	vmul.f32 v24, v24;
	v24 =	vadd.f32 v29, v8;
	v28 =	vld [tilespmem:s16+$0xFFFFFFE0];
	[tilespmem:s23+$0x0] =	vst v22;
	s23 =	smov.u32 s20  }
0x88: {  	s24 =	sadd.s32 $0x40, s24;
	v31 =	vmul.f32 v21, v21;
	v21 =	vld [tilespmem:s16+$0xFFFFFFF0];
	v22 =	vadd.f32 v25, v10  }
0x89: {  	s25 =	sadd.s32 $0x40, s25;
	s19 =	sadd.s32 $0x40, s19;
	[tilespmem:s24+$0x10] =	vst v24;
	v24 =	vld [tilespmem:s16+$0x0]  }
0x8a: {  	s22 =	sadd.s32 $0x40, s22;
	v23 =	vmul.f32 v31, v23;
	v25 =	vmul.f32 v19, v27;
	v27 =	vld [tilespmem:s25+$0x10];
	[tilespmem:s19+$0x10] =	vst v22  }
0x8b: {  	v22 =	vmul.f32 v20, v26;
	v29 =	vld [tilespmem:s22+$0x10]  }
0x8c: {  	v26 =	vadd.f32 v23, v8;
	v32 =	vadd.f32 v25, v8;
	v25 =	vmul.f32 v28, v18;
	v33 =	vld [tilespmem:s26+$0xFFFFFFE0]  }
.Ltmp0:
0x8d: {  	v34 =	vadd.f32 v22, v8;
	v21 =	vmul.f32 v21, v14;
	v23 =	vld [tilespmem:s26+$0xFFFFFFF0];
	(pc) =	sbr.rel @p0 .LBB2_2-.Ltmp0, $4  }
0x8e: {  	[tilespmem:s24+$0xFFFFFFE0] =	vst v26;
	v35 =	vadd.f32 v25, v10;
	v24 =	vmul.f32 v24, v15;
	v22 =	vld [tilespmem:s26+$0x0];
	s26 =	smov.u32 s22  }
0x8f: {  	v25 =	vld [tilespmem:s25+$0xFFFFFFE0];
	[tilespmem:s24+$0xFFFFFFF0] =	vst v32;
	v32 =	vmul.f32 v27, v30;
	v28 =	vadd.f32 v21, v10  }
0x90: {  	v26 =	vld [tilespmem:s25+$0xFFFFFFF0];
	[tilespmem:s24+$0x0] =	vst v34;
	v24 =	vadd.f32 v24, v10;
	v29 =	vmul.f32 v29, v17;
	v17 =	vmov v30  }
0x91: {  	s28 =	sadd.s32 $0x40, s28;
	v27 =	vld [tilespmem:s25+$0x0];
	v30 =	vadd.f32 v32, v9;
	[tilespmem:s19+$0xFFFFFFE0] =	vst v35;
	v21 =	vmul.f32 v33, v16;
	v16 =	vmovc v18;
	v18 =	vmov v31  }
0x92: {  	_ =	sdelay $0x1  }
0x93: {  	v25 =	vmul.f32 v25, v18  }
0x94: {  	s4 =	sadd.s32 $0x40, s5;
	v26 =	vmul.f32 v26, v19  }
0x95: {  	s28 =	sadd.s32 $0x40, s16;
	[tilespmem:s4+$0x10] =	vst v30;
	v25 =	vadd.f32 v25, v9;
	v27 =	vmul.f32 v27, v20  }
0x96: {  	v30 =	vld [tilespmem:s28+$0x10];
	v26 =	vadd.f32 v26, v9  }
0x97: {  	[tilespmem:s4+$0xFFFFFFE0] =	vst v25;
	v38 =	vadd.f32 v27, v9  }
0x98: {  	[tilespmem:s4+$0xFFFFFFF0] =	vst v26;
	v39 =	vld [tilespmem:s28+$0xFFFFFFE0]  }
0x99: {  	[tilespmem:s4+$0x0] =	vst v38;
	v41 =	vld [tilespmem:s28+$0xFFFFFFF0]  }
0x9a: {  	v42 =	vld [tilespmem:s28+$0x0]  }
0x9b: {  	v40 =	vmul.f32 v30, v17;
	_ =	sdelay $0x1  }
0x9c: {  	[tilespmem:s19+$0xFFFFFFF0] =	vst v28;
	v25 =	vadd.f32 v40, v10;
	v43 =	vmul.f32 v39, v18  }
0x9d: {  	s16 =	sadd.s32 $0x40, s19;
	v29 =	vadd.f32 v29, v11;
	v45 =	vld [tilespmem:s26+$0xFFFFFFE0];
	[tilespmem:s19+$0x0] =	vst v24;
	v27 =	vmul.f32 v41, v19  }
0x9e: {  	s17 =	sadd.s32 $0x40, s22;
	s22 =	sadd.s32 $0x40, s20;
	v47 =	vld [tilespmem:s26+$0xFFFFFFF0];
	[tilespmem:s16+$0x10] =	vst v25;
	v25 =	vadd.f32 v43, v10;
	v46 =	vmul.f32 v42, v20  }
0x9f: {  	v48 =	vld [tilespmem:s26+$0x0];
	[tilespmem:s22+$0x10] =	vst v29;
	v27 =	vadd.f32 v27, v10  }
0xa0: {  	v13 =	vmul.f32 v23, v13;
	v44 =	vld [tilespmem:s17+$0x10];
	v29 =	vadd.f32 v46, v10;
	[tilespmem:s16+$0xFFFFFFE0] =	vst v25  }
0xa1: {  	v21 =	vadd.f32 v21, v11;
	v12 =	vmul.f32 v22, v12;
	[tilespmem:s16+$0xFFFFFFF0] =	vst v27;
	v49 =	vld [tilespmem:s17+$0xFFFFFFE0]  }
0xa2: {  	v13 =	vadd.f32 v13, v11;
	v16 =	vmul.f32 v45, v16;
	[tilespmem:s16+$0x0] =	vst v29;
	v51 =	vld [tilespmem:s17+$0xFFFFFFF0]  }
0xa3: {  	v12 =	vadd.f32 v12, v11;
	[tilespmem:s23+$0xFFFFFFE0] =	vst v21;
	v14 =	vmul.f32 v47, v14;
	v52 =	vld [tilespmem:s17+$0x0]  }
0xa4: {  	[tilespmem:s23+$0xFFFFFFF0] =	vst v13;
	v15 =	vmul.f32 v48, v15;
	v54 =	vadd.f32 v16, v11  }
0xa5: {  	[tilespmem:s23+$0x0] =	vst v12;
	v55 =	vadd.f32 v14, v11;
	v50 =	vmul.f32 v44, v17  }
0xa6: {  	v15 =	vadd.f32 v15, v11;
	[tilespmem:s22+$0xFFFFFFE0] =	vst v54;
	v56 =	vmul.f32 v49, v18  }
0xa7: {  	[tilespmem:s22+$0xFFFFFFF0] =	vst v55;
	v53 =	vadd.f32 v50, v11;
	v57 =	vmul.f32 v51, v19  }
0xa8: {  	s24 =	sadd.s32 $0x40, s22;
	[tilespmem:s22+$0x0] =	vst v15;
	v58 =	vadd.f32 v56, v11;
	v59 =	vmul.f32 v52, v20  }
0xa9: {  	[tilespmem:s24+$0x10] =	vst v53;
	v12 =	vadd.f32 v57, v11  }
0xaa: {  	v14 =	vadd.f32 v59, v11;
	[tilespmem:s24+$0xFFFFFFE0] =	vst v58  }
0xab: {  	[tilespmem:s24+$0xFFFFFFF0] =	vst v12  }
0xac: {  	[tilespmem:s24+$0x0] =	vst v14  }
0xad: {  	v12 =	vld [tilespmem:$0x2700]  }
0xae: {  	v13 =	vld [tilespmem:$0x5000]  }
0xaf: {  	v14 =	vld [tilespmem:$0x7780]  }
0xb0: {  	v15 =	vld [tilespmem:$0x9F00]  }
0xb1: {  	v60 =	vld [tilespmem:$0xC680]  }
0xb2: {  	v12 =	vmul.f32 v12, v12;
	_ =	sdelay $0x1  }
0xb3: {  	v13 =	vmul.f32 v12, v13  }
0xb4: {  	v14 =	vmul.f32 v14, v12  }
0xb5: {  	v61 =	vmul.f32 v15, v12;
	v12 =	vmul.f32 v60, v12;
	v8 =	vadd.f32 v13, v8  }
0xb6: {  	v62 =	vadd.f32 v14, v9  }
0xb7: {  	v63 =	vadd.f32 v12, v11;
	[tilespmem:$0xEE00] =	vst v8  }
0xb8: {  	v8 =	vadd.f32 v61, v10;
	[tilespmem:$0x11580] =	vst v62  }
0xb9: {  	[tilespmem:$0x16480] =	vst v63  }
0xba: {  	s25 =	simm.s32 $0x16500;
	s16 =	simm.s32 $0x0;
	[tilespmem:$0x13D00] =	vst v8  }
0xbb: {  	[tilespmem:s25], [sflag:$0x1] =	stream.linear.gather [hbm4b:s21+s16], $0xC80, $0x38;
	[tilespmem:$0x1B000] =	vst v63  }
0xbc: {  	s26 =	simm.s32 $0x17E00  }
0xbd: {  	[tilespmem:s26], [sflag:$0x1] =	stream.linear.gather [hbm4b:s15+s16], $0xC80, $0x38;
	[tilespmem:$0x1B000] =	vst v63  }
0xbe: {  	s28 =	simm.s32 $0x19700  }
0xbf: {  	[tilespmem:s28], [sflag:$0x1] =	stream.linear.gather [hbm4b:s18+s16], $0xC80, $0x38;
	[tilespmem:$0x1B000] =	vst v63  }
.LBB2_4:
0xc0: {  	_ =	swait.ge [sflag:s6], $0xC80  }
0xc1: {  	[sflag:s6] =	ssyncset.done $0x0  }
0xc2: {  	[sflag:s6] =	ssyncadd.s32 $0xFFFFF380  }
0xc3: {  	_ =	swait.ge [sflag:s6], $0xC80  }
0xc4: {  	s5 =	smul.u32 $0x1900, s16;
	[sflag:s6] =	ssyncset.done $0x0  }
0xc5: {  	[sflag:s6] =	ssyncadd.s32 $0xFFFFF380  }
0xc6: {  	s4 =	sshrl.u32 s5, $0x3;
	_ =	swait.ge [sflag:s6], $0xC80  }
0xc7: {  	s4 =	sadd.s32 $0x190, s4;
	[sflag:s6] =	ssyncset.done $0x0  }
0xc8: {  	s17 =	sadd.s32 s21, s4;
	[sflag:s6] =	ssyncadd.s32 $0xFFFFF380  }
0xc9: {  	[tilespmem:s7], [sflag:$0x2] =	stream.linear.gather [hbm4b:s17+s1], $0xC80, $0x38;
	[tilespmem:$0x1B000] =	vst v63  }
0xca: {  	s26 =	sadd.s32 s15, s4  }
0xcb: {  	[tilespmem:s8], [sflag:$0x2] =	stream.linear.gather [hbm4b:s26+s1], $0xC80, $0x38;
	[tilespmem:$0x1B000] =	vst v63  }
0xcc: {  	s28 =	simm.s32 $0x16520;
	s4 =	sadd.s32 s18, s4  }
0xcd: {  	[tilespmem:s9], [sflag:$0x2] =	stream.linear.gather [hbm4b:s4+s1], $0xC80, $0x38;
	[tilespmem:$0x1B000] =	vst v63  }
0xce: {  	v17 =	vld [tilespmem:s28+$0x10];
	_ =	sdelay $0x2  }
0xcf: {  	v8 =	vld [tilespmem:s28+$0xFFFFFFF0]  }
0xd0: {  	v10 =	vld [tilespmem:s28+$0xFFFFFFE0]  }
0xd1: {  	s17 =	simm.s32 $0x17E20;
	v9 =	vld [tilespmem:s28+$0x0]  }
0xd2: {  	s19 =	simm.s32 $0x19720;
	v19 =	vld [tilespmem:s17+$0x10]  }
0xd3: {  	v18 =	vld [tilespmem:s19+$0x10]  }
0xd4: {  	v12 =	vld.idx.msk [tilespmem:v17+s30+$0x0], $0xffff  }
0xd5: {  	v11 =	vld [tilespmem:s19+$0xFFFFFFE0]  }
0xd6: {  	v14 =	vld [tilespmem:s17+$0xFFFFFFF0]  }
0xd7: {  	v15 =	vld [tilespmem:s17+$0x0]  }
0xd8: {  	v16 =	vld [tilespmem:s19+$0x0]  }
0xd9: {  	v20 =	vld.idx.msk [tilespmem:v8+s30+$0x0], $0xffff;
	v13 =	vmul.f32 v12, v18  }
0xda: {  	v22 =	vld.idx.msk [tilespmem:v9+s30+$0x0], $0xffff  }
0xdb: {  	[tilespmem:v19+s10+$0x0] =	vst.idx.add.f32.msk $0xffff, v13  }
0xdc: {  	v23 =	vld.idx.msk [tilespmem:v17+s31+$0x0], $0xffff  }
0xdd: {  	v12 =	vld [tilespmem:s19+$0xFFFFFFF0]  }
0xde: {  	v13 =	vld [tilespmem:s17+$0xFFFFFFE0]  }
0xdf: {  	v21 =	vld.idx.msk [tilespmem:v10+s30+$0x0], $0xffff  }
0xe0: {  	v22 =	vmul.f32 v22, v16  }
0xe1: {  	v23 =	vmul.f32 v23, v18  }
0xe2: {  	[tilespmem:v15+s10+$0x0] =	vst.idx.add.f32.msk $0xffff, v22  }
0xe3: {  	v20 =	vmul.f32 v20, v12;
	[tilespmem:v19+s3+$0x0] =	vst.idx.add.f32.msk $0xffff, v23  }
0xe4: {  	v21 =	vmul.f32 v21, v11;
	v23 =	vld.idx.msk [tilespmem:v17+s14+$0x0], $0xffff  }
0xe5: {  	[tilespmem:v14+s10+$0x0] =	vst.idx.add.f32.msk $0xffff, v20  }
0xe6: {  	[tilespmem:v13+s10+$0x0] =	vst.idx.add.f32.msk $0xffff, v21  }
0xe7: {  	v20 =	vld.idx.msk [tilespmem:v10+s31+$0x0], $0xffff  }
0xe8: {  	v63 =	vld.idx.msk [tilespmem:v8+s31+$0x0], $0xffff  }
0xe9: {  	v22 =	vld.idx.msk [tilespmem:v9+s31+$0x0], $0xffff;
	v23 =	vmul.f32 v23, v18;
	_ =	sdelay $0x1  }
0xea: {  	[tilespmem:v19+s11+$0x0] =	vst.idx.add.f32.msk $0xffff, v23  }
0xeb: {  	v23 =	vld.idx.msk [tilespmem:v17+s0+$0x0], $0xffff;
	v17 =	vmul.f32 v20, v11  }
0xec: {  	v20 =	vmul.f32 v63, v12  }
0xed: {  	[tilespmem:v13+s3+$0x0] =	vst.idx.add.f32.msk $0xffff, v17;
	v17 =	vmul.f32 v22, v16  }
0xee: {  	[tilespmem:v14+s3+$0x0] =	vst.idx.add.f32.msk $0xffff, v20  }
0xef: {  	[tilespmem:v15+s3+$0x0] =	vst.idx.add.f32.msk $0xffff, v17  }
0xf0: {  	v17 =	vld.idx.msk [tilespmem:v10+s14+$0x0], $0xffff;
	v20 =	vmul.f32 v23, v18  }
0xf1: {  	v18 =	vld.idx.msk [tilespmem:v8+s14+$0x0], $0xffff  }
0xf2: {  	s20 =	simm.s32 $0x16560;
	s4 =	simm.s32 $0x0;
	[tilespmem:v19+s12+$0x0] =	vst.idx.add.f32.msk $0xffff, v20  }
.LBB2_5:
0xf3: {  	v19 =	vld [tilespmem:s20+$0x10];
	s4 =	sadd.s32 $0x4, s4  }
0xf4: {  	v20 =	vld [tilespmem:s20+$0xFFFFFFF0];
	p0 =	slt.u32 s4, $0xC4  }
0xf5: {  	v21 =	vld [tilespmem:s20+$0x0]  }
0xf6: {  	v17 =	vmul.f32 v17, v11;
	v22 =	vld [tilespmem:s20+$0xFFFFFFE0]  }
0xf7: {  	v18 =	vmul.f32 v18, v12;
	v23 =	vld.idx.msk [tilespmem:v9+s14+$0x0], $0xffff  }
0xf8: {  	[tilespmem:v13+s11+$0x0] =	vst.idx.add.f32.msk $0xffff, v17  }
0xf9: {  	s17 =	sadd.s32 $0x40, s17;
	[tilespmem:v14+s11+$0x0] =	vst.idx.add.f32.msk $0xffff, v18  }
0xfa: {  	v24 =	vld [tilespmem:s17+$0x10]  }
0xfb: {  	s19 =	sadd.s32 $0x40, s19;
	v17 =	vld.idx.msk [tilespmem:v19+s30+$0x0], $0xffff  }
0xfc: {  	v18 =	vld [tilespmem:s19+$0x10]  }
0xfd: {  	v23 =	vmul.f32 v23, v16;
	v25 =	vld.idx.msk [tilespmem:v20+s30+$0x0], $0xffff  }
0xfe: {  	v26 =	vld.idx.msk [tilespmem:v22+s30+$0x0], $0xffff  }
0xff: {  	v27 =	vld.idx.msk [tilespmem:v21+s30+$0x0], $0xffff  }
0x100: {  	v28 =	vld [tilespmem:s19+$0xFFFFFFE0]  }
0x101: {  	v29 =	vld [tilespmem:s19+$0xFFFFFFF0];
	v17 =	vmul.f32 v17, v18  }
0x102: {  	v30 =	vld [tilespmem:s19+$0x0]  }
0x103: {  	[tilespmem:v24+s10+$0x0] =	vst.idx.add.f32.msk $0xffff, v17  }
0x104: {  	v17 =	vld.idx.msk [tilespmem:v19+s31+$0x0], $0xffff  }
0x105: {  	v31 =	vld [tilespmem:s17+$0xFFFFFFE0];
	v26 =	vmul.f32 v26, v28  }
0x106: {  	v32 =	vld [tilespmem:s17+$0xFFFFFFF0];
	v25 =	vmul.f32 v25, v29  }
0x107: {  	v33 =	vld [tilespmem:s17+$0x0];
	v27 =	vmul.f32 v27, v30  }
0x108: {  	[tilespmem:v15+s11+$0x0] =	vst.idx.add.f32.msk $0xffff, v23  }
0x109: {  	v23 =	vld.idx.msk [tilespmem:v10+s0+$0x0], $0xffff;
	v10 =	vmov v22  }
0x10a: {  	v17 =	vmul.f32 v17, v18;
	v22 =	vld.idx.msk [tilespmem:v8+s0+$0x0], $0xffff;
	v8 =	vmov v20  }
0x10b: {  	v20 =	vld.idx.msk [tilespmem:v9+s0+$0x0], $0xffff;
	v9 =	vmov v21  }
0x10c: {  	[tilespmem:v24+s3+$0x0] =	vst.idx.add.f32.msk $0xffff, v17  }
0x10d: {  	v17 =	vld.idx.msk [tilespmem:v19+s14+$0x0], $0xffff  }
0x10e: {  	[tilespmem:v31+s10+$0x0] =	vst.idx.add.f32.msk $0xffff, v26  }
0x10f: {  	v21 =	vmul.f32 v23, v11;
	v11 =	vmov v28;
	[tilespmem:v32+s10+$0x0] =	vst.idx.add.f32.msk $0xffff, v25  }
0x110: {  	v22 =	vmul.f32 v22, v12;
	v12 =	vmov v29;
	[tilespmem:v33+s10+$0x0] =	vst.idx.add.f32.msk $0xffff, v27  }
0x111: {  	v20 =	vmul.f32 v20, v16;
	v16 =	vmov v30;
	v23 =	vld.idx.msk [tilespmem:v10+s31+$0x0], $0xffff  }
0x112: {  	v25 =	vld.idx.msk [tilespmem:v8+s31+$0x0], $0xffff  }
0x113: {  	v17 =	vmul.f32 v17, v18;
	v26 =	vld.idx.msk [tilespmem:v9+s31+$0x0], $0xffff  }
0x114: {  	[tilespmem:v13+s12+$0x0] =	vst.idx.add.f32.msk $0xffff, v21;
	v13 =	vmov v31  }
0x115: {  	[tilespmem:v24+s11+$0x0] =	vst.idx.add.f32.msk $0xffff, v17  }
0x116: {  	v19 =	vld.idx.msk [tilespmem:v19+s0+$0x0], $0xffff  }
0x117: {  	v17 =	vmul.f32 v23, v11;
	[tilespmem:v14+s12+$0x0] =	vst.idx.add.f32.msk $0xffff, v22;
	v14 =	vmov v32  }
0x118: {  	v21 =	vmul.f32 v25, v12;
	[tilespmem:v15+s12+$0x0] =	vst.idx.add.f32.msk $0xffff, v20;
	v15 =	vmov v33  }
0x119: {  	[tilespmem:v31+s3+$0x0] =	vst.idx.add.f32.msk $0xffff, v17;
	v17 =	vmul.f32 v26, v16  }
.Ltmp1:
0x11a: {  	[tilespmem:v32+s3+$0x0] =	vst.idx.add.f32.msk $0xffff, v21;
	(pc) =	sbr.rel @p0 .LBB2_5-.Ltmp1, $4  }
0x11b: {  	[tilespmem:v33+s3+$0x0] =	vst.idx.add.f32.msk $0xffff, v17  }
0x11c: {  	v19 =	vmul.f32 v19, v18;
	v17 =	vld.idx.msk [tilespmem:v10+s14+$0x0], $0xffff  }
0x11d: {  	v18 =	vld.idx.msk [tilespmem:v8+s14+$0x0], $0xffff  }
0x11e: {  	s20 =	sadd.s32 $0x40, s20;
	[tilespmem:v24+s12+$0x0] =	vst.idx.add.f32.msk $0xffff, v19  }
0x11f: {  	_ =	sdelay $0x3  }
0x120: {  	v19 =	vld.idx.msk [tilespmem:v9+s14+$0x0], $0xffff  }
0x121: {  	v17 =	vmul.f32 v17, v11  }
0x122: {  	v18 =	vmul.f32 v18, v12  }
0x123: {  	[tilespmem:v13+s11+$0x0] =	vst.idx.add.f32.msk $0xffff, v17  }
0x124: {  	[tilespmem:v14+s11+$0x0] =	vst.idx.add.f32.msk $0xffff, v18  }
0x125: {  	v17 =	vmul.f32 v19, v16;
	v10 =	vld.idx.msk [tilespmem:v10+s0+$0x0], $0xffff  }
0x126: {  	v8 =	vld.idx.msk [tilespmem:v8+s0+$0x0], $0xffff  }
0x127: {  	[tilespmem:v15+s11+$0x0] =	vst.idx.add.f32.msk $0xffff, v17  }
0x128: {  	v9 =	vld.idx.msk [tilespmem:v9+s0+$0x0], $0xffff;
	_ =	sdelay $0x2  }
0x129: {  	v10 =	vmul.f32 v10, v11  }
0x12a: {  	v8 =	vmul.f32 v8, v12  }
0x12b: {  	[tilespmem:v13+s12+$0x0] =	vst.idx.add.f32.msk $0xffff, v10;
	v9 =	vmul.f32 v9, v16  }
0x12c: {  	[tilespmem:v14+s12+$0x0] =	vst.idx.add.f32.msk $0xffff, v8  }
0x12d: {  	[tilespmem:v15+s12+$0x0] =	vst.idx.add.f32.msk $0xffff, v9  }
0x12e: {  	_ =	swait.ge [sflag:s13], $0xC80  }
0x12f: {  	[sflag:s13] =	ssyncset.done $0x0  }
0x130: {  	[sflag:s13] =	ssyncadd.s32 $0xFFFFF380  }
0x131: {  	_ =	swait.ge [sflag:s13], $0xC80  }
0x132: {  	[sflag:s13] =	ssyncset.done $0x0  }
0x133: {  	p0 =	seq.s32 s16, $0x31;
	[sflag:s13] =	ssyncadd.s32 $0xFFFFF380  }
0x134: {  	s4 =	sshrl.u32 @!p0 s5, $0x3;
	_ =	swait.ge [sflag:s13], $0xC80  }
0x135: {  	s17 =	simm.s32 @!p0 $0x0;
	s4 =	sadd.s32 @!p0 $0x320, s4;
	[sflag:s13] =	ssyncset.done $0x0  }
0x136: {  	s19 =	simm.s32 @!p0 $0x16500;
	s5 =	sadd.s32 @!p0 s21, s4;
	[sflag:s13] =	ssyncadd.s32 $0xFFFFF380  }
0x137: {  	[tilespmem:s19], [sflag:$0x1] =	stream.linear.gather @!p0 [hbm4b:s5+s17], $0xC80, $0x38;
	[tilespmem:$0x1B000] =	vst v63  }
0x138: {  	s5 =	sadd.s32 @!p0 s15, s4;
	s19 =	simm.s32 @!p0 $0x17E00  }
0x139: {  	[tilespmem:s19], [sflag:$0x1] =	stream.linear.gather @!p0 [hbm4b:s5+s17], $0xC80, $0x38;
	[tilespmem:$0x1B000] =	vst v63  }
0x13a: {  	s28 =	simm.s32 $0x171A0;
	s4 =	sadd.s32 @!p0 s18, s4;
	s5 =	simm.s32 @!p0 $0x19700  }
0x13b: {  	[tilespmem:s5], [sflag:$0x1] =	stream.linear.gather @!p0 [hbm4b:s4+s17], $0xC80, $0x38;
	[tilespmem:$0x1B000] =	vst v63  }
0x13c: {  	v17 =	vld [tilespmem:s28+$0x10];
	_ =	sdelay $0x4  }
0x13d: {  	s5 =	simm.s32 $0x18AA0;
	v10 =	vld [tilespmem:s28+$0xFFFFFFE0]  }
0x13e: {  	s17 =	simm.s32 $0x1A3A0;
	v19 =	vld [tilespmem:s5+$0x10]  }
0x13f: {  	v18 =	vld [tilespmem:s17+$0x10]  }
0x140: {  	v12 =	vld.idx.msk [tilespmem:v17+s30+$0x0], $0xffff  }
0x141: {  	v8 =	vld [tilespmem:s28+$0xFFFFFFF0]  }
0x142: {  	v9 =	vld [tilespmem:s28+$0x0]  }
0x143: {  	v11 =	vld [tilespmem:s17+$0xFFFFFFE0]  }
0x144: {  	v13 =	vld [tilespmem:s17+$0xFFFFFFF0]  }
0x145: {  	v15 =	vld [tilespmem:s5+$0xFFFFFFE0];
	v12 =	vmul.f32 v12, v18  }
0x146: {  	v21 =	vld.idx.msk [tilespmem:v10+s30+$0x0], $0xffff  }
0x147: {  	[tilespmem:v19+s10+$0x0] =	vst.idx.add.f32.msk $0xffff, v12  }
0x148: {  	v23 =	vld.idx.msk [tilespmem:v17+s31+$0x0], $0xffff  }
0x149: {  	v14 =	vld [tilespmem:s5+$0xFFFFFFF0]  }
0x14a: {  	v20 =	vld.idx.msk [tilespmem:v8+s30+$0x0], $0xffff  }
0x14b: {  	v16 =	vld [tilespmem:s17+$0x0]  }
0x14c: {  	v21 =	vmul.f32 v21, v11;
	v12 =	vld [tilespmem:s5+$0x0]  }
0x14d: {  	v22 =	vld.idx.msk [tilespmem:v9+s30+$0x0], $0xffff;
	v23 =	vmul.f32 v23, v18  }
0x14e: {  	[tilespmem:v15+s10+$0x0] =	vst.idx.add.f32.msk $0xffff, v21  }
0x14f: {  	v20 =	vmul.f32 v20, v13;
	[tilespmem:v19+s3+$0x0] =	vst.idx.add.f32.msk $0xffff, v23  }
0x150: {  	v23 =	vld.idx.msk [tilespmem:v17+s14+$0x0], $0xffff  }
0x151: {  	[tilespmem:v14+s10+$0x0] =	vst.idx.add.f32.msk $0xffff, v20  }
0x152: {  	v22 =	vmul.f32 v22, v16;
	v20 =	vld.idx.msk [tilespmem:v10+s31+$0x0], $0xffff  }
0x153: {  	v63 =	vld.idx.msk [tilespmem:v8+s31+$0x0], $0xffff  }
0x154: {  	[tilespmem:v12+s10+$0x0] =	vst.idx.add.f32.msk $0xffff, v22  }
0x155: {  	v22 =	vld.idx.msk [tilespmem:v9+s31+$0x0], $0xffff;
	v23 =	vmul.f32 v23, v18;
	_ =	sdelay $0x1  }
0x156: {  	[tilespmem:v19+s11+$0x0] =	vst.idx.add.f32.msk $0xffff, v23  }
0x157: {  	v23 =	vld.idx.msk [tilespmem:v17+s0+$0x0], $0xffff;
	v17 =	vmul.f32 v20, v11  }
0x158: {  	v20 =	vmul.f32 v63, v13  }
0x159: {  	[tilespmem:v15+s3+$0x0] =	vst.idx.add.f32.msk $0xffff, v17;
	v17 =	vmul.f32 v22, v16  }
0x15a: {  	[tilespmem:v14+s3+$0x0] =	vst.idx.add.f32.msk $0xffff, v20  }
0x15b: {  	[tilespmem:v12+s3+$0x0] =	vst.idx.add.f32.msk $0xffff, v17  }
0x15c: {  	v17 =	vld.idx.msk [tilespmem:v10+s14+$0x0], $0xffff;
	v20 =	vmul.f32 v23, v18  }
0x15d: {  	v18 =	vld.idx.msk [tilespmem:v8+s14+$0x0], $0xffff  }
0x15e: {  	s19 =	simm.s32 $0x171E0;
	s4 =	simm.s32 $0x0;
	[tilespmem:v19+s12+$0x0] =	vst.idx.add.f32.msk $0xffff, v20  }
.LBB2_7:
0x15f: {  	v19 =	vld [tilespmem:s19+$0x10];
	s4 =	sadd.s32 $0x4, s4  }
0x160: {  	v20 =	vld [tilespmem:s19+$0xFFFFFFF0];
	p0 =	slt.u32 s4, $0xC4  }
0x161: {  	v21 =	vld [tilespmem:s19+$0x0]  }
0x162: {  	v17 =	vmul.f32 v17, v11;
	v22 =	vld [tilespmem:s19+$0xFFFFFFE0]  }
0x163: {  	v18 =	vmul.f32 v18, v13;
	v23 =	vld.idx.msk [tilespmem:v9+s14+$0x0], $0xffff  }
0x164: {  	[tilespmem:v15+s11+$0x0] =	vst.idx.add.f32.msk $0xffff, v17  }
0x165: {  	s5 =	sadd.s32 $0x40, s5;
	[tilespmem:v14+s11+$0x0] =	vst.idx.add.f32.msk $0xffff, v18  }
0x166: {  	v24 =	vld [tilespmem:s5+$0x10]  }
0x167: {  	s17 =	sadd.s32 $0x40, s17;
	v17 =	vld.idx.msk [tilespmem:v19+s30+$0x0], $0xffff  }
0x168: {  	v18 =	vld [tilespmem:s17+$0x10]  }
0x169: {  	v23 =	vmul.f32 v23, v16;
	v25 =	vld.idx.msk [tilespmem:v20+s30+$0x0], $0xffff  }
0x16a: {  	v26 =	vld.idx.msk [tilespmem:v22+s30+$0x0], $0xffff  }
0x16b: {  	v27 =	vld.idx.msk [tilespmem:v21+s30+$0x0], $0xffff  }
0x16c: {  	v28 =	vld [tilespmem:s17+$0xFFFFFFE0]  }
0x16d: {  	v29 =	vld [tilespmem:s17+$0xFFFFFFF0];
	v17 =	vmul.f32 v17, v18  }
0x16e: {  	v30 =	vld [tilespmem:s17+$0x0]  }
0x16f: {  	[tilespmem:v24+s10+$0x0] =	vst.idx.add.f32.msk $0xffff, v17  }
0x170: {  	v17 =	vld.idx.msk [tilespmem:v19+s31+$0x0], $0xffff  }
0x171: {  	v31 =	vld [tilespmem:s5+$0xFFFFFFE0];
	v26 =	vmul.f32 v26, v28  }
0x172: {  	v32 =	vld [tilespmem:s5+$0xFFFFFFF0];
	v25 =	vmul.f32 v25, v29  }
0x173: {  	v33 =	vld [tilespmem:s5+$0x0];
	v27 =	vmul.f32 v27, v30  }
0x174: {  	[tilespmem:v12+s11+$0x0] =	vst.idx.add.f32.msk $0xffff, v23  }
0x175: {  	v23 =	vld.idx.msk [tilespmem:v10+s0+$0x0], $0xffff;
	v10 =	vmov v22  }
0x176: {  	v17 =	vmul.f32 v17, v18;
	v22 =	vld.idx.msk [tilespmem:v8+s0+$0x0], $0xffff;
	v8 =	vmov v20  }
0x177: {  	v20 =	vld.idx.msk [tilespmem:v9+s0+$0x0], $0xffff;
	v9 =	vmov v21  }
0x178: {  	[tilespmem:v24+s3+$0x0] =	vst.idx.add.f32.msk $0xffff, v17  }
0x179: {  	v17 =	vld.idx.msk [tilespmem:v19+s14+$0x0], $0xffff  }
0x17a: {  	[tilespmem:v31+s10+$0x0] =	vst.idx.add.f32.msk $0xffff, v26  }
0x17b: {  	v21 =	vmul.f32 v23, v11;
	v11 =	vmov v28;
	[tilespmem:v32+s10+$0x0] =	vst.idx.add.f32.msk $0xffff, v25  }
0x17c: {  	v22 =	vmul.f32 v22, v13;
	v13 =	vmov v29;
	[tilespmem:v33+s10+$0x0] =	vst.idx.add.f32.msk $0xffff, v27  }
0x17d: {  	v20 =	vmul.f32 v20, v16;
	v16 =	vmov v30;
	v23 =	vld.idx.msk [tilespmem:v10+s31+$0x0], $0xffff  }
0x17e: {  	v25 =	vld.idx.msk [tilespmem:v8+s31+$0x0], $0xffff  }
0x17f: {  	v17 =	vmul.f32 v17, v18;
	v26 =	vld.idx.msk [tilespmem:v9+s31+$0x0], $0xffff  }
0x180: {  	[tilespmem:v15+s12+$0x0] =	vst.idx.add.f32.msk $0xffff, v21;
	v15 =	vmov v31  }
0x181: {  	[tilespmem:v24+s11+$0x0] =	vst.idx.add.f32.msk $0xffff, v17  }
0x182: {  	v19 =	vld.idx.msk [tilespmem:v19+s0+$0x0], $0xffff  }
0x183: {  	v17 =	vmul.f32 v23, v11;
	[tilespmem:v14+s12+$0x0] =	vst.idx.add.f32.msk $0xffff, v22;
	v14 =	vmov v32  }
0x184: {  	v21 =	vmul.f32 v25, v13;
	[tilespmem:v12+s12+$0x0] =	vst.idx.add.f32.msk $0xffff, v20;
	v12 =	vmov v33  }
0x185: {  	[tilespmem:v31+s3+$0x0] =	vst.idx.add.f32.msk $0xffff, v17;
	v17 =	vmul.f32 v26, v16  }
.Ltmp2:
0x186: {  	[tilespmem:v32+s3+$0x0] =	vst.idx.add.f32.msk $0xffff, v21;
	(pc) =	sbr.rel @p0 .LBB2_7-.Ltmp2, $4  }
0x187: {  	[tilespmem:v33+s3+$0x0] =	vst.idx.add.f32.msk $0xffff, v17  }
0x188: {  	v19 =	vmul.f32 v19, v18;
	v17 =	vld.idx.msk [tilespmem:v10+s14+$0x0], $0xffff  }
0x189: {  	v18 =	vld.idx.msk [tilespmem:v8+s14+$0x0], $0xffff  }
0x18a: {  	s19 =	sadd.s32 $0x40, s19;
	[tilespmem:v24+s12+$0x0] =	vst.idx.add.f32.msk $0xffff, v19  }
0x18b: {  	_ =	sdelay $0x3  }
0x18c: {  	v19 =	vld.idx.msk [tilespmem:v9+s14+$0x0], $0xffff  }
0x18d: {  	v17 =	vmul.f32 v17, v11  }
0x18e: {  	v18 =	vmul.f32 v18, v13  }
0x18f: {  	[tilespmem:v15+s11+$0x0] =	vst.idx.add.f32.msk $0xffff, v17  }
0x190: {  	[tilespmem:v14+s11+$0x0] =	vst.idx.add.f32.msk $0xffff, v18  }
0x191: {  	v62 =	vmul.f32 v19, v16;
	v10 =	vld.idx.msk [tilespmem:v10+s0+$0x0], $0xffff  }
0x192: {  	v8 =	vld.idx.msk [tilespmem:v8+s0+$0x0], $0xffff  }
0x193: {  	[tilespmem:v12+s11+$0x0] =	vst.idx.add.f32.msk $0xffff, v62  }
0x194: {  	v63 =	vld.idx.msk [tilespmem:v9+s0+$0x0], $0xffff  }
0x195: {  	s16 =	sadd.s32 $0x1, s16  }
0x196: {  	p0 =	sne.s32 s16, $0x32  }
.Ltmp3:
0x197: {  	v10 =	vmul.f32 v10, v11;
	(pc) =	sbr.rel @p0 .LBB2_4-.Ltmp3, $4  }
0x198: {  	v8 =	vmul.f32 v8, v13  }
0x199: {  	[tilespmem:v15+s12+$0x0] =	vst.idx.add.f32.msk $0xffff, v10;
	v9 =	vmul.f32 v63, v16  }
0x19a: {  	[tilespmem:v14+s12+$0x0] =	vst.idx.add.f32.msk $0xffff, v8  }
0x19b: {  	[tilespmem:v12+s12+$0x0] =	vst.idx.add.f32.msk $0xffff, v9  }
0x19c: {  	s4 =	rddreg [dreg:$0x8];
	s5 =	simm.s32 $0x80  }
0x19d: {  	[hbm4b:s4+s5] =	stream.strided.scatter [tilespmem:s10], [sflag:$0x3], $0x2780, s29, s5, $0x38;
	[tilespmem:$0x1B000] =	vst v63  }
0x19e: {  	s16 =	rddreg [dreg:$0x9]  }
0x19f: {  	[hbm4b:s16+s5] =	stream.strided.scatter [tilespmem:s3], [sflag:$0x3], $0x2780, s29, s5, $0x38;
	[tilespmem:$0x1B000] =	vst v63  }
0x1a0: {  	s17 =	rddreg [dreg:$0xa]  }
0x1a1: {  	[hbm4b:s17+s5] =	stream.strided.scatter [tilespmem:s11], [sflag:$0x3], $0x2780, s29, s5, $0x38;
	[tilespmem:$0x1B000] =	vst v63  }
0x1a2: {  	s19 =	rddreg [dreg:$0xb]  }
0x1a3: {  	[hbm4b:s19+s5] =	stream.strided.scatter [tilespmem:s12], [sflag:$0x3], $0x2780, s29, s5, $0x38;
	[tilespmem:$0x1B000] =	vst v63  }
0x1a4: {  	_ =	swait.ge [sflag:s2], $0x2780  }
0x1a5: {  	[sflag:s2] =	ssyncset.done $0x0  }
0x1a6: {  	[sflag:s2] =	ssyncadd.s32 $0xFFFFD880  }
0x1a7: {  	_ =	swait.ge [sflag:s2], $0x2780  }
0x1a8: {  	[sflag:s2] =	ssyncset.done $0x0  }
0x1a9: {  	[sflag:s2] =	ssyncadd.s32 $0xFFFFD880  }
0x1aa: {  	_ =	swait.ge [sflag:s2], $0x2780  }
0x1ab: {  	[sflag:s2] =	ssyncset.done $0x0  }
0x1ac: {  	[sflag:s2] =	ssyncadd.s32 $0xFFFFD880  }
0x1ad: {  	_ =	swait.ge [sflag:s2], $0x2780  }
0x1ae: {  	[sflag:s2] =	ssyncset.done $0x0  }
0x1af: {  	s20 =	rddreg [dreg:$0xc];
	[sflag:s2] =	ssyncadd.s32 $0xFFFFD880  }
0x1b0: {  	[tilespmem:s30], [sflag:$0x3] =	stream.strided.gather [hbm4b:s20+s5], $0x2780, s29, s5, $0x38;
	[tilespmem:$0x1B000] =	vst v63  }
0x1b1: {  	s22 =	rddreg [dreg:$0xd]  }
0x1b2: {  	[tilespmem:s31], [sflag:$0x3] =	stream.strided.gather [hbm4b:s22+s5], $0x2780, s29, s5, $0x38;
	[tilespmem:$0x1B000] =	vst v63  }
0x1b3: {  	s23 =	rddreg [dreg:$0xe]  }
0x1b4: {  	[tilespmem:s14], [sflag:$0x3] =	stream.strided.gather [hbm4b:s23+s5], $0x2780, s29, s5, $0x38;
	[tilespmem:$0x1B000] =	vst v63  }
0x1b5: {  	s24 =	rddreg [dreg:$0xf]  }
0x1b6: {  	[tilespmem:s0], [sflag:$0x3] =	stream.strided.gather [hbm4b:s24+s5], $0x2780, s29, s5, $0x38;
	[tilespmem:$0x1B000] =	vst v63  }
0x1b7: {  	_ =	swait.ge [sflag:s2], $0x2780  }
0x1b8: {  	[sflag:s2] =	ssyncset.done $0x0  }
0x1b9: {  	[sflag:s2] =	ssyncadd.s32 $0xFFFFD880  }
0x1ba: {  	_ =	swait.ge [sflag:s2], $0x2780  }
0x1bb: {  	[sflag:s2] =	ssyncset.done $0x0  }
0x1bc: {  	[sflag:s2] =	ssyncadd.s32 $0xFFFFD880  }
0x1bd: {  	_ =	swait.ge [sflag:s2], $0x2780  }
0x1be: {  	[sflag:s2] =	ssyncset.done $0x0  }
0x1bf: {  	[sflag:s2] =	ssyncadd.s32 $0xFFFFD880  }
0x1c0: {  	_ =	swait.ge [sflag:s2], $0x2780  }
0x1c1: {  	[sflag:s2] =	ssyncset.done $0x0  }
0x1c2: {  	s25 =	simm.s32 $0x20;
	[sflag:s2] =	ssyncadd.s32 $0xFFFFD880  }
0x1c3: {  	s16 =	simm.s32 $0x2800;
	v10 =	vld [tilespmem:s25+$0x10]  }
0x1c4: {  	s26 =	simm.s32 $0x2920;
	v8 =	vld.idx.msk [tilespmem:v4+s16+$0x0], $0xffff  }
0x1c5: {  	v11 =	vld [tilespmem:s26+$0x10]  }
0x1c6: {  	v12 =	vld [tilespmem:s25+$0xFFFFFFF0]  }
0x1c7: {  	v13 =	vld [tilespmem:s25+$0xFFFFFFE0]  }
0x1c8: {  	v14 =	vld [tilespmem:s25+$0x0];
	v18 =	vmul.f32 v10, v10  }
0x1c9: {  	v15 =	vld [tilespmem:s26+$0xFFFFFFE0]  }
0x1ca: {  	v16 =	vld [tilespmem:s26+$0xFFFFFFF0];
	v11 =	vmul.f32 v18, v11  }
0x1cb: {  	v9 =	vld.idx.msk [tilespmem:v6+s16+$0x0], $0xffff  }
0x1cc: {  	v17 =	vld [tilespmem:s26+$0x0];
	v19 =	vadd.f32 v11, v8  }
0x1cd: {  	s17 =	simm.s32 $0xC720;
	v10 =	vld.idx.msk [tilespmem:v7+s16+$0x0], $0xffff;
	v21 =	vmul.f32 v13, v13;
	v13 =	vmul.f32 v12, v12  }
0x1ce: {  	s19 =	simm.s32 $0x50A0;
	v12 =	vmul.f32 v14, v14;
	v11 =	vld.idx.msk [tilespmem:v5+s16+$0x0], $0xffff;
	[tilespmem:s17+$0x10] =	vst v19  }
0x1cf: {  	v14 =	vmul.f32 v21, v15;
	v15 =	vmul.f32 v13, v16;
	v16 =	vld [tilespmem:s19+$0x10];
	_ =	sdelay $0x2  }
0x1d0: {  	v17 =	vmul.f32 v12, v17;
	v15 =	vadd.f32 v15, v8  }
0x1d1: {  	s20 =	simm.s32 $0x60;
	v14 =	vadd.f32 v14, v8  }
0x1d2: {  	v23 =	vld [tilespmem:s20+$0xFFFFFFE0];
	v17 =	vadd.f32 v17, v8;
	[tilespmem:s17+$0xFFFFFFF0] =	vst v15;
	v15 =	vmul.f32 v16, v18  }
0x1d3: {  	[tilespmem:s17+$0xFFFFFFE0] =	vst v14;
	v19 =	vld [tilespmem:s20+$0x10]  }
0x1d4: {  	[tilespmem:s17+$0x0] =	vst v17;
	v14 =	vld [tilespmem:s19+$0xFFFFFFE0];
	v15 =	vadd.f32 v15, v9  }
0x1d5: {  	s22 =	simm.s32 $0xEEA0;
	s24 =	simm.s32 $0x2960;
	v17 =	vld [tilespmem:s19+$0x0]  }
0x1d6: {  	[tilespmem:s22+$0x10] =	vst v15;
	v15 =	vld [tilespmem:s24+$0x10]  }
0x1d7: {  	v16 =	vld [tilespmem:s19+$0xFFFFFFF0]  }
0x1d8: {  	v20 =	vld [tilespmem:s20+$0xFFFFFFF0]  }
0x1d9: {  	s17 =	simm.s32 $0x7820;
	v27 =	vmul.f32 v19, v19;
	v19 =	vld [tilespmem:s24+$0xFFFFFFE0]  }
0x1da: {  	v14 =	vmul.f32 v14, v21;
	v22 =	vld [tilespmem:s17+$0x10]  }
0x1db: {  	v24 =	vld [tilespmem:s20+$0x0];
	v17 =	vmul.f32 v17, v12;
	v15 =	vmul.f32 v27, v15  }
0x1dc: {  	v25 =	vld [tilespmem:s24+$0xFFFFFFF0];
	v28 =	vadd.f32 v14, v9;
	v26 =	vmul.f32 v16, v13;
	v16 =	vmul.f32 v23, v23  }
0x1dd: {  	v30 =	vadd.f32 v15, v8  }
0x1de: {  	v29 =	vld [tilespmem:s24+$0x0];
	s25 =	simm.s32 $0xC760;
	s26 =	simm.s32 $0xA0;
	v17 =	vadd.f32 v17, v9;
	[tilespmem:s22+$0xFFFFFFE0] =	vst v28;
	v19 =	vmul.f32 v16, v19  }
0x1df: {  	v31 =	vld [tilespmem:s26+$0x0];
	s19 =	simm.s32 $0x50E0;
	v14 =	vmul.f32 v20, v20;
	v23 =	vadd.f32 v26, v9;
	v20 =	vmul.f32 v22, v18;
	[tilespmem:s25+$0x10] =	vst v30  }
0x1e0: {  	[tilespmem:s22+$0x0] =	vst v17;
	v19 =	vadd.f32 v19, v8;
	v15 =	vmul.f32 v24, v24;
	v24 =	vld [tilespmem:s19+$0x10]  }
0x1e1: {  	v33 =	vld [tilespmem:s26+$0xFFFFFFE0];
	[tilespmem:s22+$0xFFFFFFF0] =	vst v23;
	v23 =	vmul.f32 v14, v25;
	v20 =	vadd.f32 v20, v10  }
0x1e2: {  	s23 =	simm.s32 $0x11620;
	v26 =	vld [tilespmem:s17+$0x0];
	[tilespmem:s25+$0xFFFFFFE0] =	vst v19  }
0x1e3: {  	v22 =	vld [tilespmem:s17+$0xFFFFFFE0];
	v17 =	vmul.f32 v15, v29;
	[tilespmem:s23+$0x10] =	vst v20;
	v20 =	vadd.f32 v23, v8  }
0x1e4: {  	v19 =	vld [tilespmem:s19+$0xFFFFFFE0]  }
0x1e5: {  	v25 =	vld [tilespmem:s17+$0xFFFFFFF0];
	v17 =	vadd.f32 v17, v8;
	[tilespmem:s25+$0xFFFFFFF0] =	vst v20;
	v20 =	vmul.f32 v24, v27  }
0x1e6: {  	v24 =	vld [tilespmem:s19+$0xFFFFFFF0]  }
0x1e7: {  	[tilespmem:s25+$0x0] =	vst v17;
	v17 =	vadd.f32 v20, v9;
	v20 =	vld [tilespmem:s26+$0x10]  }
0x1e8: {  	s5 =	simm.s32 $0xEEE0;
	s17 =	simm.s32 $0x29A0;
	v28 =	vld [tilespmem:s19+$0x0]  }
0x1e9: {  	s16 =	simm.s32 $0x7860;
	v30 =	vld [tilespmem:s17+$0x10];
	v19 =	vmul.f32 v19, v16;
	[tilespmem:s5+$0x10] =	vst v17  }
0x1ea: {  	v17 =	vmul.f32 v22, v21;
	v22 =	vld [tilespmem:s16+$0x10]  }
0x1eb: {  	s4 =	simm.s32 $0x9FA0;
	v59 =	vld [tilespmem:s17+$0xFFFFFFF0];
	v19 =	vadd.f32 v19, v9  }
0x1ec: {  	v23 =	vld [tilespmem:s4+$0x10];
	v24 =	vmul.f32 v24, v14;
	v32 =	vadd.f32 v17, v10;
	v17 =	vmul.f32 v20, v20  }
0x1ed: {  	v29 =	vld [tilespmem:s26+$0xFFFFFFF0];
	v20 =	vmul.f32 v28, v15  }
0x1ee: {  	[tilespmem:s5+$0xFFFFFFE0] =	vst v19;
	v28 =	vld [tilespmem:s17+$0xFFFFFFE0];
	v24 =	vadd.f32 v24, v9;
	v30 =	vmul.f32 v17, v30  }
0x1ef: {  	v34 =	vld [tilespmem:s17+$0x0];
	[tilespmem:s23+$0xFFFFFFE0] =	vst v32;
	v19 =	vadd.f32 v20, v9;
	v20 =	vmul.f32 v22, v27  }
0x1f0: {  	v26 =	vmul.f32 v26, v12;
	[tilespmem:s5+$0xFFFFFFF0] =	vst v24;
	v22 =	vmul.f32 v25, v13;
	v25 =	vld [tilespmem:s16+$0xFFFFFFE0];
	v24 =	vadd.f32 v30, v8  }
0x1f1: {  	s24 =	simm.s32 $0xC7A0;
	v23 =	vmul.f32 v23, v18;
	v18 =	vmul.f32 v33, v33;
	[tilespmem:s5+$0x0] =	vst v19;
	v30 =	vld [tilespmem:s16+$0xFFFFFFF0];
	v60 =	vadd.f32 v20, v10  }
0x1f2: {  	s25 =	simm.s32 $0x5120;
	s19 =	simm.s32 $0x11660;
	v19 =	vmul.f32 v29, v29;
	v22 =	vadd.f32 v22, v10;
	[tilespmem:s24+$0x10] =	vst v24;
	v24 =	vld [tilespmem:s16+$0x0]  }
0x1f3: {  	s22 =	simm.s32 $0x9FE0;
	v26 =	vadd.f32 v26, v10;
	v20 =	vmul.f32 v31, v31;
	v28 =	vmul.f32 v18, v28;
	v29 =	vld [tilespmem:s25+$0x10];
	[tilespmem:s19+$0x10] =	vst v60  }
0x1f4: {  	v23 =	vadd.f32 v23, v11;
	[tilespmem:s23+$0xFFFFFFF0] =	vst v22;
	v22 =	vmul.f32 v19, v59;
	v31 =	vld [tilespmem:s22+$0x10]  }
0x1f5: {  	s20 =	simm.s32 $0x13DA0;
	[tilespmem:s23+$0x0] =	vst v26;
	v62 =	vld [tilespmem:s4+$0xFFFFFFE0];
	v61 =	vmul.f32 v20, v34;
	v28 =	vadd.f32 v28, v8  }
0x1f6: {  	[tilespmem:s20+$0x10] =	vst v23;
	v25 =	vmul.f32 v25, v16;
	v23 =	vld [tilespmem:s4+$0xFFFFFFF0];
	v26 =	vadd.f32 v22, v8  }
0x1f7: {  	v32 =	vadd.f32 v61, v8;
	v30 =	vmul.f32 v30, v14;
	[tilespmem:s24+$0xFFFFFFE0] =	vst v28;
	v22 =	vld [tilespmem:s4+$0x0]  }
0x1f8: {  	v63 =	vadd.f32 v25, v10;
	v25 =	vld [tilespmem:s25+$0xFFFFFFE0];
	v24 =	vmul.f32 v24, v15;
	[tilespmem:s24+$0xFFFFFFF0] =	vst v26;
	v35 =	vmul.f32 v29, v17  }
0x1f9: {  	s28 =	simm.s32 $0xE0;
	v28 =	vadd.f32 v30, v10;
	[tilespmem:s24+$0x0] =	vst v32;
	v26 =	vld [tilespmem:s25+$0xFFFFFFF0];
	v29 =	vmul.f32 v31, v27  }
0x1fa: {  	s26 =	simm.s32 $0x9FE0;
	v21 =	vmul.f32 v62, v21;
	s23 =	simm.s32 $0x13DA0;
	s4 =	simm.s32 $0x8;
	[tilespmem:s19+$0xFFFFFFE0] =	vst v63;
	v24 =	vadd.f32 v24, v10;
	v27 =	vld [tilespmem:s25+$0x0];
	v30 =	vadd.f32 v35, v9  }
.LBB2_10:
0x1fb: {  	v31 =	vld [tilespmem:s28+$0x10];
	[tilespmem:s19+$0xFFFFFFF0] =	vst v28;
	v28 =	vadd.f32 v29, v11;
	s5 =	sadd.s32 $0x40, s5;
	v23 =	vmul.f32 v23, v13;
	v13 =	vmovc v14;
	v14 =	vmov v19  }
0x1fc: {  	s4 =	sadd.s32 $0x4, s4;
	s17 =	sadd.s32 $0x40, s17;
	s20 =	sadd.s32 $0x40, s20;
	v19 =	vld [tilespmem:s28+$0xFFFFFFF0];
	[tilespmem:s5+$0x10] =	vst v30;
	v21 =	vadd.f32 v21, v11;
	v22 =	vmul.f32 v22, v12;
	v12 =	vmovc v15;
	v15 =	vmov v20  }
0x1fd: {  	s16 =	sadd.s32 $0x40, s16;
	p0 =	slt.u32 s4, $0x26C;
	v20 =	vld [tilespmem:s17+$0x10];
	v25 =	vmul.f32 v25, v18;
	[tilespmem:s20+$0x10] =	vst v28;
	v23 =	vadd.f32 v23, v11  }
0x1fe: {  	v26 =	vmul.f32 v26, v14;
	v28 =	vld [tilespmem:s16+$0x10];
	[tilespmem:s19+$0x0] =	vst v24;
	v22 =	vadd.f32 v22, v11  }
0x1ff: {  	v24 =	vld [tilespmem:s28+$0x0];
	v25 =	vadd.f32 v25, v9;
	v27 =	vmul.f32 v27, v15;
	[tilespmem:s23+$0xFFFFFFE0] =	vst v21  }
0x200: {  	v21 =	vld [tilespmem:s28+$0xFFFFFFE0];
	v30 =	vmul.f32 v31, v31;
	v26 =	vadd.f32 v26, v9;
	[tilespmem:s23+$0xFFFFFFF0] =	vst v23  }
0x201: {  	v23 =	vld [tilespmem:s17+$0xFFFFFFE0];
	v19 =	vmul.f32 v19, v19;
	[tilespmem:s5+$0xFFFFFFE0] =	vst v25;
	v25 =	vadd.f32 v27, v9  }
0x202: {  	v27 =	vld [tilespmem:s17+$0xFFFFFFF0];
	v29 =	vmul.f32 v30, v20;
	[tilespmem:s5+$0xFFFFFFF0] =	vst v26  }
0x203: {  	v26 =	vld [tilespmem:s17+$0x0];
	[tilespmem:s5+$0x0] =	vst v25;
	v25 =	vmul.f32 v28, v17  }
0x204: {  	v20 =	vmul.f32 v24, v24;
	v24 =	vadd.f32 v29, v8;
	v28 =	vld [tilespmem:s16+$0xFFFFFFE0];
	[tilespmem:s23+$0x0] =	vst v22;
	s23 =	smov.u32 s20  }
0x205: {  	s24 =	sadd.s32 $0x40, s24;
	v31 =	vmul.f32 v21, v21;
	v21 =	vld [tilespmem:s16+$0xFFFFFFF0];
	v22 =	vadd.f32 v25, v10  }
0x206: {  	s25 =	sadd.s32 $0x40, s25;
	s19 =	sadd.s32 $0x40, s19;
	[tilespmem:s24+$0x10] =	vst v24;
	v24 =	vld [tilespmem:s16+$0x0]  }
0x207: {  	s22 =	sadd.s32 $0x40, s22;
	v23 =	vmul.f32 v31, v23;
	v25 =	vmul.f32 v19, v27;
	v27 =	vld [tilespmem:s25+$0x10];
	[tilespmem:s19+$0x10] =	vst v22  }
0x208: {  	v22 =	vmul.f32 v20, v26;
	v29 =	vld [tilespmem:s22+$0x10]  }
0x209: {  	v26 =	vadd.f32 v23, v8;
	v32 =	vadd.f32 v25, v8;
	v25 =	vmul.f32 v28, v18;
	v33 =	vld [tilespmem:s26+$0xFFFFFFE0]  }
.Ltmp4:
0x20a: {  	v34 =	vadd.f32 v22, v8;
	v21 =	vmul.f32 v21, v14;
	v23 =	vld [tilespmem:s26+$0xFFFFFFF0];
	(pc) =	sbr.rel @p0 .LBB2_10-.Ltmp4, $4  }
0x20b: {  	[tilespmem:s24+$0xFFFFFFE0] =	vst v26;
	v35 =	vadd.f32 v25, v10;
	v24 =	vmul.f32 v24, v15;
	v22 =	vld [tilespmem:s26+$0x0];
	s26 =	smov.u32 s22  }
0x20c: {  	v25 =	vld [tilespmem:s25+$0xFFFFFFE0];
	[tilespmem:s24+$0xFFFFFFF0] =	vst v32;
	v32 =	vmul.f32 v27, v30;
	v28 =	vadd.f32 v21, v10  }
0x20d: {  	v26 =	vld [tilespmem:s25+$0xFFFFFFF0];
	[tilespmem:s24+$0x0] =	vst v34;
	v24 =	vadd.f32 v24, v10;
	v29 =	vmul.f32 v29, v17;
	v17 =	vmov v30  }
0x20e: {  	s28 =	sadd.s32 $0x40, s28;
	v27 =	vld [tilespmem:s25+$0x0];
	v30 =	vadd.f32 v32, v9;
	[tilespmem:s19+$0xFFFFFFE0] =	vst v35;
	v21 =	vmul.f32 v33, v16;
	v16 =	vmovc v18;
	v18 =	vmov v31  }
0x20f: {  	_ =	sdelay $0x1  }
0x210: {  	v25 =	vmul.f32 v25, v18  }
0x211: {  	s4 =	sadd.s32 $0x40, s5;
	v26 =	vmul.f32 v26, v19  }
0x212: {  	s28 =	sadd.s32 $0x40, s16;
	[tilespmem:s4+$0x10] =	vst v30;
	v25 =	vadd.f32 v25, v9;
	v27 =	vmul.f32 v27, v20  }
0x213: {  	v30 =	vld [tilespmem:s28+$0x10];
	v26 =	vadd.f32 v26, v9  }
0x214: {  	[tilespmem:s4+$0xFFFFFFE0] =	vst v25;
	v38 =	vadd.f32 v27, v9  }
0x215: {  	[tilespmem:s4+$0xFFFFFFF0] =	vst v26;
	v39 =	vld [tilespmem:s28+$0xFFFFFFE0]  }
0x216: {  	[tilespmem:s4+$0x0] =	vst v38;
	v41 =	vld [tilespmem:s28+$0xFFFFFFF0]  }
0x217: {  	v42 =	vld [tilespmem:s28+$0x0]  }
0x218: {  	v40 =	vmul.f32 v30, v17;
	_ =	sdelay $0x1  }
0x219: {  	[tilespmem:s19+$0xFFFFFFF0] =	vst v28;
	v25 =	vadd.f32 v40, v10;
	v43 =	vmul.f32 v39, v18  }
0x21a: {  	s16 =	sadd.s32 $0x40, s19;
	v29 =	vadd.f32 v29, v11;
	v45 =	vld [tilespmem:s26+$0xFFFFFFE0];
	[tilespmem:s19+$0x0] =	vst v24;
	v27 =	vmul.f32 v41, v19  }
0x21b: {  	s17 =	sadd.s32 $0x40, s22;
	s22 =	sadd.s32 $0x40, s20;
	v47 =	vld [tilespmem:s26+$0xFFFFFFF0];
	[tilespmem:s16+$0x10] =	vst v25;
	v25 =	vadd.f32 v43, v10;
	v46 =	vmul.f32 v42, v20  }
0x21c: {  	v48 =	vld [tilespmem:s26+$0x0];
	[tilespmem:s22+$0x10] =	vst v29;
	v27 =	vadd.f32 v27, v10  }
0x21d: {  	v13 =	vmul.f32 v23, v13;
	v44 =	vld [tilespmem:s17+$0x10];
	v29 =	vadd.f32 v46, v10;
	[tilespmem:s16+$0xFFFFFFE0] =	vst v25  }
0x21e: {  	v21 =	vadd.f32 v21, v11;
	v12 =	vmul.f32 v22, v12;
	[tilespmem:s16+$0xFFFFFFF0] =	vst v27;
	v49 =	vld [tilespmem:s17+$0xFFFFFFE0]  }
0x21f: {  	v13 =	vadd.f32 v13, v11;
	v16 =	vmul.f32 v45, v16;
	[tilespmem:s16+$0x0] =	vst v29;
	v51 =	vld [tilespmem:s17+$0xFFFFFFF0]  }
0x220: {  	v12 =	vadd.f32 v12, v11;
	[tilespmem:s23+$0xFFFFFFE0] =	vst v21;
	v14 =	vmul.f32 v47, v14;
	v52 =	vld [tilespmem:s17+$0x0]  }
0x221: {  	[tilespmem:s23+$0xFFFFFFF0] =	vst v13;
	v15 =	vmul.f32 v48, v15;
	v54 =	vadd.f32 v16, v11  }
0x222: {  	[tilespmem:s23+$0x0] =	vst v12;
	v55 =	vadd.f32 v14, v11;
	v50 =	vmul.f32 v44, v17  }
0x223: {  	v15 =	vadd.f32 v15, v11;
	[tilespmem:s22+$0xFFFFFFE0] =	vst v54;
	v56 =	vmul.f32 v49, v18  }
0x224: {  	[tilespmem:s22+$0xFFFFFFF0] =	vst v55;
	v53 =	vadd.f32 v50, v11;
	v57 =	vmul.f32 v51, v19  }
0x225: {  	s24 =	sadd.s32 $0x40, s22;
	[tilespmem:s22+$0x0] =	vst v15;
	v58 =	vadd.f32 v56, v11;
	v59 =	vmul.f32 v52, v20  }
0x226: {  	[tilespmem:s24+$0x10] =	vst v53;
	v12 =	vadd.f32 v57, v11  }
0x227: {  	v14 =	vadd.f32 v59, v11;
	[tilespmem:s24+$0xFFFFFFE0] =	vst v58  }
0x228: {  	[tilespmem:s24+$0xFFFFFFF0] =	vst v12  }
0x229: {  	[tilespmem:s24+$0x0] =	vst v14  }
0x22a: {  	v12 =	vld [tilespmem:$0x2700]  }
0x22b: {  	v13 =	vld [tilespmem:$0x5000]  }
0x22c: {  	v14 =	vld [tilespmem:$0x7780]  }
0x22d: {  	v15 =	vld [tilespmem:$0x9F00]  }
0x22e: {  	v60 =	vld [tilespmem:$0xC680]  }
0x22f: {  	v12 =	vmul.f32 v12, v12;
	_ =	sdelay $0x1  }
0x230: {  	v13 =	vmul.f32 v12, v13  }
0x231: {  	v14 =	vmul.f32 v14, v12  }
0x232: {  	v61 =	vmul.f32 v15, v12;
	v12 =	vmul.f32 v60, v12;
	v8 =	vadd.f32 v13, v8  }
0x233: {  	v62 =	vadd.f32 v14, v9  }
0x234: {  	v63 =	vadd.f32 v12, v11;
	[tilespmem:$0xEE00] =	vst v8  }
0x235: {  	v8 =	vadd.f32 v61, v10;
	[tilespmem:$0x11580] =	vst v62  }
0x236: {  	[tilespmem:$0x16480] =	vst v63  }
0x237: {  	s25 =	simm.s32 $0x16500;
	s16 =	simm.s32 $0x0;
	[tilespmem:$0x13D00] =	vst v8  }
0x238: {  	[tilespmem:s25], [sflag:$0x1] =	stream.linear.gather [hbm4b:s21+s16], $0xC80, $0x38;
	[tilespmem:$0x1B000] =	vst v63  }
0x239: {  	s26 =	simm.s32 $0x17E00  }
0x23a: {  	[tilespmem:s26], [sflag:$0x1] =	stream.linear.gather [hbm4b:s15+s16], $0xC80, $0x38;
	[tilespmem:$0x1B000] =	vst v63  }
0x23b: {  	s28 =	simm.s32 $0x19700  }
0x23c: {  	[tilespmem:s28], [sflag:$0x1] =	stream.linear.gather [hbm4b:s18+s16], $0xC80, $0x38;
	[tilespmem:$0x1B000] =	vst v63  }
.LBB2_12:
0x23d: {  	_ =	swait.ge [sflag:s6], $0xC80  }
0x23e: {  	[sflag:s6] =	ssyncset.done $0x0  }
0x23f: {  	[sflag:s6] =	ssyncadd.s32 $0xFFFFF380  }
0x240: {  	_ =	swait.ge [sflag:s6], $0xC80  }
0x241: {  	s5 =	smul.u32 $0x1900, s16;
	[sflag:s6] =	ssyncset.done $0x0  }
0x242: {  	[sflag:s6] =	ssyncadd.s32 $0xFFFFF380  }
0x243: {  	s4 =	sshrl.u32 s5, $0x3;
	_ =	swait.ge [sflag:s6], $0xC80  }
0x244: {  	s4 =	sadd.s32 $0x190, s4;
	[sflag:s6] =	ssyncset.done $0x0  }
0x245: {  	s17 =	sadd.s32 s21, s4;
	[sflag:s6] =	ssyncadd.s32 $0xFFFFF380  }
0x246: {  	[tilespmem:s7], [sflag:$0x2] =	stream.linear.gather [hbm4b:s17+s1], $0xC80, $0x38;
	[tilespmem:$0x1B000] =	vst v63  }
0x247: {  	s26 =	sadd.s32 s15, s4  }
0x248: {  	[tilespmem:s8], [sflag:$0x2] =	stream.linear.gather [hbm4b:s26+s1], $0xC80, $0x38;
	[tilespmem:$0x1B000] =	vst v63  }
0x249: {  	s28 =	simm.s32 $0x16520;
	s4 =	sadd.s32 s18, s4  }
0x24a: {  	[tilespmem:s9], [sflag:$0x2] =	stream.linear.gather [hbm4b:s4+s1], $0xC80, $0x38;
	[tilespmem:$0x1B000] =	vst v63  }
0x24b: {  	v17 =	vld [tilespmem:s28+$0x10];
	_ =	sdelay $0x2  }
0x24c: {  	v8 =	vld [tilespmem:s28+$0xFFFFFFF0]  }
0x24d: {  	v10 =	vld [tilespmem:s28+$0xFFFFFFE0]  }
0x24e: {  	s17 =	simm.s32 $0x17E20;
	v9 =	vld [tilespmem:s28+$0x0]  }
0x24f: {  	s19 =	simm.s32 $0x19720;
	v19 =	vld [tilespmem:s17+$0x10]  }
0x250: {  	v18 =	vld [tilespmem:s19+$0x10]  }
0x251: {  	v12 =	vld.idx.msk [tilespmem:v17+s30+$0x0], $0xffff  }
0x252: {  	v11 =	vld [tilespmem:s19+$0xFFFFFFE0]  }
0x253: {  	v14 =	vld [tilespmem:s17+$0xFFFFFFF0]  }
0x254: {  	v15 =	vld [tilespmem:s17+$0x0]  }
0x255: {  	v16 =	vld [tilespmem:s19+$0x0]  }
0x256: {  	v20 =	vld.idx.msk [tilespmem:v8+s30+$0x0], $0xffff;
	v13 =	vmul.f32 v12, v18  }
0x257: {  	v22 =	vld.idx.msk [tilespmem:v9+s30+$0x0], $0xffff  }
0x258: {  	[tilespmem:v19+s10+$0x0] =	vst.idx.add.f32.msk $0xffff, v13  }
0x259: {  	v23 =	vld.idx.msk [tilespmem:v17+s31+$0x0], $0xffff  }
0x25a: {  	v12 =	vld [tilespmem:s19+$0xFFFFFFF0]  }
0x25b: {  	v13 =	vld [tilespmem:s17+$0xFFFFFFE0]  }
0x25c: {  	v21 =	vld.idx.msk [tilespmem:v10+s30+$0x0], $0xffff  }
0x25d: {  	v22 =	vmul.f32 v22, v16  }
0x25e: {  	v23 =	vmul.f32 v23, v18  }
0x25f: {  	[tilespmem:v15+s10+$0x0] =	vst.idx.add.f32.msk $0xffff, v22  }
0x260: {  	v20 =	vmul.f32 v20, v12;
	[tilespmem:v19+s3+$0x0] =	vst.idx.add.f32.msk $0xffff, v23  }
0x261: {  	v21 =	vmul.f32 v21, v11;
	v23 =	vld.idx.msk [tilespmem:v17+s14+$0x0], $0xffff  }
0x262: {  	[tilespmem:v14+s10+$0x0] =	vst.idx.add.f32.msk $0xffff, v20  }
0x263: {  	[tilespmem:v13+s10+$0x0] =	vst.idx.add.f32.msk $0xffff, v21  }
0x264: {  	v20 =	vld.idx.msk [tilespmem:v10+s31+$0x0], $0xffff  }
0x265: {  	v63 =	vld.idx.msk [tilespmem:v8+s31+$0x0], $0xffff  }
0x266: {  	v22 =	vld.idx.msk [tilespmem:v9+s31+$0x0], $0xffff;
	v23 =	vmul.f32 v23, v18;
	_ =	sdelay $0x1  }
0x267: {  	[tilespmem:v19+s11+$0x0] =	vst.idx.add.f32.msk $0xffff, v23  }
0x268: {  	v23 =	vld.idx.msk [tilespmem:v17+s0+$0x0], $0xffff;
	v17 =	vmul.f32 v20, v11  }
0x269: {  	v20 =	vmul.f32 v63, v12  }
0x26a: {  	[tilespmem:v13+s3+$0x0] =	vst.idx.add.f32.msk $0xffff, v17;
	v17 =	vmul.f32 v22, v16  }
0x26b: {  	[tilespmem:v14+s3+$0x0] =	vst.idx.add.f32.msk $0xffff, v20  }
0x26c: {  	[tilespmem:v15+s3+$0x0] =	vst.idx.add.f32.msk $0xffff, v17  }
0x26d: {  	v17 =	vld.idx.msk [tilespmem:v10+s14+$0x0], $0xffff;
	v20 =	vmul.f32 v23, v18  }
0x26e: {  	v18 =	vld.idx.msk [tilespmem:v8+s14+$0x0], $0xffff  }
0x26f: {  	s20 =	simm.s32 $0x16560;
	s4 =	simm.s32 $0x0;
	[tilespmem:v19+s12+$0x0] =	vst.idx.add.f32.msk $0xffff, v20  }
.LBB2_13:
0x270: {  	v19 =	vld [tilespmem:s20+$0x10];
	s4 =	sadd.s32 $0x4, s4  }
0x271: {  	v20 =	vld [tilespmem:s20+$0xFFFFFFF0];
	p0 =	slt.u32 s4, $0xC4  }
0x272: {  	v21 =	vld [tilespmem:s20+$0x0]  }
0x273: {  	v17 =	vmul.f32 v17, v11;
	v22 =	vld [tilespmem:s20+$0xFFFFFFE0]  }
0x274: {  	v18 =	vmul.f32 v18, v12;
	v23 =	vld.idx.msk [tilespmem:v9+s14+$0x0], $0xffff  }
0x275: {  	[tilespmem:v13+s11+$0x0] =	vst.idx.add.f32.msk $0xffff, v17  }
0x276: {  	s17 =	sadd.s32 $0x40, s17;
	[tilespmem:v14+s11+$0x0] =	vst.idx.add.f32.msk $0xffff, v18  }
0x277: {  	v24 =	vld [tilespmem:s17+$0x10]  }
0x278: {  	s19 =	sadd.s32 $0x40, s19;
	v17 =	vld.idx.msk [tilespmem:v19+s30+$0x0], $0xffff  }
0x279: {  	v18 =	vld [tilespmem:s19+$0x10]  }
0x27a: {  	v23 =	vmul.f32 v23, v16;
	v25 =	vld.idx.msk [tilespmem:v20+s30+$0x0], $0xffff  }
0x27b: {  	v26 =	vld.idx.msk [tilespmem:v22+s30+$0x0], $0xffff  }
0x27c: {  	v27 =	vld.idx.msk [tilespmem:v21+s30+$0x0], $0xffff  }
0x27d: {  	v28 =	vld [tilespmem:s19+$0xFFFFFFE0]  }
0x27e: {  	v29 =	vld [tilespmem:s19+$0xFFFFFFF0];
	v17 =	vmul.f32 v17, v18  }
0x27f: {  	v30 =	vld [tilespmem:s19+$0x0]  }
0x280: {  	[tilespmem:v24+s10+$0x0] =	vst.idx.add.f32.msk $0xffff, v17  }
0x281: {  	v17 =	vld.idx.msk [tilespmem:v19+s31+$0x0], $0xffff  }
0x282: {  	v31 =	vld [tilespmem:s17+$0xFFFFFFE0];
	v26 =	vmul.f32 v26, v28  }
0x283: {  	v32 =	vld [tilespmem:s17+$0xFFFFFFF0];
	v25 =	vmul.f32 v25, v29  }
0x284: {  	v33 =	vld [tilespmem:s17+$0x0];
	v27 =	vmul.f32 v27, v30  }
0x285: {  	[tilespmem:v15+s11+$0x0] =	vst.idx.add.f32.msk $0xffff, v23  }
0x286: {  	v23 =	vld.idx.msk [tilespmem:v10+s0+$0x0], $0xffff;
	v10 =	vmov v22  }
0x287: {  	v17 =	vmul.f32 v17, v18;
	v22 =	vld.idx.msk [tilespmem:v8+s0+$0x0], $0xffff;
	v8 =	vmov v20  }
0x288: {  	v20 =	vld.idx.msk [tilespmem:v9+s0+$0x0], $0xffff;
	v9 =	vmov v21  }
0x289: {  	[tilespmem:v24+s3+$0x0] =	vst.idx.add.f32.msk $0xffff, v17  }
0x28a: {  	v17 =	vld.idx.msk [tilespmem:v19+s14+$0x0], $0xffff  }
0x28b: {  	[tilespmem:v31+s10+$0x0] =	vst.idx.add.f32.msk $0xffff, v26  }
0x28c: {  	v21 =	vmul.f32 v23, v11;
	v11 =	vmov v28;
	[tilespmem:v32+s10+$0x0] =	vst.idx.add.f32.msk $0xffff, v25  }
0x28d: {  	v22 =	vmul.f32 v22, v12;
	v12 =	vmov v29;
	[tilespmem:v33+s10+$0x0] =	vst.idx.add.f32.msk $0xffff, v27  }
0x28e: {  	v20 =	vmul.f32 v20, v16;
	v16 =	vmov v30;
	v23 =	vld.idx.msk [tilespmem:v10+s31+$0x0], $0xffff  }
0x28f: {  	v25 =	vld.idx.msk [tilespmem:v8+s31+$0x0], $0xffff  }
0x290: {  	v17 =	vmul.f32 v17, v18;
	v26 =	vld.idx.msk [tilespmem:v9+s31+$0x0], $0xffff  }
0x291: {  	[tilespmem:v13+s12+$0x0] =	vst.idx.add.f32.msk $0xffff, v21;
	v13 =	vmov v31  }
0x292: {  	[tilespmem:v24+s11+$0x0] =	vst.idx.add.f32.msk $0xffff, v17  }
0x293: {  	v19 =	vld.idx.msk [tilespmem:v19+s0+$0x0], $0xffff  }
0x294: {  	v17 =	vmul.f32 v23, v11;
	[tilespmem:v14+s12+$0x0] =	vst.idx.add.f32.msk $0xffff, v22;
	v14 =	vmov v32  }
0x295: {  	v21 =	vmul.f32 v25, v12;
	[tilespmem:v15+s12+$0x0] =	vst.idx.add.f32.msk $0xffff, v20;
	v15 =	vmov v33  }
0x296: {  	[tilespmem:v31+s3+$0x0] =	vst.idx.add.f32.msk $0xffff, v17;
	v17 =	vmul.f32 v26, v16  }
.Ltmp5:
0x297: {  	[tilespmem:v32+s3+$0x0] =	vst.idx.add.f32.msk $0xffff, v21;
	(pc) =	sbr.rel @p0 .LBB2_13-.Ltmp5, $4  }
0x298: {  	[tilespmem:v33+s3+$0x0] =	vst.idx.add.f32.msk $0xffff, v17  }
0x299: {  	v19 =	vmul.f32 v19, v18;
	v17 =	vld.idx.msk [tilespmem:v10+s14+$0x0], $0xffff  }
0x29a: {  	v18 =	vld.idx.msk [tilespmem:v8+s14+$0x0], $0xffff  }
0x29b: {  	s20 =	sadd.s32 $0x40, s20;
	[tilespmem:v24+s12+$0x0] =	vst.idx.add.f32.msk $0xffff, v19  }
0x29c: {  	_ =	sdelay $0x3  }
0x29d: {  	v19 =	vld.idx.msk [tilespmem:v9+s14+$0x0], $0xffff  }
0x29e: {  	v17 =	vmul.f32 v17, v11  }
0x29f: {  	v18 =	vmul.f32 v18, v12  }
0x2a0: {  	[tilespmem:v13+s11+$0x0] =	vst.idx.add.f32.msk $0xffff, v17  }
0x2a1: {  	[tilespmem:v14+s11+$0x0] =	vst.idx.add.f32.msk $0xffff, v18  }
0x2a2: {  	v17 =	vmul.f32 v19, v16;
	v10 =	vld.idx.msk [tilespmem:v10+s0+$0x0], $0xffff  }
0x2a3: {  	v8 =	vld.idx.msk [tilespmem:v8+s0+$0x0], $0xffff  }
0x2a4: {  	[tilespmem:v15+s11+$0x0] =	vst.idx.add.f32.msk $0xffff, v17  }
0x2a5: {  	v9 =	vld.idx.msk [tilespmem:v9+s0+$0x0], $0xffff;
	_ =	sdelay $0x2  }
0x2a6: {  	v10 =	vmul.f32 v10, v11  }
0x2a7: {  	v8 =	vmul.f32 v8, v12  }
0x2a8: {  	[tilespmem:v13+s12+$0x0] =	vst.idx.add.f32.msk $0xffff, v10;
	v9 =	vmul.f32 v9, v16  }
0x2a9: {  	[tilespmem:v14+s12+$0x0] =	vst.idx.add.f32.msk $0xffff, v8  }
0x2aa: {  	[tilespmem:v15+s12+$0x0] =	vst.idx.add.f32.msk $0xffff, v9  }
0x2ab: {  	_ =	swait.ge [sflag:s13], $0xC80  }
0x2ac: {  	[sflag:s13] =	ssyncset.done $0x0  }
0x2ad: {  	[sflag:s13] =	ssyncadd.s32 $0xFFFFF380  }
0x2ae: {  	_ =	swait.ge [sflag:s13], $0xC80  }
0x2af: {  	[sflag:s13] =	ssyncset.done $0x0  }
0x2b0: {  	p0 =	seq.s32 s16, $0x31;
	[sflag:s13] =	ssyncadd.s32 $0xFFFFF380  }
0x2b1: {  	s4 =	sshrl.u32 @!p0 s5, $0x3;
	_ =	swait.ge [sflag:s13], $0xC80  }
0x2b2: {  	s17 =	simm.s32 @!p0 $0x0;
	s4 =	sadd.s32 @!p0 $0x320, s4;
	[sflag:s13] =	ssyncset.done $0x0  }
0x2b3: {  	s19 =	simm.s32 @!p0 $0x16500;
	s5 =	sadd.s32 @!p0 s21, s4;
	[sflag:s13] =	ssyncadd.s32 $0xFFFFF380  }
0x2b4: {  	[tilespmem:s19], [sflag:$0x1] =	stream.linear.gather @!p0 [hbm4b:s5+s17], $0xC80, $0x38;
	[tilespmem:$0x1B000] =	vst v63  }
0x2b5: {  	s5 =	sadd.s32 @!p0 s15, s4;
	s19 =	simm.s32 @!p0 $0x17E00  }
0x2b6: {  	[tilespmem:s19], [sflag:$0x1] =	stream.linear.gather @!p0 [hbm4b:s5+s17], $0xC80, $0x38;
	[tilespmem:$0x1B000] =	vst v63  }
0x2b7: {  	s28 =	simm.s32 $0x171A0;
	s4 =	sadd.s32 @!p0 s18, s4;
	s5 =	simm.s32 @!p0 $0x19700  }
0x2b8: {  	[tilespmem:s5], [sflag:$0x1] =	stream.linear.gather @!p0 [hbm4b:s4+s17], $0xC80, $0x38;
	[tilespmem:$0x1B000] =	vst v63  }
0x2b9: {  	v17 =	vld [tilespmem:s28+$0x10];
	_ =	sdelay $0x4  }
0x2ba: {  	s5 =	simm.s32 $0x18AA0;
	v10 =	vld [tilespmem:s28+$0xFFFFFFE0]  }
0x2bb: {  	s17 =	simm.s32 $0x1A3A0;
	v19 =	vld [tilespmem:s5+$0x10]  }
0x2bc: {  	v18 =	vld [tilespmem:s17+$0x10]  }
0x2bd: {  	v12 =	vld.idx.msk [tilespmem:v17+s30+$0x0], $0xffff  }
0x2be: {  	v8 =	vld [tilespmem:s28+$0xFFFFFFF0]  }
0x2bf: {  	v9 =	vld [tilespmem:s28+$0x0]  }
0x2c0: {  	v11 =	vld [tilespmem:s17+$0xFFFFFFE0]  }
0x2c1: {  	v13 =	vld [tilespmem:s17+$0xFFFFFFF0]  }
0x2c2: {  	v15 =	vld [tilespmem:s5+$0xFFFFFFE0];
	v12 =	vmul.f32 v12, v18  }
0x2c3: {  	v21 =	vld.idx.msk [tilespmem:v10+s30+$0x0], $0xffff  }
0x2c4: {  	[tilespmem:v19+s10+$0x0] =	vst.idx.add.f32.msk $0xffff, v12  }
0x2c5: {  	v23 =	vld.idx.msk [tilespmem:v17+s31+$0x0], $0xffff  }
0x2c6: {  	v14 =	vld [tilespmem:s5+$0xFFFFFFF0]  }
0x2c7: {  	v20 =	vld.idx.msk [tilespmem:v8+s30+$0x0], $0xffff  }
0x2c8: {  	v16 =	vld [tilespmem:s17+$0x0]  }
0x2c9: {  	v21 =	vmul.f32 v21, v11;
	v12 =	vld [tilespmem:s5+$0x0]  }
0x2ca: {  	v22 =	vld.idx.msk [tilespmem:v9+s30+$0x0], $0xffff;
	v23 =	vmul.f32 v23, v18  }
0x2cb: {  	[tilespmem:v15+s10+$0x0] =	vst.idx.add.f32.msk $0xffff, v21  }
0x2cc: {  	v20 =	vmul.f32 v20, v13;
	[tilespmem:v19+s3+$0x0] =	vst.idx.add.f32.msk $0xffff, v23  }
0x2cd: {  	v23 =	vld.idx.msk [tilespmem:v17+s14+$0x0], $0xffff  }
0x2ce: {  	[tilespmem:v14+s10+$0x0] =	vst.idx.add.f32.msk $0xffff, v20  }
0x2cf: {  	v22 =	vmul.f32 v22, v16;
	v20 =	vld.idx.msk [tilespmem:v10+s31+$0x0], $0xffff  }
0x2d0: {  	v63 =	vld.idx.msk [tilespmem:v8+s31+$0x0], $0xffff  }
0x2d1: {  	[tilespmem:v12+s10+$0x0] =	vst.idx.add.f32.msk $0xffff, v22  }
0x2d2: {  	v22 =	vld.idx.msk [tilespmem:v9+s31+$0x0], $0xffff;
	v23 =	vmul.f32 v23, v18;
	_ =	sdelay $0x1  }
0x2d3: {  	[tilespmem:v19+s11+$0x0] =	vst.idx.add.f32.msk $0xffff, v23  }
0x2d4: {  	v23 =	vld.idx.msk [tilespmem:v17+s0+$0x0], $0xffff;
	v17 =	vmul.f32 v20, v11  }
0x2d5: {  	v20 =	vmul.f32 v63, v13  }
0x2d6: {  	[tilespmem:v15+s3+$0x0] =	vst.idx.add.f32.msk $0xffff, v17;
	v17 =	vmul.f32 v22, v16  }
0x2d7: {  	[tilespmem:v14+s3+$0x0] =	vst.idx.add.f32.msk $0xffff, v20  }
0x2d8: {  	[tilespmem:v12+s3+$0x0] =	vst.idx.add.f32.msk $0xffff, v17  }
0x2d9: {  	v17 =	vld.idx.msk [tilespmem:v10+s14+$0x0], $0xffff;
	v20 =	vmul.f32 v23, v18  }
0x2da: {  	v18 =	vld.idx.msk [tilespmem:v8+s14+$0x0], $0xffff  }
0x2db: {  	s19 =	simm.s32 $0x171E0;
	s4 =	simm.s32 $0x0;
	[tilespmem:v19+s12+$0x0] =	vst.idx.add.f32.msk $0xffff, v20  }
.LBB2_15:
0x2dc: {  	v19 =	vld [tilespmem:s19+$0x10];
	s4 =	sadd.s32 $0x4, s4  }
0x2dd: {  	v20 =	vld [tilespmem:s19+$0xFFFFFFF0];
	p0 =	slt.u32 s4, $0xC4  }
0x2de: {  	v21 =	vld [tilespmem:s19+$0x0]  }
0x2df: {  	v17 =	vmul.f32 v17, v11;
	v22 =	vld [tilespmem:s19+$0xFFFFFFE0]  }
0x2e0: {  	v18 =	vmul.f32 v18, v13;
	v23 =	vld.idx.msk [tilespmem:v9+s14+$0x0], $0xffff  }
0x2e1: {  	[tilespmem:v15+s11+$0x0] =	vst.idx.add.f32.msk $0xffff, v17  }
0x2e2: {  	s5 =	sadd.s32 $0x40, s5;
	[tilespmem:v14+s11+$0x0] =	vst.idx.add.f32.msk $0xffff, v18  }
0x2e3: {  	v24 =	vld [tilespmem:s5+$0x10]  }
0x2e4: {  	s17 =	sadd.s32 $0x40, s17;
	v17 =	vld.idx.msk [tilespmem:v19+s30+$0x0], $0xffff  }
0x2e5: {  	v18 =	vld [tilespmem:s17+$0x10]  }
0x2e6: {  	v23 =	vmul.f32 v23, v16;
	v25 =	vld.idx.msk [tilespmem:v20+s30+$0x0], $0xffff  }
0x2e7: {  	v26 =	vld.idx.msk [tilespmem:v22+s30+$0x0], $0xffff  }
0x2e8: {  	v27 =	vld.idx.msk [tilespmem:v21+s30+$0x0], $0xffff  }
0x2e9: {  	v28 =	vld [tilespmem:s17+$0xFFFFFFE0]  }
0x2ea: {  	v29 =	vld [tilespmem:s17+$0xFFFFFFF0];
	v17 =	vmul.f32 v17, v18  }
0x2eb: {  	v30 =	vld [tilespmem:s17+$0x0]  }
0x2ec: {  	[tilespmem:v24+s10+$0x0] =	vst.idx.add.f32.msk $0xffff, v17  }
0x2ed: {  	v17 =	vld.idx.msk [tilespmem:v19+s31+$0x0], $0xffff  }
0x2ee: {  	v31 =	vld [tilespmem:s5+$0xFFFFFFE0];
	v26 =	vmul.f32 v26, v28  }
0x2ef: {  	v32 =	vld [tilespmem:s5+$0xFFFFFFF0];
	v25 =	vmul.f32 v25, v29  }
0x2f0: {  	v33 =	vld [tilespmem:s5+$0x0];
	v27 =	vmul.f32 v27, v30  }
0x2f1: {  	[tilespmem:v12+s11+$0x0] =	vst.idx.add.f32.msk $0xffff, v23  }
0x2f2: {  	v23 =	vld.idx.msk [tilespmem:v10+s0+$0x0], $0xffff;
	v10 =	vmov v22  }
0x2f3: {  	v17 =	vmul.f32 v17, v18;
	v22 =	vld.idx.msk [tilespmem:v8+s0+$0x0], $0xffff;
	v8 =	vmov v20  }
0x2f4: {  	v20 =	vld.idx.msk [tilespmem:v9+s0+$0x0], $0xffff;
	v9 =	vmov v21  }
0x2f5: {  	[tilespmem:v24+s3+$0x0] =	vst.idx.add.f32.msk $0xffff, v17  }
0x2f6: {  	v17 =	vld.idx.msk [tilespmem:v19+s14+$0x0], $0xffff  }
0x2f7: {  	[tilespmem:v31+s10+$0x0] =	vst.idx.add.f32.msk $0xffff, v26  }
0x2f8: {  	v21 =	vmul.f32 v23, v11;
	v11 =	vmov v28;
	[tilespmem:v32+s10+$0x0] =	vst.idx.add.f32.msk $0xffff, v25  }
0x2f9: {  	v22 =	vmul.f32 v22, v13;
	v13 =	vmov v29;
	[tilespmem:v33+s10+$0x0] =	vst.idx.add.f32.msk $0xffff, v27  }
0x2fa: {  	v20 =	vmul.f32 v20, v16;
	v16 =	vmov v30;
	v23 =	vld.idx.msk [tilespmem:v10+s31+$0x0], $0xffff  }
0x2fb: {  	v25 =	vld.idx.msk [tilespmem:v8+s31+$0x0], $0xffff  }
0x2fc: {  	v17 =	vmul.f32 v17, v18;
	v26 =	vld.idx.msk [tilespmem:v9+s31+$0x0], $0xffff  }
0x2fd: {  	[tilespmem:v15+s12+$0x0] =	vst.idx.add.f32.msk $0xffff, v21;
	v15 =	vmov v31  }
0x2fe: {  	[tilespmem:v24+s11+$0x0] =	vst.idx.add.f32.msk $0xffff, v17  }
0x2ff: {  	v19 =	vld.idx.msk [tilespmem:v19+s0+$0x0], $0xffff  }
0x300: {  	v17 =	vmul.f32 v23, v11;
	[tilespmem:v14+s12+$0x0] =	vst.idx.add.f32.msk $0xffff, v22;
	v14 =	vmov v32  }
0x301: {  	v21 =	vmul.f32 v25, v13;
	[tilespmem:v12+s12+$0x0] =	vst.idx.add.f32.msk $0xffff, v20;
	v12 =	vmov v33  }
0x302: {  	[tilespmem:v31+s3+$0x0] =	vst.idx.add.f32.msk $0xffff, v17;
	v17 =	vmul.f32 v26, v16  }
.Ltmp6:
0x303: {  	[tilespmem:v32+s3+$0x0] =	vst.idx.add.f32.msk $0xffff, v21;
	(pc) =	sbr.rel @p0 .LBB2_15-.Ltmp6, $4  }
0x304: {  	[tilespmem:v33+s3+$0x0] =	vst.idx.add.f32.msk $0xffff, v17  }
0x305: {  	v19 =	vmul.f32 v19, v18;
	v17 =	vld.idx.msk [tilespmem:v10+s14+$0x0], $0xffff  }
0x306: {  	v18 =	vld.idx.msk [tilespmem:v8+s14+$0x0], $0xffff  }
0x307: {  	s19 =	sadd.s32 $0x40, s19;
	[tilespmem:v24+s12+$0x0] =	vst.idx.add.f32.msk $0xffff, v19  }
0x308: {  	_ =	sdelay $0x3  }
0x309: {  	v19 =	vld.idx.msk [tilespmem:v9+s14+$0x0], $0xffff  }
0x30a: {  	v17 =	vmul.f32 v17, v11  }
0x30b: {  	v18 =	vmul.f32 v18, v13  }
0x30c: {  	[tilespmem:v15+s11+$0x0] =	vst.idx.add.f32.msk $0xffff, v17  }
0x30d: {  	[tilespmem:v14+s11+$0x0] =	vst.idx.add.f32.msk $0xffff, v18  }
0x30e: {  	v62 =	vmul.f32 v19, v16;
	v10 =	vld.idx.msk [tilespmem:v10+s0+$0x0], $0xffff  }
0x30f: {  	v8 =	vld.idx.msk [tilespmem:v8+s0+$0x0], $0xffff  }
0x310: {  	[tilespmem:v12+s11+$0x0] =	vst.idx.add.f32.msk $0xffff, v62  }
0x311: {  	v63 =	vld.idx.msk [tilespmem:v9+s0+$0x0], $0xffff  }
0x312: {  	s16 =	sadd.s32 $0x1, s16  }
0x313: {  	p0 =	sne.s32 s16, $0x32  }
.Ltmp7:
0x314: {  	v10 =	vmul.f32 v10, v11;
	(pc) =	sbr.rel @p0 .LBB2_12-.Ltmp7, $4  }
0x315: {  	v8 =	vmul.f32 v8, v13  }
0x316: {  	[tilespmem:v15+s12+$0x0] =	vst.idx.add.f32.msk $0xffff, v10;
	v9 =	vmul.f32 v63, v16  }
0x317: {  	[tilespmem:v14+s12+$0x0] =	vst.idx.add.f32.msk $0xffff, v8  }
0x318: {  	[tilespmem:v12+s12+$0x0] =	vst.idx.add.f32.msk $0xffff, v9  }
0x319: {  	s4 =	rddreg [dreg:$0x10];
	s17 =	simm.s32 $0x80  }
0x31a: {  	[hbm4b:s4+s17] =	stream.strided.scatter [tilespmem:s10], [sflag:$0x3], $0x2780, s29, s17, $0x38;
	[tilespmem:$0x1B000] =	vst v63  }
0x31b: {  	s24 =	rddreg [dreg:$0x11]  }
0x31c: {  	[hbm4b:s24+s17] =	stream.strided.scatter [tilespmem:s3], [sflag:$0x3], $0x2780, s29, s17, $0x38;
	[tilespmem:$0x1B000] =	vst v63  }
0x31d: {  	s25 =	rddreg [dreg:$0x12]  }
0x31e: {  	[hbm4b:s25+s17] =	stream.strided.scatter [tilespmem:s11], [sflag:$0x3], $0x2780, s29, s17, $0x38;
	[tilespmem:$0x1B000] =	vst v63  }
0x31f: {  	s26 =	rddreg [dreg:$0x13]  }
0x320: {  	[hbm4b:s26+s17] =	stream.strided.scatter [tilespmem:s12], [sflag:$0x3], $0x2780, s29, s17, $0x38;
	[tilespmem:$0x1B000] =	vst v63  }
0x321: {  	_ =	swait.ge [sflag:s2], $0x2780  }
0x322: {  	[sflag:s2] =	ssyncset.done $0x0  }
0x323: {  	[sflag:s2] =	ssyncadd.s32 $0xFFFFD880  }
0x324: {  	_ =	swait.ge [sflag:s2], $0x2780  }
0x325: {  	[sflag:s2] =	ssyncset.done $0x0  }
0x326: {  	[sflag:s2] =	ssyncadd.s32 $0xFFFFD880  }
0x327: {  	_ =	swait.ge [sflag:s2], $0x2780  }
0x328: {  	[sflag:s2] =	ssyncset.done $0x0  }
0x329: {  	[sflag:s2] =	ssyncadd.s32 $0xFFFFD880  }
0x32a: {  	_ =	swait.ge [sflag:s2], $0x2780  }
0x32b: {  	s5 =	rddreg [dreg:$0x17]  }
0x32c: {  	s28 =	rddreg [dreg:$0x16];
	s5 =	sadd.s32 $0x1, s5  }
0x32d: {  	p0 =	sne.s32 s5, s28  }
.Ltmp8:
0x32e: {  	_ = 	snop;
	(pc) =	sbr.rel @p0 .LBB2_1-.Ltmp8, $3  }
0x32f: {  	_ =	sdelay $0x1  }
0x330: {  	[sflag:s2] =	ssyncset.done $0x0  }
0x331: {  	[sflag:s2] =	ssyncadd.s32 $0xFFFFD880  }
0x332: {  	_ =	sfence.sel $0x180000  }
0x333: {  	[bflag:$0x0] =	sbarrier.arrive $0xFFFF  }
0x334: {  	_ =	strace $0x90000050  }
0x335: {  	s0 =	stileid.u32;
	[bflag:$0x2] =	sbarrier.arrive $0xFFFF  }
0x336: {  	p0 =	sne.s32 s0, $0x0;
	s0 =	rddreg [dreg:$0x3]  }
0x337: {  	s0 =	sadd.s32 @!p0 $0x100000, s0  }
0x338: {  	[sflag:s0] =	ssyncadd.tile.s32 @!p0 $0x1;
	_ =	shalt  }
.Lfunc_end2:
_tile_overlayer_lowered:
.L_overlay_start_2:
0x339: {  	(tag) =	ssettag $0x2  }
0x33a: {  	s0 =	rddreg [dreg:$0x0];
	s2 =	stileid.u32  }
0x33b: {  	s1 =	rddreg [dreg:$0x1];
	p0 =	sne.s32 s2, $0x0  }
0x33c: {  	s3 =	rddreg [dreg:$0x2];
	[bflag:$0x3] =	sbarrier.arrive $0xFFFF;
	s2 =	simm.s32 @!p0 $0x1C04  }
0x33d: {  	[timem:s3], [sflag:s2] =	dma.local @!p0 [hbm:s0], s1  }
0x33e: {  	s0 =	simm.s32 @!p0 $0x4  }
0x33f: {  	_ =	swait.ge @!p0 [sflag:s0], s1  }
0x340: {  	s1 =	ssub.s32 @!p0 $0x0, s1;
	[sflag:s0] =	ssyncset.done @!p0 $0x0  }
0x341: {  	[sflag:s0] =	ssyncadd.s32 @!p0 s1  }
0x342: {  	[bflag:$0x3] =	sbarrier.arrive $0xFFFF  }
0x343: {  	_ =	shalt  }

// kernel: kernel.9.cloned.1.call-start
scs
__scs_entry_jumppad:
0x0: {  	(pc) =	sbr.rel $0x88, $3  }
0x1: {  	(tag) =	ssettag $0x0;
	lr =	simm.s32 $0x1  }
0x2: {  	[smem:$0x3F98] =	sst lr;
	_ =	strace $0xD0000000  }
0x3: {  	_ = 	snop  }
0x4: {  	_ = 	snop  }
0x5: {  	_ = 	snop  }
0x6: {  	_ = 	snop  }
0x7: {  	_ = 	snop  }
__scs_overlays_trampoline_lowered:
0x8: {  	[smem:$0x3FA7] =	sst s0  }
0x9: {  	[smem:$0x3FA8] =	sst s1  }
0xa: {  	[smem:$0x3FA9] =	sst s2  }
0xb: {  	[smem:$0x3FAA] =	sst s3  }
0xc: {  	[smem:$0x3FAB] =	sst s4  }
0xd: {  	[smem:$0x3FAC] =	sst s5  }
0xe: {  	[smem:$0x3FAD] =	sst s6  }
0xf: {  	[smem:$0x3FAE] =	sst s7  }
0x10: {  	[smem:$0x3FAF] =	sst s8  }
0x11: {  	[smem:$0x3FB0] =	sst s9;
	s0 =	simm.s32 @!p0 $0x0  }
0x12: {  	s1 =	sld [smem:$0x3F96];
	s0 =	simm.s32 @p0 $0x1  }
0x13: {  	[smem:$0x3FB1] =	sst s0;
	s0 =	simm.s32 @!p1 $0x0  }
0x14: {  	s2 =	sld [smem:$0x3F95];
	s0 =	simm.s32 @p1 $0x1  }
0x15: {  	[smem:$0x3FB2] =	sst s0;
	s0 =	simm.s32 @!p2 $0x0  }
0x16: {  	s3 =	sld [smem:$0x3FDB];
	s0 =	simm.s32 @p2 $0x1  }
0x17: {  	s4 =	simm.s32 $0x1BF5;
	[smem:$0x3FB4] =	sst s0  }
0x18: {  	s0 =	sld [smem:$0x3F97];
	_ =	swait.ge [sflag:s4], $0x0  }
0x19: {  	s7 =	sld [smem:$0x3F98]  }
0x1a: {  	s8 =	sadd.s32 $0xFFFFE003, lr  }
0x1b: {  	s9 =	sadd.s32 $0xFFFFFEF7, lr;
	s5 =	simm.s32 $0xFFFFFFFF;
	p2 =	slt.u32 s8, $0xFFFFF086  }
0x1c: {  	p1 =	slt.u32 s9, $0xF7A;
	s5 =	simm.s32 @!p2 $0x0  }
0x1d: {  	s5 =	simm.s32 @p1 $0x1;
	p0 =	seq.s32 s7, s2  }
0x1e: {  	s7 =	smul.u32 @!p0 $0xF7A, s2;
	p2 =	seq.s32 @!p0 s5, $0x0  }
0x1f: {  	s9 =	smul.u32 $0xF7A, s1;
	s8 =	simm.s32 @!p0 $0x1BF5;
	p2 =	por !p2, p0  }
0x20: {  	[sflag:s8] =	ssyncset.s32 @!p0 $0xFFFFF086;
	s6 =	sadd.s32 @!p0 s3, s7;
	s7 =	simm.s32 @!p0 $0x108  }
0x21: {  	s3 =	sadd.s32 s3, s9;
	s6 =	sadd.s32 @!p0 $0x88, s6;
	s7 =	simm.s32 @p2 $0x1082  }
0x22: {  	[simem:s7], [sflag:s8] =	dma.local @!p0 [hbm:s6], $0xF7A  }
0x23: {  	s9 =	sor.u32 $0xD0000000, s2;
	s6 =	simm.s32 $0x108;
	_ =	swait.ge @!p0 [sflag:s8], $0x0  }
0x24: {  	s3 =	sadd.s32 $0x88, s3;
	s6 =	simm.s32 @!p1 $0x1082;
	[sflag:s4] =	ssyncset.s32 $0xFFFFF086  }
0x25: {  	[simem:s6], [sflag:s4] =	dma.local [hbm:s3], $0xF7A  }
0x26: {  	[smem:$0x3F98] =	sst s1;
	(tag) =	ssettag s2;
	_ =	strace s9  }
0x27: {  	s1 =	sld [smem:$0x3FA8]  }
0x28: {  	s2 =	sld [smem:$0x3FA9]  }
0x29: {  	s4 =	sld [smem:$0x3FAB]  }
0x2a: {  	p0 =	seq.s32 s5, $0x0;
	s5 =	sld [smem:$0x3FAC]  }
0x2b: {  	s6 =	sld [smem:$0x3FAD]  }
0x2c: {  	s7 =	sld [smem:$0x3FAE]  }
0x2d: {  	s3 =	simm.s32 $0x108;
	s8 =	sld [smem:$0x3FAF]  }
0x2e: {  	s3 =	simm.s32 @!p0 $0x1082;
	s9 =	sld [smem:$0x3FB0]  }
0x2f: {  	lr =	sadd.s32 s0, s3;
	s0 =	sld [smem:$0x3FA7]  }
0x30: {  	s3 =	sld [smem:$0x3FAA]  }
0x31: {  	[smem:$0x3FB3] =	sst s10  }
0x32: {  	s10 =	sld [smem:$0x3FB1];
	_ =	sdelay $0x3  }
0x33: {  	p0 =	seq.s32 s10, $0x1;
	s10 =	sld [smem:$0x3FB3];
	_ =	sdelay $0x3  }
0x34: {  	[smem:$0x3FB3] =	sst s10  }
0x35: {  	s10 =	sld [smem:$0x3FB2];
	_ =	sdelay $0x3  }
0x36: {  	p1 =	seq.s32 s10, $0x1;
	s10 =	sld [smem:$0x3FB3];
	_ =	sdelay $0x3  }
0x37: {  	[smem:$0x3FB3] =	sst s10  }
0x38: {  	s10 =	sld [smem:$0x3FB4]  }
0x39: {  	_ = 	snop;
	(pc) =	sbr.ind lr, $3  }
0x3a: {  	_ = 	snop  }
0x3b: {  	_ = 	snop  }
0x3c: {  	p2 =	seq.s32 s10, $0x1;
	s10 =	sld [smem:$0x3FB3]  }
0x3d: {  	_ =	shalt  }
0x3e: {  	_ =	shalt  }
0x3f: {  	_ =	shalt  }
0x40: {  	_ =	shalt  }
0x41: {  	_ =	shalt  }
0x42: {  	_ =	shalt  }
0x43: {  	_ =	shalt  }
0x44: {  	_ =	shalt  }
0x45: {  	_ =	shalt  }
0x46: {  	_ =	shalt  }
0x47: {  	_ =	shalt  }
0x48: {  	_ =	shalt  }
0x49: {  	_ =	shalt  }
0x4a: {  	_ =	shalt  }
0x4b: {  	_ =	shalt  }
0x4c: {  	_ =	shalt  }
0x4d: {  	_ =	shalt  }
0x4e: {  	_ =	shalt  }
0x4f: {  	_ =	shalt  }
0x50: {  	_ =	shalt  }
0x51: {  	_ =	shalt  }
0x52: {  	_ =	shalt  }
0x53: {  	_ =	shalt  }
0x54: {  	_ =	shalt  }
0x55: {  	_ =	shalt  }
0x56: {  	_ =	shalt  }
0x57: {  	_ =	shalt  }
0x58: {  	_ =	shalt  }
0x59: {  	_ =	shalt  }
0x5a: {  	_ =	shalt  }
0x5b: {  	_ =	shalt  }
0x5c: {  	_ =	shalt  }
0x5d: {  	_ =	shalt  }
0x5e: {  	_ =	shalt  }
0x5f: {  	_ =	shalt  }
0x60: {  	_ =	shalt  }
0x61: {  	_ =	shalt  }
0x62: {  	_ =	shalt  }
0x63: {  	_ =	shalt  }
0x64: {  	_ =	shalt  }
0x65: {  	_ =	shalt  }
0x66: {  	_ =	shalt  }
0x67: {  	_ =	shalt  }
0x68: {  	_ =	shalt  }
0x69: {  	_ =	shalt  }
0x6a: {  	_ =	shalt  }
0x6b: {  	_ =	shalt  }
0x6c: {  	_ =	shalt  }
0x6d: {  	_ =	shalt  }
0x6e: {  	_ =	shalt  }
0x6f: {  	_ =	shalt  }
0x70: {  	_ =	shalt  }
0x71: {  	_ =	shalt  }
0x72: {  	_ =	shalt  }
0x73: {  	_ =	shalt  }
0x74: {  	_ =	shalt  }
0x75: {  	_ =	shalt  }
0x76: {  	_ =	shalt  }
0x77: {  	_ =	shalt  }
0x78: {  	_ =	shalt  }
0x79: {  	_ =	shalt  }
0x7a: {  	_ =	shalt  }
0x7b: {  	_ =	shalt  }
0x7c: {  	_ =	shalt  }
0x7d: {  	_ =	shalt  }
0x7e: {  	_ =	shalt  }
0x7f: {  	_ =	shalt  }
0x80: {  	_ =	shalt  }
0x81: {  	_ =	shalt  }
0x82: {  	_ =	shalt  }
0x83: {  	_ =	shalt  }
0x84: {  	_ =	shalt  }
0x85: {  	_ =	shalt  }
0x86: {  	_ =	shalt  }
0x87: {  	_ =	shalt  }
.Lfunc_end0:
.L_simem_size_0:
called_computation_lowered:
.L_overlay_start_0:
0x88: {  	s2 =	sld [smem:$0x3FD9]  }
0x89: {  	s3 =	sld [smem:$0x3FFE];
	_ =	sdelay $0x1  }
0x8a: {  	s1 =	srdreg.scid  }
0x8b: {  	s0 =	sand.u32 $0x1, s1  }
0x8c: {  	s15 =	sshll.u32 s0, $0xA;
	s2 =	sadd.s32 s3, s2  }
0x8d: {  	s2 =	sadd.s32 s2, s15  }
0x8e: {  	[smem:$0x3FBF] =	sst s2  }
0x8f: {  	_ = 	snop  }
0x90: {  	s2 =	sld [smem:$0x3FD0];
	_ =	sdelay $0x2  }
0x91: {  	s4 =	simm.s32 $0xA;
	s5 =	simm.s32 $0x10;
	s16 =	sld [smem:$0x3FC7]  }
0x92: {  	[smem:s5], [sflag:s4] =	dma.local [hbm:s2], $0x1  }
0x93: {  	_ =	swait.eq [sflag:s4], $0x1  }
0x94: {  	[sflag:s4] =	ssyncset.done $0x0  }
0x95: {  	s17 =	sld [smem:$0x10];
	[sflag:s4] =	ssyncadd.s32 $0xFFFFFFFF  }
0x96: {  	s18 =	sld [smem:$0x11];
	(tm) =	ssettm $0x1  }
0x97: {  	s19 =	sld [smem:$0x3FFB];
	_ =	sdelay $0x3  }
0x98: {  	_ =	strace s19  }
0x99: {  	s5 =	sld [smem:$0x3FFC];
	_ =	sdelay $0x3  }
0x9a: {  	_ =	strace s5  }
0x9b: {  	s5 =	sld [smem:$0x3FFD];
	_ =	sdelay $0x3  }
0x9c: {  	_ =	strace s5  }
0x9d: {  	_ =	strace $0x8FFFFFFF  }
0x9e: {  	s20 =	sld [smem:$0x3FDB];
	_ =	sdelay $0x1  }
0x9f: {  	s6 =	simm.s32 $_scs_section_size  }
0xa0: {  	s7 =	simm.s32 $_size__tile_overlayer_lowered;
	s8 =	simm.s32 $_tile_overlayer_lowered  }
0xa1: {  	s23 =	simm.s32 $0x1BFF;
	s22 =	sshll.u32 s8, $0x1;
	s5 =	sadd.s32 s6, s20  }
0xa2: {  	s9 =	simm.s32 $0x0;
	s21 =	sshll.u32 s7, $0x1;
	s7 =	sadd.s32 s22, s5  }
0xa3: {  	[timem:s9], [sflag:s23] =	dma.local [hbm:s7], s21  }
0xa4: {  	_ =	swait.ge [sflag:s23], s21  }
0xa5: {  	s6 =	ssub.s32 $0x0, s21;
	[sflag:s23] =	ssyncset.done $0x0  }
0xa6: {  	[sflag:s23] =	ssyncadd.s32 s6;
	_ =	sdelay $0x1  }
0xa7: {  	s24 =	simm.s32 $0x1B8B  }
0xa8: {  	_ =	swait.ge [sflag:s24], $0x1  }
0xa9: {  	[sflag:s24] =	ssyncset.done $0x0  }
0xaa: {  	s25 =	simm.s32 $0x1B8E;
	[sflag:s24] =	ssyncadd.s32 $0xFFFFFFFF  }
0xab: {  	s26 =	simm.s32 $execute0_lowered;
	[smem:$0x3FD2] =	sst s25  }
0xac: {  	s6 =	sshll.u32 s26, $0x1;
	_ =	strace $0x80000046;
	[dreg:$0x1] =	wrdreg $0xFFFFFFFF  }
0xad: {  	s28 =	simm.s32 $_size_execute0_lowered;
	s5 =	sadd.s32 s5, s6;
	[dreg:$0x0] =	wrdreg $0x0  }
0xae: {  	s6 =	sshll.u32 s28, $0x1;
	[dreg:$0x2] =	wrdreg s5  }
0xaf: {  	[dreg:$0x3] =	wrdreg s6  }
0xb0: {  	[dreg:$0x4] =	wrdreg $0xC0  }
0xb1: {  	_ =	task [dreg:s9], $0x5FFFF  }
0xb2: {  	[dreg:$0x1] =	wrdreg $0xFFFFFFFF  }
0xb3: {  	[dreg:$0x0] =	wrdreg $0x60  }
0xb4: {  	[dreg:$0x2] =	wrdreg s17  }
0xb5: {  	[dreg:$0x3] =	wrdreg s16  }
0xb6: {  	[dreg:$0x4] =	wrdreg s18  }
0xb7: {  	[dreg:$0x5] =	wrdreg $0x9  }
0xb8: {  	_ =	task.clear_ibuf [dreg:s9], $0x6FFFF;
	_ =	strace $0x90000046  }
0xb9: {  	s29 =	simm.s32 $0x9;
	_ =	strace $0x80000048  }
0xba: {  	_ =	swait.ge [sflag:s29], $0x1  }
0xbb: {  	[sflag:s29] =	ssyncadd.s32 $0xFFFFFFFF  }
0xbc: {  	_ =	strace $0x90000048  }
0xbd: {  	_ =	sfence  }
0xbe: {  	s30 =	sld [smem:$0x0];
	_ =	sdelay $0x2  }
0xbf: {  	s31 =	sshll.u32 s1, $0xD;
	s1 =	sshrl.u32 s1, $0x2  }
0xc0: {  	s3 =	sand.u32 $0x4000, s31;
	s1 =	sadd.s32 s1, s30  }
0xc1: {  	s0 =	sor.u32 s3, s0;
	s1 =	sshll.u32 s1, $0x11  }
0xc2: {  	s0 =	sor.u32 s1, s0  }
0xc3: {  	s0 =	sadd.s32 $0x8F2B, s0  }
0xc4: {  	[sflag:s0] =	ssyncadd.remote.s32 $0x1  }
0xc5: {  	_ =	sfence.sel $0xFFFF  }
0xc6: {  	[dreg:$0x0] =	wrdreg $0xFFFFFFFF;
	(pc) =	sbr.abs _section_cstart, $3  }
0xc7: {  	[dreg:$0x1] =	wrdreg $0xFFFFFFFF  }
0xc8: {  	_ =	task.clear_ibuf [dreg:s9], $0x2FFFF;
	_ =	strace $0x9FFFFFFF  }
0xc9: {  	(tm) =	ssettm $0x7FFFFFFF  }
tec
execute0_lowered:
.L_overlay_start_1:
0x0: {  	(tag) =	ssettag $0x1  }
0x1: {  	s3 =	rddreg [dreg:$0x0]  }
0x2: {  	s4 =	rddreg [dreg:$0x1]  }
0x3: {  	s5 =	rddreg [dreg:$0x2]  }
0x4: {  	s2 =	srdreg.scid;
	s1 =	stileid.u32  }
0x5: {  	s0 =	rddreg [dreg:$0x3];
	s11 =	simm.s32 $0x400;
	s12 =	simm.s32 $0x0  }
0x6: {  	s6 =	sand.u32 $0x1, s2;
	s7 =	sshll.u32 s1, $0x1;
	s2 =	simm.s32 $0x0  }
0x7: {  	s8 =	sshrl.u32 s1, $0x2;
	s7 =	sor.u32 s6, s7;
	[smem:$0x7FF] =	sst s2  }
0x8: {  	s8 =	smul.u32 $0x14000, s8;
	s6 =	ssub.s32 $0x2, s6;
	s9 =	sshll.u32 s7, $0x7  }
0x9: {  	s7 =	smul.u32 $0x4E2, s7;
	_ =	strace $0x80000047;
	s10 =	sshrl.u32 s6, $0x1  }
0xa: {  	s9 =	sand.u32 $0x380, s9;
	s6 =	ssub.s32 s6, s10;
	s10 =	simm.s32 $0x80  }
0xb: {  	s8 =	sor.u32 s8, s9;
	s3 =	sadd.s32 s3, s7;
	s4 =	sadd.s32 s4, s7  }
0xc: {  	s6 =	smax.u32 s6, $0x1;
	s7 =	simm.s32 $0x2800;
	s8 =	sshrl.u32 s8, $0x3  }
0xd: {  	v0 =	vimm.f32 $0.0e+00;
	s9 =	simm.s32 $0x4F80;
	s5 =	sadd.s32 s5, s8;
	s8 =	simm.s32 $0x1  }
.LBB2_1:
0xe: {  	s13 =	simm.s32 $0x40;
	s14 =	simm.s32 $0x0  }
.LBB2_2:
0xf: {  	p0 =	sne.s32 s13, $0x9FC0;
	[tilespmem:s14+$0x0] =	vst v0;
	s14 =	smov.u32 s13;
	s13 =	sadd.s32 $0x40, s13  }
.Ltmp0:
0x10: {  	(pc) =	sbr.rel @p0 .LBB2_2-.Ltmp0, $2  }
0x11: {  	_ =	sdelay $0x2  }
0x12: {  	s14 =	sshra.s32 s14, $0x2  }
0x13: {  	[tilespmem:s14+$0x0] =	vst v0;
	s13 =	simm.s32 $0x0  }
0x14: {  	[tilespmem:s7], [sflag:$0x1] =	stream.linear.gather [hbm4b:s3+s13], $0x2710, $0x38;
	[tilespmem:$0x7700] =	vst v63  }
0x15: {  	_ =	swait.ge [sflag:s8], $0x2710  }
0x16: {  	[sflag:s8] =	ssyncset.done $0x0  }
0x17: {  	[sflag:s8] =	ssyncadd.s32 $0xFFFFD8F0  }
0x18: {  	[tilespmem:s9], [sflag:$0x1] =	stream.linear.gather [hbm4b:s4+s13], $0x2710, $0x38;
	[tilespmem:$0x7700] =	vst v63  }
0x19: {  	_ =	swait.ge [sflag:s8], $0x2710  }
0x1a: {  	[sflag:s8] =	ssyncset.done $0x0  }
0x1b: {  	s14 =	simm.s32 $0x0;
	s13 =	simm.s32 $0x40;
	[sflag:s8] =	ssyncadd.s32 $0xFFFFD8F0  }
.LBB2_4:
0x1c: {  	p0 =	sne.s32 s13, $0x9C00;
	v1 =	vld [tilespmem:s14+$0x2800];
	_ =	sdelay $0x2  }
0x1d: {  	v2 =	vld [tilespmem:s14+$0x4F80]  }
.Ltmp1:
0x1e: {  	(pc) =	sbr.rel @p0 .LBB2_4-.Ltmp1, $2  }
0x1f: {  	_ =	sdelay $0x2  }
0x20: {  	s14 =	sshra.s32 s13, $0x2;
	s13 =	sadd.s32 $0x40, s13;
	[tilespmem:v1+s2+$0x0] =	vst.idx.add.f32.msk $0xffff, v2  }
0x21: {  	v1 =	vld [tilespmem:s14+$0x2800];
	_ =	sdelay $0x2  }
0x22: {  	v2 =	vld [tilespmem:s14+$0x4F80];
	_ =	sdelay $0x2  }
0x23: {  	s12 =	sadd.s32 $0x1, s12  }
0x24: {  	p0 =	sne.s32 s12, s6  }
.Ltmp2:
0x25: {  	[tilespmem:v1+s2+$0x0] =	vst.idx.add.f32.msk $0xffff, v2;
	(pc) =	sbr.rel @p0 .LBB2_1-.Ltmp2, $4  }
0x26: {  	[hbm4b:s5+s10] =	stream.strided.scatter [tilespmem:s2], [sflag:$0x1], $0x2800, s11, s10, $0x38;
	[tilespmem:$0x7700] =	vst v63  }
0x27: {  	_ =	swait.ge [sflag:s8], $0x2800  }
0x28: {  	[sflag:s8] =	ssyncset.done $0x0  }
0x29: {  	[sflag:s8] =	ssyncadd.s32 $0xFFFFD800  }
0x2a: {  	_ =	sfence.sel $0x180000  }
0x2b: {  	[bflag:$0x0] =	sbarrier.arrive $0xFFFF  }
0x2c: {  	p0 =	sne.s32 s1, $0x0;
	_ =	strace $0x90000047  }
0x2d: {  	s0 =	sadd.s32 @!p0 $0x100000, s0;
	[bflag:$0x2] =	sbarrier.arrive $0xFFFF  }
0x2e: {  	[sflag:s0] =	ssyncadd.tile.s32 @!p0 $0x1;
	_ =	shalt  }
.Lfunc_end2:
_tile_overlayer_lowered:
.L_overlay_start_2:
0x2f: {  	(tag) =	ssettag $0x2  }
0x30: {  	s0 =	rddreg [dreg:$0x0];
	s2 =	stileid.u32  }
0x31: {  	s1 =	rddreg [dreg:$0x1];
	p0 =	sne.s32 s2, $0x0  }
0x32: {  	s3 =	rddreg [dreg:$0x2];
	[bflag:$0x3] =	sbarrier.arrive $0xFFFF;
	s2 =	simm.s32 @!p0 $0x1C01  }
0x33: {  	[timem:s3], [sflag:s2] =	dma.local @!p0 [hbm:s0], s1  }
0x34: {  	s0 =	simm.s32 @!p0 $0x1  }
0x35: {  	_ =	swait.ge @!p0 [sflag:s0], s1  }
0x36: {  	s1 =	ssub.s32 @!p0 $0x0, s1;
	[sflag:s0] =	ssyncset.done @!p0 $0x0  }
0x37: {  	[sflag:s0] =	ssyncadd.s32 @!p0 s1  }
0x38: {  	[bflag:$0x3] =	sbarrier.arrive $0xFFFF  }
0x39: {  	_ =	shalt  }

</sc_bundles>
